<compile_context>
chip_gen: v7x
topology: tpu7x:2x2x1
jax: 0.10.2.dev20260603
libtpu: 0.0.44.dev20260713+nightly
codegen_flags: <defaults>
</compile_context>

<pallas_src>
import jax
import jax.numpy as jnp
from jax import lax
from jax.experimental import pallas as pl
from jax.experimental.pallas import tpu as pltpu
from jax.experimental.pallas import tpu_sc as plsc

N_NODES = 10000
DIM = 128
N_EDGES = 320000

NC = 2
NS = 16
NW = NC * NS

EDGES_PER_W = N_EDGES // NW
CHUNK = 128
N_CHUNKS = (EDGES_PER_W + CHUNK - 1) // CHUNK
BLK = 16
DEPTH = 2


def _dot_chunk(zr_ref, zc_ref, pbuf, out_ref):
    nblk = CHUNK // BLK
    nseg = DIM // 16
    col_ids = [lax.iota(jnp.int32, 16) * BLK + l for l in range(BLK)]

    def block(b, carry):
        base_e = b * BLK
        for e in range(BLK):
            row = base_e + e
            prods = [
                zr_ref[row, pl.ds(l * 16, 16)] * zc_ref[row, pl.ds(l * 16, 16)]
                for l in range(nseg)
            ]
            while len(prods) > 1:
                prods = [
                    prods[i] + prods[i + 1] for i in range(0, len(prods), 2)
                ]
            pbuf[pl.ds(e * BLK, BLK)] = prods[0]
        acc = jnp.zeros((16,), jnp.float32)
        for l in range(BLK):
            acc = acc + plsc.load_gather(pbuf, [col_ids[l]])
        out_ref[pl.ds(b * BLK, BLK)] = 1.0 / (1.0 + jnp.exp(-acc))
        return carry

    lax.fori_loop(0, nblk, block, 0)


def _sc_body(z_hbm, eidx_hbm, out_hbm, *scr):
    D = DEPTH
    idx2 = scr[0:D]
    zr = scr[D:2 * D]
    zc = scr[2 * D:3 * D]
    outv = scr[3 * D:4 * D]
    pbuf = scr[4 * D]
    sem_i = scr[4 * D + 1:4 * D + 1 + D]
    sem_g = scr[4 * D + 1 + D:4 * D + 1 + 2 * D]
    sem_o = scr[4 * D + 1 + 2 * D:4 * D + 1 + 3 * D]

    wid = lax.axis_index("c") * NS + lax.axis_index("s")
    base = wid * EDGES_PER_W

    def chunk_base(c):
        eb = jnp.minimum(c * CHUNK, EDGES_PER_W - CHUNK)
        return base + eb

    def fire_idx(c, p):
        ebase = chunk_base(c)
        pltpu.async_copy(
            eidx_hbm.at[:, pl.ds(ebase, CHUNK)], idx2[p], sem_i[p])

    def wait_idx(c, p):
        ebase = chunk_base(c)
        pltpu.make_async_copy(
            eidx_hbm.at[:, pl.ds(ebase, CHUNK)], idx2[p], sem_i[p]).wait()

    def fire_gather(p):
        pltpu.async_copy(z_hbm.at[idx2[p].at[0]], zr[p], sem_g[p])
        pltpu.async_copy(z_hbm.at[idx2[p].at[1]], zc[p], sem_g[p])

    def wait_gather(p):
        pltpu.make_async_copy(z_hbm.at[idx2[p].at[0]], zr[p], sem_g[p]).wait()
        pltpu.make_async_copy(z_hbm.at[idx2[p].at[1]], zc[p], sem_g[p]).wait()

    def fire_out(c, p):
        ebase = chunk_base(c)
        pltpu.async_copy(outv[p], out_hbm.at[pl.ds(ebase, CHUNK)], sem_o[p])

    def wait_out(c, p):
        ebase = chunk_base(c)
        pltpu.make_async_copy(
            outv[p], out_hbm.at[pl.ds(ebase, CHUNK)], sem_o[p]).wait()

    def step(c, p):
        wait_gather(p)

        @pl.when(c + DEPTH < N_CHUNKS)
        def _():
            fire_idx(c + DEPTH, p)

        nxt = (p + DEPTH - 1) % DEPTH

        @pl.when(c + DEPTH - 1 < N_CHUNKS)
        def _():
            wait_idx(c + DEPTH - 1, nxt)
            fire_gather(nxt)

        @pl.when(c >= DEPTH)
        def _():
            wait_out(c - DEPTH, p)

        _dot_chunk(zr[p], zc[p], pbuf, outv[p])
        fire_out(c, p)

    for p in range(DEPTH):
        fire_idx(p, p)
    for p in range(DEPTH - 1):
        wait_idx(p, p)
        fire_gather(p)

    def ring(k, carry):
        c = k * DEPTH
        for p in range(DEPTH):
            step(c + p, p)
        return carry

    lax.fori_loop(0, N_CHUNKS // DEPTH, ring, 0)
    step(N_CHUNKS - 1, 0)

    for t in range(DEPTH):
        c = N_CHUNKS - 1 - t
        wait_out(c, c % DEPTH)


@jax.jit
def _decode(z, eidx):
    mesh = plsc.VectorSubcoreMesh(core_axis_name="c", subcore_axis_name="s")
    f = pl.kernel(
        _sc_body,
        mesh=mesh,
        compiler_params=pltpu.CompilerParams(
            use_tc_tiling_on_sc=False, needs_layout_passes=False
        ),
        out_type=jax.ShapeDtypeStruct((N_EDGES,), jnp.float32),
        scratch_types=(
            [pltpu.VMEM((2, CHUNK), jnp.int32) for _ in range(DEPTH)]
            + [pltpu.VMEM((CHUNK, DIM), jnp.float32) for _ in range(2 * DEPTH)]
            + [pltpu.VMEM((CHUNK,), jnp.float32) for _ in range(DEPTH)]
            + [pltpu.VMEM((BLK * BLK,), jnp.float32)]
            + [pltpu.SemaphoreType.DMA for _ in range(3 * DEPTH)]
        ),
    )
    return f(z, eidx)


def kernel(z, edge_index):
    return _decode(z, edge_index.astype(jnp.int32))

# --- scband reference (transcript-rebuilt; emitter-appended) ---
"""Pipeline reference for scband-inner-product-decoder-51539607552043 (READ-ONLY COPY).

The authoritative reference and input builder live on the scoring server;
editing this copy changes nothing except your own understanding.
"""

import jax, jax.numpy as jnp
import numpy as np


def setup_inputs(seed: int = 0) -> dict:
    key = jax.random.key(seed)
    k1, k2 = jax.random.split(key)
    z = jax.random.normal(k1, (10000, 128), dtype=jnp.float32)
    edge_index = jax.random.randint(k2, (2, 320000), 0, 10000, dtype=jnp.int64)
    return {"z": z, "edge_index": edge_index}


def reference(z, edge_index):
    row = edge_index[0]
    col = edge_index[1]
    zr = jnp.take(z, row, axis=0)
    zc = jnp.take(z, col, axis=0)
    scores = jnp.sum(zr * zc, axis=1)
    return jax.nn.sigmoid(scores)

if __name__ == "__main__":
    import jax
    _d = setup_inputs()
    print(jax.jit(kernel)(*tuple(_d.values())))

</pallas_src>

<mosaic_0001>
#map = affine_map<(d0, d1) -> (0, 0)>
#map1 = affine_map<(d0, d1) -> (0)>
module attributes {stable_mosaic.version = 14 : i64} {
  func.func @_sc_body(%arg0: i32, %arg1: i32, %arg2: memref<10000x128xf32, #tpu.memory_space<hbm>>, %arg3: memref<2x320000xi32, #tpu.memory_space<hbm>>, %arg4: memref<320000xf32, #tpu.memory_space<hbm>>, %arg5: memref<2x128xi32, #tpu.memory_space<vmem>>, %arg6: memref<2x128xi32, #tpu.memory_space<vmem>>, %arg7: memref<128x128xf32, #tpu.memory_space<vmem>>, %arg8: memref<128x128xf32, #tpu.memory_space<vmem>>, %arg9: memref<128x128xf32, #tpu.memory_space<vmem>>, %arg10: memref<128x128xf32, #tpu.memory_space<vmem>>, %arg11: memref<128xf32, #tpu.memory_space<vmem>>, %arg12: memref<128xf32, #tpu.memory_space<vmem>>, %arg13: memref<256xf32, #tpu.memory_space<vmem>>, %arg14: memref<!tpu.dma_semaphore, #tpu.memory_space<semaphore_mem>>, %arg15: memref<!tpu.dma_semaphore, #tpu.memory_space<semaphore_mem>>, %arg16: memref<!tpu.dma_semaphore, #tpu.memory_space<semaphore_mem>>, %arg17: memref<!tpu.dma_semaphore, #tpu.memory_space<semaphore_mem>>, %arg18: memref<!tpu.dma_semaphore, #tpu.memory_space<semaphore_mem>>, %arg19: memref<!tpu.dma_semaphore, #tpu.memory_space<semaphore_mem>>) attributes {dimension_semantics = [#tpu.dimension_semantics<core_parallel>, #tpu.dimension_semantics<subcore_parallel>], iteration_bounds = array<i64: 2, 16>, scalar_prefetch = 0 : i64, scratch_operands = 15 : i64, tpu.core_type = #tpu.core_type<sc_vector_subcore>, window_params = [{transform_indices = #map}, {transform_indices = #map}, {transform_indices = #map1}]} {
    %mul3A = arith.constant 16 : i32
    %mul3A_0 = arith.muli %arg0, %mul3A : i32
    %add3A = arith.addi %mul3A_0, %arg1 : i32
    %mul3A_1 = arith.constant 10000 : i32
    %mul3A_2 = arith.muli %add3A, %mul3A_1 : i32
    %min3A = arith.constant 0 : i32
    %min3A_3 = arith.constant 9872 : i32
    %min3A_4 = arith.minsi %min3A, %min3A_3 : i32
    %add3A_5 = arith.addi %mul3A_2, %min3A_4 : i32
    %dma_start3A = arith.constant 0 : i32
    %dma_start3A_6 = tpu.memref_slice %arg3[%dma_start3A, %add3A_5] : memref<2x320000xi32, #tpu.memory_space<hbm>> -> memref<2x128xi32, #tpu.memory_space<hbm>>
    %dma_start3A_7 = arith.constant 0 : i32
    %dma_start3A_8 = tpu.memref_slice %arg3[%dma_start3A_7, %add3A_5] : memref<2x320000xi32, #tpu.memory_space<hbm>> -> memref<2x128xi32, #tpu.memory_space<hbm>>
    tpu.enqueue_dma source(%dma_start3A_8 : memref<2x128xi32, #tpu.memory_space<hbm>>) target(%arg5 : memref<2x128xi32, #tpu.memory_space<vmem>>) target_semaphore(%arg14 : memref<!tpu.dma_semaphore, #tpu.memory_space<semaphore_mem>>)
    %min3A_9 = arith.constant 128 : i32
    %min3A_10 = arith.constant 9872 : i32
    %min3A_11 = arith.minsi %min3A_9, %min3A_10 : i32
    %add3A_12 = arith.addi %mul3A_2, %min3A_11 : i32
    %dma_start3A_13 = arith.constant 0 : i32
    %dma_start3A_14 = tpu.memref_slice %arg3[%dma_start3A_13, %add3A_12] : memref<2x320000xi32, #tpu.memory_space<hbm>> -> memref<2x128xi32, #tpu.memory_space<hbm>>
    %dma_start3A_15 = arith.constant 0 : i32
    %dma_start3A_16 = tpu.memref_slice %arg3[%dma_start3A_15, %add3A_12] : memref<2x320000xi32, #tpu.memory_space<hbm>> -> memref<2x128xi32, #tpu.memory_space<hbm>>
    tpu.enqueue_dma source(%dma_start3A_16 : memref<2x128xi32, #tpu.memory_space<hbm>>) target(%arg6 : memref<2x128xi32, #tpu.memory_space<vmem>>) target_semaphore(%arg15 : memref<!tpu.dma_semaphore, #tpu.memory_space<semaphore_mem>>)
    %min3A_17 = arith.constant 0 : i32
    %min3A_18 = arith.constant 9872 : i32
    %min3A_19 = arith.minsi %min3A_17, %min3A_18 : i32
    %add3A_20 = arith.addi %mul3A_2, %min3A_19 : i32
    %dma_wait3A = arith.constant 0 : i32
    %dma_wait3A_21 = tpu.memref_slice %arg3[%dma_wait3A, %add3A_20] : memref<2x320000xi32, #tpu.memory_space<hbm>> -> memref<2x128xi32, #tpu.memory_space<hbm>>
    %dma_wait3A_22 = arith.constant 0 : i32
    %dma_wait3A_23 = tpu.memref_slice %arg3[%dma_wait3A_22, %add3A_20] : memref<2x320000xi32, #tpu.memory_space<hbm>> -> memref<2x128xi32, #tpu.memory_space<hbm>>
    tpu.wait_dma2 semaphore(%arg14 : memref<!tpu.dma_semaphore, #tpu.memory_space<semaphore_mem>>) src(%dma_wait3A_23 : memref<2x128xi32, #tpu.memory_space<hbm>>) dst(%arg5 : memref<2x128xi32, #tpu.memory_space<vmem>>)
    %dma_start3A_24 = arith.constant 0 : i32
    %dma_start3A_25 = arith.constant 0 : i32
    %dma_start3A_26 = tpu.memref_slice %arg5[%dma_start3A_24, %dma_start3A_25] : memref<2x128xi32, #tpu.memory_space<vmem>> -> memref<1x128xi32, #tpu.memory_space<vmem>>
    %dma_start3A_27 = tpu.memref_squeeze %dma_start3A_26 : memref<1x128xi32, #tpu.memory_space<vmem>> -> memref<128xi32, #tpu.memory_space<vmem>>
    %dma_start3A_28 = arith.constant 0 : i32
    %dma_start3A_29 = arith.constant 0 : i32
    %dma_start3A_30 = tpu.memref_slice %arg2[%dma_start3A_28, %dma_start3A_29] : memref<10000x128xf32, #tpu.memory_space<hbm>> -> memref<10000x128xf32, #tpu.memory_space<hbm>>
    tpu.enqueue_indirect_dma source(%dma_start3A_30 : memref<10000x128xf32, #tpu.memory_space<hbm>>) target(%arg7 : memref<128x128xf32, #tpu.memory_space<vmem>>) offsets(%dma_start3A_27 : memref<128xi32, #tpu.memory_space<vmem>>) semaphore(%arg16 : memref<!tpu.dma_semaphore, #tpu.memory_space<semaphore_mem>>)
    %dma_start3A_31 = arith.constant 1 : i32
    %dma_start3A_32 = arith.constant 0 : i32
    %dma_start3A_33 = tpu.memref_slice %arg5[%dma_start3A_31, %dma_start3A_32] : memref<2x128xi32, #tpu.memory_space<vmem>> -> memref<1x128xi32, #tpu.memory_space<vmem>>
    %dma_start3A_34 = tpu.memref_squeeze %dma_start3A_33 : memref<1x128xi32, #tpu.memory_space<vmem>> -> memref<128xi32, #tpu.memory_space<vmem>>
    %dma_start3A_35 = arith.constant 0 : i32
    %dma_start3A_36 = arith.constant 0 : i32
    %dma_start3A_37 = tpu.memref_slice %arg2[%dma_start3A_35, %dma_start3A_36] : memref<10000x128xf32, #tpu.memory_space<hbm>> -> memref<10000x128xf32, #tpu.memory_space<hbm>>
    tpu.enqueue_indirect_dma source(%dma_start3A_37 : memref<10000x128xf32, #tpu.memory_space<hbm>>) target(%arg9 : memref<128x128xf32, #tpu.memory_space<vmem>>) offsets(%dma_start3A_34 : memref<128xi32, #tpu.memory_space<vmem>>) semaphore(%arg16 : memref<!tpu.dma_semaphore, #tpu.memory_space<semaphore_mem>>)
    %scan3A = arith.constant 0 : i32
    %scan3A_38 = arith.constant 0 : i32
    %scan3A_39 = arith.constant 39 : i32
    %scan3A_40 = arith.addi %scan3A_38, %scan3A_39 : i32
    %scan3A_41 = arith.constant 1 : i32
    scf.for %scan3A_198 = %scan3A_38 to %scan3A_40 step %scan3A_41  : i32 {
      %mul3A_199 = arith.constant 2 : i32
      %mul3A_200 = arith.muli %scan3A_198, %mul3A_199 : i32
      %add3A_201 = arith.constant 0 : i32
      %add3A_202 = arith.addi %mul3A_200, %add3A_201 : i32
      %dma_wait3A_203 = arith.constant 0 : i32
      %dma_wait3A_204 = arith.constant 0 : i32
      %dma_wait3A_205 = tpu.memref_slice %arg5[%dma_wait3A_203, %dma_wait3A_204] : memref<2x128xi32, #tpu.memory_space<vmem>> -> memref<1x128xi32, #tpu.memory_space<vmem>>
      %dma_wait3A_206 = tpu.memref_squeeze %dma_wait3A_205 : memref<1x128xi32, #tpu.memory_space<vmem>> -> memref<128xi32, #tpu.memory_space<vmem>>
      %dma_wait3A_207 = arith.constant 0 : i32
      %dma_wait3A_208 = arith.constant 0 : i32
      %dma_wait3A_209 = tpu.memref_slice %arg2[%dma_wait3A_207, %dma_wait3A_208] : memref<10000x128xf32, #tpu.memory_space<hbm>> -> memref<10000x128xf32, #tpu.memory_space<hbm>>
      tpu.wait_indirect_dma semaphore(%arg16 : memref<!tpu.dma_semaphore, #tpu.memory_space<semaphore_mem>>) src(%dma_wait3A_209 : memref<10000x128xf32, #tpu.memory_space<hbm>>) dst(%arg7 : memref<128x128xf32, #tpu.memory_space<vmem>>)
      %dma_wait3A_210 = arith.constant 1 : i32
      %dma_wait3A_211 = arith.constant 0 : i32
      %dma_wait3A_212 = tpu.memref_slice %arg5[%dma_wait3A_210, %dma_wait3A_211] : memref<2x128xi32, #tpu.memory_space<vmem>> -> memref<1x128xi32, #tpu.memory_space<vmem>>
      %dma_wait3A_213 = tpu.memref_squeeze %dma_wait3A_212 : memref<1x128xi32, #tpu.memory_space<vmem>> -> memref<128xi32, #tpu.memory_space<vmem>>
      %dma_wait3A_214 = arith.constant 0 : i32
      %dma_wait3A_215 = arith.constant 0 : i32
      %dma_wait3A_216 = tpu.memref_slice %arg2[%dma_wait3A_214, %dma_wait3A_215] : memref<10000x128xf32, #tpu.memory_space<hbm>> -> memref<10000x128xf32, #tpu.memory_space<hbm>>
      tpu.wait_indirect_dma semaphore(%arg16 : memref<!tpu.dma_semaphore, #tpu.memory_space<semaphore_mem>>) src(%dma_wait3A_216 : memref<10000x128xf32, #tpu.memory_space<hbm>>) dst(%arg9 : memref<128x128xf32, #tpu.memory_space<vmem>>)
      %add3A_217 = arith.constant 2 : i32
      %add3A_218 = arith.addi %add3A_202, %add3A_217 : i32
      %lt3A = arith.constant 79 : i32
      %lt3A_219 = arith.cmpi slt, %add3A_218, %lt3A : i32
      %convert_element_type3A = arith.extui %lt3A_219 : i1 to i32
      %cond3A = arith.constant 0 : i32
      %cond3A_220 = arith.cmpi ne, %convert_element_type3A, %cond3A : i32
      scf.if %cond3A_220 {
        %add3A_520 = arith.constant 2 : i32
        %add3A_521 = arith.addi %add3A_202, %add3A_520 : i32
        %mul3A_522 = arith.constant 128 : i32
        %mul3A_523 = arith.muli %add3A_521, %mul3A_522 : i32
        %min3A_524 = arith.constant 9872 : i32
        %min3A_525 = arith.minsi %mul3A_523, %min3A_524 : i32
        %add3A_526 = arith.addi %mul3A_2, %min3A_525 : i32
        %dma_start3A_527 = arith.constant 0 : i32
        %dma_start3A_528 = tpu.memref_slice %arg3[%dma_start3A_527, %add3A_526] : memref<2x320000xi32, #tpu.memory_space<hbm>> -> memref<2x128xi32, #tpu.memory_space<hbm>>
        %dma_start3A_529 = arith.constant 0 : i32
        %dma_start3A_530 = tpu.memref_slice %arg3[%dma_start3A_529, %add3A_526] : memref<2x320000xi32, #tpu.memory_space<hbm>> -> memref<2x128xi32, #tpu.memory_space<hbm>>
        tpu.enqueue_dma source(%dma_start3A_530 : memref<2x128xi32, #tpu.memory_space<hbm>>) target(%arg5 : memref<2x128xi32, #tpu.memory_space<vmem>>) target_semaphore(%arg14 : memref<!tpu.dma_semaphore, #tpu.memory_space<semaphore_mem>>)
      } else {
      }
      %add3A_221 = arith.constant 2 : i32
      %add3A_222 = arith.addi %add3A_202, %add3A_221 : i32
      %sub3A = arith.constant 1 : i32
      %sub3A_223 = arith.subi %add3A_222, %sub3A : i32
      %lt3A_224 = arith.constant 79 : i32
      %lt3A_225 = arith.cmpi slt, %sub3A_223, %lt3A_224 : i32
      %convert_element_type3A_226 = arith.extui %lt3A_225 : i1 to i32
      %cond3A_227 = arith.constant 0 : i32
      %cond3A_228 = arith.cmpi ne, %convert_element_type3A_226, %cond3A_227 : i32
      scf.if %cond3A_228 {
        %add3A_520 = arith.constant 2 : i32
        %add3A_521 = arith.addi %add3A_202, %add3A_520 : i32
        %sub3A_522 = arith.constant 1 : i32
        %sub3A_523 = arith.subi %add3A_521, %sub3A_522 : i32
        %mul3A_524 = arith.constant 128 : i32
        %mul3A_525 = arith.muli %sub3A_523, %mul3A_524 : i32
        %min3A_526 = arith.constant 9872 : i32
        %min3A_527 = arith.minsi %mul3A_525, %min3A_526 : i32
        %add3A_528 = arith.addi %mul3A_2, %min3A_527 : i32
        %dma_wait3A_529 = arith.constant 0 : i32
        %dma_wait3A_530 = tpu.memref_slice %arg3[%dma_wait3A_529, %add3A_528] : memref<2x320000xi32, #tpu.memory_space<hbm>> -> memref<2x128xi32, #tpu.memory_space<hbm>>
        %dma_wait3A_531 = arith.constant 0 : i32
        %dma_wait3A_532 = tpu.memref_slice %arg3[%dma_wait3A_531, %add3A_528] : memref<2x320000xi32, #tpu.memory_space<hbm>> -> memref<2x128xi32, #tpu.memory_space<hbm>>
        tpu.wait_dma2 semaphore(%arg15 : memref<!tpu.dma_semaphore, #tpu.memory_space<semaphore_mem>>) src(%dma_wait3A_532 : memref<2x128xi32, #tpu.memory_space<hbm>>) dst(%arg6 : memref<2x128xi32, #tpu.memory_space<vmem>>)
        %dma_start3A_533 = arith.constant 0 : i32
        %dma_start3A_534 = arith.constant 0 : i32
        %dma_start3A_535 = tpu.memref_slice %arg6[%dma_start3A_533, %dma_start3A_534] : memref<2x128xi32, #tpu.memory_space<vmem>> -> memref<1x128xi32, #tpu.memory_space<vmem>>
        %dma_start3A_536 = tpu.memref_squeeze %dma_start3A_535 : memref<1x128xi32, #tpu.memory_space<vmem>> -> memref<128xi32, #tpu.memory_space<vmem>>
        %dma_start3A_537 = arith.constant 0 : i32
        %dma_start3A_538 = arith.constant 0 : i32
        %dma_start3A_539 = tpu.memref_slice %arg2[%dma_start3A_537, %dma_start3A_538] : memref<10000x128xf32, #tpu.memory_space<hbm>> -> memref<10000x128xf32, #tpu.memory_space<hbm>>
        tpu.enqueue_indirect_dma source(%dma_start3A_539 : memref<10000x128xf32, #tpu.memory_space<hbm>>) target(%arg8 : memref<128x128xf32, #tpu.memory_space<vmem>>) offsets(%dma_start3A_536 : memref<128xi32, #tpu.memory_space<vmem>>) semaphore(%arg17 : memref<!tpu.dma_semaphore, #tpu.memory_space<semaphore_mem>>)
        %dma_start3A_540 = arith.constant 1 : i32
        %dma_start3A_541 = arith.constant 0 : i32
        %dma_start3A_542 = tpu.memref_slice %arg6[%dma_start3A_540, %dma_start3A_541] : memref<2x128xi32, #tpu.memory_space<vmem>> -> memref<1x128xi32, #tpu.memory_space<vmem>>
        %dma_start3A_543 = tpu.memref_squeeze %dma_start3A_542 : memref<1x128xi32, #tpu.memory_space<vmem>> -> memref<128xi32, #tpu.memory_space<vmem>>
        %dma_start3A_544 = arith.constant 0 : i32
        %dma_start3A_545 = arith.constant 0 : i32
        %dma_start3A_546 = tpu.memref_slice %arg2[%dma_start3A_544, %dma_start3A_545] : memref<10000x128xf32, #tpu.memory_space<hbm>> -> memref<10000x128xf32, #tpu.memory_space<hbm>>
        tpu.enqueue_indirect_dma source(%dma_start3A_546 : memref<10000x128xf32, #tpu.memory_space<hbm>>) target(%arg10 : memref<128x128xf32, #tpu.memory_space<vmem>>) offsets(%dma_start3A_543 : memref<128xi32, #tpu.memory_space<vmem>>) semaphore(%arg17 : memref<!tpu.dma_semaphore, #tpu.memory_space<semaphore_mem>>)
      } else {
      }
      %ge3A = arith.constant 2 : i32
      %ge3A_229 = arith.cmpi sge, %add3A_202, %ge3A : i32
      %convert_element_type3A_230 = arith.extui %ge3A_229 : i1 to i32
      %cond3A_231 = arith.constant 0 : i32
      %cond3A_232 = arith.cmpi ne, %convert_element_type3A_230, %cond3A_231 : i32
      scf.if %cond3A_232 {
        %sub3A_520 = arith.constant 2 : i32
        %sub3A_521 = arith.subi %add3A_202, %sub3A_520 : i32
        %mul3A_522 = arith.constant 128 : i32
        %mul3A_523 = arith.muli %sub3A_521, %mul3A_522 : i32
        %min3A_524 = arith.constant 9872 : i32
        %min3A_525 = arith.minsi %mul3A_523, %min3A_524 : i32
        %add3A_526 = arith.addi %mul3A_2, %min3A_525 : i32
        %dma_wait3A_527 = tpu.memref_slice %arg4[%add3A_526] : memref<320000xf32, #tpu.memory_space<hbm>> -> memref<128xf32, #tpu.memory_space<hbm>>
        %dma_wait3A_528 = tpu.memref_slice %arg4[%add3A_526] : memref<320000xf32, #tpu.memory_space<hbm>> -> memref<128xf32, #tpu.memory_space<hbm>>
        tpu.wait_dma2 semaphore(%arg18 : memref<!tpu.dma_semaphore, #tpu.memory_space<semaphore_mem>>) src(%arg11 : memref<128xf32, #tpu.memory_space<vmem>>) dst(%dma_wait3A_528 : memref<128xf32, #tpu.memory_space<hbm>>)
      } else {
      }
      %iota3A_233 = tpu.iota {dimensions = array<i32: 0>} : vector<16xi32>
      %mul3A_234 = arith.constant 16 : i32
      %mul3A_235 = vector.broadcast %mul3A_234 : i32 to vector<16xi32>
      %mul3A_236 = arith.muli %iota3A_233, %mul3A_235 : vector<16xi32>
      %add3A_237 = arith.constant 0 : i32
      %add3A_238 = vector.broadcast %add3A_237 : i32 to vector<16xi32>
      %add3A_239 = arith.addi %mul3A_236, %add3A_238 : vector<16xi32>
      %iota3A_240 = tpu.iota {dimensions = array<i32: 0>} : vector<16xi32>
      %mul3A_241 = arith.constant 16 : i32
      %mul3A_242 = vector.broadcast %mul3A_241 : i32 to vector<16xi32>
      %mul3A_243 = arith.muli %iota3A_240, %mul3A_242 : vector<16xi32>
      %add3A_244 = arith.constant 1 : i32
      %add3A_245 = vector.broadcast %add3A_244 : i32 to vector<16xi32>
      %add3A_246 = arith.addi %mul3A_243, %add3A_245 : vector<16xi32>
      %iota3A_247 = tpu.iota {dimensions = array<i32: 0>} : vector<16xi32>
      %mul3A_248 = arith.constant 16 : i32
      %mul3A_249 = vector.broadcast %mul3A_248 : i32 to vector<16xi32>
      %mul3A_250 = arith.muli %iota3A_247, %mul3A_249 : vector<16xi32>
      %add3A_251 = arith.constant 2 : i32
      %add3A_252 = vector.broadcast %add3A_251 : i32 to vector<16xi32>
      %add3A_253 = arith.addi %mul3A_250, %add3A_252 : vector<16xi32>
      %iota3A_254 = tpu.iota {dimensions = array<i32: 0>} : vector<16xi32>
      %mul3A_255 = arith.constant 16 : i32
      %mul3A_256 = vector.broadcast %mul3A_255 : i32 to vector<16xi32>
      %mul3A_257 = arith.muli %iota3A_254, %mul3A_256 : vector<16xi32>
      %add3A_258 = arith.constant 3 : i32
      %add3A_259 = vector.broadcast %add3A_258 : i32 to vector<16xi32>
      %add3A_260 = arith.addi %mul3A_257, %add3A_259 : vector<16xi32>
      %iota3A_261 = tpu.iota {dimensions = array<i32: 0>} : vector<16xi32>
      %mul3A_262 = arith.constant 16 : i32
      %mul3A_263 = vector.broadcast %mul3A_262 : i32 to vector<16xi32>
      %mul3A_264 = arith.muli %iota3A_261, %mul3A_263 : vector<16xi32>
      %add3A_265 = arith.constant 4 : i32
      %add3A_266 = vector.broadcast %add3A_265 : i32 to vector<16xi32>
      %add3A_267 = arith.addi %mul3A_264, %add3A_266 : vector<16xi32>
      %iota3A_268 = tpu.iota {dimensions = array<i32: 0>} : vector<16xi32>
      %mul3A_269 = arith.constant 16 : i32
      %mul3A_270 = vector.broadcast %mul3A_269 : i32 to vector<16xi32>
      %mul3A_271 = arith.muli %iota3A_268, %mul3A_270 : vector<16xi32>
      %add3A_272 = arith.constant 5 : i32
      %add3A_273 = vector.broadcast %add3A_272 : i32 to vector<16xi32>
      %add3A_274 = arith.addi %mul3A_271, %add3A_273 : vector<16xi32>
      %iota3A_275 = tpu.iota {dimensions = array<i32: 0>} : vector<16xi32>
      %mul3A_276 = arith.constant 16 : i32
      %mul3A_277 = vector.broadcast %mul3A_276 : i32 to vector<16xi32>
      %mul3A_278 = arith.muli %iota3A_275, %mul3A_277 : vector<16xi32>
      %add3A_279 = arith.constant 6 : i32
      %add3A_280 = vector.broadcast %add3A_279 : i32 to vector<16xi32>
      %add3A_281 = arith.addi %mul3A_278, %add3A_280 : vector<16xi32>
      %iota3A_282 = tpu.iota {dimensions = array<i32: 0>} : vector<16xi32>
      %mul3A_283 = arith.constant 16 : i32
      %mul3A_284 = vector.broadcast %mul3A_283 : i32 to vector<16xi32>
      %mul3A_285 = arith.muli %iota3A_282, %mul3A_284 : vector<16xi32>
      %add3A_286 = arith.constant 7 : i32
      %add3A_287 = vector.broadcast %add3A_286 : i32 to vector<16xi32>
      %add3A_288 = arith.addi %mul3A_285, %add3A_287 : vector<16xi32>
      %iota3A_289 = tpu.iota {dimensions = array<i32: 0>} : vector<16xi32>
      %mul3A_290 = arith.constant 16 : i32
      %mul3A_291 = vector.broadcast %mul3A_290 : i32 to vector<16xi32>
      %mul3A_292 = arith.muli %iota3A_289, %mul3A_291 : vector<16xi32>
      %add3A_293 = arith.constant 8 : i32
      %add3A_294 = vector.broadcast %add3A_293 : i32 to vector<16xi32>
      %add3A_295 = arith.addi %mul3A_292, %add3A_294 : vector<16xi32>
      %iota3A_296 = tpu.iota {dimensions = array<i32: 0>} : vector<16xi32>
      %mul3A_297 = arith.constant 16 : i32
      %mul3A_298 = vector.broadcast %mul3A_297 : i32 to vector<16xi32>
      %mul3A_299 = arith.muli %iota3A_296, %mul3A_298 : vector<16xi32>
      %add3A_300 = arith.constant 9 : i32
      %add3A_301 = vector.broadcast %add3A_300 : i32 to vector<16xi32>
      %add3A_302 = arith.addi %mul3A_299, %add3A_301 : vector<16xi32>
      %iota3A_303 = tpu.iota {dimensions = array<i32: 0>} : vector<16xi32>
      %mul3A_304 = arith.constant 16 : i32
      %mul3A_305 = vector.broadcast %mul3A_304 : i32 to vector<16xi32>
      %mul3A_306 = arith.muli %iota3A_303, %mul3A_305 : vector<16xi32>
      %add3A_307 = arith.constant 10 : i32
      %add3A_308 = vector.broadcast %add3A_307 : i32 to vector<16xi32>
      %add3A_309 = arith.addi %mul3A_306, %add3A_308 : vector<16xi32>
      %iota3A_310 = tpu.iota {dimensions = array<i32: 0>} : vector<16xi32>
      %mul3A_311 = arith.constant 16 : i32
      %mul3A_312 = vector.broadcast %mul3A_311 : i32 to vector<16xi32>
      %mul3A_313 = arith.muli %iota3A_310, %mul3A_312 : vector<16xi32>
      %add3A_314 = arith.constant 11 : i32
      %add3A_315 = vector.broadcast %add3A_314 : i32 to vector<16xi32>
      %add3A_316 = arith.addi %mul3A_313, %add3A_315 : vector<16xi32>
      %iota3A_317 = tpu.iota {dimensions = array<i32: 0>} : vector<16xi32>
      %mul3A_318 = arith.constant 16 : i32
      %mul3A_319 = vector.broadcast %mul3A_318 : i32 to vector<16xi32>
      %mul3A_320 = arith.muli %iota3A_317, %mul3A_319 : vector<16xi32>
      %add3A_321 = arith.constant 12 : i32
      %add3A_322 = vector.broadcast %add3A_321 : i32 to vector<16xi32>
      %add3A_323 = arith.addi %mul3A_320, %add3A_322 : vector<16xi32>
      %iota3A_324 = tpu.iota {dimensions = array<i32: 0>} : vector<16xi32>
      %mul3A_325 = arith.constant 16 : i32
      %mul3A_326 = vector.broadcast %mul3A_325 : i32 to vector<16xi32>
      %mul3A_327 = arith.muli %iota3A_324, %mul3A_326 : vector<16xi32>
      %add3A_328 = arith.constant 13 : i32
      %add3A_329 = vector.broadcast %add3A_328 : i32 to vector<16xi32>
      %add3A_330 = arith.addi %mul3A_327, %add3A_329 : vector<16xi32>
      %iota3A_331 = tpu.iota {dimensions = array<i32: 0>} : vector<16xi32>
      %mul3A_332 = arith.constant 16 : i32
      %mul3A_333 = vector.broadcast %mul3A_332 : i32 to vector<16xi32>
      %mul3A_334 = arith.muli %iota3A_331, %mul3A_333 : vector<16xi32>
      %add3A_335 = arith.constant 14 : i32
      %add3A_336 = vector.broadcast %add3A_335 : i32 to vector<16xi32>
      %add3A_337 = arith.addi %mul3A_334, %add3A_336 : vector<16xi32>
      %iota3A_338 = tpu.iota {dimensions = array<i32: 0>} : vector<16xi32>
      %mul3A_339 = arith.constant 16 : i32
      %mul3A_340 = vector.broadcast %mul3A_339 : i32 to vector<16xi32>
      %mul3A_341 = arith.muli %iota3A_338, %mul3A_340 : vector<16xi32>
      %add3A_342 = arith.constant 15 : i32
      %add3A_343 = vector.broadcast %add3A_342 : i32 to vector<16xi32>
      %add3A_344 = arith.addi %mul3A_341, %add3A_343 : vector<16xi32>
      %scan3A_345 = arith.constant 0 : i32
      %scan3A_346 = arith.constant 0 : i32
      %scan3A_347 = arith.constant 8 : i32
      %scan3A_348 = arith.addi %scan3A_346, %scan3A_347 : i32
      %scan3A_349 = arith.constant 1 : i32
      scf.for %scan3A_520 = %scan3A_346 to %scan3A_348 step %scan3A_349  : i32 {
        %mul3A_521 = arith.constant 16 : i32
        %mul3A_522 = arith.muli %scan3A_520, %mul3A_521 : i32
        %add3A_523 = arith.constant 0 : i32
        %add3A_524 = arith.addi %mul3A_522, %add3A_523 : i32
        %get3A = arith.index_cast %add3A_524 : i32 to index
        %get3A_525 = arith.constant 0 : index
        %get3A_526 = tpu.vector_load %arg7[%get3A, %get3A_525] {strides = array<i32>} : memref<128x128xf32, #tpu.memory_space<vmem>>, vector<16xf32>,
        %get3A_527 = arith.index_cast %add3A_524 : i32 to index
        %get3A_528 = arith.constant 0 : index
        %get3A_529 = tpu.vector_load %arg9[%get3A_527, %get3A_528] {strides = array<i32>} : memref<128x128xf32, #tpu.memory_space<vmem>>, vector<16xf32>,
        %mul3A_530 = arith.mulf %get3A_526, %get3A_529 : vector<16xf32>
        %get3A_531 = arith.index_cast %add3A_524 : i32 to index
        %get3A_532 = arith.constant 16 : index
        %get3A_533 = tpu.vector_load %arg7[%get3A_531, %get3A_532] {strides = array<i32>} : memref<128x128xf32, #tpu.memory_space<vmem>>, vector<16xf32>,
        %get3A_534 = arith.index_cast %add3A_524 : i32 to index
        %get3A_535 = arith.constant 16 : index
        %get3A_536 = tpu.vector_load %arg9[%get3A_534, %get3A_535] {strides = array<i32>} : memref<128x128xf32, #tpu.memory_space<vmem>>, vector<16xf32>,
        %mul3A_537 = arith.mulf %get3A_533, %get3A_536 : vector<16xf32>
        %get3A_538 = arith.index_cast %add3A_524 : i32 to index
        %get3A_539 = arith.constant 32 : index
        %get3A_540 = tpu.vector_load %arg7[%get3A_538, %get3A_539] {strides = array<i32>} : memref<128x128xf32, #tpu.memory_space<vmem>>, vector<16xf32>,
        %get3A_541 = arith.index_cast %add3A_524 : i32 to index
        %get3A_542 = arith.constant 32 : index
        %get3A_543 = tpu.vector_load %arg9[%get3A_541, %get3A_542] {strides = array<i32>} : memref<128x128xf32, #tpu.memory_space<vmem>>, vector<16xf32>,
        %mul3A_544 = arith.mulf %get3A_540, %get3A_543 : vector<16xf32>
        %get3A_545 = arith.index_cast %add3A_524 : i32 to index
        %get3A_546 = arith.constant 48 : index
        %get3A_547 = tpu.vector_load %arg7[%get3A_545, %get3A_546] {strides = array<i32>} : memref<128x128xf32, #tpu.memory_space<vmem>>, vector<16xf32>,
        %get3A_548 = arith.index_cast %add3A_524 : i32 to index
        %get3A_549 = arith.constant 48 : index
        %get3A_550 = tpu.vector_load %arg9[%get3A_548, %get3A_549] {strides = array<i32>} : memref<128x128xf32, #tpu.memory_space<vmem>>, vector<16xf32>,
        %mul3A_551 = arith.mulf %get3A_547, %get3A_550 : vector<16xf32>
        %get3A_552 = arith.index_cast %add3A_524 : i32 to index
        %get3A_553 = arith.constant 64 : index
        %get3A_554 = tpu.vector_load %arg7[%get3A_552, %get3A_553] {strides = array<i32>} : memref<128x128xf32, #tpu.memory_space<vmem>>, vector<16xf32>,
        %get3A_555 = arith.index_cast %add3A_524 : i32 to index
        %get3A_556 = arith.constant 64 : index
        %get3A_557 = tpu.vector_load %arg9[%get3A_555, %get3A_556] {strides = array<i32>} : memref<128x128xf32, #tpu.memory_space<vmem>>, vector<16xf32>,
        %mul3A_558 = arith.mulf %get3A_554, %get3A_557 : vector<16xf32>
        %get3A_559 = arith.index_cast %add3A_524 : i32 to index
        %get3A_560 = arith.constant 80 : index
        %get3A_561 = tpu.vector_load %arg7[%get3A_559, %get3A_560] {strides = array<i32>} : memref<128x128xf32, #tpu.memory_space<vmem>>, vector<16xf32>,
        %get3A_562 = arith.index_cast %add3A_524 : i32 to index
        %get3A_563 = arith.constant 80 : index
        %get3A_564 = tpu.vector_load %arg9[%get3A_562, %get3A_563] {strides = array<i32>} : memref<128x128xf32, #tpu.memory_space<vmem>>, vector<16xf32>,
        %mul3A_565 = arith.mulf %get3A_561, %get3A_564 : vector<16xf32>
        %get3A_566 = arith.index_cast %add3A_524 : i32 to index
        %get3A_567 = arith.constant 96 : index
        %get3A_568 = tpu.vector_load %arg7[%get3A_566, %get3A_567] {strides = array<i32>} : memref<128x128xf32, #tpu.memory_space<vmem>>, vector<16xf32>,
        %get3A_569 = arith.index_cast %add3A_524 : i32 to index
        %get3A_570 = arith.constant 96 : index
        %get3A_571 = tpu.vector_load %arg9[%get3A_569, %get3A_570] {strides = array<i32>} : memref<128x128xf32, #tpu.memory_space<vmem>>, vector<16xf32>,
        %mul3A_572 = arith.mulf %get3A_568, %get3A_571 : vector<16xf32>
        %get3A_573 = arith.index_cast %add3A_524 : i32 to index
        %get3A_574 = arith.constant 112 : index
        %get3A_575 = tpu.vector_load %arg7[%get3A_573, %get3A_574] {strides = array<i32>} : memref<128x128xf32, #tpu.memory_space<vmem>>, vector<16xf32>,
        %get3A_576 = arith.index_cast %add3A_524 : i32 to index
        %get3A_577 = arith.constant 112 : index
        %get3A_578 = tpu.vector_load %arg9[%get3A_576, %get3A_577] {strides = array<i32>} : memref<128x128xf32, #tpu.memory_space<vmem>>, vector<16xf32>,
        %mul3A_579 = arith.mulf %get3A_575, %get3A_578 : vector<16xf32>
        %add3A_580 = arith.addf %mul3A_530, %mul3A_537 : vector<16xf32>
        %add3A_581 = arith.addf %mul3A_544, %mul3A_551 : vector<16xf32>
        %add3A_582 = arith.addf %mul3A_558, %mul3A_565 : vector<16xf32>
        %add3A_583 = arith.addf %mul3A_572, %mul3A_579 : vector<16xf32>
        %add3A_584 = arith.addf %add3A_580, %add3A_581 : vector<16xf32>
        %add3A_585 = arith.addf %add3A_582, %add3A_583 : vector<16xf32>
        %add3A_586 = arith.addf %add3A_584, %add3A_585 : vector<16xf32>
        %swap3A = arith.constant 0 : index
        %swap3A_587 = tpu.vector_load %arg13[%swap3A] {strides = array<i32>} : memref<256xf32, #tpu.memory_space<vmem>>, vector<16xf32>,
        tpu.vector_store %arg13[%swap3A], %add3A_586 {strides = array<i32>} : memref<256xf32, #tpu.memory_space<vmem>>, vector<16xf32>,
        %add3A_588 = arith.constant 1 : i32
        %add3A_589 = arith.addi %mul3A_522, %add3A_588 : i32
        %get3A_590 = arith.index_cast %add3A_589 : i32 to index
        %get3A_591 = arith.constant 0 : index
        %get3A_592 = tpu.vector_load %arg7[%get3A_590, %get3A_591] {strides = array<i32>} : memref<128x128xf32, #tpu.memory_space<vmem>>, vector<16xf32>,
        %get3A_593 = arith.index_cast %add3A_589 : i32 to index
        %get3A_594 = arith.constant 0 : index
        %get3A_595 = tpu.vector_load %arg9[%get3A_593, %get3A_594] {strides = array<i32>} : memref<128x128xf32, #tpu.memory_space<vmem>>, vector<16xf32>,
        %mul3A_596 = arith.mulf %get3A_592, %get3A_595 : vector<16xf32>
        %get3A_597 = arith.index_cast %add3A_589 : i32 to index
        %get3A_598 = arith.constant 16 : index
        %get3A_599 = tpu.vector_load %arg7[%get3A_597, %get3A_598] {strides = array<i32>} : memref<128x128xf32, #tpu.memory_space<vmem>>, vector<16xf32>,
        %get3A_600 = arith.index_cast %add3A_589 : i32 to index
        %get3A_601 = arith.constant 16 : index
        %get3A_602 = tpu.vector_load %arg9[%get3A_600, %get3A_601] {strides = array<i32>} : memref<128x128xf32, #tpu.memory_space<vmem>>, vector<16xf32>,
        %mul3A_603 = arith.mulf %get3A_599, %get3A_602 : vector<16xf32>
        %get3A_604 = arith.index_cast %add3A_589 : i32 to index
        %get3A_605 = arith.constant 32 : index
        %get3A_606 = tpu.vector_load %arg7[%get3A_604, %get3A_605] {strides = array<i32>} : memref<128x128xf32, #tpu.memory_space<vmem>>, vector<16xf32>,
        %get3A_607 = arith.index_cast %add3A_589 : i32 to index
        %get3A_608 = arith.constant 32 : index
        %get3A_609 = tpu.vector_load %arg9[%get3A_607, %get3A_608] {strides = array<i32>} : memref<128x128xf32, #tpu.memory_space<vmem>>, vector<16xf32>,
        %mul3A_610 = arith.mulf %get3A_606, %get3A_609 : vector<16xf32>
        %get3A_611 = arith.index_cast %add3A_589 : i32 to index
        %get3A_612 = arith.constant 48 : index
        %get3A_613 = tpu.vector_load %arg7[%get3A_611, %get3A_612] {strides = array<i32>} : memref<128x128xf32, #tpu.memory_space<vmem>>, vector<16xf32>,
        %get3A_614 = arith.index_cast %add3A_589 : i32 to index
        %get3A_615 = arith.constant 48 : index
        %get3A_616 = tpu.vector_load %arg9[%get3A_614, %get3A_615] {strides = array<i32>} : memref<128x128xf32, #tpu.memory_space<vmem>>, vector<16xf32>,
        %mul3A_617 = arith.mulf %get3A_613, %get3A_616 : vector<16xf32>
        %get3A_618 = arith.index_cast %add3A_589 : i32 to index
        %get3A_619 = arith.constant 64 : index
        %get3A_620 = tpu.vector_load %arg7[%get3A_618, %get3A_619] {strides = array<i32>} : memref<128x128xf32, #tpu.memory_space<vmem>>, vector<16xf32>,
        %get3A_621 = arith.index_cast %add3A_589 : i32 to index
        %get3A_622 = arith.constant 64 : index
        %get3A_623 = tpu.vector_load %arg9[%get3A_621, %get3A_622] {strides = array<i32>} : memref<128x128xf32, #tpu.memory_space<vmem>>, vector<16xf32>,
        %mul3A_624 = arith.mulf %get3A_620, %get3A_623 : vector<16xf32>
        %get3A_625 = arith.index_cast %add3A_589 : i32 to index
        %get3A_626 = arith.constant 80 : index
        %get3A_627 = tpu.vector_load %arg7[%get3A_625, %get3A_626] {strides = array<i32>} : memref<128x128xf32, #tpu.memory_space<vmem>>, vector<16xf32>,
        %get3A_628 = arith.index_cast %add3A_589 : i32 to index
        %get3A_629 = arith.constant 80 : index
        %get3A_630 = tpu.vector_load %arg9[%get3A_628, %get3A_629] {strides = array<i32>} : memref<128x128xf32, #tpu.memory_space<vmem>>, vector<16xf32>,
        %mul3A_631 = arith.mulf %get3A_627, %get3A_630 : vector<16xf32>
        %get3A_632 = arith.index_cast %add3A_589 : i32 to index
        %get3A_633 = arith.constant 96 : index
        %get3A_634 = tpu.vector_load %arg7[%get3A_632, %get3A_633] {strides = array<i32>} : memref<128x128xf32, #tpu.memory_space<vmem>>, vector<16xf32>,
        %get3A_635 = arith.index_cast %add3A_589 : i32 to index
        %get3A_636 = arith.constant 96 : index
        %get3A_637 = tpu.vector_load %arg9[%get3A_635, %get3A_636] {strides = array<i32>} : memref<128x128xf32, #tpu.memory_space<vmem>>, vector<16xf32>,
        %mul3A_638 = arith.mulf %get3A_634, %get3A_637 : vector<16xf32>
        %get3A_639 = arith.index_cast %add3A_589 : i32 to index
        %get3A_640 = arith.constant 112 : index
        %get3A_641 = tpu.vector_load %arg7[%get3A_639, %get3A_640] {strides = array<i32>} : memref<128x128xf32, #tpu.memory_space<vmem>>, vector<16xf32>,
        %get3A_642 = arith.index_cast %add3A_589 : i32 to index
        %get3A_643 = arith.constant 112 : index
        %get3A_644 = tpu.vector_load %arg9[%get3A_642, %get3A_643] {strides = array<i32>} : memref<128x128xf32, #tpu.memory_space<vmem>>, vector<16xf32>,
        %mul3A_645 = arith.mulf %get3A_641, %get3A_644 : vector<16xf32>
        %add3A_646 = arith.addf %mul3A_596, %mul3A_603 : vector<16xf32>
        %add3A_647 = arith.addf %mul3A_610, %mul3A_617 : vector<16xf32>
        %add3A_648 = arith.addf %mul3A_624, %mul3A_631 : vector<16xf32>
        %add3A_649 = arith.addf %mul3A_638, %mul3A_645 : vector<16xf32>
        %add3A_650 = arith.addf %add3A_646, %add3A_647 : vector<16xf32>
        %add3A_651 = arith.addf %add3A_648, %add3A_649 : vector<16xf32>
        %add3A_652 = arith.addf %add3A_650, %add3A_651 : vector<16xf32>
        %swap3A_653 = arith.constant 16 : index
        %swap3A_654 = tpu.vector_load %arg13[%swap3A_653] {strides = array<i32>} : memref<256xf32, #tpu.memory_space<vmem>>, vector<16xf32>,
        tpu.vector_store %arg13[%swap3A_653], %add3A_652 {strides = array<i32>} : memref<256xf32, #tpu.memory_space<vmem>>, vector<16xf32>,
        %add3A_655 = arith.constant 2 : i32
        %add3A_656 = arith.addi %mul3A_522, %add3A_655 : i32
        %get3A_657 = arith.index_cast %add3A_656 : i32 to index
        %get3A_658 = arith.constant 0 : index
        %get3A_659 = tpu.vector_load %arg7[%get3A_657, %get3A_658] {strides = array<i32>} : memref<128x128xf32, #tpu.memory_space<vmem>>, vector<16xf32>,
        %get3A_660 = arith.index_cast %add3A_656 : i32 to index
        %get3A_661 = arith.constant 0 : index
        %get3A_662 = tpu.vector_load %arg9[%get3A_660, %get3A_661] {strides = array<i32>} : memref<128x128xf32, #tpu.memory_space<vmem>>, vector<16xf32>,
        %mul3A_663 = arith.mulf %get3A_659, %get3A_662 : vector<16xf32>
        %get3A_664 = arith.index_cast %add3A_656 : i32 to index
        %get3A_665 = arith.constant 16 : index
        %get3A_666 = tpu.vector_load %arg7[%get3A_664, %get3A_665] {strides = array<i32>} : memref<128x128xf32, #tpu.memory_space<vmem>>, vector<16xf32>,
        %get3A_667 = arith.index_cast %add3A_656 : i32 to index
        %get3A_668 = arith.constant 16 : index
        %get3A_669 = tpu.vector_load %arg9[%get3A_667, %get3A_668] {strides = array<i32>} : memref<128x128xf32, #tpu.memory_space<vmem>>, vector<16xf32>,
        %mul3A_670 = arith.mulf %get3A_666, %get3A_669 : vector<16xf32>
        %get3A_671 = arith.index_cast %add3A_656 : i32 to index
        %get3A_672 = arith.constant 32 : index
        %get3A_673 = tpu.vector_load %arg7[%get3A_671, %get3A_672] {strides = array<i32>} : memref<128x128xf32, #tpu.memory_space<vmem>>, vector<16xf32>,
        %get3A_674 = arith.index_cast %add3A_656 : i32 to index
        %get3A_675 = arith.constant 32 : index
        %get3A_676 = tpu.vector_load %arg9[%get3A_674, %get3A_675] {strides = array<i32>} : memref<128x128xf32, #tpu.memory_space<vmem>>, vector<16xf32>,
        %mul3A_677 = arith.mulf %get3A_673, %get3A_676 : vector<16xf32>
        %get3A_678 = arith.index_cast %add3A_656 : i32 to index
        %get3A_679 = arith.constant 48 : index
        %get3A_680 = tpu.vector_load %arg7[%get3A_678, %get3A_679] {strides = array<i32>} : memref<128x128xf32, #tpu.memory_space<vmem>>, vector<16xf32>,
        %get3A_681 = arith.index_cast %add3A_656 : i32 to index
        %get3A_682 = arith.constant 48 : index
        %get3A_683 = tpu.vector_load %arg9[%get3A_681, %get3A_682] {strides = array<i32>} : memref<128x128xf32, #tpu.memory_space<vmem>>, vector<16xf32>,
        %mul3A_684 = arith.mulf %get3A_680, %get3A_683 : vector<16xf32>
        %get3A_685 = arith.index_cast %add3A_656 : i32 to index
        %get3A_686 = arith.constant 64 : index
        %get3A_687 = tpu.vector_load %arg7[%get3A_685, %get3A_686] {strides = array<i32>} : memref<128x128xf32, #tpu.memory_space<vmem>>, vector<16xf32>,
        %get3A_688 = arith.index_cast %add3A_656 : i32 to index
        %get3A_689 = arith.constant 64 : index
        %get3A_690 = tpu.vector_load %arg9[%get3A_688, %get3A_689] {strides = array<i32>} : memref<128x128xf32, #tpu.memory_space<vmem>>, vector<16xf32>,
        %mul3A_691 = arith.mulf %get3A_687, %get3A_690 : vector<16xf32>
        %get3A_692 = arith.index_cast %add3A_656 : i32 to index
        %get3A_693 = arith.constant 80 : index
        %get3A_694 = tpu.vector_load %arg7[%get3A_692, %get3A_693] {strides = array<i32>} : memref<128x128xf32, #tpu.memory_space<vmem>>, vector<16xf32>,
        %get3A_695 = arith.index_cast %add3A_656 : i32 to index
        %get3A_696 = arith.constant 80 : index
        %get3A_697 = tpu.vector_load %arg9[%get3A_695, %get3A_696] {strides = array<i32>} : memref<128x128xf32, #tpu.memory_space<vmem>>, vector<16xf32>,
        %mul3A_698 = arith.mulf %get3A_694, %get3A_697 : vector<16xf32>
        %get3A_699 = arith.index_cast %add3A_656 : i32 to index
        %get3A_700 = arith.constant 96 : index
        %get3A_701 = tpu.vector_load %arg7[%get3A_699, %get3A_700] {strides = array<i32>} : memref<128x128xf32, #tpu.memory_space<vmem>>, vector<16xf32>,
        %get3A_702 = arith.index_cast %add3A_656 : i32 to index
        %get3A_703 = arith.constant 96 : index
        %get3A_704 = tpu.vector_load %arg9[%get3A_702, %get3A_703] {strides = array<i32>} : memref<128x128xf32, #tpu.memory_space<vmem>>, vector<16xf32>,
        %mul3A_705 = arith.mulf %get3A_701, %get3A_704 : vector<16xf32>
        %get3A_706 = arith.index_cast %add3A_656 : i32 to index
        %get3A_707 = arith.constant 112 : index
        %get3A_708 = tpu.vector_load %arg7[%get3A_706, %get3A_707] {strides = array<i32>} : memref<128x128xf32, #tpu.memory_space<vmem>>, vector<16xf32>,
        %get3A_709 = arith.index_cast %add3A_656 : i32 to index
        %get3A_710 = arith.constant 112 : index
        %get3A_711 = tpu.vector_load %arg9[%get3A_709, %get3A_710] {strides = array<i32>} : memref<128x128xf32, #tpu.memory_space<vmem>>, vector<16xf32>,
        %mul3A_712 = arith.mulf %get3A_708, %get3A_711 : vector<16xf32>
        %add3A_713 = arith.addf %mul3A_663, %mul3A_670 : vector<16xf32>
        %add3A_714 = arith.addf %mul3A_677, %mul3A_684 : vector<16xf32>
        %add3A_715 = arith.addf %mul3A_691, %mul3A_698 : vector<16xf32>
        %add3A_716 = arith.addf %mul3A_705, %mul3A_712 : vector<16xf32>
        %add3A_717 = arith.addf %add3A_713, %add3A_714 : vector<16xf32>
        %add3A_718 = arith.addf %add3A_715, %add3A_716 : vector<16xf32>
        %add3A_719 = arith.addf %add3A_717, %add3A_718 : vector<16xf32>
        %swap3A_720 = arith.constant 32 : index
        %swap3A_721 = tpu.vector_load %arg13[%swap3A_720] {strides = array<i32>} : memref<256xf32, #tpu.memory_space<vmem>>, vector<16xf32>,
        tpu.vector_store %arg13[%swap3A_720], %add3A_719 {strides = array<i32>} : memref<256xf32, #tpu.memory_space<vmem>>, vector<16xf32>,
        %add3A_722 = arith.constant 3 : i32
        %add3A_723 = arith.addi %mul3A_522, %add3A_722 : i32
        %get3A_724 = arith.index_cast %add3A_723 : i32 to index
        %get3A_725 = arith.constant 0 : index
        %get3A_726 = tpu.vector_load %arg7[%get3A_724, %get3A_725] {strides = array<i32>} : memref<128x128xf32, #tpu.memory_space<vmem>>, vector<16xf32>,
        %get3A_727 = arith.index_cast %add3A_723 : i32 to index
        %get3A_728 = arith.constant 0 : index
        %get3A_729 = tpu.vector_load %arg9[%get3A_727, %get3A_728] {strides = array<i32>} : memref<128x128xf32, #tpu.memory_space<vmem>>, vector<16xf32>,
        %mul3A_730 = arith.mulf %get3A_726, %get3A_729 : vector<16xf32>
        %get3A_731 = arith.index_cast %add3A_723 : i32 to index
        %get3A_732 = arith.constant 16 : index
        %get3A_733 = tpu.vector_load %arg7[%get3A_731, %get3A_732] {strides = array<i32>} : memref<128x128xf32, #tpu.memory_space<vmem>>, vector<16xf32>,
        %get3A_734 = arith.index_cast %add3A_723 : i32 to index
        %get3A_735 = arith.constant 16 : index
        %get3A_736 = tpu.vector_load %arg9[%get3A_734, %get3A_735] {strides = array<i32>} : memref<128x128xf32, #tpu.memory_space<vmem>>, vector<16xf32>,
        %mul3A_737 = arith.mulf %get3A_733, %get3A_736 : vector<16xf32>
        %get3A_738 = arith.index_cast %add3A_723 : i32 to index
        %get3A_739 = arith.constant 32 : index
        %get3A_740 = tpu.vector_load %arg7[%get3A_738, %get3A_739] {strides = array<i32>} : memref<128x128xf32, #tpu.memory_space<vmem>>, vector<16xf32>,
        %get3A_741 = arith.index_cast %add3A_723 : i32 to index
        %get3A_742 = arith.constant 32 : index
        %get3A_743 = tpu.vector_load %arg9[%get3A_741, %get3A_742] {strides = array<i32>} : memref<128x128xf32, #tpu.memory_space<vmem>>, vector<16xf32>,
        %mul3A_744 = arith.mulf %get3A_740, %get3A_743 : vector<16xf32>
        %get3A_745 = arith.index_cast %add3A_723 : i32 to index
        %get3A_746 = arith.constant 48 : index
        %get3A_747 = tpu.vector_load %arg7[%get3A_745, %get3A_746] {strides = array<i32>} : memref<128x128xf32, #tpu.memory_space<vmem>>, vector<16xf32>,
        %get3A_748 = arith.index_cast %add3A_723 : i32 to index
        %get3A_749 = arith.constant 48 : index
        %get3A_750 = tpu.vector_load %arg9[%get3A_748, %get3A_749] {strides = array<i32>} : memref<128x128xf32, #tpu.memory_space<vmem>>, vector<16xf32>,
        %mul3A_751 = arith.mulf %get3A_747, %get3A_750 : vector<16xf32>
        %get3A_752 = arith.index_cast %add3A_723 : i32 to index
        %get3A_753 = arith.constant 64 : index
        %get3A_754 = tpu.vector_load %arg7[%get3A_752, %get3A_753] {strides = array<i32>} : memref<128x128xf32, #tpu.memory_space<vmem>>, vector<16xf32>,
        %get3A_755 = arith.index_cast %add3A_723 : i32 to index
        %get3A_756 = arith.constant 64 : index
        %get3A_757 = tpu.vector_load %arg9[%get3A_755, %get3A_756] {strides = array<i32>} : memref<128x128xf32, #tpu.memory_space<vmem>>, vector<16xf32>,
        %mul3A_758 = arith.mulf %get3A_754, %get3A_757 : vector<16xf32>
        %get3A_759 = arith.index_cast %add3A_723 : i32 to index
        %get3A_760 = arith.constant 80 : index
        %get3A_761 = tpu.vector_load %arg7[%get3A_759, %get3A_760] {strides = array<i32>} : memref<128x128xf32, #tpu.memory_space<vmem>>, vector<16xf32>,
        %get3A_762 = arith.index_cast %add3A_723 : i32 to index
        %get3A_763 = arith.constant 80 : index
        %get3A_764 = tpu.vector_load %arg9[%get3A_762, %get3A_763] {strides = array<i32>} : memref<128x128xf32, #tpu.memory_space<vmem>>, vector<16xf32>,
        %mul3A_765 = arith.mulf %get3A_761, %get3A_764 : vector<16xf32>
        %get3A_766 = arith.index_cast %add3A_723 : i32 to index
        %get3A_767 = arith.constant 96 : index
        %get3A_768 = tpu.vector_load %arg7[%get3A_766, %get3A_767] {strides = array<i32>} : memref<128x128xf32, #tpu.memory_space<vmem>>, vector<16xf32>,
        %get3A_769 = arith.index_cast %add3A_723 : i32 to index
        %get3A_770 = arith.constant 96 : index
        %get3A_771 = tpu.vector_load %arg9[%get3A_769, %get3A_770] {strides = array<i32>} : memref<128x128xf32, #tpu.memory_space<vmem>>, vector<16xf32>,
        %mul3A_772 = arith.mulf %get3A_768, %get3A_771 : vector<16xf32>
        %get3A_773 = arith.index_cast %add3A_723 : i32 to index
        %get3A_774 = arith.constant 112 : index
        %get3A_775 = tpu.vector_load %arg7[%get3A_773, %get3A_774] {strides = array<i32>} : memref<128x128xf32, #tpu.memory_space<vmem>>, vector<16xf32>,
        %get3A_776 = arith.index_cast %add3A_723 : i32 to index
        %get3A_777 = arith.constant 112 : index
        %get3A_778 = tpu.vector_load %arg9[%get3A_776, %get3A_777] {strides = array<i32>} : memref<128x128xf32, #tpu.memory_space<vmem>>, vector<16xf32>,
        %mul3A_779 = arith.mulf %get3A_775, %get3A_778 : vector<16xf32>
        %add3A_780 = arith.addf %mul3A_730, %mul3A_737 : vector<16xf32>
        %add3A_781 = arith.addf %mul3A_744, %mul3A_751 : vector<16xf32>
        %add3A_782 = arith.addf %mul3A_758, %mul3A_765 : vector<16xf32>
        %add3A_783 = arith.addf %mul3A_772, %mul3A_779 : vector<16xf32>
        %add3A_784 = arith.addf %add3A_780, %add3A_781 : vector<16xf32>
        %add3A_785 = arith.addf %add3A_782, %add3A_783 : vector<16xf32>
        %add3A_786 = arith.addf %add3A_784, %add3A_785 : vector<16xf32>
        %swap3A_787 = arith.constant 48 : index
        %swap3A_788 = tpu.vector_load %arg13[%swap3A_787] {strides = array<i32>} : memref<256xf32, #tpu.memory_space<vmem>>, vector<16xf32>,
        tpu.vector_store %arg13[%swap3A_787], %add3A_786 {strides = array<i32>} : memref<256xf32, #tpu.memory_space<vmem>>, vector<16xf32>,
        %add3A_789 = arith.constant 4 : i32
        %add3A_790 = arith.addi %mul3A_522, %add3A_789 : i32
        %get3A_791 = arith.index_cast %add3A_790 : i32 to index
        %get3A_792 = arith.constant 0 : index
        %get3A_793 = tpu.vector_load %arg7[%get3A_791, %get3A_792] {strides = array<i32>} : memref<128x128xf32, #tpu.memory_space<vmem>>, vector<16xf32>,
        %get3A_794 = arith.index_cast %add3A_790 : i32 to index
        %get3A_795 = arith.constant 0 : index
        %get3A_796 = tpu.vector_load %arg9[%get3A_794, %get3A_795] {strides = array<i32>} : memref<128x128xf32, #tpu.memory_space<vmem>>, vector<16xf32>,
        %mul3A_797 = arith.mulf %get3A_793, %get3A_796 : vector<16xf32>
        %get3A_798 = arith.index_cast %add3A_790 : i32 to index
        %get3A_799 = arith.constant 16 : index
        %get3A_800 = tpu.vector_load %arg7[%get3A_798, %get3A_799] {strides = array<i32>} : memref<128x128xf32, #tpu.memory_space<vmem>>, vector<16xf32>,
        %get3A_801 = arith.index_cast %add3A_790 : i32 to index
        %get3A_802 = arith.constant 16 : index
        %get3A_803 = tpu.vector_load %arg9[%get3A_801, %get3A_802] {strides = array<i32>} : memref<128x128xf32, #tpu.memory_space<vmem>>, vector<16xf32>,
        %mul3A_804 = arith.mulf %get3A_800, %get3A_803 : vector<16xf32>
        %get3A_805 = arith.index_cast %add3A_790 : i32 to index
        %get3A_806 = arith.constant 32 : index
        %get3A_807 = tpu.vector_load %arg7[%get3A_805, %get3A_806] {strides = array<i32>} : memref<128x128xf32, #tpu.memory_space<vmem>>, vector<16xf32>,
        %get3A_808 = arith.index_cast %add3A_790 : i32 to index
        %get3A_809 = arith.constant 32 : index
        %get3A_810 = tpu.vector_load %arg9[%get3A_808, %get3A_809] {strides = array<i32>} : memref<128x128xf32, #tpu.memory_space<vmem>>, vector<16xf32>,
        %mul3A_811 = arith.mulf %get3A_807, %get3A_810 : vector<16xf32>
        %get3A_812 = arith.index_cast %add3A_790 : i32 to index
        %get3A_813 = arith.constant 48 : index
        %get3A_814 = tpu.vector_load %arg7[%get3A_812, %get3A_813] {strides = array<i32>} : memref<128x128xf32, #tpu.memory_space<vmem>>, vector<16xf32>,
        %get3A_815 = arith.index_cast %add3A_790 : i32 to index
        %get3A_816 = arith.constant 48 : index
        %get3A_817 = tpu.vector_load %arg9[%get3A_815, %get3A_816] {strides = array<i32>} : memref<128x128xf32, #tpu.memory_space<vmem>>, vector<16xf32>,
        %mul3A_818 = arith.mulf %get3A_814, %get3A_817 : vector<16xf32>
        %get3A_819 = arith.index_cast %add3A_790 : i32 to index
        %get3A_820 = arith.constant 64 : index
        %get3A_821 = tpu.vector_load %arg7[%get3A_819, %get3A_820] {strides = array<i32>} : memref<128x128xf32, #tpu.memory_space<vmem>>, vector<16xf32>,
        %get3A_822 = arith.index_cast %add3A_790 : i32 to index
        %get3A_823 = arith.constant 64 : index
        %get3A_824 = tpu.vector_load %arg9[%get3A_822, %get3A_823] {strides = array<i32>} : memref<128x128xf32, #tpu.memory_space<vmem>>, vector<16xf32>,
        %mul3A_825 = arith.mulf %get3A_821, %get3A_824 : vector<16xf32>
        %get3A_826 = arith.index_cast %add3A_790 : i32 to index
        %get3A_827 = arith.constant 80 : index
        %get3A_828 = tpu.vector_load %arg7[%get3A_826, %get3A_827] {strides = array<i32>} : memref<128x128xf32, #tpu.memory_space<vmem>>, vector<16xf32>,
        %get3A_829 = arith.index_cast %add3A_790 : i32 to index
        %get3A_830 = arith.constant 80 : index
        %get3A_831 = tpu.vector_load %arg9[%get3A_829, %get3A_830] {strides = array<i32>} : memref<128x128xf32, #tpu.memory_space<vmem>>, vector<16xf32>,
        %mul3A_832 = arith.mulf %get3A_828, %get3A_831 : vector<16xf32>
        %get3A_833 = arith.index_cast %add3A_790 : i32 to index
        %get3A_834 = arith.constant 96 : index
        %get3A_835 = tpu.vector_load %arg7[%get3A_833, %get3A_834] {strides = array<i32>} : memref<128x128xf32, #tpu.memory_space<vmem>>, vector<16xf32>,
        %get3A_836 = arith.index_cast %add3A_790 : i32 to index
        %get3A_837 = arith.constant 96 : index
        %get3A_838 = tpu.vector_load %arg9[%get3A_836, %get3A_837] {strides = array<i32>} : memref<128x128xf32, #tpu.memory_space<vmem>>, vector<16xf32>,
        %mul3A_839 = arith.mulf %get3A_835, %get3A_838 : vector<16xf32>
        %get3A_840 = arith.index_cast %add3A_790 : i32 to index
        %get3A_841 = arith.constant 112 : index
        %get3A_842 = tpu.vector_load %arg7[%get3A_840, %get3A_841] {strides = array<i32>} : memref<128x128xf32, #tpu.memory_space<vmem>>, vector<16xf32>,
        %get3A_843 = arith.index_cast %add3A_790 : i32 to index
        %get3A_844 = arith.constant 112 : index
        %get3A_845 = tpu.vector_load %arg9[%get3A_843, %get3A_844] {strides = array<i32>} : memref<128x128xf32, #tpu.memory_space<vmem>>, vector<16xf32>,
        %mul3A_846 = arith.mulf %get3A_842, %get3A_845 : vector<16xf32>
        %add3A_847 = arith.addf %mul3A_797, %mul3A_804 : vector<16xf32>
        %add3A_848 = arith.addf %mul3A_811, %mul3A_818 : vector<16xf32>
        %add3A_849 = arith.addf %mul3A_825, %mul3A_832 : vector<16xf32>
        %add3A_850 = arith.addf %mul3A_839, %mul3A_846 : vector<16xf32>
        %add3A_851 = arith.addf %add3A_847, %add3A_848 : vector<16xf32>
        %add3A_852 = arith.addf %add3A_849, %add3A_850 : vector<16xf32>
        %add3A_853 = arith.addf %add3A_851, %add3A_852 : vector<16xf32>
        %swap3A_854 = arith.constant 64 : index
        %swap3A_855 = tpu.vector_load %arg13[%swap3A_854] {strides = array<i32>} : memref<256xf32, #tpu.memory_space<vmem>>, vector<16xf32>,
        tpu.vector_store %arg13[%swap3A_854], %add3A_853 {strides = array<i32>} : memref<256xf32, #tpu.memory_space<vmem>>, vector<16xf32>,
        %add3A_856 = arith.constant 5 : i32
        %add3A_857 = arith.addi %mul3A_522, %add3A_856 : i32
        %get3A_858 = arith.index_cast %add3A_857 : i32 to index
        %get3A_859 = arith.constant 0 : index
        %get3A_860 = tpu.vector_load %arg7[%get3A_858, %get3A_859] {strides = array<i32>} : memref<128x128xf32, #tpu.memory_space<vmem>>, vector<16xf32>,
        %get3A_861 = arith.index_cast %add3A_857 : i32 to index
        %get3A_862 = arith.constant 0 : index
        %get3A_863 = tpu.vector_load %arg9[%get3A_861, %get3A_862] {strides = array<i32>} : memref<128x128xf32, #tpu.memory_space<vmem>>, vector<16xf32>,
        %mul3A_864 = arith.mulf %get3A_860, %get3A_863 : vector<16xf32>
        %get3A_865 = arith.index_cast %add3A_857 : i32 to index
        %get3A_866 = arith.constant 16 : index
        %get3A_867 = tpu.vector_load %arg7[%get3A_865, %get3A_866] {strides = array<i32>} : memref<128x128xf32, #tpu.memory_space<vmem>>, vector<16xf32>,
        %get3A_868 = arith.index_cast %add3A_857 : i32 to index
        %get3A_869 = arith.constant 16 : index
        %get3A_870 = tpu.vector_load %arg9[%get3A_868, %get3A_869] {strides = array<i32>} : memref<128x128xf32, #tpu.memory_space<vmem>>, vector<16xf32>,
        %mul3A_871 = arith.mulf %get3A_867, %get3A_870 : vector<16xf32>
        %get3A_872 = arith.index_cast %add3A_857 : i32 to index
        %get3A_873 = arith.constant 32 : index
        %get3A_874 = tpu.vector_load %arg7[%get3A_872, %get3A_873] {strides = array<i32>} : memref<128x128xf32, #tpu.memory_space<vmem>>, vector<16xf32>,
        %get3A_875 = arith.index_cast %add3A_857 : i32 to index
        %get3A_876 = arith.constant 32 : index
        %get3A_877 = tpu.vector_load %arg9[%get3A_875, %get3A_876] {strides = array<i32>} : memref<128x128xf32, #tpu.memory_space<vmem>>, vector<16xf32>,
        %mul3A_878 = arith.mulf %get3A_874, %get3A_877 : vector<16xf32>
        %get3A_879 = arith.index_cast %add3A_857 : i32 to index
        %get3A_880 = arith.constant 48 : index
        %get3A_881 = tpu.vector_load %arg7[%get3A_879, %get3A_880] {strides = array<i32>} : memref<128x128xf32, #tpu.memory_space<vmem>>, vector<16xf32>,
        %get3A_882 = arith.index_cast %add3A_857 : i32 to index
        %get3A_883 = arith.constant 48 : index
        %get3A_884 = tpu.vector_load %arg9[%get3A_882, %get3A_883] {strides = array<i32>} : memref<128x128xf32, #tpu.memory_space<vmem>>, vector<16xf32>,
        %mul3A_885 = arith.mulf %get3A_881, %get3A_884 : vector<16xf32>
        %get3A_886 = arith.index_cast %add3A_857 : i32 to index
        %get3A_887 = arith.constant 64 : index
        %get3A_888 = tpu.vector_load %arg7[%get3A_886, %get3A_887] {strides = array<i32>} : memref<128x128xf32, #tpu.memory_space<vmem>>, vector<16xf32>,
        %get3A_889 = arith.index_cast %add3A_857 : i32 to index
        %get3A_890 = arith.constant 64 : index
        %get3A_891 = tpu.vector_load %arg9[%get3A_889, %get3A_890] {strides = array<i32>} : memref<128x128xf32, #tpu.memory_space<vmem>>, vector<16xf32>,
        %mul3A_892 = arith.mulf %get3A_888, %get3A_891 : vector<16xf32>
        %get3A_893 = arith.index_cast %add3A_857 : i32 to index
        %get3A_894 = arith.constant 80 : index
        %get3A_895 = tpu.vector_load %arg7[%get3A_893, %get3A_894] {strides = array<i32>} : memref<128x128xf32, #tpu.memory_space<vmem>>, vector<16xf32>,
        %get3A_896 = arith.index_cast %add3A_857 : i32 to index
        %get3A_897 = arith.constant 80 : index
        %get3A_898 = tpu.vector_load %arg9[%get3A_896, %get3A_897] {strides = array<i32>} : memref<128x128xf32, #tpu.memory_space<vmem>>, vector<16xf32>,
        %mul3A_899 = arith.mulf %get3A_895, %get3A_898 : vector<16xf32>
        %get3A_900 = arith.index_cast %add3A_857 : i32 to index
        %get3A_901 = arith.constant 96 : index
        %get3A_902 = tpu.vector_load %arg7[%get3A_900, %get3A_901] {strides = array<i32>} : memref<128x128xf32, #tpu.memory_space<vmem>>, vector<16xf32>,
        %get3A_903 = arith.index_cast %add3A_857 : i32 to index
        %get3A_904 = arith.constant 96 : index
        %get3A_905 = tpu.vector_load %arg9[%get3A_903, %get3A_904] {strides = array<i32>} : memref<128x128xf32, #tpu.memory_space<vmem>>, vector<16xf32>,
        %mul3A_906 = arith.mulf %get3A_902, %get3A_905 : vector<16xf32>
        %get3A_907 = arith.index_cast %add3A_857 : i32 to index
        %get3A_908 = arith.constant 112 : index
        %get3A_909 = tpu.vector_load %arg7[%get3A_907, %get3A_908] {strides = array<i32>} : memref<128x128xf32, #tpu.memory_space<vmem>>, vector<16xf32>,
        %get3A_910 = arith.index_cast %add3A_857 : i32 to index
        %get3A_911 = arith.constant 112 : index
        %get3A_912 = tpu.vector_load %arg9[%get3A_910, %get3A_911] {strides = array<i32>} : memref<128x128xf32, #tpu.memory_space<vmem>>, vector<16xf32>,
        %mul3A_913 = arith.mulf %get3A_909, %get3A_912 : vector<16xf32>
        %add3A_914 = arith.addf %mul3A_864, %mul3A_871 : vector<16xf32>
        %add3A_915 = arith.addf %mul3A_878, %mul3A_885 : vector<16xf32>
        %add3A_916 = arith.addf %mul3A_892, %mul3A_899 : vector<16xf32>
        %add3A_917 = arith.addf %mul3A_906, %mul3A_913 : vector<16xf32>
        %add3A_918 = arith.addf %add3A_914, %add3A_915 : vector<16xf32>
        %add3A_919 = arith.addf %add3A_916, %add3A_917 : vector<16xf32>
        %add3A_920 = arith.addf %add3A_918, %add3A_919 : vector<16xf32>
        %swap3A_921 = arith.constant 80 : index
        %swap3A_922 = tpu.vector_load %arg13[%swap3A_921] {strides = array<i32>} : memref<256xf32, #tpu.memory_space<vmem>>, vector<16xf32>,
        tpu.vector_store %arg13[%swap3A_921], %add3A_920 {strides = array<i32>} : memref<256xf32, #tpu.memory_space<vmem>>, vector<16xf32>,
        %add3A_923 = arith.constant 6 : i32
        %add3A_924 = arith.addi %mul3A_522, %add3A_923 : i32
        %get3A_925 = arith.index_cast %add3A_924 : i32 to index
        %get3A_926 = arith.constant 0 : index
        %get3A_927 = tpu.vector_load %arg7[%get3A_925, %get3A_926] {strides = array<i32>} : memref<128x128xf32, #tpu.memory_space<vmem>>, vector<16xf32>,
        %get3A_928 = arith.index_cast %add3A_924 : i32 to index
        %get3A_929 = arith.constant 0 : index
        %get3A_930 = tpu.vector_load %arg9[%get3A_928, %get3A_929] {strides = array<i32>} : memref<128x128xf32, #tpu.memory_space<vmem>>, vector<16xf32>,
        %mul3A_931 = arith.mulf %get3A_927, %get3A_930 : vector<16xf32>
        %get3A_932 = arith.index_cast %add3A_924 : i32 to index
        %get3A_933 = arith.constant 16 : index
        %get3A_934 = tpu.vector_load %arg7[%get3A_932, %get3A_933] {strides = array<i32>} : memref<128x128xf32, #tpu.memory_space<vmem>>, vector<16xf32>,
        %get3A_935 = arith.index_cast %add3A_924 : i32 to index
        %get3A_936 = arith.constant 16 : index
        %get3A_937 = tpu.vector_load %arg9[%get3A_935, %get3A_936] {strides = array<i32>} : memref<128x128xf32, #tpu.memory_space<vmem>>, vector<16xf32>,
        %mul3A_938 = arith.mulf %get3A_934, %get3A_937 : vector<16xf32>
        %get3A_939 = arith.index_cast %add3A_924 : i32 to index
        %get3A_940 = arith.constant 32 : index
        %get3A_941 = tpu.vector_load %arg7[%get3A_939, %get3A_940] {strides = array<i32>} : memref<128x128xf32, #tpu.memory_space<vmem>>, vector<16xf32>,
        %get3A_942 = arith.index_cast %add3A_924 : i32 to index
        %get3A_943 = arith.constant 32 : index
        %get3A_944 = tpu.vector_load %arg9[%get3A_942, %get3A_943] {strides = array<i32>} : memref<128x128xf32, #tpu.memory_space<vmem>>, vector<16xf32>,
        %mul3A_945 = arith.mulf %get3A_941, %get3A_944 : vector<16xf32>
        %get3A_946 = arith.index_cast %add3A_924 : i32 to index
        %get3A_947 = arith.constant 48 : index
        %get3A_948 = tpu.vector_load %arg7[%get3A_946, %get3A_947] {strides = array<i32>} : memref<128x128xf32, #tpu.memory_space<vmem>>, vector<16xf32>,
        %get3A_949 = arith.index_cast %add3A_924 : i32 to index
        %get3A_950 = arith.constant 48 : index
        %get3A_951 = tpu.vector_load %arg9[%get3A_949, %get3A_950] {strides = array<i32>} : memref<128x128xf32, #tpu.memory_space<vmem>>, vector<16xf32>,
        %mul3A_952 = arith.mulf %get3A_948, %get3A_951 : vector<16xf32>
        %get3A_953 = arith.index_cast %add3A_924 : i32 to index
        %get3A_954 = arith.constant 64 : index
        %get3A_955 = tpu.vector_load %arg7[%get3A_953, %get3A_954] {strides = array<i32>} : memref<128x128xf32, #tpu.memory_space<vmem>>, vector<16xf32>,
        %get3A_956 = arith.index_cast %add3A_924 : i32 to index
        %get3A_957 = arith.constant 64 : index
        %get3A_958 = tpu.vector_load %arg9[%get3A_956, %get3A_957] {strides = array<i32>} : memref<128x128xf32, #tpu.memory_space<vmem>>, vector<16xf32>,
        %mul3A_959 = arith.mulf %get3A_955, %get3A_958 : vector<16xf32>
        %get3A_960 = arith.index_cast %add3A_924 : i32 to index
        %get3A_961 = arith.constant 80 : index
        %get3A_962 = tpu.vector_load %arg7[%get3A_960, %get3A_961] {strides = array<i32>} : memref<128x128xf32, #tpu.memory_space<vmem>>, vector<16xf32>,
        %get3A_963 = arith.index_cast %add3A_924 : i32 to index
        %get3A_964 = arith.constant 80 : index
        %get3A_965 = tpu.vector_load %arg9[%get3A_963, %get3A_964] {strides = array<i32>} : memref<128x128xf32, #tpu.memory_space<vmem>>, vector<16xf32>,
        %mul3A_966 = arith.mulf %get3A_962, %get3A_965 : vector<16xf32>
        %get3A_967 = arith.index_cast %add3A_924 : i32 to index
        %get3A_968 = arith.constant 96 : index
        %get3A_969 = tpu.vector_load %arg7[%get3A_967, %get3A_968] {strides = array<i32>} : memref<128x128xf32, #tpu.memory_space<vmem>>, vector<16xf32>,
        %get3A_970 = arith.index_cast %add3A_924 : i32 to index
        %get3A_971 = arith.constant 96 : index
        %get3A_972 = tpu.vector_load %arg9[%get3A_970, %get3A_971] {strides = array<i32>} : memref<128x128xf32, #tpu.memory_space<vmem>>, vector<16xf32>,
        %mul3A_973 = arith.mulf %get3A_969, %get3A_972 : vector<16xf32>
        %get3A_974 = arith.index_cast %add3A_924 : i32 to index
        %get3A_975 = arith.constant 112 : index
        %get3A_976 = tpu.vector_load %arg7[%get3A_974, %get3A_975] {strides = array<i32>} : memref<128x128xf32, #tpu.memory_space<vmem>>, vector<16xf32>,
        %get3A_977 = arith.index_cast %add3A_924 : i32 to index
        %get3A_978 = arith.constant 112 : index
        %get3A_979 = tpu.vector_load %arg9[%get3A_977, %get3A_978] {strides = array<i32>} : memref<128x128xf32, #tpu.memory_space<vmem>>, vector<16xf32>,
        %mul3A_980 = arith.mulf %get3A_976, %get3A_979 : vector<16xf32>
        %add3A_981 = arith.addf %mul3A_931, %mul3A_938 : vector<16xf32>
        %add3A_982 = arith.addf %mul3A_945, %mul3A_952 : vector<16xf32>
        %add3A_983 = arith.addf %mul3A_959, %mul3A_966 : vector<16xf32>
        %add3A_984 = arith.addf %mul3A_973, %mul3A_980 : vector<16xf32>
        %add3A_985 = arith.addf %add3A_981, %add3A_982 : vector<16xf32>
        %add3A_986 = arith.addf %add3A_983, %add3A_984 : vector<16xf32>
        %add3A_987 = arith.addf %add3A_985, %add3A_986 : vector<16xf32>
        %swap3A_988 = arith.constant 96 : index
        %swap3A_989 = tpu.vector_load %arg13[%swap3A_988] {strides = array<i32>} : memref<256xf32, #tpu.memory_space<vmem>>, vector<16xf32>,
        tpu.vector_store %arg13[%swap3A_988], %add3A_987 {strides = array<i32>} : memref<256xf32, #tpu.memory_space<vmem>>, vector<16xf32>,
        %add3A_990 = arith.constant 7 : i32
        %add3A_991 = arith.addi %mul3A_522, %add3A_990 : i32
        %get3A_992 = arith.index_cast %add3A_991 : i32 to index
        %get3A_993 = arith.constant 0 : index
        %get3A_994 = tpu.vector_load %arg7[%get3A_992, %get3A_993] {strides = array<i32>} : memref<128x128xf32, #tpu.memory_space<vmem>>, vector<16xf32>,
        %get3A_995 = arith.index_cast %add3A_991 : i32 to index
        %get3A_996 = arith.constant 0 : index
        %get3A_997 = tpu.vector_load %arg9[%get3A_995, %get3A_996] {strides = array<i32>} : memref<128x128xf32, #tpu.memory_space<vmem>>, vector<16xf32>,
        %mul3A_998 = arith.mulf %get3A_994, %get3A_997 : vector<16xf32>
        %get3A_999 = arith.index_cast %add3A_991 : i32 to index
        %get3A_1000 = arith.constant 16 : index
        %get3A_1001 = tpu.vector_load %arg7[%get3A_999, %get3A_1000] {strides = array<i32>} : memref<128x128xf32, #tpu.memory_space<vmem>>, vector<16xf32>,
        %get3A_1002 = arith.index_cast %add3A_991 : i32 to index
        %get3A_1003 = arith.constant 16 : index
        %get3A_1004 = tpu.vector_load %arg9[%get3A_1002, %get3A_1003] {strides = array<i32>} : memref<128x128xf32, #tpu.memory_space<vmem>>, vector<16xf32>,
        %mul3A_1005 = arith.mulf %get3A_1001, %get3A_1004 : vector<16xf32>
        %get3A_1006 = arith.index_cast %add3A_991 : i32 to index
        %get3A_1007 = arith.constant 32 : index
        %get3A_1008 = tpu.vector_load %arg7[%get3A_1006, %get3A_1007] {strides = array<i32>} : memref<128x128xf32, #tpu.memory_space<vmem>>, vector<16xf32>,
        %get3A_1009 = arith.index_cast %add3A_991 : i32 to index
        %get3A_1010 = arith.constant 32 : index
        %get3A_1011 = tpu.vector_load %arg9[%get3A_1009, %get3A_1010] {strides = array<i32>} : memref<128x128xf32, #tpu.memory_space<vmem>>, vector<16xf32>,
        %mul3A_1012 = arith.mulf %get3A_1008, %get3A_1011 : vector<16xf32>
        %get3A_1013 = arith.index_cast %add3A_991 : i32 to index
        %get3A_1014 = arith.constant 48 : index
        %get3A_1015 = tpu.vector_load %arg7[%get3A_1013, %get3A_1014] {strides = array<i32>} : memref<128x128xf32, #tpu.memory_space<vmem>>, vector<16xf32>,
        %get3A_1016 = arith.index_cast %add3A_991 : i32 to index
        %get3A_1017 = arith.constant 48 : index
        %get3A_1018 = tpu.vector_load %arg9[%get3A_1016, %get3A_1017] {strides = array<i32>} : memref<128x128xf32, #tpu.memory_space<vmem>>, vector<16xf32>,
        %mul3A_1019 = arith.mulf %get3A_1015, %get3A_1018 : vector<16xf32>
        %get3A_1020 = arith.index_cast %add3A_991 : i32 to index
        %get3A_1021 = arith.constant 64 : index
        %get3A_1022 = tpu.vector_load %arg7[%get3A_1020, %get3A_1021] {strides = array<i32>} : memref<128x128xf32, #tpu.memory_space<vmem>>, vector<16xf32>,
        %get3A_1023 = arith.index_cast %add3A_991 : i32 to index
        %get3A_1024 = arith.constant 64 : index
        %get3A_1025 = tpu.vector_load %arg9[%get3A_1023, %get3A_1024] {strides = array<i32>} : memref<128x128xf32, #tpu.memory_space<vmem>>, vector<16xf32>,
        %mul3A_1026 = arith.mulf %get3A_1022, %get3A_1025 : vector<16xf32>
        %get3A_1027 = arith.index_cast %add3A_991 : i32 to index
        %get3A_1028 = arith.constant 80 : index
        %get3A_1029 = tpu.vector_load %arg7[%get3A_1027, %get3A_1028] {strides = array<i32>} : memref<128x128xf32, #tpu.memory_space<vmem>>, vector<16xf32>,
        %get3A_1030 = arith.index_cast %add3A_991 : i32 to index
        %get3A_1031 = arith.constant 80 : index
        %get3A_1032 = tpu.vector_load %arg9[%get3A_1030, %get3A_1031] {strides = array<i32>} : memref<128x128xf32, #tpu.memory_space<vmem>>, vector<16xf32>,
        %mul3A_1033 = arith.mulf %get3A_1029, %get3A_1032 : vector<16xf32>
        %get3A_1034 = arith.index_cast %add3A_991 : i32 to index
        %get3A_1035 = arith.constant 96 : index
        %get3A_1036 = tpu.vector_load %arg7[%get3A_1034, %get3A_1035] {strides = array<i32>} : memref<128x128xf32, #tpu.memory_space<vmem>>, vector<16xf32>,
        %get3A_1037 = arith.index_cast %add3A_991 : i32 to index
        %get3A_1038 = arith.constant 96 : index
        %get3A_1039 = tpu.vector_load %arg9[%get3A_1037, %get3A_1038] {strides = array<i32>} : memref<128x128xf32, #tpu.memory_space<vmem>>, vector<16xf32>,
        %mul3A_1040 = arith.mulf %get3A_1036, %get3A_1039 : vector<16xf32>
        %get3A_1041 = arith.index_cast %add3A_991 : i32 to index
        %get3A_1042 = arith.constant 112 : index
        %get3A_1043 = tpu.vector_load %arg7[%get3A_1041, %get3A_1042] {strides = array<i32>} : memref<128x128xf32, #tpu.memory_space<vmem>>, vector<16xf32>,
        %get3A_1044 = arith.index_cast %add3A_991 : i32 to index
        %get3A_1045 = arith.constant 112 : index
        %get3A_1046 = tpu.vector_load %arg9[%get3A_1044, %get3A_1045] {strides = array<i32>} : memref<128x128xf32, #tpu.memory_space<vmem>>, vector<16xf32>,
        %mul3A_1047 = arith.mulf %get3A_1043, %get3A_1046 : vector<16xf32>
        %add3A_1048 = arith.addf %mul3A_998, %mul3A_1005 : vector<16xf32>
        %add3A_1049 = arith.addf %mul3A_1012, %mul3A_1019 : vector<16xf32>
        %add3A_1050 = arith.addf %mul3A_1026, %mul3A_1033 : vector<16xf32>
        %add3A_1051 = arith.addf %mul3A_1040, %mul3A_1047 : vector<16xf32>
        %add3A_1052 = arith.addf %add3A_1048, %add3A_1049 : vector<16xf32>
        %add3A_1053 = arith.addf %add3A_1050, %add3A_1051 : vector<16xf32>
        %add3A_1054 = arith.addf %add3A_1052, %add3A_1053 : vector<16xf32>
        %swap3A_1055 = arith.constant 112 : index
        %swap3A_1056 = tpu.vector_load %arg13[%swap3A_1055] {strides = array<i32>} : memref<256xf32, #tpu.memory_space<vmem>>, vector<16xf32>,
        tpu.vector_store %arg13[%swap3A_1055], %add3A_1054 {strides = array<i32>} : memref<256xf32, #tpu.memory_space<vmem>>, vector<16xf32>,
        %add3A_1057 = arith.constant 8 : i32
        %add3A_1058 = arith.addi %mul3A_522, %add3A_1057 : i32
        %get3A_1059 = arith.index_cast %add3A_1058 : i32 to index
        %get3A_1060 = arith.constant 0 : index
        %get3A_1061 = tpu.vector_load %arg7[%get3A_1059, %get3A_1060] {strides = array<i32>} : memref<128x128xf32, #tpu.memory_space<vmem>>, vector<16xf32>,
        %get3A_1062 = arith.index_cast %add3A_1058 : i32 to index
        %get3A_1063 = arith.constant 0 : index
        %get3A_1064 = tpu.vector_load %arg9[%get3A_1062, %get3A_1063] {strides = array<i32>} : memref<128x128xf32, #tpu.memory_space<vmem>>, vector<16xf32>,
        %mul3A_1065 = arith.mulf %get3A_1061, %get3A_1064 : vector<16xf32>
        %get3A_1066 = arith.index_cast %add3A_1058 : i32 to index
        %get3A_1067 = arith.constant 16 : index
        %get3A_1068 = tpu.vector_load %arg7[%get3A_1066, %get3A_1067] {strides = array<i32>} : memref<128x128xf32, #tpu.memory_space<vmem>>, vector<16xf32>,
        %get3A_1069 = arith.index_cast %add3A_1058 : i32 to index
        %get3A_1070 = arith.constant 16 : index
        %get3A_1071 = tpu.vector_load %arg9[%get3A_1069, %get3A_1070] {strides = array<i32>} : memref<128x128xf32, #tpu.memory_space<vmem>>, vector<16xf32>,
        %mul3A_1072 = arith.mulf %get3A_1068, %get3A_1071 : vector<16xf32>
        %get3A_1073 = arith.index_cast %add3A_1058 : i32 to index
        %get3A_1074 = arith.constant 32 : index
        %get3A_1075 = tpu.vector_load %arg7[%get3A_1073, %get3A_1074] {strides = array<i32>} : memref<128x128xf32, #tpu.memory_space<vmem>>, vector<16xf32>,
        %get3A_1076 = arith.index_cast %add3A_1058 : i32 to index
        %get3A_1077 = arith.constant 32 : index
        %get3A_1078 = tpu.vector_load %arg9[%get3A_1076, %get3A_1077] {strides = array<i32>} : memref<128x128xf32, #tpu.memory_space<vmem>>, vector<16xf32>,
        %mul3A_1079 = arith.mulf %get3A_1075, %get3A_1078 : vector<16xf32>
        %get3A_1080 = arith.index_cast %add3A_1058 : i32 to index
        %get3A_1081 = arith.constant 48 : index
        %get3A_1082 = tpu.vector_load %arg7[%get3A_1080, %get3A_1081] {strides = array<i32>} : memref<128x128xf32, #tpu.memory_space<vmem>>, vector<16xf32>,
        %get3A_1083 = arith.index_cast %add3A_1058 : i32 to index
        %get3A_1084 = arith.constant 48 : index
        %get3A_1085 = tpu.vector_load %arg9[%get3A_1083, %get3A_1084] {strides = array<i32>} : memref<128x128xf32, #tpu.memory_space<vmem>>, vector<16xf32>,
        %mul3A_1086 = arith.mulf %get3A_1082, %get3A_1085 : vector<16xf32>
        %get3A_1087 = arith.index_cast %add3A_1058 : i32 to index
        %get3A_1088 = arith.constant 64 : index
        %get3A_1089 = tpu.vector_load %arg7[%get3A_1087, %get3A_1088] {strides = array<i32>} : memref<128x128xf32, #tpu.memory_space<vmem>>, vector<16xf32>,
        %get3A_1090 = arith.index_cast %add3A_1058 : i32 to index
        %get3A_1091 = arith.constant 64 : index
        %get3A_1092 = tpu.vector_load %arg9[%get3A_1090, %get3A_1091] {strides = array<i32>} : memref<128x128xf32, #tpu.memory_space<vmem>>, vector<16xf32>,
        %mul3A_1093 = arith.mulf %get3A_1089, %get3A_1092 : vector<16xf32>
        %get3A_1094 = arith.index_cast %add3A_1058 : i32 to index
        %get3A_1095 = arith.constant 80 : index
        %get3A_1096 = tpu.vector_load %arg7[%get3A_1094, %get3A_1095] {strides = array<i32>} : memref<128x128xf32, #tpu.memory_space<vmem>>, vector<16xf32>,
        %get3A_1097 = arith.index_cast %add3A_1058 : i32 to index
        %get3A_1098 = arith.constant 80 : index
        %get3A_1099 = tpu.vector_load %arg9[%get3A_1097, %get3A_1098] {strides = array<i32>} : memref<128x128xf32, #tpu.memory_space<vmem>>, vector<16xf32>,
        %mul3A_1100 = arith.mulf %get3A_1096, %get3A_1099 : vector<16xf32>
        %get3A_1101 = arith.index_cast %add3A_1058 : i32 to index
        %get3A_1102 = arith.constant 96 : index
        %get3A_1103 = tpu.vector_load %arg7[%get3A_1101, %get3A_1102] {strides = array<i32>} : memref<128x128xf32, #tpu.memory_space<vmem>>, vector<16xf32>,
        %get3A_1104 = arith.index_cast %add3A_1058 : i32 to index
        %get3A_1105 = arith.constant 96 : index
        %get3A_1106 = tpu.vector_load %arg9[%get3A_1104, %get3A_1105] {strides = array<i32>} : memref<128x128xf32, #tpu.memory_space<vmem>>, vector<16xf32>,
        %mul3A_1107 = arith.mulf %get3A_1103, %get3A_1106 : vector<16xf32>
        %get3A_1108 = arith.index_cast %add3A_1058 : i32 to index
        %get3A_1109 = arith.constant 112 : index
        %get3A_1110 = tpu.vector_load %arg7[%get3A_1108, %get3A_1109] {strides = array<i32>} : memref<128x128xf32, #tpu.memory_space<vmem>>, vector<16xf32>,
        %get3A_1111 = arith.index_cast %add3A_1058 : i32 to index
        %get3A_1112 = arith.constant 112 : index
        %get3A_1113 = tpu.vector_load %arg9[%get3A_1111, %get3A_1112] {strides = array<i32>} : memref<128x128xf32, #tpu.memory_space<vmem>>, vector<16xf32>,
        %mul3A_1114 = arith.mulf %get3A_1110, %get3A_1113 : vector<16xf32>
        %add3A_1115 = arith.addf %mul3A_1065, %mul3A_1072 : vector<16xf32>
        %add3A_1116 = arith.addf %mul3A_1079, %mul3A_1086 : vector<16xf32>
        %add3A_1117 = arith.addf %mul3A_1093, %mul3A_1100 : vector<16xf32>
        %add3A_1118 = arith.addf %mul3A_1107, %mul3A_1114 : vector<16xf32>
        %add3A_1119 = arith.addf %add3A_1115, %add3A_1116 : vector<16xf32>
        %add3A_1120 = arith.addf %add3A_1117, %add3A_1118 : vector<16xf32>
        %add3A_1121 = arith.addf %add3A_1119, %add3A_1120 : vector<16xf32>
        %swap3A_1122 = arith.constant 128 : index
        %swap3A_1123 = tpu.vector_load %arg13[%swap3A_1122] {strides = array<i32>} : memref<256xf32, #tpu.memory_space<vmem>>, vector<16xf32>,
        tpu.vector_store %arg13[%swap3A_1122], %add3A_1121 {strides = array<i32>} : memref<256xf32, #tpu.memory_space<vmem>>, vector<16xf32>,
        %add3A_1124 = arith.constant 9 : i32
        %add3A_1125 = arith.addi %mul3A_522, %add3A_1124 : i32
        %get3A_1126 = arith.index_cast %add3A_1125 : i32 to index
        %get3A_1127 = arith.constant 0 : index
        %get3A_1128 = tpu.vector_load %arg7[%get3A_1126, %get3A_1127] {strides = array<i32>} : memref<128x128xf32, #tpu.memory_space<vmem>>, vector<16xf32>,
        %get3A_1129 = arith.index_cast %add3A_1125 : i32 to index
        %get3A_1130 = arith.constant 0 : index
        %get3A_1131 = tpu.vector_load %arg9[%get3A_1129, %get3A_1130] {strides = array<i32>} : memref<128x128xf32, #tpu.memory_space<vmem>>, vector<16xf32>,
        %mul3A_1132 = arith.mulf %get3A_1128, %get3A_1131 : vector<16xf32>
        %get3A_1133 = arith.index_cast %add3A_1125 : i32 to index
        %get3A_1134 = arith.constant 16 : index
        %get3A_1135 = tpu.vector_load %arg7[%get3A_1133, %get3A_1134] {strides = array<i32>} : memref<128x128xf32, #tpu.memory_space<vmem>>, vector<16xf32>,
        %get3A_1136 = arith.index_cast %add3A_1125 : i32 to index
        %get3A_1137 = arith.constant 16 : index
        %get3A_1138 = tpu.vector_load %arg9[%get3A_1136, %get3A_1137] {strides = array<i32>} : memref<128x128xf32, #tpu.memory_space<vmem>>, vector<16xf32>,
        %mul3A_1139 = arith.mulf %get3A_1135, %get3A_1138 : vector<16xf32>
        %get3A_1140 = arith.index_cast %add3A_1125 : i32 to index
        %get3A_1141 = arith.constant 32 : index
        %get3A_1142 = tpu.vector_load %arg7[%get3A_1140, %get3A_1141] {strides = array<i32>} : memref<128x128xf32, #tpu.memory_space<vmem>>, vector<16xf32>,
        %get3A_1143 = arith.index_cast %add3A_1125 : i32 to index
        %get3A_1144 = arith.constant 32 : index
        %get3A_1145 = tpu.vector_load %arg9[%get3A_1143, %get3A_1144] {strides = array<i32>} : memref<128x128xf32, #tpu.memory_space<vmem>>, vector<16xf32>,
        %mul3A_1146 = arith.mulf %get3A_1142, %get3A_1145 : vector<16xf32>
        %get3A_1147 = arith.index_cast %add3A_1125 : i32 to index
        %get3A_1148 = arith.constant 48 : index
        %get3A_1149 = tpu.vector_load %arg7[%get3A_1147, %get3A_1148] {strides = array<i32>} : memref<128x128xf32, #tpu.memory_space<vmem>>, vector<16xf32>,
        %get3A_1150 = arith.index_cast %add3A_1125 : i32 to index
        %get3A_1151 = arith.constant 48 : index
        %get3A_1152 = tpu.vector_load %arg9[%get3A_1150, %get3A_1151] {strides = array<i32>} : memref<128x128xf32, #tpu.memory_space<vmem>>, vector<16xf32>,
        %mul3A_1153 = arith.mulf %get3A_1149, %get3A_1152 : vector<16xf32>
        %get3A_1154 = arith.index_cast %add3A_1125 : i32 to index
        %get3A_1155 = arith.constant 64 : index
        %get3A_1156 = tpu.vector_load %arg7[%get3A_1154, %get3A_1155] {strides = array<i32>} : memref<128x128xf32, #tpu.memory_space<vmem>>, vector<16xf32>,
        %get3A_1157 = arith.index_cast %add3A_1125 : i32 to index
        %get3A_1158 = arith.constant 64 : index
        %get3A_1159 = tpu.vector_load %arg9[%get3A_1157, %get3A_1158] {strides = array<i32>} : memref<128x128xf32, #tpu.memory_space<vmem>>, vector<16xf32>,
        %mul3A_1160 = arith.mulf %get3A_1156, %get3A_1159 : vector<16xf32>
        %get3A_1161 = arith.index_cast %add3A_1125 : i32 to index
        %get3A_1162 = arith.constant 80 : index
        %get3A_1163 = tpu.vector_load %arg7[%get3A_1161, %get3A_1162] {strides = array<i32>} : memref<128x128xf32, #tpu.memory_space<vmem>>, vector<16xf32>,
        %get3A_1164 = arith.index_cast %add3A_1125 : i32 to index
        %get3A_1165 = arith.constant 80 : index
        %get3A_1166 = tpu.vector_load %arg9[%get3A_1164, %get3A_1165] {strides = array<i32>} : memref<128x128xf32, #tpu.memory_space<vmem>>, vector<16xf32>,
        %mul3A_1167 = arith.mulf %get3A_1163, %get3A_1166 : vector<16xf32>
        %get3A_1168 = arith.index_cast %add3A_1125 : i32 to index
        %get3A_1169 = arith.constant 96 : index
        %get3A_1170 = tpu.vector_load %arg7[%get3A_1168, %get3A_1169] {strides = array<i32>} : memref<128x128xf32, #tpu.memory_space<vmem>>, vector<16xf32>,
        %get3A_1171 = arith.index_cast %add3A_1125 : i32 to index
        %get3A_1172 = arith.constant 96 : index
        %get3A_1173 = tpu.vector_load %arg9[%get3A_1171, %get3A_1172] {strides = array<i32>} : memref<128x128xf32, #tpu.memory_space<vmem>>, vector<16xf32>,
        %mul3A_1174 = arith.mulf %get3A_1170, %get3A_1173 : vector<16xf32>
        %get3A_1175 = arith.index_cast %add3A_1125 : i32 to index
        %get3A_1176 = arith.constant 112 : index
        %get3A_1177 = tpu.vector_load %arg7[%get3A_1175, %get3A_1176] {strides = array<i32>} : memref<128x128xf32, #tpu.memory_space<vmem>>, vector<16xf32>,
        %get3A_1178 = arith.index_cast %add3A_1125 : i32 to index
        %get3A_1179 = arith.constant 112 : index
        %get3A_1180 = tpu.vector_load %arg9[%get3A_1178, %get3A_1179] {strides = array<i32>} : memref<128x128xf32, #tpu.memory_space<vmem>>, vector<16xf32>,
        %mul3A_1181 = arith.mulf %get3A_1177, %get3A_1180 : vector<16xf32>
        %add3A_1182 = arith.addf %mul3A_1132, %mul3A_1139 : vector<16xf32>
        %add3A_1183 = arith.addf %mul3A_1146, %mul3A_1153 : vector<16xf32>
        %add3A_1184 = arith.addf %mul3A_1160, %mul3A_1167 : vector<16xf32>
        %add3A_1185 = arith.addf %mul3A_1174, %mul3A_1181 : vector<16xf32>
        %add3A_1186 = arith.addf %add3A_1182, %add3A_1183 : vector<16xf32>
        %add3A_1187 = arith.addf %add3A_1184, %add3A_1185 : vector<16xf32>
        %add3A_1188 = arith.addf %add3A_1186, %add3A_1187 : vector<16xf32>
        %swap3A_1189 = arith.constant 144 : index
        %swap3A_1190 = tpu.vector_load %arg13[%swap3A_1189] {strides = array<i32>} : memref<256xf32, #tpu.memory_space<vmem>>, vector<16xf32>,
        tpu.vector_store %arg13[%swap3A_1189], %add3A_1188 {strides = array<i32>} : memref<256xf32, #tpu.memory_space<vmem>>, vector<16xf32>,
        %add3A_1191 = arith.constant 10 : i32
        %add3A_1192 = arith.addi %mul3A_522, %add3A_1191 : i32
        %get3A_1193 = arith.index_cast %add3A_1192 : i32 to index
        %get3A_1194 = arith.constant 0 : index
        %get3A_1195 = tpu.vector_load %arg7[%get3A_1193, %get3A_1194] {strides = array<i32>} : memref<128x128xf32, #tpu.memory_space<vmem>>, vector<16xf32>,
        %get3A_1196 = arith.index_cast %add3A_1192 : i32 to index
        %get3A_1197 = arith.constant 0 : index
        %get3A_1198 = tpu.vector_load %arg9[%get3A_1196, %get3A_1197] {strides = array<i32>} : memref<128x128xf32, #tpu.memory_space<vmem>>, vector<16xf32>,
        %mul3A_1199 = arith.mulf %get3A_1195, %get3A_1198 : vector<16xf32>
        %get3A_1200 = arith.index_cast %add3A_1192 : i32 to index
        %get3A_1201 = arith.constant 16 : index
        %get3A_1202 = tpu.vector_load %arg7[%get3A_1200, %get3A_1201] {strides = array<i32>} : memref<128x128xf32, #tpu.memory_space<vmem>>, vector<16xf32>,
        %get3A_1203 = arith.index_cast %add3A_1192 : i32 to index
        %get3A_1204 = arith.constant 16 : index
        %get3A_1205 = tpu.vector_load %arg9[%get3A_1203, %get3A_1204] {strides = array<i32>} : memref<128x128xf32, #tpu.memory_space<vmem>>, vector<16xf32>,
        %mul3A_1206 = arith.mulf %get3A_1202, %get3A_1205 : vector<16xf32>
        %get3A_1207 = arith.index_cast %add3A_1192 : i32 to index
        %get3A_1208 = arith.constant 32 : index
        %get3A_1209 = tpu.vector_load %arg7[%get3A_1207, %get3A_1208] {strides = array<i32>} : memref<128x128xf32, #tpu.memory_space<vmem>>, vector<16xf32>,
        %get3A_1210 = arith.index_cast %add3A_1192 : i32 to index
        %get3A_1211 = arith.constant 32 : index
        %get3A_1212 = tpu.vector_load %arg9[%get3A_1210, %get3A_1211] {strides = array<i32>} : memref<128x128xf32, #tpu.memory_space<vmem>>, vector<16xf32>,
        %mul3A_1213 = arith.mulf %get3A_1209, %get3A_1212 : vector<16xf32>
        %get3A_1214 = arith.index_cast %add3A_1192 : i32 to index
        %get3A_1215 = arith.constant 48 : index
        %get3A_1216 = tpu.vector_load %arg7[%get3A_1214, %get3A_1215] {strides = array<i32>} : memref<128x128xf32, #tpu.memory_space<vmem>>, vector<16xf32>,
        %get3A_1217 = arith.index_cast %add3A_1192 : i32 to index
        %get3A_1218 = arith.constant 48 : index
        %get3A_1219 = tpu.vector_load %arg9[%get3A_1217, %get3A_1218] {strides = array<i32>} : memref<128x128xf32, #tpu.memory_space<vmem>>, vector<16xf32>,
        %mul3A_1220 = arith.mulf %get3A_1216, %get3A_1219 : vector<16xf32>
        %get3A_1221 = arith.index_cast %add3A_1192 : i32 to index
        %get3A_1222 = arith.constant 64 : index
        %get3A_1223 = tpu.vector_load %arg7[%get3A_1221, %get3A_1222] {strides = array<i32>} : memref<128x128xf32, #tpu.memory_space<vmem>>, vector<16xf32>,
        %get3A_1224 = arith.index_cast %add3A_1192 : i32 to index
        %get3A_1225 = arith.constant 64 : index
        %get3A_1226 = tpu.vector_load %arg9[%get3A_1224, %get3A_1225] {strides = array<i32>} : memref<128x128xf32, #tpu.memory_space<vmem>>, vector<16xf32>,
        %mul3A_1227 = arith.mulf %get3A_1223, %get3A_1226 : vector<16xf32>
        %get3A_1228 = arith.index_cast %add3A_1192 : i32 to index
        %get3A_1229 = arith.constant 80 : index
        %get3A_1230 = tpu.vector_load %arg7[%get3A_1228, %get3A_1229] {strides = array<i32>} : memref<128x128xf32, #tpu.memory_space<vmem>>, vector<16xf32>,
        %get3A_1231 = arith.index_cast %add3A_1192 : i32 to index
        %get3A_1232 = arith.constant 80 : index
        %get3A_1233 = tpu.vector_load %arg9[%get3A_1231, %get3A_1232] {strides = array<i32>} : memref<128x128xf32, #tpu.memory_space<vmem>>, vector<16xf32>,
        %mul3A_1234 = arith.mulf %get3A_1230, %get3A_1233 : vector<16xf32>
        %get3A_1235 = arith.index_cast %add3A_1192 : i32 to index
        %get3A_1236 = arith.constant 96 : index
        %get3A_1237 = tpu.vector_load %arg7[%get3A_1235, %get3A_1236] {strides = array<i32>} : memref<128x128xf32, #tpu.memory_space<vmem>>, vector<16xf32>,
        %get3A_1238 = arith.index_cast %add3A_1192 : i32 to index
        %get3A_1239 = arith.constant 96 : index
        %get3A_1240 = tpu.vector_load %arg9[%get3A_1238, %get3A_1239] {strides = array<i32>} : memref<128x128xf32, #tpu.memory_space<vmem>>, vector<16xf32>,
        %mul3A_1241 = arith.mulf %get3A_1237, %get3A_1240 : vector<16xf32>
        %get3A_1242 = arith.index_cast %add3A_1192 : i32 to index
        %get3A_1243 = arith.constant 112 : index
        %get3A_1244 = tpu.vector_load %arg7[%get3A_1242, %get3A_1243] {strides = array<i32>} : memref<128x128xf32, #tpu.memory_space<vmem>>, vector<16xf32>,
        %get3A_1245 = arith.index_cast %add3A_1192 : i32 to index
        %get3A_1246 = arith.constant 112 : index
        %get3A_1247 = tpu.vector_load %arg9[%get3A_1245, %get3A_1246] {strides = array<i32>} : memref<128x128xf32, #tpu.memory_space<vmem>>, vector<16xf32>,
        %mul3A_1248 = arith.mulf %get3A_1244, %get3A_1247 : vector<16xf32>
        %add3A_1249 = arith.addf %mul3A_1199, %mul3A_1206 : vector<16xf32>
        %add3A_1250 = arith.addf %mul3A_1213, %mul3A_1220 : vector<16xf32>
        %add3A_1251 = arith.addf %mul3A_1227, %mul3A_1234 : vector<16xf32>
        %add3A_1252 = arith.addf %mul3A_1241, %mul3A_1248 : vector<16xf32>
        %add3A_1253 = arith.addf %add3A_1249, %add3A_1250 : vector<16xf32>
        %add3A_1254 = arith.addf %add3A_1251, %add3A_1252 : vector<16xf32>
        %add3A_1255 = arith.addf %add3A_1253, %add3A_1254 : vector<16xf32>
        %swap3A_1256 = arith.constant 160 : index
        %swap3A_1257 = tpu.vector_load %arg13[%swap3A_1256] {strides = array<i32>} : memref<256xf32, #tpu.memory_space<vmem>>, vector<16xf32>,
        tpu.vector_store %arg13[%swap3A_1256], %add3A_1255 {strides = array<i32>} : memref<256xf32, #tpu.memory_space<vmem>>, vector<16xf32>,
        %add3A_1258 = arith.constant 11 : i32
        %add3A_1259 = arith.addi %mul3A_522, %add3A_1258 : i32
        %get3A_1260 = arith.index_cast %add3A_1259 : i32 to index
        %get3A_1261 = arith.constant 0 : index
        %get3A_1262 = tpu.vector_load %arg7[%get3A_1260, %get3A_1261] {strides = array<i32>} : memref<128x128xf32, #tpu.memory_space<vmem>>, vector<16xf32>,
        %get3A_1263 = arith.index_cast %add3A_1259 : i32 to index
        %get3A_1264 = arith.constant 0 : index
        %get3A_1265 = tpu.vector_load %arg9[%get3A_1263, %get3A_1264] {strides = array<i32>} : memref<128x128xf32, #tpu.memory_space<vmem>>, vector<16xf32>,
        %mul3A_1266 = arith.mulf %get3A_1262, %get3A_1265 : vector<16xf32>
        %get3A_1267 = arith.index_cast %add3A_1259 : i32 to index
        %get3A_1268 = arith.constant 16 : index
        %get3A_1269 = tpu.vector_load %arg7[%get3A_1267, %get3A_1268] {strides = array<i32>} : memref<128x128xf32, #tpu.memory_space<vmem>>, vector<16xf32>,
        %get3A_1270 = arith.index_cast %add3A_1259 : i32 to index
        %get3A_1271 = arith.constant 16 : index
        %get3A_1272 = tpu.vector_load %arg9[%get3A_1270, %get3A_1271] {strides = array<i32>} : memref<128x128xf32, #tpu.memory_space<vmem>>, vector<16xf32>,
        %mul3A_1273 = arith.mulf %get3A_1269, %get3A_1272 : vector<16xf32>
        %get3A_1274 = arith.index_cast %add3A_1259 : i32 to index
        %get3A_1275 = arith.constant 32 : index
        %get3A_1276 = tpu.vector_load %arg7[%get3A_1274, %get3A_1275] {strides = array<i32>} : memref<128x128xf32, #tpu.memory_space<vmem>>, vector<16xf32>,
        %get3A_1277 = arith.index_cast %add3A_1259 : i32 to index
        %get3A_1278 = arith.constant 32 : index
        %get3A_1279 = tpu.vector_load %arg9[%get3A_1277, %get3A_1278] {strides = array<i32>} : memref<128x128xf32, #tpu.memory_space<vmem>>, vector<16xf32>,
        %mul3A_1280 = arith.mulf %get3A_1276, %get3A_1279 : vector<16xf32>
        %get3A_1281 = arith.index_cast %add3A_1259 : i32 to index
        %get3A_1282 = arith.constant 48 : index
        %get3A_1283 = tpu.vector_load %arg7[%get3A_1281, %get3A_1282] {strides = array<i32>} : memref<128x128xf32, #tpu.memory_space<vmem>>, vector<16xf32>,
        %get3A_1284 = arith.index_cast %add3A_1259 : i32 to index
        %get3A_1285 = arith.constant 48 : index
        %get3A_1286 = tpu.vector_load %arg9[%get3A_1284, %get3A_1285] {strides = array<i32>} : memref<128x128xf32, #tpu.memory_space<vmem>>, vector<16xf32>,
        %mul3A_1287 = arith.mulf %get3A_1283, %get3A_1286 : vector<16xf32>
        %get3A_1288 = arith.index_cast %add3A_1259 : i32 to index
        %get3A_1289 = arith.constant 64 : index
        %get3A_1290 = tpu.vector_load %arg7[%get3A_1288, %get3A_1289] {strides = array<i32>} : memref<128x128xf32, #tpu.memory_space<vmem>>, vector<16xf32>,
        %get3A_1291 = arith.index_cast %add3A_1259 : i32 to index
        %get3A_1292 = arith.constant 64 : index
        %get3A_1293 = tpu.vector_load %arg9[%get3A_1291, %get3A_1292] {strides = array<i32>} : memref<128x128xf32, #tpu.memory_space<vmem>>, vector<16xf32>,
        %mul3A_1294 = arith.mulf %get3A_1290, %get3A_1293 : vector<16xf32>
        %get3A_1295 = arith.index_cast %add3A_1259 : i32 to index
        %get3A_1296 = arith.constant 80 : index
        %get3A_1297 = tpu.vector_load %arg7[%get3A_1295, %get3A_1296] {strides = array<i32>} : memref<128x128xf32, #tpu.memory_space<vmem>>, vector<16xf32>,
        %get3A_1298 = arith.index_cast %add3A_1259 : i32 to index
        %get3A_1299 = arith.constant 80 : index
        %get3A_1300 = tpu.vector_load %arg9[%get3A_1298, %get3A_1299] {strides = array<i32>} : memref<128x128xf32, #tpu.memory_space<vmem>>, vector<16xf32>,
        %mul3A_1301 = arith.mulf %get3A_1297, %get3A_1300 : vector<16xf32>
        %get3A_1302 = arith.index_cast %add3A_1259 : i32 to index
        %get3A_1303 = arith.constant 96 : index
        %get3A_1304 = tpu.vector_load %arg7[%get3A_1302, %get3A_1303] {strides = array<i32>} : memref<128x128xf32, #tpu.memory_space<vmem>>, vector<16xf32>,
        %get3A_1305 = arith.index_cast %add3A_1259 : i32 to index
        %get3A_1306 = arith.constant 96 : index
        %get3A_1307 = tpu.vector_load %arg9[%get3A_1305, %get3A_1306] {strides = array<i32>} : memref<128x128xf32, #tpu.memory_space<vmem>>, vector<16xf32>,
        %mul3A_1308 = arith.mulf %get3A_1304, %get3A_1307 : vector<16xf32>
        %get3A_1309 = arith.index_cast %add3A_1259 : i32 to index
        %get3A_1310 = arith.constant 112 : index
        %get3A_1311 = tpu.vector_load %arg7[%get3A_1309, %get3A_1310] {strides = array<i32>} : memref<128x128xf32, #tpu.memory_space<vmem>>, vector<16xf32>,
        %get3A_1312 = arith.index_cast %add3A_1259 : i32 to index
        %get3A_1313 = arith.constant 112 : index
        %get3A_1314 = tpu.vector_load %arg9[%get3A_1312, %get3A_1313] {strides = array<i32>} : memref<128x128xf32, #tpu.memory_space<vmem>>, vector<16xf32>,
        %mul3A_1315 = arith.mulf %get3A_1311, %get3A_1314 : vector<16xf32>
        %add3A_1316 = arith.addf %mul3A_1266, %mul3A_1273 : vector<16xf32>
        %add3A_1317 = arith.addf %mul3A_1280, %mul3A_1287 : vector<16xf32>
        %add3A_1318 = arith.addf %mul3A_1294, %mul3A_1301 : vector<16xf32>
        %add3A_1319 = arith.addf %mul3A_1308, %mul3A_1315 : vector<16xf32>
        %add3A_1320 = arith.addf %add3A_1316, %add3A_1317 : vector<16xf32>
        %add3A_1321 = arith.addf %add3A_1318, %add3A_1319 : vector<16xf32>
        %add3A_1322 = arith.addf %add3A_1320, %add3A_1321 : vector<16xf32>
        %swap3A_1323 = arith.constant 176 : index
        %swap3A_1324 = tpu.vector_load %arg13[%swap3A_1323] {strides = array<i32>} : memref<256xf32, #tpu.memory_space<vmem>>, vector<16xf32>,
        tpu.vector_store %arg13[%swap3A_1323], %add3A_1322 {strides = array<i32>} : memref<256xf32, #tpu.memory_space<vmem>>, vector<16xf32>,
        %add3A_1325 = arith.constant 12 : i32
        %add3A_1326 = arith.addi %mul3A_522, %add3A_1325 : i32
        %get3A_1327 = arith.index_cast %add3A_1326 : i32 to index
        %get3A_1328 = arith.constant 0 : index
        %get3A_1329 = tpu.vector_load %arg7[%get3A_1327, %get3A_1328] {strides = array<i32>} : memref<128x128xf32, #tpu.memory_space<vmem>>, vector<16xf32>,
        %get3A_1330 = arith.index_cast %add3A_1326 : i32 to index
        %get3A_1331 = arith.constant 0 : index
        %get3A_1332 = tpu.vector_load %arg9[%get3A_1330, %get3A_1331] {strides = array<i32>} : memref<128x128xf32, #tpu.memory_space<vmem>>, vector<16xf32>,
        %mul3A_1333 = arith.mulf %get3A_1329, %get3A_1332 : vector<16xf32>
        %get3A_1334 = arith.index_cast %add3A_1326 : i32 to index
        %get3A_1335 = arith.constant 16 : index
        %get3A_1336 = tpu.vector_load %arg7[%get3A_1334, %get3A_1335] {strides = array<i32>} : memref<128x128xf32, #tpu.memory_space<vmem>>, vector<16xf32>,
        %get3A_1337 = arith.index_cast %add3A_1326 : i32 to index
        %get3A_1338 = arith.constant 16 : index
        %get3A_1339 = tpu.vector_load %arg9[%get3A_1337, %get3A_1338] {strides = array<i32>} : memref<128x128xf32, #tpu.memory_space<vmem>>, vector<16xf32>,
        %mul3A_1340 = arith.mulf %get3A_1336, %get3A_1339 : vector<16xf32>
        %get3A_1341 = arith.index_cast %add3A_1326 : i32 to index
        %get3A_1342 = arith.constant 32 : index
        %get3A_1343 = tpu.vector_load %arg7[%get3A_1341, %get3A_1342] {strides = array<i32>} : memref<128x128xf32, #tpu.memory_space<vmem>>, vector<16xf32>,
        %get3A_1344 = arith.index_cast %add3A_1326 : i32 to index
        %get3A_1345 = arith.constant 32 : index
        %get3A_1346 = tpu.vector_load %arg9[%get3A_1344, %get3A_1345] {strides = array<i32>} : memref<128x128xf32, #tpu.memory_space<vmem>>, vector<16xf32>,
        %mul3A_1347 = arith.mulf %get3A_1343, %get3A_1346 : vector<16xf32>
        %get3A_1348 = arith.index_cast %add3A_1326 : i32 to index
        %get3A_1349 = arith.constant 48 : index
        %get3A_1350 = tpu.vector_load %arg7[%get3A_1348, %get3A_1349] {strides = array<i32>} : memref<128x128xf32, #tpu.memory_space<vmem>>, vector<16xf32>,
        %get3A_1351 = arith.index_cast %add3A_1326 : i32 to index
        %get3A_1352 = arith.constant 48 : index
        %get3A_1353 = tpu.vector_load %arg9[%get3A_1351, %get3A_1352] {strides = array<i32>} : memref<128x128xf32, #tpu.memory_space<vmem>>, vector<16xf32>,
        %mul3A_1354 = arith.mulf %get3A_1350, %get3A_1353 : vector<16xf32>
        %get3A_1355 = arith.index_cast %add3A_1326 : i32 to index
        %get3A_1356 = arith.constant 64 : index
        %get3A_1357 = tpu.vector_load %arg7[%get3A_1355, %get3A_1356] {strides = array<i32>} : memref<128x128xf32, #tpu.memory_space<vmem>>, vector<16xf32>,
        %get3A_1358 = arith.index_cast %add3A_1326 : i32 to index
        %get3A_1359 = arith.constant 64 : index
        %get3A_1360 = tpu.vector_load %arg9[%get3A_1358, %get3A_1359] {strides = array<i32>} : memref<128x128xf32, #tpu.memory_space<vmem>>, vector<16xf32>,
        %mul3A_1361 = arith.mulf %get3A_1357, %get3A_1360 : vector<16xf32>
        %get3A_1362 = arith.index_cast %add3A_1326 : i32 to index
        %get3A_1363 = arith.constant 80 : index
        %get3A_1364 = tpu.vector_load %arg7[%get3A_1362, %get3A_1363] {strides = array<i32>} : memref<128x128xf32, #tpu.memory_space<vmem>>, vector<16xf32>,
        %get3A_1365 = arith.index_cast %add3A_1326 : i32 to index
        %get3A_1366 = arith.constant 80 : index
        %get3A_1367 = tpu.vector_load %arg9[%get3A_1365, %get3A_1366] {strides = array<i32>} : memref<128x128xf32, #tpu.memory_space<vmem>>, vector<16xf32>,
        %mul3A_1368 = arith.mulf %get3A_1364, %get3A_1367 : vector<16xf32>
        %get3A_1369 = arith.index_cast %add3A_1326 : i32 to index
        %get3A_1370 = arith.constant 96 : index
        %get3A_1371 = tpu.vector_load %arg7[%get3A_1369, %get3A_1370] {strides = array<i32>} : memref<128x128xf32, #tpu.memory_space<vmem>>, vector<16xf32>,
        %get3A_1372 = arith.index_cast %add3A_1326 : i32 to index
        %get3A_1373 = arith.constant 96 : index
        %get3A_1374 = tpu.vector_load %arg9[%get3A_1372, %get3A_1373] {strides = array<i32>} : memref<128x128xf32, #tpu.memory_space<vmem>>, vector<16xf32>,
        %mul3A_1375 = arith.mulf %get3A_1371, %get3A_1374 : vector<16xf32>
        %get3A_1376 = arith.index_cast %add3A_1326 : i32 to index
        %get3A_1377 = arith.constant 112 : index
        %get3A_1378 = tpu.vector_load %arg7[%get3A_1376, %get3A_1377] {strides = array<i32>} : memref<128x128xf32, #tpu.memory_space<vmem>>, vector<16xf32>,
        %get3A_1379 = arith.index_cast %add3A_1326 : i32 to index
        %get3A_1380 = arith.constant 112 : index
        %get3A_1381 = tpu.vector_load %arg9[%get3A_1379, %get3A_1380] {strides = array<i32>} : memref<128x128xf32, #tpu.memory_space<vmem>>, vector<16xf32>,
        %mul3A_1382 = arith.mulf %get3A_1378, %get3A_1381 : vector<16xf32>
        %add3A_1383 = arith.addf %mul3A_1333, %mul3A_1340 : vector<16xf32>
        %add3A_1384 = arith.addf %mul3A_1347, %mul3A_1354 : vector<16xf32>
        %add3A_1385 = arith.addf %mul3A_1361, %mul3A_1368 : vector<16xf32>
        %add3A_1386 = arith.addf %mul3A_1375, %mul3A_1382 : vector<16xf32>
        %add3A_1387 = arith.addf %add3A_1383, %add3A_1384 : vector<16xf32>
        %add3A_1388 = arith.addf %add3A_1385, %add3A_1386 : vector<16xf32>
        %add3A_1389 = arith.addf %add3A_1387, %add3A_1388 : vector<16xf32>
        %swap3A_1390 = arith.constant 192 : index
        %swap3A_1391 = tpu.vector_load %arg13[%swap3A_1390] {strides = array<i32>} : memref<256xf32, #tpu.memory_space<vmem>>, vector<16xf32>,
        tpu.vector_store %arg13[%swap3A_1390], %add3A_1389 {strides = array<i32>} : memref<256xf32, #tpu.memory_space<vmem>>, vector<16xf32>,
        %add3A_1392 = arith.constant 13 : i32
        %add3A_1393 = arith.addi %mul3A_522, %add3A_1392 : i32
        %get3A_1394 = arith.index_cast %add3A_1393 : i32 to index
        %get3A_1395 = arith.constant 0 : index
        %get3A_1396 = tpu.vector_load %arg7[%get3A_1394, %get3A_1395] {strides = array<i32>} : memref<128x128xf32, #tpu.memory_space<vmem>>, vector<16xf32>,
        %get3A_1397 = arith.index_cast %add3A_1393 : i32 to index
        %get3A_1398 = arith.constant 0 : index
        %get3A_1399 = tpu.vector_load %arg9[%get3A_1397, %get3A_1398] {strides = array<i32>} : memref<128x128xf32, #tpu.memory_space<vmem>>, vector<16xf32>,
        %mul3A_1400 = arith.mulf %get3A_1396, %get3A_1399 : vector<16xf32>
        %get3A_1401 = arith.index_cast %add3A_1393 : i32 to index
        %get3A_1402 = arith.constant 16 : index
        %get3A_1403 = tpu.vector_load %arg7[%get3A_1401, %get3A_1402] {strides = array<i32>} : memref<128x128xf32, #tpu.memory_space<vmem>>, vector<16xf32>,
        %get3A_1404 = arith.index_cast %add3A_1393 : i32 to index
        %get3A_1405 = arith.constant 16 : index
        %get3A_1406 = tpu.vector_load %arg9[%get3A_1404, %get3A_1405] {strides = array<i32>} : memref<128x128xf32, #tpu.memory_space<vmem>>, vector<16xf32>,
        %mul3A_1407 = arith.mulf %get3A_1403, %get3A_1406 : vector<16xf32>
        %get3A_1408 = arith.index_cast %add3A_1393 : i32 to index
        %get3A_1409 = arith.constant 32 : index
        %get3A_1410 = tpu.vector_load %arg7[%get3A_1408, %get3A_1409] {strides = array<i32>} : memref<128x128xf32, #tpu.memory_space<vmem>>, vector<16xf32>,
        %get3A_1411 = arith.index_cast %add3A_1393 : i32 to index
        %get3A_1412 = arith.constant 32 : index
        %get3A_1413 = tpu.vector_load %arg9[%get3A_1411, %get3A_1412] {strides = array<i32>} : memref<128x128xf32, #tpu.memory_space<vmem>>, vector<16xf32>,
        %mul3A_1414 = arith.mulf %get3A_1410, %get3A_1413 : vector<16xf32>
        %get3A_1415 = arith.index_cast %add3A_1393 : i32 to index
        %get3A_1416 = arith.constant 48 : index
        %get3A_1417 = tpu.vector_load %arg7[%get3A_1415, %get3A_1416] {strides = array<i32>} : memref<128x128xf32, #tpu.memory_space<vmem>>, vector<16xf32>,
        %get3A_1418 = arith.index_cast %add3A_1393 : i32 to index
        %get3A_1419 = arith.constant 48 : index
        %get3A_1420 = tpu.vector_load %arg9[%get3A_1418, %get3A_1419] {strides = array<i32>} : memref<128x128xf32, #tpu.memory_space<vmem>>, vector<16xf32>,
        %mul3A_1421 = arith.mulf %get3A_1417, %get3A_1420 : vector<16xf32>
        %get3A_1422 = arith.index_cast %add3A_1393 : i32 to index
        %get3A_1423 = arith.constant 64 : index
        %get3A_1424 = tpu.vector_load %arg7[%get3A_1422, %get3A_1423] {strides = array<i32>} : memref<128x128xf32, #tpu.memory_space<vmem>>, vector<16xf32>,
        %get3A_1425 = arith.index_cast %add3A_1393 : i32 to index
        %get3A_1426 = arith.constant 64 : index
        %get3A_1427 = tpu.vector_load %arg9[%get3A_1425, %get3A_1426] {strides = array<i32>} : memref<128x128xf32, #tpu.memory_space<vmem>>, vector<16xf32>,
        %mul3A_1428 = arith.mulf %get3A_1424, %get3A_1427 : vector<16xf32>
        %get3A_1429 = arith.index_cast %add3A_1393 : i32 to index
        %get3A_1430 = arith.constant 80 : index
        %get3A_1431 = tpu.vector_load %arg7[%get3A_1429, %get3A_1430] {strides = array<i32>} : memref<128x128xf32, #tpu.memory_space<vmem>>, vector<16xf32>,
        %get3A_1432 = arith.index_cast %add3A_1393 : i32 to index
        %get3A_1433 = arith.constant 80 : index
        %get3A_1434 = tpu.vector_load %arg9[%get3A_1432, %get3A_1433] {strides = array<i32>} : memref<128x128xf32, #tpu.memory_space<vmem>>, vector<16xf32>,
        %mul3A_1435 = arith.mulf %get3A_1431, %get3A_1434 : vector<16xf32>
        %get3A_1436 = arith.index_cast %add3A_1393 : i32 to index
        %get3A_1437 = arith.constant 96 : index
        %get3A_1438 = tpu.vector_load %arg7[%get3A_1436, %get3A_1437] {strides = array<i32>} : memref<128x128xf32, #tpu.memory_space<vmem>>, vector<16xf32>,
        %get3A_1439 = arith.index_cast %add3A_1393 : i32 to index
        %get3A_1440 = arith.constant 96 : index
        %get3A_1441 = tpu.vector_load %arg9[%get3A_1439, %get3A_1440] {strides = array<i32>} : memref<128x128xf32, #tpu.memory_space<vmem>>, vector<16xf32>,
        %mul3A_1442 = arith.mulf %get3A_1438, %get3A_1441 : vector<16xf32>
        %get3A_1443 = arith.index_cast %add3A_1393 : i32 to index
        %get3A_1444 = arith.constant 112 : index
        %get3A_1445 = tpu.vector_load %arg7[%get3A_1443, %get3A_1444] {strides = array<i32>} : memref<128x128xf32, #tpu.memory_space<vmem>>, vector<16xf32>,
        %get3A_1446 = arith.index_cast %add3A_1393 : i32 to index
        %get3A_1447 = arith.constant 112 : index
        %get3A_1448 = tpu.vector_load %arg9[%get3A_1446, %get3A_1447] {strides = array<i32>} : memref<128x128xf32, #tpu.memory_space<vmem>>, vector<16xf32>,
        %mul3A_1449 = arith.mulf %get3A_1445, %get3A_1448 : vector<16xf32>
        %add3A_1450 = arith.addf %mul3A_1400, %mul3A_1407 : vector<16xf32>
        %add3A_1451 = arith.addf %mul3A_1414, %mul3A_1421 : vector<16xf32>
        %add3A_1452 = arith.addf %mul3A_1428, %mul3A_1435 : vector<16xf32>
        %add3A_1453 = arith.addf %mul3A_1442, %mul3A_1449 : vector<16xf32>
        %add3A_1454 = arith.addf %add3A_1450, %add3A_1451 : vector<16xf32>
        %add3A_1455 = arith.addf %add3A_1452, %add3A_1453 : vector<16xf32>
        %add3A_1456 = arith.addf %add3A_1454, %add3A_1455 : vector<16xf32>
        %swap3A_1457 = arith.constant 208 : index
        %swap3A_1458 = tpu.vector_load %arg13[%swap3A_1457] {strides = array<i32>} : memref<256xf32, #tpu.memory_space<vmem>>, vector<16xf32>,
        tpu.vector_store %arg13[%swap3A_1457], %add3A_1456 {strides = array<i32>} : memref<256xf32, #tpu.memory_space<vmem>>, vector<16xf32>,
        %add3A_1459 = arith.constant 14 : i32
        %add3A_1460 = arith.addi %mul3A_522, %add3A_1459 : i32
        %get3A_1461 = arith.index_cast %add3A_1460 : i32 to index
        %get3A_1462 = arith.constant 0 : index
        %get3A_1463 = tpu.vector_load %arg7[%get3A_1461, %get3A_1462] {strides = array<i32>} : memref<128x128xf32, #tpu.memory_space<vmem>>, vector<16xf32>,
        %get3A_1464 = arith.index_cast %add3A_1460 : i32 to index
        %get3A_1465 = arith.constant 0 : index
        %get3A_1466 = tpu.vector_load %arg9[%get3A_1464, %get3A_1465] {strides = array<i32>} : memref<128x128xf32, #tpu.memory_space<vmem>>, vector<16xf32>,
        %mul3A_1467 = arith.mulf %get3A_1463, %get3A_1466 : vector<16xf32>
        %get3A_1468 = arith.index_cast %add3A_1460 : i32 to index
        %get3A_1469 = arith.constant 16 : index
        %get3A_1470 = tpu.vector_load %arg7[%get3A_1468, %get3A_1469] {strides = array<i32>} : memref<128x128xf32, #tpu.memory_space<vmem>>, vector<16xf32>,
        %get3A_1471 = arith.index_cast %add3A_1460 : i32 to index
        %get3A_1472 = arith.constant 16 : index
        %get3A_1473 = tpu.vector_load %arg9[%get3A_1471, %get3A_1472] {strides = array<i32>} : memref<128x128xf32, #tpu.memory_space<vmem>>, vector<16xf32>,
        %mul3A_1474 = arith.mulf %get3A_1470, %get3A_1473 : vector<16xf32>
        %get3A_1475 = arith.index_cast %add3A_1460 : i32 to index
        %get3A_1476 = arith.constant 32 : index
        %get3A_1477 = tpu.vector_load %arg7[%get3A_1475, %get3A_1476] {strides = array<i32>} : memref<128x128xf32, #tpu.memory_space<vmem>>, vector<16xf32>,
        %get3A_1478 = arith.index_cast %add3A_1460 : i32 to index
        %get3A_1479 = arith.constant 32 : index
        %get3A_1480 = tpu.vector_load %arg9[%get3A_1478, %get3A_1479] {strides = array<i32>} : memref<128x128xf32, #tpu.memory_space<vmem>>, vector<16xf32>,
        %mul3A_1481 = arith.mulf %get3A_1477, %get3A_1480 : vector<16xf32>
        %get3A_1482 = arith.index_cast %add3A_1460 : i32 to index
        %get3A_1483 = arith.constant 48 : index
        %get3A_1484 = tpu.vector_load %arg7[%get3A_1482, %get3A_1483] {strides = array<i32>} : memref<128x128xf32, #tpu.memory_space<vmem>>, vector<16xf32>,
        %get3A_1485 = arith.index_cast %add3A_1460 : i32 to index
        %get3A_1486 = arith.constant 48 : index
        %get3A_1487 = tpu.vector_load %arg9[%get3A_1485, %get3A_1486] {strides = array<i32>} : memref<128x128xf32, #tpu.memory_space<vmem>>, vector<16xf32>,
        %mul3A_1488 = arith.mulf %get3A_1484, %get3A_1487 : vector<16xf32>
        %get3A_1489 = arith.index_cast %add3A_1460 : i32 to index
        %get3A_1490 = arith.constant 64 : index
        %get3A_1491 = tpu.vector_load %arg7[%get3A_1489, %get3A_1490] {strides = array<i32>} : memref<128x128xf32, #tpu.memory_space<vmem>>, vector<16xf32>,
        %get3A_1492 = arith.index_cast %add3A_1460 : i32 to index
        %get3A_1493 = arith.constant 64 : index
        %get3A_1494 = tpu.vector_load %arg9[%get3A_1492, %get3A_1493] {strides = array<i32>} : memref<128x128xf32, #tpu.memory_space<vmem>>, vector<16xf32>,
        %mul3A_1495 = arith.mulf %get3A_1491, %get3A_1494 : vector<16xf32>
        %get3A_1496 = arith.index_cast %add3A_1460 : i32 to index
        %get3A_1497 = arith.constant 80 : index
        %get3A_1498 = tpu.vector_load %arg7[%get3A_1496, %get3A_1497] {strides = array<i32>} : memref<128x128xf32, #tpu.memory_space<vmem>>, vector<16xf32>,
        %get3A_1499 = arith.index_cast %add3A_1460 : i32 to index
        %get3A_1500 = arith.constant 80 : index
        %get3A_1501 = tpu.vector_load %arg9[%get3A_1499, %get3A_1500] {strides = array<i32>} : memref<128x128xf32, #tpu.memory_space<vmem>>, vector<16xf32>,
        %mul3A_1502 = arith.mulf %get3A_1498, %get3A_1501 : vector<16xf32>
        %get3A_1503 = arith.index_cast %add3A_1460 : i32 to index
        %get3A_1504 = arith.constant 96 : index
        %get3A_1505 = tpu.vector_load %arg7[%get3A_1503, %get3A_1504] {strides = array<i32>} : memref<128x128xf32, #tpu.memory_space<vmem>>, vector<16xf32>,
        %get3A_1506 = arith.index_cast %add3A_1460 : i32 to index
        %get3A_1507 = arith.constant 96 : index
        %get3A_1508 = tpu.vector_load %arg9[%get3A_1506, %get3A_1507] {strides = array<i32>} : memref<128x128xf32, #tpu.memory_space<vmem>>, vector<16xf32>,
        %mul3A_1509 = arith.mulf %get3A_1505, %get3A_1508 : vector<16xf32>
        %get3A_1510 = arith.index_cast %add3A_1460 : i32 to index
        %get3A_1511 = arith.constant 112 : index
        %get3A_1512 = tpu.vector_load %arg7[%get3A_1510, %get3A_1511] {strides = array<i32>} : memref<128x128xf32, #tpu.memory_space<vmem>>, vector<16xf32>,
        %get3A_1513 = arith.index_cast %add3A_1460 : i32 to index
        %get3A_1514 = arith.constant 112 : index
        %get3A_1515 = tpu.vector_load %arg9[%get3A_1513, %get3A_1514] {strides = array<i32>} : memref<128x128xf32, #tpu.memory_space<vmem>>, vector<16xf32>,
        %mul3A_1516 = arith.mulf %get3A_1512, %get3A_1515 : vector<16xf32>
        %add3A_1517 = arith.addf %mul3A_1467, %mul3A_1474 : vector<16xf32>
        %add3A_1518 = arith.addf %mul3A_1481, %mul3A_1488 : vector<16xf32>
        %add3A_1519 = arith.addf %mul3A_1495, %mul3A_1502 : vector<16xf32>
        %add3A_1520 = arith.addf %mul3A_1509, %mul3A_1516 : vector<16xf32>
        %add3A_1521 = arith.addf %add3A_1517, %add3A_1518 : vector<16xf32>
        %add3A_1522 = arith.addf %add3A_1519, %add3A_1520 : vector<16xf32>
        %add3A_1523 = arith.addf %add3A_1521, %add3A_1522 : vector<16xf32>
        %swap3A_1524 = arith.constant 224 : index
        %swap3A_1525 = tpu.vector_load %arg13[%swap3A_1524] {strides = array<i32>} : memref<256xf32, #tpu.memory_space<vmem>>, vector<16xf32>,
        tpu.vector_store %arg13[%swap3A_1524], %add3A_1523 {strides = array<i32>} : memref<256xf32, #tpu.memory_space<vmem>>, vector<16xf32>,
        %add3A_1526 = arith.constant 15 : i32
        %add3A_1527 = arith.addi %mul3A_522, %add3A_1526 : i32
        %get3A_1528 = arith.index_cast %add3A_1527 : i32 to index
        %get3A_1529 = arith.constant 0 : index
        %get3A_1530 = tpu.vector_load %arg7[%get3A_1528, %get3A_1529] {strides = array<i32>} : memref<128x128xf32, #tpu.memory_space<vmem>>, vector<16xf32>,
        %get3A_1531 = arith.index_cast %add3A_1527 : i32 to index
        %get3A_1532 = arith.constant 0 : index
        %get3A_1533 = tpu.vector_load %arg9[%get3A_1531, %get3A_1532] {strides = array<i32>} : memref<128x128xf32, #tpu.memory_space<vmem>>, vector<16xf32>,
        %mul3A_1534 = arith.mulf %get3A_1530, %get3A_1533 : vector<16xf32>
        %get3A_1535 = arith.index_cast %add3A_1527 : i32 to index
        %get3A_1536 = arith.constant 16 : index
        %get3A_1537 = tpu.vector_load %arg7[%get3A_1535, %get3A_1536] {strides = array<i32>} : memref<128x128xf32, #tpu.memory_space<vmem>>, vector<16xf32>,
        %get3A_1538 = arith.index_cast %add3A_1527 : i32 to index
        %get3A_1539 = arith.constant 16 : index
        %get3A_1540 = tpu.vector_load %arg9[%get3A_1538, %get3A_1539] {strides = array<i32>} : memref<128x128xf32, #tpu.memory_space<vmem>>, vector<16xf32>,
        %mul3A_1541 = arith.mulf %get3A_1537, %get3A_1540 : vector<16xf32>
        %get3A_1542 = arith.index_cast %add3A_1527 : i32 to index
        %get3A_1543 = arith.constant 32 : index
        %get3A_1544 = tpu.vector_load %arg7[%get3A_1542, %get3A_1543] {strides = array<i32>} : memref<128x128xf32, #tpu.memory_space<vmem>>, vector<16xf32>,
        %get3A_1545 = arith.index_cast %add3A_1527 : i32 to index
        %get3A_1546 = arith.constant 32 : index
        %get3A_1547 = tpu.vector_load %arg9[%get3A_1545, %get3A_1546] {strides = array<i32>} : memref<128x128xf32, #tpu.memory_space<vmem>>, vector<16xf32>,
        %mul3A_1548 = arith.mulf %get3A_1544, %get3A_1547 : vector<16xf32>
        %get3A_1549 = arith.index_cast %add3A_1527 : i32 to index
        %get3A_1550 = arith.constant 48 : index
        %get3A_1551 = tpu.vector_load %arg7[%get3A_1549, %get3A_1550] {strides = array<i32>} : memref<128x128xf32, #tpu.memory_space<vmem>>, vector<16xf32>,
        %get3A_1552 = arith.index_cast %add3A_1527 : i32 to index
        %get3A_1553 = arith.constant 48 : index
        %get3A_1554 = tpu.vector_load %arg9[%get3A_1552, %get3A_1553] {strides = array<i32>} : memref<128x128xf32, #tpu.memory_space<vmem>>, vector<16xf32>,
        %mul3A_1555 = arith.mulf %get3A_1551, %get3A_1554 : vector<16xf32>
        %get3A_1556 = arith.index_cast %add3A_1527 : i32 to index
        %get3A_1557 = arith.constant 64 : index
        %get3A_1558 = tpu.vector_load %arg7[%get3A_1556, %get3A_1557] {strides = array<i32>} : memref<128x128xf32, #tpu.memory_space<vmem>>, vector<16xf32>,
        %get3A_1559 = arith.index_cast %add3A_1527 : i32 to index
        %get3A_1560 = arith.constant 64 : index
        %get3A_1561 = tpu.vector_load %arg9[%get3A_1559, %get3A_1560] {strides = array<i32>} : memref<128x128xf32, #tpu.memory_space<vmem>>, vector<16xf32>,
        %mul3A_1562 = arith.mulf %get3A_1558, %get3A_1561 : vector<16xf32>
        %get3A_1563 = arith.index_cast %add3A_1527 : i32 to index
        %get3A_1564 = arith.constant 80 : index
        %get3A_1565 = tpu.vector_load %arg7[%get3A_1563, %get3A_1564] {strides = array<i32>} : memref<128x128xf32, #tpu.memory_space<vmem>>, vector<16xf32>,
        %get3A_1566 = arith.index_cast %add3A_1527 : i32 to index
        %get3A_1567 = arith.constant 80 : index
        %get3A_1568 = tpu.vector_load %arg9[%get3A_1566, %get3A_1567] {strides = array<i32>} : memref<128x128xf32, #tpu.memory_space<vmem>>, vector<16xf32>,
        %mul3A_1569 = arith.mulf %get3A_1565, %get3A_1568 : vector<16xf32>
        %get3A_1570 = arith.index_cast %add3A_1527 : i32 to index
        %get3A_1571 = arith.constant 96 : index
        %get3A_1572 = tpu.vector_load %arg7[%get3A_1570, %get3A_1571] {strides = array<i32>} : memref<128x128xf32, #tpu.memory_space<vmem>>, vector<16xf32>,
        %get3A_1573 = arith.index_cast %add3A_1527 : i32 to index
        %get3A_1574 = arith.constant 96 : index
        %get3A_1575 = tpu.vector_load %arg9[%get3A_1573, %get3A_1574] {strides = array<i32>} : memref<128x128xf32, #tpu.memory_space<vmem>>, vector<16xf32>,
        %mul3A_1576 = arith.mulf %get3A_1572, %get3A_1575 : vector<16xf32>
        %get3A_1577 = arith.index_cast %add3A_1527 : i32 to index
        %get3A_1578 = arith.constant 112 : index
        %get3A_1579 = tpu.vector_load %arg7[%get3A_1577, %get3A_1578] {strides = array<i32>} : memref<128x128xf32, #tpu.memory_space<vmem>>, vector<16xf32>,
        %get3A_1580 = arith.index_cast %add3A_1527 : i32 to index
        %get3A_1581 = arith.constant 112 : index
        %get3A_1582 = tpu.vector_load %arg9[%get3A_1580, %get3A_1581] {strides = array<i32>} : memref<128x128xf32, #tpu.memory_space<vmem>>, vector<16xf32>,
        %mul3A_1583 = arith.mulf %get3A_1579, %get3A_1582 : vector<16xf32>
        %add3A_1584 = arith.addf %mul3A_1534, %mul3A_1541 : vector<16xf32>
        %add3A_1585 = arith.addf %mul3A_1548, %mul3A_1555 : vector<16xf32>
        %add3A_1586 = arith.addf %mul3A_1562, %mul3A_1569 : vector<16xf32>
        %add3A_1587 = arith.addf %mul3A_1576, %mul3A_1583 : vector<16xf32>
        %add3A_1588 = arith.addf %add3A_1584, %add3A_1585 : vector<16xf32>
        %add3A_1589 = arith.addf %add3A_1586, %add3A_1587 : vector<16xf32>
        %add3A_1590 = arith.addf %add3A_1588, %add3A_1589 : vector<16xf32>
        %swap3A_1591 = arith.constant 240 : index
        %swap3A_1592 = tpu.vector_load %arg13[%swap3A_1591] {strides = array<i32>} : memref<256xf32, #tpu.memory_space<vmem>>, vector<16xf32>,
        tpu.vector_store %arg13[%swap3A_1591], %add3A_1590 {strides = array<i32>} : memref<256xf32, #tpu.memory_space<vmem>>, vector<16xf32>,
        %broadcast_in_dim3A = arith.constant 0.000000e+00 : f32
        %broadcast_in_dim3A_1593 = vector.broadcast %broadcast_in_dim3A : f32 to vector<16xf32>
        %gather3A = tpu.vector_load_idx %arg13[%add3A_239] : memref<256xf32, #tpu.memory_space<vmem>>[vector<16xi32>], vector<16xf32>,
        %add3A_1594 = arith.addf %broadcast_in_dim3A_1593, %gather3A : vector<16xf32>
        %gather3A_1595 = tpu.vector_load_idx %arg13[%add3A_246] : memref<256xf32, #tpu.memory_space<vmem>>[vector<16xi32>], vector<16xf32>,
        %add3A_1596 = arith.addf %add3A_1594, %gather3A_1595 : vector<16xf32>
        %gather3A_1597 = tpu.vector_load_idx %arg13[%add3A_253] : memref<256xf32, #tpu.memory_space<vmem>>[vector<16xi32>], vector<16xf32>,
        %add3A_1598 = arith.addf %add3A_1596, %gather3A_1597 : vector<16xf32>
        %gather3A_1599 = tpu.vector_load_idx %arg13[%add3A_260] : memref<256xf32, #tpu.memory_space<vmem>>[vector<16xi32>], vector<16xf32>,
        %add3A_1600 = arith.addf %add3A_1598, %gather3A_1599 : vector<16xf32>
        %gather3A_1601 = tpu.vector_load_idx %arg13[%add3A_267] : memref<256xf32, #tpu.memory_space<vmem>>[vector<16xi32>], vector<16xf32>,
        %add3A_1602 = arith.addf %add3A_1600, %gather3A_1601 : vector<16xf32>
        %gather3A_1603 = tpu.vector_load_idx %arg13[%add3A_274] : memref<256xf32, #tpu.memory_space<vmem>>[vector<16xi32>], vector<16xf32>,
        %add3A_1604 = arith.addf %add3A_1602, %gather3A_1603 : vector<16xf32>
        %gather3A_1605 = tpu.vector_load_idx %arg13[%add3A_281] : memref<256xf32, #tpu.memory_space<vmem>>[vector<16xi32>], vector<16xf32>,
        %add3A_1606 = arith.addf %add3A_1604, %gather3A_1605 : vector<16xf32>
        %gather3A_1607 = tpu.vector_load_idx %arg13[%add3A_288] : memref<256xf32, #tpu.memory_space<vmem>>[vector<16xi32>], vector<16xf32>,
        %add3A_1608 = arith.addf %add3A_1606, %gather3A_1607 : vector<16xf32>
        %gather3A_1609 = tpu.vector_load_idx %arg13[%add3A_295] : memref<256xf32, #tpu.memory_space<vmem>>[vector<16xi32>], vector<16xf32>,
        %add3A_1610 = arith.addf %add3A_1608, %gather3A_1609 : vector<16xf32>
        %gather3A_1611 = tpu.vector_load_idx %arg13[%add3A_302] : memref<256xf32, #tpu.memory_space<vmem>>[vector<16xi32>], vector<16xf32>,
        %add3A_1612 = arith.addf %add3A_1610, %gather3A_1611 : vector<16xf32>
        %gather3A_1613 = tpu.vector_load_idx %arg13[%add3A_309] : memref<256xf32, #tpu.memory_space<vmem>>[vector<16xi32>], vector<16xf32>,
        %add3A_1614 = arith.addf %add3A_1612, %gather3A_1613 : vector<16xf32>
        %gather3A_1615 = tpu.vector_load_idx %arg13[%add3A_316] : memref<256xf32, #tpu.memory_space<vmem>>[vector<16xi32>], vector<16xf32>,
        %add3A_1616 = arith.addf %add3A_1614, %gather3A_1615 : vector<16xf32>
        %gather3A_1617 = tpu.vector_load_idx %arg13[%add3A_323] : memref<256xf32, #tpu.memory_space<vmem>>[vector<16xi32>], vector<16xf32>,
        %add3A_1618 = arith.addf %add3A_1616, %gather3A_1617 : vector<16xf32>
        %gather3A_1619 = tpu.vector_load_idx %arg13[%add3A_330] : memref<256xf32, #tpu.memory_space<vmem>>[vector<16xi32>], vector<16xf32>,
        %add3A_1620 = arith.addf %add3A_1618, %gather3A_1619 : vector<16xf32>
        %gather3A_1621 = tpu.vector_load_idx %arg13[%add3A_337] : memref<256xf32, #tpu.memory_space<vmem>>[vector<16xi32>], vector<16xf32>,
        %add3A_1622 = arith.addf %add3A_1620, %gather3A_1621 : vector<16xf32>
        %gather3A_1623 = tpu.vector_load_idx %arg13[%add3A_344] : memref<256xf32, #tpu.memory_space<vmem>>[vector<16xi32>], vector<16xf32>,
        %add3A_1624 = arith.addf %add3A_1622, %gather3A_1623 : vector<16xf32>
        %neg3A = arith.constant 0.000000e+00 : f32
        %neg3A_1625 = vector.broadcast %neg3A : f32 to vector<16xf32>
        %neg3A_1626 = arith.subf %neg3A_1625, %add3A_1624 : vector<16xf32>
        %exp3A = math.exp %neg3A_1626 : vector<16xf32>
        %add3A_1627 = arith.constant 1.000000e+00 : f32
        %add3A_1628 = vector.broadcast %add3A_1627 : f32 to vector<16xf32>
        %add3A_1629 = arith.addf %add3A_1628, %exp3A : vector<16xf32>
        %div3A = arith.constant 1.000000e+00 : f32
        %div3A_1630 = vector.broadcast %div3A : f32 to vector<16xf32>
        %div3A_1631 = arith.divf %div3A_1630, %add3A_1629 : vector<16xf32>
        %mul3A_1632 = arith.constant 16 : i32
        %mul3A_1633 = arith.muli %scan3A_520, %mul3A_1632 : i32
        %swap3A_1634 = arith.index_cast %mul3A_1633 : i32 to index
        %swap3A_1635 = tpu.vector_load %arg11[%swap3A_1634] {strides = array<i32>} : memref<128xf32, #tpu.memory_space<vmem>>, vector<16xf32>,
        tpu.vector_store %arg11[%swap3A_1634], %div3A_1631 {strides = array<i32>} : memref<128xf32, #tpu.memory_space<vmem>>, vector<16xf32>,
      }
      %scan3A_350 = arith.constant 8 : i32
      %mul3A_351 = arith.constant 128 : i32
      %mul3A_352 = arith.muli %add3A_202, %mul3A_351 : i32
      %min3A_353 = arith.constant 9872 : i32
      %min3A_354 = arith.minsi %mul3A_352, %min3A_353 : i32
      %add3A_355 = arith.addi %mul3A_2, %min3A_354 : i32
      %dma_start3A_356 = tpu.memref_slice %arg4[%add3A_355] : memref<320000xf32, #tpu.memory_space<hbm>> -> memref<128xf32, #tpu.memory_space<hbm>>
      %dma_start3A_357 = tpu.memref_slice %arg4[%add3A_355] : memref<320000xf32, #tpu.memory_space<hbm>> -> memref<128xf32, #tpu.memory_space<hbm>>
      tpu.enqueue_dma source(%arg11 : memref<128xf32, #tpu.memory_space<vmem>>) target(%dma_start3A_357 : memref<128xf32, #tpu.memory_space<hbm>>) target_semaphore(%arg18 : memref<!tpu.dma_semaphore, #tpu.memory_space<semaphore_mem>>)
      %add3A_358 = arith.constant 1 : i32
      %add3A_359 = arith.addi %mul3A_200, %add3A_358 : i32
      %dma_wait3A_360 = arith.constant 0 : i32
      %dma_wait3A_361 = arith.constant 0 : i32
      %dma_wait3A_362 = tpu.memref_slice %arg6[%dma_wait3A_360, %dma_wait3A_361] : memref<2x128xi32, #tpu.memory_space<vmem>> -> memref<1x128xi32, #tpu.memory_space<vmem>>
      %dma_wait3A_363 = tpu.memref_squeeze %dma_wait3A_362 : memref<1x128xi32, #tpu.memory_space<vmem>> -> memref<128xi32, #tpu.memory_space<vmem>>
      %dma_wait3A_364 = arith.constant 0 : i32
      %dma_wait3A_365 = arith.constant 0 : i32
      %dma_wait3A_366 = tpu.memref_slice %arg2[%dma_wait3A_364, %dma_wait3A_365] : memref<10000x128xf32, #tpu.memory_space<hbm>> -> memref<10000x128xf32, #tpu.memory_space<hbm>>
      tpu.wait_indirect_dma semaphore(%arg17 : memref<!tpu.dma_semaphore, #tpu.memory_space<semaphore_mem>>) src(%dma_wait3A_366 : memref<10000x128xf32, #tpu.memory_space<hbm>>) dst(%arg8 : memref<128x128xf32, #tpu.memory_space<vmem>>)
      %dma_wait3A_367 = arith.constant 1 : i32
      %dma_wait3A_368 = arith.constant 0 : i32
      %dma_wait3A_369 = tpu.memref_slice %arg6[%dma_wait3A_367, %dma_wait3A_368] : memref<2x128xi32, #tpu.memory_space<vmem>> -> memref<1x128xi32, #tpu.memory_space<vmem>>
      %dma_wait3A_370 = tpu.memref_squeeze %dma_wait3A_369 : memref<1x128xi32, #tpu.memory_space<vmem>> -> memref<128xi32, #tpu.memory_space<vmem>>
      %dma_wait3A_371 = arith.constant 0 : i32
      %dma_wait3A_372 = arith.constant 0 : i32
      %dma_wait3A_373 = tpu.memref_slice %arg2[%dma_wait3A_371, %dma_wait3A_372] : memref<10000x128xf32, #tpu.memory_space<hbm>> -> memref<10000x128xf32, #tpu.memory_space<hbm>>
      tpu.wait_indirect_dma semaphore(%arg17 : memref<!tpu.dma_semaphore, #tpu.memory_space<semaphore_mem>>) src(%dma_wait3A_373 : memref<10000x128xf32, #tpu.memory_space<hbm>>) dst(%arg10 : memref<128x128xf32, #tpu.memory_space<vmem>>)
      %add3A_374 = arith.constant 2 : i32
      %add3A_375 = arith.addi %add3A_359, %add3A_374 : i32
      %lt3A_376 = arith.constant 79 : i32
      %lt3A_377 = arith.cmpi slt, %add3A_375, %lt3A_376 : i32
      %convert_element_type3A_378 = arith.extui %lt3A_377 : i1 to i32
      %cond3A_379 = arith.constant 0 : i32
      %cond3A_380 = arith.cmpi ne, %convert_element_type3A_378, %cond3A_379 : i32
      scf.if %cond3A_380 {
        %add3A_520 = arith.constant 2 : i32
        %add3A_521 = arith.addi %add3A_359, %add3A_520 : i32
        %mul3A_522 = arith.constant 128 : i32
        %mul3A_523 = arith.muli %add3A_521, %mul3A_522 : i32
        %min3A_524 = arith.constant 9872 : i32
        %min3A_525 = arith.minsi %mul3A_523, %min3A_524 : i32
        %add3A_526 = arith.addi %mul3A_2, %min3A_525 : i32
        %dma_start3A_527 = arith.constant 0 : i32
        %dma_start3A_528 = tpu.memref_slice %arg3[%dma_start3A_527, %add3A_526] : memref<2x320000xi32, #tpu.memory_space<hbm>> -> memref<2x128xi32, #tpu.memory_space<hbm>>
        %dma_start3A_529 = arith.constant 0 : i32
        %dma_start3A_530 = tpu.memref_slice %arg3[%dma_start3A_529, %add3A_526] : memref<2x320000xi32, #tpu.memory_space<hbm>> -> memref<2x128xi32, #tpu.memory_space<hbm>>
        tpu.enqueue_dma source(%dma_start3A_530 : memref<2x128xi32, #tpu.memory_space<hbm>>) target(%arg6 : memref<2x128xi32, #tpu.memory_space<vmem>>) target_semaphore(%arg15 : memref<!tpu.dma_semaphore, #tpu.memory_space<semaphore_mem>>)
      } else {
      }
      %add3A_381 = arith.constant 2 : i32
      %add3A_382 = arith.addi %add3A_359, %add3A_381 : i32
      %sub3A_383 = arith.constant 1 : i32
      %sub3A_384 = arith.subi %add3A_382, %sub3A_383 : i32
      %lt3A_385 = arith.constant 79 : i32
      %lt3A_386 = arith.cmpi slt, %sub3A_384, %lt3A_385 : i32
      %convert_element_type3A_387 = arith.extui %lt3A_386 : i1 to i32
      %cond3A_388 = arith.constant 0 : i32
      %cond3A_389 = arith.cmpi ne, %convert_element_type3A_387, %cond3A_388 : i32
      scf.if %cond3A_389 {
        %add3A_520 = arith.constant 2 : i32
        %add3A_521 = arith.addi %add3A_359, %add3A_520 : i32
        %sub3A_522 = arith.constant 1 : i32
        %sub3A_523 = arith.subi %add3A_521, %sub3A_522 : i32
        %mul3A_524 = arith.constant 128 : i32
        %mul3A_525 = arith.muli %sub3A_523, %mul3A_524 : i32
        %min3A_526 = arith.constant 9872 : i32
        %min3A_527 = arith.minsi %mul3A_525, %min3A_526 : i32
        %add3A_528 = arith.addi %mul3A_2, %min3A_527 : i32
        %dma_wait3A_529 = arith.constant 0 : i32
        %dma_wait3A_530 = tpu.memref_slice %arg3[%dma_wait3A_529, %add3A_528] : memref<2x320000xi32, #tpu.memory_space<hbm>> -> memref<2x128xi32, #tpu.memory_space<hbm>>
        %dma_wait3A_531 = arith.constant 0 : i32
        %dma_wait3A_532 = tpu.memref_slice %arg3[%dma_wait3A_531, %add3A_528] : memref<2x320000xi32, #tpu.memory_space<hbm>> -> memref<2x128xi32, #tpu.memory_space<hbm>>
        tpu.wait_dma2 semaphore(%arg14 : memref<!tpu.dma_semaphore, #tpu.memory_space<semaphore_mem>>) src(%dma_wait3A_532 : memref<2x128xi32, #tpu.memory_space<hbm>>) dst(%arg5 : memref<2x128xi32, #tpu.memory_space<vmem>>)
        %dma_start3A_533 = arith.constant 0 : i32
        %dma_start3A_534 = arith.constant 0 : i32
        %dma_start3A_535 = tpu.memref_slice %arg5[%dma_start3A_533, %dma_start3A_534] : memref<2x128xi32, #tpu.memory_space<vmem>> -> memref<1x128xi32, #tpu.memory_space<vmem>>
        %dma_start3A_536 = tpu.memref_squeeze %dma_start3A_535 : memref<1x128xi32, #tpu.memory_space<vmem>> -> memref<128xi32, #tpu.memory_space<vmem>>
        %dma_start3A_537 = arith.constant 0 : i32
        %dma_start3A_538 = arith.constant 0 : i32
        %dma_start3A_539 = tpu.memref_slice %arg2[%dma_start3A_537, %dma_start3A_538] : memref<10000x128xf32, #tpu.memory_space<hbm>> -> memref<10000x128xf32, #tpu.memory_space<hbm>>
        tpu.enqueue_indirect_dma source(%dma_start3A_539 : memref<10000x128xf32, #tpu.memory_space<hbm>>) target(%arg7 : memref<128x128xf32, #tpu.memory_space<vmem>>) offsets(%dma_start3A_536 : memref<128xi32, #tpu.memory_space<vmem>>) semaphore(%arg16 : memref<!tpu.dma_semaphore, #tpu.memory_space<semaphore_mem>>)
        %dma_start3A_540 = arith.constant 1 : i32
        %dma_start3A_541 = arith.constant 0 : i32
        %dma_start3A_542 = tpu.memref_slice %arg5[%dma_start3A_540, %dma_start3A_541] : memref<2x128xi32, #tpu.memory_space<vmem>> -> memref<1x128xi32, #tpu.memory_space<vmem>>
        %dma_start3A_543 = tpu.memref_squeeze %dma_start3A_542 : memref<1x128xi32, #tpu.memory_space<vmem>> -> memref<128xi32, #tpu.memory_space<vmem>>
        %dma_start3A_544 = arith.constant 0 : i32
        %dma_start3A_545 = arith.constant 0 : i32
        %dma_start3A_546 = tpu.memref_slice %arg2[%dma_start3A_544, %dma_start3A_545] : memref<10000x128xf32, #tpu.memory_space<hbm>> -> memref<10000x128xf32, #tpu.memory_space<hbm>>
        tpu.enqueue_indirect_dma source(%dma_start3A_546 : memref<10000x128xf32, #tpu.memory_space<hbm>>) target(%arg9 : memref<128x128xf32, #tpu.memory_space<vmem>>) offsets(%dma_start3A_543 : memref<128xi32, #tpu.memory_space<vmem>>) semaphore(%arg16 : memref<!tpu.dma_semaphore, #tpu.memory_space<semaphore_mem>>)
      } else {
      }
      %ge3A_390 = arith.constant 2 : i32
      %ge3A_391 = arith.cmpi sge, %add3A_359, %ge3A_390 : i32
      %convert_element_type3A_392 = arith.extui %ge3A_391 : i1 to i32
      %cond3A_393 = arith.constant 0 : i32
      %cond3A_394 = arith.cmpi ne, %convert_element_type3A_392, %cond3A_393 : i32
      scf.if %cond3A_394 {
        %sub3A_520 = arith.constant 2 : i32
        %sub3A_521 = arith.subi %add3A_359, %sub3A_520 : i32
        %mul3A_522 = arith.constant 128 : i32
        %mul3A_523 = arith.muli %sub3A_521, %mul3A_522 : i32
        %min3A_524 = arith.constant 9872 : i32
        %min3A_525 = arith.minsi %mul3A_523, %min3A_524 : i32
        %add3A_526 = arith.addi %mul3A_2, %min3A_525 : i32
        %dma_wait3A_527 = tpu.memref_slice %arg4[%add3A_526] : memref<320000xf32, #tpu.memory_space<hbm>> -> memref<128xf32, #tpu.memory_space<hbm>>
        %dma_wait3A_528 = tpu.memref_slice %arg4[%add3A_526] : memref<320000xf32, #tpu.memory_space<hbm>> -> memref<128xf32, #tpu.memory_space<hbm>>
        tpu.wait_dma2 semaphore(%arg19 : memref<!tpu.dma_semaphore, #tpu.memory_space<semaphore_mem>>) src(%arg12 : memref<128xf32, #tpu.memory_space<vmem>>) dst(%dma_wait3A_528 : memref<128xf32, #tpu.memory_space<hbm>>)
      } else {
      }
      %iota3A_395 = tpu.iota {dimensions = array<i32: 0>} : vector<16xi32>
      %mul3A_396 = arith.constant 16 : i32
      %mul3A_397 = vector.broadcast %mul3A_396 : i32 to vector<16xi32>
      %mul3A_398 = arith.muli %iota3A_395, %mul3A_397 : vector<16xi32>
      %add3A_399 = arith.constant 0 : i32
      %add3A_400 = vector.broadcast %add3A_399 : i32 to vector<16xi32>
      %add3A_401 = arith.addi %mul3A_398, %add3A_400 : vector<16xi32>
      %iota3A_402 = tpu.iota {dimensions = array<i32: 0>} : vector<16xi32>
      %mul3A_403 = arith.constant 16 : i32
      %mul3A_404 = vector.broadcast %mul3A_403 : i32 to vector<16xi32>
      %mul3A_405 = arith.muli %iota3A_402, %mul3A_404 : vector<16xi32>
      %add3A_406 = arith.constant 1 : i32
      %add3A_407 = vector.broadcast %add3A_406 : i32 to vector<16xi32>
      %add3A_408 = arith.addi %mul3A_405, %add3A_407 : vector<16xi32>
      %iota3A_409 = tpu.iota {dimensions = array<i32: 0>} : vector<16xi32>
      %mul3A_410 = arith.constant 16 : i32
      %mul3A_411 = vector.broadcast %mul3A_410 : i32 to vector<16xi32>
      %mul3A_412 = arith.muli %iota3A_409, %mul3A_411 : vector<16xi32>
      %add3A_413 = arith.constant 2 : i32
      %add3A_414 = vector.broadcast %add3A_413 : i32 to vector<16xi32>
      %add3A_415 = arith.addi %mul3A_412, %add3A_414 : vector<16xi32>
      %iota3A_416 = tpu.iota {dimensions = array<i32: 0>} : vector<16xi32>
      %mul3A_417 = arith.constant 16 : i32
      %mul3A_418 = vector.broadcast %mul3A_417 : i32 to vector<16xi32>
      %mul3A_419 = arith.muli %iota3A_416, %mul3A_418 : vector<16xi32>
      %add3A_420 = arith.constant 3 : i32
      %add3A_421 = vector.broadcast %add3A_420 : i32 to vector<16xi32>
      %add3A_422 = arith.addi %mul3A_419, %add3A_421 : vector<16xi32>
      %iota3A_423 = tpu.iota {dimensions = array<i32: 0>} : vector<16xi32>
      %mul3A_424 = arith.constant 16 : i32
      %mul3A_425 = vector.broadcast %mul3A_424 : i32 to vector<16xi32>
      %mul3A_426 = arith.muli %iota3A_423, %mul3A_425 : vector<16xi32>
      %add3A_427 = arith.constant 4 : i32
      %add3A_428 = vector.broadcast %add3A_427 : i32 to vector<16xi32>
      %add3A_429 = arith.addi %mul3A_426, %add3A_428 : vector<16xi32>
      %iota3A_430 = tpu.iota {dimensions = array<i32: 0>} : vector<16xi32>
      %mul3A_431 = arith.constant 16 : i32
      %mul3A_432 = vector.broadcast %mul3A_431 : i32 to vector<16xi32>
      %mul3A_433 = arith.muli %iota3A_430, %mul3A_432 : vector<16xi32>
      %add3A_434 = arith.constant 5 : i32
      %add3A_435 = vector.broadcast %add3A_434 : i32 to vector<16xi32>
      %add3A_436 = arith.addi %mul3A_433, %add3A_435 : vector<16xi32>
      %iota3A_437 = tpu.iota {dimensions = array<i32: 0>} : vector<16xi32>
      %mul3A_438 = arith.constant 16 : i32
      %mul3A_439 = vector.broadcast %mul3A_438 : i32 to vector<16xi32>
      %mul3A_440 = arith.muli %iota3A_437, %mul3A_439 : vector<16xi32>
      %add3A_441 = arith.constant 6 : i32
      %add3A_442 = vector.broadcast %add3A_441 : i32 to vector<16xi32>
      %add3A_443 = arith.addi %mul3A_440, %add3A_442 : vector<16xi32>
      %iota3A_444 = tpu.iota {dimensions = array<i32: 0>} : vector<16xi32>
      %mul3A_445 = arith.constant 16 : i32
      %mul3A_446 = vector.broadcast %mul3A_445 : i32 to vector<16xi32>
      %mul3A_447 = arith.muli %iota3A_444, %mul3A_446 : vector<16xi32>
      %add3A_448 = arith.constant 7 : i32
      %add3A_449 = vector.broadcast %add3A_448 : i32 to vector<16xi32>
      %add3A_450 = arith.addi %mul3A_447, %add3A_449 : vector<16xi32>
      %iota3A_451 = tpu.iota {dimensions = array<i32: 0>} : vector<16xi32>
      %mul3A_452 = arith.constant 16 : i32
      %mul3A_453 = vector.broadcast %mul3A_452 : i32 to vector<16xi32>
      %mul3A_454 = arith.muli %iota3A_451, %mul3A_453 : vector<16xi32>
      %add3A_455 = arith.constant 8 : i32
      %add3A_456 = vector.broadcast %add3A_455 : i32 to vector<16xi32>
      %add3A_457 = arith.addi %mul3A_454, %add3A_456 : vector<16xi32>
      %iota3A_458 = tpu.iota {dimensions = array<i32: 0>} : vector<16xi32>
      %mul3A_459 = arith.constant 16 : i32
      %mul3A_460 = vector.broadcast %mul3A_459 : i32 to vector<16xi32>
      %mul3A_461 = arith.muli %iota3A_458, %mul3A_460 : vector<16xi32>
      %add3A_462 = arith.constant 9 : i32
      %add3A_463 = vector.broadcast %add3A_462 : i32 to vector<16xi32>
      %add3A_464 = arith.addi %mul3A_461, %add3A_463 : vector<16xi32>
      %iota3A_465 = tpu.iota {dimensions = array<i32: 0>} : vector<16xi32>
      %mul3A_466 = arith.constant 16 : i32
      %mul3A_467 = vector.broadcast %mul3A_466 : i32 to vector<16xi32>
      %mul3A_468 = arith.muli %iota3A_465, %mul3A_467 : vector<16xi32>
      %add3A_469 = arith.constant 10 : i32
      %add3A_470 = vector.broadcast %add3A_469 : i32 to vector<16xi32>
      %add3A_471 = arith.addi %mul3A_468, %add3A_470 : vector<16xi32>
      %iota3A_472 = tpu.iota {dimensions = array<i32: 0>} : vector<16xi32>
      %mul3A_473 = arith.constant 16 : i32
      %mul3A_474 = vector.broadcast %mul3A_473 : i32 to vector<16xi32>
      %mul3A_475 = arith.muli %iota3A_472, %mul3A_474 : vector<16xi32>
      %add3A_476 = arith.constant 11 : i32
      %add3A_477 = vector.broadcast %add3A_476 : i32 to vector<16xi32>
      %add3A_478 = arith.addi %mul3A_475, %add3A_477 : vector<16xi32>
      %iota3A_479 = tpu.iota {dimensions = array<i32: 0>} : vector<16xi32>
      %mul3A_480 = arith.constant 16 : i32
      %mul3A_481 = vector.broadcast %mul3A_480 : i32 to vector<16xi32>
      %mul3A_482 = arith.muli %iota3A_479, %mul3A_481 : vector<16xi32>
      %add3A_483 = arith.constant 12 : i32
      %add3A_484 = vector.broadcast %add3A_483 : i32 to vector<16xi32>
      %add3A_485 = arith.addi %mul3A_482, %add3A_484 : vector<16xi32>
      %iota3A_486 = tpu.iota {dimensions = array<i32: 0>} : vector<16xi32>
      %mul3A_487 = arith.constant 16 : i32
      %mul3A_488 = vector.broadcast %mul3A_487 : i32 to vector<16xi32>
      %mul3A_489 = arith.muli %iota3A_486, %mul3A_488 : vector<16xi32>
      %add3A_490 = arith.constant 13 : i32
      %add3A_491 = vector.broadcast %add3A_490 : i32 to vector<16xi32>
      %add3A_492 = arith.addi %mul3A_489, %add3A_491 : vector<16xi32>
      %iota3A_493 = tpu.iota {dimensions = array<i32: 0>} : vector<16xi32>
      %mul3A_494 = arith.constant 16 : i32
      %mul3A_495 = vector.broadcast %mul3A_494 : i32 to vector<16xi32>
      %mul3A_496 = arith.muli %iota3A_493, %mul3A_495 : vector<16xi32>
      %add3A_497 = arith.constant 14 : i32
      %add3A_498 = vector.broadcast %add3A_497 : i32 to vector<16xi32>
      %add3A_499 = arith.addi %mul3A_496, %add3A_498 : vector<16xi32>
      %iota3A_500 = tpu.iota {dimensions = array<i32: 0>} : vector<16xi32>
      %mul3A_501 = arith.constant 16 : i32
      %mul3A_502 = vector.broadcast %mul3A_501 : i32 to vector<16xi32>
      %mul3A_503 = arith.muli %iota3A_500, %mul3A_502 : vector<16xi32>
      %add3A_504 = arith.constant 15 : i32
      %add3A_505 = vector.broadcast %add3A_504 : i32 to vector<16xi32>
      %add3A_506 = arith.addi %mul3A_503, %add3A_505 : vector<16xi32>
      %scan3A_507 = arith.constant 0 : i32
      %scan3A_508 = arith.constant 0 : i32
      %scan3A_509 = arith.constant 8 : i32
      %scan3A_510 = arith.addi %scan3A_508, %scan3A_509 : i32
      %scan3A_511 = arith.constant 1 : i32
      scf.for %scan3A_520 = %scan3A_508 to %scan3A_510 step %scan3A_511  : i32 {
        %mul3A_521 = arith.constant 16 : i32
        %mul3A_522 = arith.muli %scan3A_520, %mul3A_521 : i32
        %add3A_523 = arith.constant 0 : i32
        %add3A_524 = arith.addi %mul3A_522, %add3A_523 : i32
        %get3A = arith.index_cast %add3A_524 : i32 to index
        %get3A_525 = arith.constant 0 : index
        %get3A_526 = tpu.vector_load %arg8[%get3A, %get3A_525] {strides = array<i32>} : memref<128x128xf32, #tpu.memory_space<vmem>>, vector<16xf32>,
        %get3A_527 = arith.index_cast %add3A_524 : i32 to index
        %get3A_528 = arith.constant 0 : index
        %get3A_529 = tpu.vector_load %arg10[%get3A_527, %get3A_528] {strides = array<i32>} : memref<128x128xf32, #tpu.memory_space<vmem>>, vector<16xf32>,
        %mul3A_530 = arith.mulf %get3A_526, %get3A_529 : vector<16xf32>
        %get3A_531 = arith.index_cast %add3A_524 : i32 to index
        %get3A_532 = arith.constant 16 : index
        %get3A_533 = tpu.vector_load %arg8[%get3A_531, %get3A_532] {strides = array<i32>} : memref<128x128xf32, #tpu.memory_space<vmem>>, vector<16xf32>,
        %get3A_534 = arith.index_cast %add3A_524 : i32 to index
        %get3A_535 = arith.constant 16 : index
        %get3A_536 = tpu.vector_load %arg10[%get3A_534, %get3A_535] {strides = array<i32>} : memref<128x128xf32, #tpu.memory_space<vmem>>, vector<16xf32>,
        %mul3A_537 = arith.mulf %get3A_533, %get3A_536 : vector<16xf32>
        %get3A_538 = arith.index_cast %add3A_524 : i32 to index
        %get3A_539 = arith.constant 32 : index
        %get3A_540 = tpu.vector_load %arg8[%get3A_538, %get3A_539] {strides = array<i32>} : memref<128x128xf32, #tpu.memory_space<vmem>>, vector<16xf32>,
        %get3A_541 = arith.index_cast %add3A_524 : i32 to index
        %get3A_542 = arith.constant 32 : index
        %get3A_543 = tpu.vector_load %arg10[%get3A_541, %get3A_542] {strides = array<i32>} : memref<128x128xf32, #tpu.memory_space<vmem>>, vector<16xf32>,
        %mul3A_544 = arith.mulf %get3A_540, %get3A_543 : vector<16xf32>
        %get3A_545 = arith.index_cast %add3A_524 : i32 to index
        %get3A_546 = arith.constant 48 : index
        %get3A_547 = tpu.vector_load %arg8[%get3A_545, %get3A_546] {strides = array<i32>} : memref<128x128xf32, #tpu.memory_space<vmem>>, vector<16xf32>,
        %get3A_548 = arith.index_cast %add3A_524 : i32 to index
        %get3A_549 = arith.constant 48 : index
        %get3A_550 = tpu.vector_load %arg10[%get3A_548, %get3A_549] {strides = array<i32>} : memref<128x128xf32, #tpu.memory_space<vmem>>, vector<16xf32>,
        %mul3A_551 = arith.mulf %get3A_547, %get3A_550 : vector<16xf32>
        %get3A_552 = arith.index_cast %add3A_524 : i32 to index
        %get3A_553 = arith.constant 64 : index
        %get3A_554 = tpu.vector_load %arg8[%get3A_552, %get3A_553] {strides = array<i32>} : memref<128x128xf32, #tpu.memory_space<vmem>>, vector<16xf32>,
        %get3A_555 = arith.index_cast %add3A_524 : i32 to index
        %get3A_556 = arith.constant 64 : index
        %get3A_557 = tpu.vector_load %arg10[%get3A_555, %get3A_556] {strides = array<i32>} : memref<128x128xf32, #tpu.memory_space<vmem>>, vector<16xf32>,
        %mul3A_558 = arith.mulf %get3A_554, %get3A_557 : vector<16xf32>
        %get3A_559 = arith.index_cast %add3A_524 : i32 to index
        %get3A_560 = arith.constant 80 : index
        %get3A_561 = tpu.vector_load %arg8[%get3A_559, %get3A_560] {strides = array<i32>} : memref<128x128xf32, #tpu.memory_space<vmem>>, vector<16xf32>,
        %get3A_562 = arith.index_cast %add3A_524 : i32 to index
        %get3A_563 = arith.constant 80 : index
        %get3A_564 = tpu.vector_load %arg10[%get3A_562, %get3A_563] {strides = array<i32>} : memref<128x128xf32, #tpu.memory_space<vmem>>, vector<16xf32>,
        %mul3A_565 = arith.mulf %get3A_561, %get3A_564 : vector<16xf32>
        %get3A_566 = arith.index_cast %add3A_524 : i32 to index
        %get3A_567 = arith.constant 96 : index
        %get3A_568 = tpu.vector_load %arg8[%get3A_566, %get3A_567] {strides = array<i32>} : memref<128x128xf32, #tpu.memory_space<vmem>>, vector<16xf32>,
        %get3A_569 = arith.index_cast %add3A_524 : i32 to index
        %get3A_570 = arith.constant 96 : index
        %get3A_571 = tpu.vector_load %arg10[%get3A_569, %get3A_570] {strides = array<i32>} : memref<128x128xf32, #tpu.memory_space<vmem>>, vector<16xf32>,
        %mul3A_572 = arith.mulf %get3A_568, %get3A_571 : vector<16xf32>
        %get3A_573 = arith.index_cast %add3A_524 : i32 to index
        %get3A_574 = arith.constant 112 : index
        %get3A_575 = tpu.vector_load %arg8[%get3A_573, %get3A_574] {strides = array<i32>} : memref<128x128xf32, #tpu.memory_space<vmem>>, vector<16xf32>,
        %get3A_576 = arith.index_cast %add3A_524 : i32 to index
        %get3A_577 = arith.constant 112 : index
        %get3A_578 = tpu.vector_load %arg10[%get3A_576, %get3A_577] {strides = array<i32>} : memref<128x128xf32, #tpu.memory_space<vmem>>, vector<16xf32>,
        %mul3A_579 = arith.mulf %get3A_575, %get3A_578 : vector<16xf32>
        %add3A_580 = arith.addf %mul3A_530, %mul3A_537 : vector<16xf32>
        %add3A_581 = arith.addf %mul3A_544, %mul3A_551 : vector<16xf32>
        %add3A_582 = arith.addf %mul3A_558, %mul3A_565 : vector<16xf32>
        %add3A_583 = arith.addf %mul3A_572, %mul3A_579 : vector<16xf32>
        %add3A_584 = arith.addf %add3A_580, %add3A_581 : vector<16xf32>
        %add3A_585 = arith.addf %add3A_582, %add3A_583 : vector<16xf32>
        %add3A_586 = arith.addf %add3A_584, %add3A_585 : vector<16xf32>
        %swap3A = arith.constant 0 : index
        %swap3A_587 = tpu.vector_load %arg13[%swap3A] {strides = array<i32>} : memref<256xf32, #tpu.memory_space<vmem>>, vector<16xf32>,
        tpu.vector_store %arg13[%swap3A], %add3A_586 {strides = array<i32>} : memref<256xf32, #tpu.memory_space<vmem>>, vector<16xf32>,
        %add3A_588 = arith.constant 1 : i32
        %add3A_589 = arith.addi %mul3A_522, %add3A_588 : i32
        %get3A_590 = arith.index_cast %add3A_589 : i32 to index
        %get3A_591 = arith.constant 0 : index
        %get3A_592 = tpu.vector_load %arg8[%get3A_590, %get3A_591] {strides = array<i32>} : memref<128x128xf32, #tpu.memory_space<vmem>>, vector<16xf32>,
        %get3A_593 = arith.index_cast %add3A_589 : i32 to index
        %get3A_594 = arith.constant 0 : index
        %get3A_595 = tpu.vector_load %arg10[%get3A_593, %get3A_594] {strides = array<i32>} : memref<128x128xf32, #tpu.memory_space<vmem>>, vector<16xf32>,
        %mul3A_596 = arith.mulf %get3A_592, %get3A_595 : vector<16xf32>
        %get3A_597 = arith.index_cast %add3A_589 : i32 to index
        %get3A_598 = arith.constant 16 : index
        %get3A_599 = tpu.vector_load %arg8[%get3A_597, %get3A_598] {strides = array<i32>} : memref<128x128xf32, #tpu.memory_space<vmem>>, vector<16xf32>,
        %get3A_600 = arith.index_cast %add3A_589 : i32 to index
        %get3A_601 = arith.constant 16 : index
        %get3A_602 = tpu.vector_load %arg10[%get3A_600, %get3A_601] {strides = array<i32>} : memref<128x128xf32, #tpu.memory_space<vmem>>, vector<16xf32>,
        %mul3A_603 = arith.mulf %get3A_599, %get3A_602 : vector<16xf32>
        %get3A_604 = arith.index_cast %add3A_589 : i32 to index
        %get3A_605 = arith.constant 32 : index
        %get3A_606 = tpu.vector_load %arg8[%get3A_604, %get3A_605] {strides = array<i32>} : memref<128x128xf32, #tpu.memory_space<vmem>>, vector<16xf32>,
        %get3A_607 = arith.index_cast %add3A_589 : i32 to index
        %get3A_608 = arith.constant 32 : index
        %get3A_609 = tpu.vector_load %arg10[%get3A_607, %get3A_608] {strides = array<i32>} : memref<128x128xf32, #tpu.memory_space<vmem>>, vector<16xf32>,
        %mul3A_610 = arith.mulf %get3A_606, %get3A_609 : vector<16xf32>
        %get3A_611 = arith.index_cast %add3A_589 : i32 to index
        %get3A_612 = arith.constant 48 : index
        %get3A_613 = tpu.vector_load %arg8[%get3A_611, %get3A_612] {strides = array<i32>} : memref<128x128xf32, #tpu.memory_space<vmem>>, vector<16xf32>,
        %get3A_614 = arith.index_cast %add3A_589 : i32 to index
        %get3A_615 = arith.constant 48 : index
        %get3A_616 = tpu.vector_load %arg10[%get3A_614, %get3A_615] {strides = array<i32>} : memref<128x128xf32, #tpu.memory_space<vmem>>, vector<16xf32>,
        %mul3A_617 = arith.mulf %get3A_613, %get3A_616 : vector<16xf32>
        %get3A_618 = arith.index_cast %add3A_589 : i32 to index
        %get3A_619 = arith.constant 64 : index
        %get3A_620 = tpu.vector_load %arg8[%get3A_618, %get3A_619] {strides = array<i32>} : memref<128x128xf32, #tpu.memory_space<vmem>>, vector<16xf32>,
        %get3A_621 = arith.index_cast %add3A_589 : i32 to index
        %get3A_622 = arith.constant 64 : index
        %get3A_623 = tpu.vector_load %arg10[%get3A_621, %get3A_622] {strides = array<i32>} : memref<128x128xf32, #tpu.memory_space<vmem>>, vector<16xf32>,
        %mul3A_624 = arith.mulf %get3A_620, %get3A_623 : vector<16xf32>
        %get3A_625 = arith.index_cast %add3A_589 : i32 to index
        %get3A_626 = arith.constant 80 : index
        %get3A_627 = tpu.vector_load %arg8[%get3A_625, %get3A_626] {strides = array<i32>} : memref<128x128xf32, #tpu.memory_space<vmem>>, vector<16xf32>,
        %get3A_628 = arith.index_cast %add3A_589 : i32 to index
        %get3A_629 = arith.constant 80 : index
        %get3A_630 = tpu.vector_load %arg10[%get3A_628, %get3A_629] {strides = array<i32>} : memref<128x128xf32, #tpu.memory_space<vmem>>, vector<16xf32>,
        %mul3A_631 = arith.mulf %get3A_627, %get3A_630 : vector<16xf32>
        %get3A_632 = arith.index_cast %add3A_589 : i32 to index
        %get3A_633 = arith.constant 96 : index
        %get3A_634 = tpu.vector_load %arg8[%get3A_632, %get3A_633] {strides = array<i32>} : memref<128x128xf32, #tpu.memory_space<vmem>>, vector<16xf32>,
        %get3A_635 = arith.index_cast %add3A_589 : i32 to index
        %get3A_636 = arith.constant 96 : index
        %get3A_637 = tpu.vector_load %arg10[%get3A_635, %get3A_636] {strides = array<i32>} : memref<128x128xf32, #tpu.memory_space<vmem>>, vector<16xf32>,
        %mul3A_638 = arith.mulf %get3A_634, %get3A_637 : vector<16xf32>
        %get3A_639 = arith.index_cast %add3A_589 : i32 to index
        %get3A_640 = arith.constant 112 : index
        %get3A_641 = tpu.vector_load %arg8[%get3A_639, %get3A_640] {strides = array<i32>} : memref<128x128xf32, #tpu.memory_space<vmem>>, vector<16xf32>,
        %get3A_642 = arith.index_cast %add3A_589 : i32 to index
        %get3A_643 = arith.constant 112 : index
        %get3A_644 = tpu.vector_load %arg10[%get3A_642, %get3A_643] {strides = array<i32>} : memref<128x128xf32, #tpu.memory_space<vmem>>, vector<16xf32>,
        %mul3A_645 = arith.mulf %get3A_641, %get3A_644 : vector<16xf32>
        %add3A_646 = arith.addf %mul3A_596, %mul3A_603 : vector<16xf32>
        %add3A_647 = arith.addf %mul3A_610, %mul3A_617 : vector<16xf32>
        %add3A_648 = arith.addf %mul3A_624, %mul3A_631 : vector<16xf32>
        %add3A_649 = arith.addf %mul3A_638, %mul3A_645 : vector<16xf32>
        %add3A_650 = arith.addf %add3A_646, %add3A_647 : vector<16xf32>
        %add3A_651 = arith.addf %add3A_648, %add3A_649 : vector<16xf32>
        %add3A_652 = arith.addf %add3A_650, %add3A_651 : vector<16xf32>
        %swap3A_653 = arith.constant 16 : index
        %swap3A_654 = tpu.vector_load %arg13[%swap3A_653] {strides = array<i32>} : memref<256xf32, #tpu.memory_space<vmem>>, vector<16xf32>,
        tpu.vector_store %arg13[%swap3A_653], %add3A_652 {strides = array<i32>} : memref<256xf32, #tpu.memory_space<vmem>>, vector<16xf32>,
        %add3A_655 = arith.constant 2 : i32
        %add3A_656 = arith.addi %mul3A_522, %add3A_655 : i32
        %get3A_657 = arith.index_cast %add3A_656 : i32 to index
        %get3A_658 = arith.constant 0 : index
        %get3A_659 = tpu.vector_load %arg8[%get3A_657, %get3A_658] {strides = array<i32>} : memref<128x128xf32, #tpu.memory_space<vmem>>, vector<16xf32>,
        %get3A_660 = arith.index_cast %add3A_656 : i32 to index
        %get3A_661 = arith.constant 0 : index
        %get3A_662 = tpu.vector_load %arg10[%get3A_660, %get3A_661] {strides = array<i32>} : memref<128x128xf32, #tpu.memory_space<vmem>>, vector<16xf32>,
        %mul3A_663 = arith.mulf %get3A_659, %get3A_662 : vector<16xf32>
        %get3A_664 = arith.index_cast %add3A_656 : i32 to index
        %get3A_665 = arith.constant 16 : index
        %get3A_666 = tpu.vector_load %arg8[%get3A_664, %get3A_665] {strides = array<i32>} : memref<128x128xf32, #tpu.memory_space<vmem>>, vector<16xf32>,
        %get3A_667 = arith.index_cast %add3A_656 : i32 to index
        %get3A_668 = arith.constant 16 : index
        %get3A_669 = tpu.vector_load %arg10[%get3A_667, %get3A_668] {strides = array<i32>} : memref<128x128xf32, #tpu.memory_space<vmem>>, vector<16xf32>,
        %mul3A_670 = arith.mulf %get3A_666, %get3A_669 : vector<16xf32>
        %get3A_671 = arith.index_cast %add3A_656 : i32 to index
        %get3A_672 = arith.constant 32 : index
        %get3A_673 = tpu.vector_load %arg8[%get3A_671, %get3A_672] {strides = array<i32>} : memref<128x128xf32, #tpu.memory_space<vmem>>, vector<16xf32>,
        %get3A_674 = arith.index_cast %add3A_656 : i32 to index
        %get3A_675 = arith.constant 32 : index
        %get3A_676 = tpu.vector_load %arg10[%get3A_674, %get3A_675] {strides = array<i32>} : memref<128x128xf32, #tpu.memory_space<vmem>>, vector<16xf32>,
        %mul3A_677 = arith.mulf %get3A_673, %get3A_676 : vector<16xf32>
        %get3A_678 = arith.index_cast %add3A_656 : i32 to index
        %get3A_679 = arith.constant 48 : index
        %get3A_680 = tpu.vector_load %arg8[%get3A_678, %get3A_679] {strides = array<i32>} : memref<128x128xf32, #tpu.memory_space<vmem>>, vector<16xf32>,
        %get3A_681 = arith.index_cast %add3A_656 : i32 to index
        %get3A_682 = arith.constant 48 : index
        %get3A_683 = tpu.vector_load %arg10[%get3A_681, %get3A_682] {strides = array<i32>} : memref<128x128xf32, #tpu.memory_space<vmem>>, vector<16xf32>,
        %mul3A_684 = arith.mulf %get3A_680, %get3A_683 : vector<16xf32>
        %get3A_685 = arith.index_cast %add3A_656 : i32 to index
        %get3A_686 = arith.constant 64 : index
        %get3A_687 = tpu.vector_load %arg8[%get3A_685, %get3A_686] {strides = array<i32>} : memref<128x128xf32, #tpu.memory_space<vmem>>, vector<16xf32>,
        %get3A_688 = arith.index_cast %add3A_656 : i32 to index
        %get3A_689 = arith.constant 64 : index
        %get3A_690 = tpu.vector_load %arg10[%get3A_688, %get3A_689] {strides = array<i32>} : memref<128x128xf32, #tpu.memory_space<vmem>>, vector<16xf32>,
        %mul3A_691 = arith.mulf %get3A_687, %get3A_690 : vector<16xf32>
        %get3A_692 = arith.index_cast %add3A_656 : i32 to index
        %get3A_693 = arith.constant 80 : index
        %get3A_694 = tpu.vector_load %arg8[%get3A_692, %get3A_693] {strides = array<i32>} : memref<128x128xf32, #tpu.memory_space<vmem>>, vector<16xf32>,
        %get3A_695 = arith.index_cast %add3A_656 : i32 to index
        %get3A_696 = arith.constant 80 : index
        %get3A_697 = tpu.vector_load %arg10[%get3A_695, %get3A_696] {strides = array<i32>} : memref<128x128xf32, #tpu.memory_space<vmem>>, vector<16xf32>,
        %mul3A_698 = arith.mulf %get3A_694, %get3A_697 : vector<16xf32>
        %get3A_699 = arith.index_cast %add3A_656 : i32 to index
        %get3A_700 = arith.constant 96 : index
        %get3A_701 = tpu.vector_load %arg8[%get3A_699, %get3A_700] {strides = array<i32>} : memref<128x128xf32, #tpu.memory_space<vmem>>, vector<16xf32>,
        %get3A_702 = arith.index_cast %add3A_656 : i32 to index
        %get3A_703 = arith.constant 96 : index
        %get3A_704 = tpu.vector_load %arg10[%get3A_702, %get3A_703] {strides = array<i32>} : memref<128x128xf32, #tpu.memory_space<vmem>>, vector<16xf32>,
        %mul3A_705 = arith.mulf %get3A_701, %get3A_704 : vector<16xf32>
        %get3A_706 = arith.index_cast %add3A_656 : i32 to index
        %get3A_707 = arith.constant 112 : index
        %get3A_708 = tpu.vector_load %arg8[%get3A_706, %get3A_707] {strides = array<i32>} : memref<128x128xf32, #tpu.memory_space<vmem>>, vector<16xf32>,
        %get3A_709 = arith.index_cast %add3A_656 : i32 to index
        %get3A_710 = arith.constant 112 : index
        %get3A_711 = tpu.vector_load %arg10[%get3A_709, %get3A_710] {strides = array<i32>} : memref<128x128xf32, #tpu.memory_space<vmem>>, vector<16xf32>,
        %mul3A_712 = arith.mulf %get3A_708, %get3A_711 : vector<16xf32>
        %add3A_713 = arith.addf %mul3A_663, %mul3A_670 : vector<16xf32>
        %add3A_714 = arith.addf %mul3A_677, %mul3A_684 : vector<16xf32>
        %add3A_715 = arith.addf %mul3A_691, %mul3A_698 : vector<16xf32>
        %add3A_716 = arith.addf %mul3A_705, %mul3A_712 : vector<16xf32>
        %add3A_717 = arith.addf %add3A_713, %add3A_714 : vector<16xf32>
        %add3A_718 = arith.addf %add3A_715, %add3A_716 : vector<16xf32>
        %add3A_719 = arith.addf %add3A_717, %add3A_718 : vector<16xf32>
        %swap3A_720 = arith.constant 32 : index
        %swap3A_721 = tpu.vector_load %arg13[%swap3A_720] {strides = array<i32>} : memref<256xf32, #tpu.memory_space<vmem>>, vector<16xf32>,
        tpu.vector_store %arg13[%swap3A_720], %add3A_719 {strides = array<i32>} : memref<256xf32, #tpu.memory_space<vmem>>, vector<16xf32>,
        %add3A_722 = arith.constant 3 : i32
        %add3A_723 = arith.addi %mul3A_522, %add3A_722 : i32
        %get3A_724 = arith.index_cast %add3A_723 : i32 to index
        %get3A_725 = arith.constant 0 : index
        %get3A_726 = tpu.vector_load %arg8[%get3A_724, %get3A_725] {strides = array<i32>} : memref<128x128xf32, #tpu.memory_space<vmem>>, vector<16xf32>,
        %get3A_727 = arith.index_cast %add3A_723 : i32 to index
        %get3A_728 = arith.constant 0 : index
        %get3A_729 = tpu.vector_load %arg10[%get3A_727, %get3A_728] {strides = array<i32>} : memref<128x128xf32, #tpu.memory_space<vmem>>, vector<16xf32>,
        %mul3A_730 = arith.mulf %get3A_726, %get3A_729 : vector<16xf32>
        %get3A_731 = arith.index_cast %add3A_723 : i32 to index
        %get3A_732 = arith.constant 16 : index
        %get3A_733 = tpu.vector_load %arg8[%get3A_731, %get3A_732] {strides = array<i32>} : memref<128x128xf32, #tpu.memory_space<vmem>>, vector<16xf32>,
        %get3A_734 = arith.index_cast %add3A_723 : i32 to index
        %get3A_735 = arith.constant 16 : index
        %get3A_736 = tpu.vector_load %arg10[%get3A_734, %get3A_735] {strides = array<i32>} : memref<128x128xf32, #tpu.memory_space<vmem>>, vector<16xf32>,
        %mul3A_737 = arith.mulf %get3A_733, %get3A_736 : vector<16xf32>
        %get3A_738 = arith.index_cast %add3A_723 : i32 to index
        %get3A_739 = arith.constant 32 : index
        %get3A_740 = tpu.vector_load %arg8[%get3A_738, %get3A_739] {strides = array<i32>} : memref<128x128xf32, #tpu.memory_space<vmem>>, vector<16xf32>,
        %get3A_741 = arith.index_cast %add3A_723 : i32 to index
        %get3A_742 = arith.constant 32 : index
        %get3A_743 = tpu.vector_load %arg10[%get3A_741, %get3A_742] {strides = array<i32>} : memref<128x128xf32, #tpu.memory_space<vmem>>, vector<16xf32>,
        %mul3A_744 = arith.mulf %get3A_740, %get3A_743 : vector<16xf32>
        %get3A_745 = arith.index_cast %add3A_723 : i32 to index
        %get3A_746 = arith.constant 48 : index
        %get3A_747 = tpu.vector_load %arg8[%get3A_745, %get3A_746] {strides = array<i32>} : memref<128x128xf32, #tpu.memory_space<vmem>>, vector<16xf32>,
        %get3A_748 = arith.index_cast %add3A_723 : i32 to index
        %get3A_749 = arith.constant 48 : index
        %get3A_750 = tpu.vector_load %arg10[%get3A_748, %get3A_749] {strides = array<i32>} : memref<128x128xf32, #tpu.memory_space<vmem>>, vector<16xf32>,
        %mul3A_751 = arith.mulf %get3A_747, %get3A_750 : vector<16xf32>
        %get3A_752 = arith.index_cast %add3A_723 : i32 to index
        %get3A_753 = arith.constant 64 : index
        %get3A_754 = tpu.vector_load %arg8[%get3A_752, %get3A_753] {strides = array<i32>} : memref<128x128xf32, #tpu.memory_space<vmem>>, vector<16xf32>,
        %get3A_755 = arith.index_cast %add3A_723 : i32 to index
        %get3A_756 = arith.constant 64 : index
        %get3A_757 = tpu.vector_load %arg10[%get3A_755, %get3A_756] {strides = array<i32>} : memref<128x128xf32, #tpu.memory_space<vmem>>, vector<16xf32>,
        %mul3A_758 = arith.mulf %get3A_754, %get3A_757 : vector<16xf32>
        %get3A_759 = arith.index_cast %add3A_723 : i32 to index
        %get3A_760 = arith.constant 80 : index
        %get3A_761 = tpu.vector_load %arg8[%get3A_759, %get3A_760] {strides = array<i32>} : memref<128x128xf32, #tpu.memory_space<vmem>>, vector<16xf32>,
        %get3A_762 = arith.index_cast %add3A_723 : i32 to index
        %get3A_763 = arith.constant 80 : index
        %get3A_764 = tpu.vector_load %arg10[%get3A_762, %get3A_763] {strides = array<i32>} : memref<128x128xf32, #tpu.memory_space<vmem>>, vector<16xf32>,
        %mul3A_765 = arith.mulf %get3A_761, %get3A_764 : vector<16xf32>
        %get3A_766 = arith.index_cast %add3A_723 : i32 to index
        %get3A_767 = arith.constant 96 : index
        %get3A_768 = tpu.vector_load %arg8[%get3A_766, %get3A_767] {strides = array<i32>} : memref<128x128xf32, #tpu.memory_space<vmem>>, vector<16xf32>,
        %get3A_769 = arith.index_cast %add3A_723 : i32 to index
        %get3A_770 = arith.constant 96 : index
        %get3A_771 = tpu.vector_load %arg10[%get3A_769, %get3A_770] {strides = array<i32>} : memref<128x128xf32, #tpu.memory_space<vmem>>, vector<16xf32>,
        %mul3A_772 = arith.mulf %get3A_768, %get3A_771 : vector<16xf32>
        %get3A_773 = arith.index_cast %add3A_723 : i32 to index
        %get3A_774 = arith.constant 112 : index
        %get3A_775 = tpu.vector_load %arg8[%get3A_773, %get3A_774] {strides = array<i32>} : memref<128x128xf32, #tpu.memory_space<vmem>>, vector<16xf32>,
        %get3A_776 = arith.index_cast %add3A_723 : i32 to index
        %get3A_777 = arith.constant 112 : index
        %get3A_778 = tpu.vector_load %arg10[%get3A_776, %get3A_777] {strides = array<i32>} : memref<128x128xf32, #tpu.memory_space<vmem>>, vector<16xf32>,
        %mul3A_779 = arith.mulf %get3A_775, %get3A_778 : vector<16xf32>
        %add3A_780 = arith.addf %mul3A_730, %mul3A_737 : vector<16xf32>
        %add3A_781 = arith.addf %mul3A_744, %mul3A_751 : vector<16xf32>
        %add3A_782 = arith.addf %mul3A_758, %mul3A_765 : vector<16xf32>
        %add3A_783 = arith.addf %mul3A_772, %mul3A_779 : vector<16xf32>
        %add3A_784 = arith.addf %add3A_780, %add3A_781 : vector<16xf32>
        %add3A_785 = arith.addf %add3A_782, %add3A_783 : vector<16xf32>
        %add3A_786 = arith.addf %add3A_784, %add3A_785 : vector<16xf32>
        %swap3A_787 = arith.constant 48 : index
        %swap3A_788 = tpu.vector_load %arg13[%swap3A_787] {strides = array<i32>} : memref<256xf32, #tpu.memory_space<vmem>>, vector<16xf32>,
        tpu.vector_store %arg13[%swap3A_787], %add3A_786 {strides = array<i32>} : memref<256xf32, #tpu.memory_space<vmem>>, vector<16xf32>,
        %add3A_789 = arith.constant 4 : i32
        %add3A_790 = arith.addi %mul3A_522, %add3A_789 : i32
        %get3A_791 = arith.index_cast %add3A_790 : i32 to index
        %get3A_792 = arith.constant 0 : index
        %get3A_793 = tpu.vector_load %arg8[%get3A_791, %get3A_792] {strides = array<i32>} : memref<128x128xf32, #tpu.memory_space<vmem>>, vector<16xf32>,
        %get3A_794 = arith.index_cast %add3A_790 : i32 to index
        %get3A_795 = arith.constant 0 : index
        %get3A_796 = tpu.vector_load %arg10[%get3A_794, %get3A_795] {strides = array<i32>} : memref<128x128xf32, #tpu.memory_space<vmem>>, vector<16xf32>,
        %mul3A_797 = arith.mulf %get3A_793, %get3A_796 : vector<16xf32>
        %get3A_798 = arith.index_cast %add3A_790 : i32 to index
        %get3A_799 = arith.constant 16 : index
        %get3A_800 = tpu.vector_load %arg8[%get3A_798, %get3A_799] {strides = array<i32>} : memref<128x128xf32, #tpu.memory_space<vmem>>, vector<16xf32>,
        %get3A_801 = arith.index_cast %add3A_790 : i32 to index
        %get3A_802 = arith.constant 16 : index
        %get3A_803 = tpu.vector_load %arg10[%get3A_801, %get3A_802] {strides = array<i32>} : memref<128x128xf32, #tpu.memory_space<vmem>>, vector<16xf32>,
        %mul3A_804 = arith.mulf %get3A_800, %get3A_803 : vector<16xf32>
        %get3A_805 = arith.index_cast %add3A_790 : i32 to index
        %get3A_806 = arith.constant 32 : index
        %get3A_807 = tpu.vector_load %arg8[%get3A_805, %get3A_806] {strides = array<i32>} : memref<128x128xf32, #tpu.memory_space<vmem>>, vector<16xf32>,
        %get3A_808 = arith.index_cast %add3A_790 : i32 to index
        %get3A_809 = arith.constant 32 : index
        %get3A_810 = tpu.vector_load %arg10[%get3A_808, %get3A_809] {strides = array<i32>} : memref<128x128xf32, #tpu.memory_space<vmem>>, vector<16xf32>,
        %mul3A_811 = arith.mulf %get3A_807, %get3A_810 : vector<16xf32>
        %get3A_812 = arith.index_cast %add3A_790 : i32 to index
        %get3A_813 = arith.constant 48 : index
        %get3A_814 = tpu.vector_load %arg8[%get3A_812, %get3A_813] {strides = array<i32>} : memref<128x128xf32, #tpu.memory_space<vmem>>, vector<16xf32>,
        %get3A_815 = arith.index_cast %add3A_790 : i32 to index
        %get3A_816 = arith.constant 48 : index
        %get3A_817 = tpu.vector_load %arg10[%get3A_815, %get3A_816] {strides = array<i32>} : memref<128x128xf32, #tpu.memory_space<vmem>>, vector<16xf32>,
        %mul3A_818 = arith.mulf %get3A_814, %get3A_817 : vector<16xf32>
        %get3A_819 = arith.index_cast %add3A_790 : i32 to index
        %get3A_820 = arith.constant 64 : index
        %get3A_821 = tpu.vector_load %arg8[%get3A_819, %get3A_820] {strides = array<i32>} : memref<128x128xf32, #tpu.memory_space<vmem>>, vector<16xf32>,
        %get3A_822 = arith.index_cast %add3A_790 : i32 to index
        %get3A_823 = arith.constant 64 : index
        %get3A_824 = tpu.vector_load %arg10[%get3A_822, %get3A_823] {strides = array<i32>} : memref<128x128xf32, #tpu.memory_space<vmem>>, vector<16xf32>,
        %mul3A_825 = arith.mulf %get3A_821, %get3A_824 : vector<16xf32>
        %get3A_826 = arith.index_cast %add3A_790 : i32 to index
        %get3A_827 = arith.constant 80 : index
        %get3A_828 = tpu.vector_load %arg8[%get3A_826, %get3A_827] {strides = array<i32>} : memref<128x128xf32, #tpu.memory_space<vmem>>, vector<16xf32>,
        %get3A_829 = arith.index_cast %add3A_790 : i32 to index
        %get3A_830 = arith.constant 80 : index
        %get3A_831 = tpu.vector_load %arg10[%get3A_829, %get3A_830] {strides = array<i32>} : memref<128x128xf32, #tpu.memory_space<vmem>>, vector<16xf32>,
        %mul3A_832 = arith.mulf %get3A_828, %get3A_831 : vector<16xf32>
        %get3A_833 = arith.index_cast %add3A_790 : i32 to index
        %get3A_834 = arith.constant 96 : index
        %get3A_835 = tpu.vector_load %arg8[%get3A_833, %get3A_834] {strides = array<i32>} : memref<128x128xf32, #tpu.memory_space<vmem>>, vector<16xf32>,
        %get3A_836 = arith.index_cast %add3A_790 : i32 to index
        %get3A_837 = arith.constant 96 : index
        %get3A_838 = tpu.vector_load %arg10[%get3A_836, %get3A_837] {strides = array<i32>} : memref<128x128xf32, #tpu.memory_space<vmem>>, vector<16xf32>,
        %mul3A_839 = arith.mulf %get3A_835, %get3A_838 : vector<16xf32>
        %get3A_840 = arith.index_cast %add3A_790 : i32 to index
        %get3A_841 = arith.constant 112 : index
        %get3A_842 = tpu.vector_load %arg8[%get3A_840, %get3A_841] {strides = array<i32>} : memref<128x128xf32, #tpu.memory_space<vmem>>, vector<16xf32>,
        %get3A_843 = arith.index_cast %add3A_790 : i32 to index
        %get3A_844 = arith.constant 112 : index
        %get3A_845 = tpu.vector_load %arg10[%get3A_843, %get3A_844] {strides = array<i32>} : memref<128x128xf32, #tpu.memory_space<vmem>>, vector<16xf32>,
        %mul3A_846 = arith.mulf %get3A_842, %get3A_845 : vector<16xf32>
        %add3A_847 = arith.addf %mul3A_797, %mul3A_804 : vector<16xf32>
        %add3A_848 = arith.addf %mul3A_811, %mul3A_818 : vector<16xf32>
        %add3A_849 = arith.addf %mul3A_825, %mul3A_832 : vector<16xf32>
        %add3A_850 = arith.addf %mul3A_839, %mul3A_846 : vector<16xf32>
        %add3A_851 = arith.addf %add3A_847, %add3A_848 : vector<16xf32>
        %add3A_852 = arith.addf %add3A_849, %add3A_850 : vector<16xf32>
        %add3A_853 = arith.addf %add3A_851, %add3A_852 : vector<16xf32>
        %swap3A_854 = arith.constant 64 : index
        %swap3A_855 = tpu.vector_load %arg13[%swap3A_854] {strides = array<i32>} : memref<256xf32, #tpu.memory_space<vmem>>, vector<16xf32>,
        tpu.vector_store %arg13[%swap3A_854], %add3A_853 {strides = array<i32>} : memref<256xf32, #tpu.memory_space<vmem>>, vector<16xf32>,
        %add3A_856 = arith.constant 5 : i32
        %add3A_857 = arith.addi %mul3A_522, %add3A_856 : i32
        %get3A_858 = arith.index_cast %add3A_857 : i32 to index
        %get3A_859 = arith.constant 0 : index
        %get3A_860 = tpu.vector_load %arg8[%get3A_858, %get3A_859] {strides = array<i32>} : memref<128x128xf32, #tpu.memory_space<vmem>>, vector<16xf32>,
        %get3A_861 = arith.index_cast %add3A_857 : i32 to index
        %get3A_862 = arith.constant 0 : index
        %get3A_863 = tpu.vector_load %arg10[%get3A_861, %get3A_862] {strides = array<i32>} : memref<128x128xf32, #tpu.memory_space<vmem>>, vector<16xf32>,
        %mul3A_864 = arith.mulf %get3A_860, %get3A_863 : vector<16xf32>
        %get3A_865 = arith.index_cast %add3A_857 : i32 to index
        %get3A_866 = arith.constant 16 : index
        %get3A_867 = tpu.vector_load %arg8[%get3A_865, %get3A_866] {strides = array<i32>} : memref<128x128xf32, #tpu.memory_space<vmem>>, vector<16xf32>,
        %get3A_868 = arith.index_cast %add3A_857 : i32 to index
        %get3A_869 = arith.constant 16 : index
        %get3A_870 = tpu.vector_load %arg10[%get3A_868, %get3A_869] {strides = array<i32>} : memref<128x128xf32, #tpu.memory_space<vmem>>, vector<16xf32>,
        %mul3A_871 = arith.mulf %get3A_867, %get3A_870 : vector<16xf32>
        %get3A_872 = arith.index_cast %add3A_857 : i32 to index
        %get3A_873 = arith.constant 32 : index
        %get3A_874 = tpu.vector_load %arg8[%get3A_872, %get3A_873] {strides = array<i32>} : memref<128x128xf32, #tpu.memory_space<vmem>>, vector<16xf32>,
        %get3A_875 = arith.index_cast %add3A_857 : i32 to index
        %get3A_876 = arith.constant 32 : index
        %get3A_877 = tpu.vector_load %arg10[%get3A_875, %get3A_876] {strides = array<i32>} : memref<128x128xf32, #tpu.memory_space<vmem>>, vector<16xf32>,
        %mul3A_878 = arith.mulf %get3A_874, %get3A_877 : vector<16xf32>
        %get3A_879 = arith.index_cast %add3A_857 : i32 to index
        %get3A_880 = arith.constant 48 : index
        %get3A_881 = tpu.vector_load %arg8[%get3A_879, %get3A_880] {strides = array<i32>} : memref<128x128xf32, #tpu.memory_space<vmem>>, vector<16xf32>,
        %get3A_882 = arith.index_cast %add3A_857 : i32 to index
        %get3A_883 = arith.constant 48 : index
        %get3A_884 = tpu.vector_load %arg10[%get3A_882, %get3A_883] {strides = array<i32>} : memref<128x128xf32, #tpu.memory_space<vmem>>, vector<16xf32>,
        %mul3A_885 = arith.mulf %get3A_881, %get3A_884 : vector<16xf32>
        %get3A_886 = arith.index_cast %add3A_857 : i32 to index
        %get3A_887 = arith.constant 64 : index
        %get3A_888 = tpu.vector_load %arg8[%get3A_886, %get3A_887] {strides = array<i32>} : memref<128x128xf32, #tpu.memory_space<vmem>>, vector<16xf32>,
        %get3A_889 = arith.index_cast %add3A_857 : i32 to index
        %get3A_890 = arith.constant 64 : index
        %get3A_891 = tpu.vector_load %arg10[%get3A_889, %get3A_890] {strides = array<i32>} : memref<128x128xf32, #tpu.memory_space<vmem>>, vector<16xf32>,
        %mul3A_892 = arith.mulf %get3A_888, %get3A_891 : vector<16xf32>
        %get3A_893 = arith.index_cast %add3A_857 : i32 to index
        %get3A_894 = arith.constant 80 : index
        %get3A_895 = tpu.vector_load %arg8[%get3A_893, %get3A_894] {strides = array<i32>} : memref<128x128xf32, #tpu.memory_space<vmem>>, vector<16xf32>,
        %get3A_896 = arith.index_cast %add3A_857 : i32 to index
        %get3A_897 = arith.constant 80 : index
        %get3A_898 = tpu.vector_load %arg10[%get3A_896, %get3A_897] {strides = array<i32>} : memref<128x128xf32, #tpu.memory_space<vmem>>, vector<16xf32>,
        %mul3A_899 = arith.mulf %get3A_895, %get3A_898 : vector<16xf32>
        %get3A_900 = arith.index_cast %add3A_857 : i32 to index
        %get3A_901 = arith.constant 96 : index
        %get3A_902 = tpu.vector_load %arg8[%get3A_900, %get3A_901] {strides = array<i32>} : memref<128x128xf32, #tpu.memory_space<vmem>>, vector<16xf32>,
        %get3A_903 = arith.index_cast %add3A_857 : i32 to index
        %get3A_904 = arith.constant 96 : index
        %get3A_905 = tpu.vector_load %arg10[%get3A_903, %get3A_904] {strides = array<i32>} : memref<128x128xf32, #tpu.memory_space<vmem>>, vector<16xf32>,
        %mul3A_906 = arith.mulf %get3A_902, %get3A_905 : vector<16xf32>
        %get3A_907 = arith.index_cast %add3A_857 : i32 to index
        %get3A_908 = arith.constant 112 : index
        %get3A_909 = tpu.vector_load %arg8[%get3A_907, %get3A_908] {strides = array<i32>} : memref<128x128xf32, #tpu.memory_space<vmem>>, vector<16xf32>,
        %get3A_910 = arith.index_cast %add3A_857 : i32 to index
        %get3A_911 = arith.constant 112 : index
        %get3A_912 = tpu.vector_load %arg10[%get3A_910, %get3A_911] {strides = array<i32>} : memref<128x128xf32, #tpu.memory_space<vmem>>, vector<16xf32>,
        %mul3A_913 = arith.mulf %get3A_909, %get3A_912 : vector<16xf32>
        %add3A_914 = arith.addf %mul3A_864, %mul3A_871 : vector<16xf32>
        %add3A_915 = arith.addf %mul3A_878, %mul3A_885 : vector<16xf32>
        %add3A_916 = arith.addf %mul3A_892, %mul3A_899 : vector<16xf32>
        %add3A_917 = arith.addf %mul3A_906, %mul3A_913 : vector<16xf32>
        %add3A_918 = arith.addf %add3A_914, %add3A_915 : vector<16xf32>
        %add3A_919 = arith.addf %add3A_916, %add3A_917 : vector<16xf32>
        %add3A_920 = arith.addf %add3A_918, %add3A_919 : vector<16xf32>
        %swap3A_921 = arith.constant 80 : index
        %swap3A_922 = tpu.vector_load %arg13[%swap3A_921] {strides = array<i32>} : memref<256xf32, #tpu.memory_space<vmem>>, vector<16xf32>,
        tpu.vector_store %arg13[%swap3A_921], %add3A_920 {strides = array<i32>} : memref<256xf32, #tpu.memory_space<vmem>>, vector<16xf32>,
        %add3A_923 = arith.constant 6 : i32
        %add3A_924 = arith.addi %mul3A_522, %add3A_923 : i32
        %get3A_925 = arith.index_cast %add3A_924 : i32 to index
        %get3A_926 = arith.constant 0 : index
        %get3A_927 = tpu.vector_load %arg8[%get3A_925, %get3A_926] {strides = array<i32>} : memref<128x128xf32, #tpu.memory_space<vmem>>, vector<16xf32>,
        %get3A_928 = arith.index_cast %add3A_924 : i32 to index
        %get3A_929 = arith.constant 0 : index
        %get3A_930 = tpu.vector_load %arg10[%get3A_928, %get3A_929] {strides = array<i32>} : memref<128x128xf32, #tpu.memory_space<vmem>>, vector<16xf32>,
        %mul3A_931 = arith.mulf %get3A_927, %get3A_930 : vector<16xf32>
        %get3A_932 = arith.index_cast %add3A_924 : i32 to index
        %get3A_933 = arith.constant 16 : index
        %get3A_934 = tpu.vector_load %arg8[%get3A_932, %get3A_933] {strides = array<i32>} : memref<128x128xf32, #tpu.memory_space<vmem>>, vector<16xf32>,
        %get3A_935 = arith.index_cast %add3A_924 : i32 to index
        %get3A_936 = arith.constant 16 : index
        %get3A_937 = tpu.vector_load %arg10[%get3A_935, %get3A_936] {strides = array<i32>} : memref<128x128xf32, #tpu.memory_space<vmem>>, vector<16xf32>,
        %mul3A_938 = arith.mulf %get3A_934, %get3A_937 : vector<16xf32>
        %get3A_939 = arith.index_cast %add3A_924 : i32 to index
        %get3A_940 = arith.constant 32 : index
        %get3A_941 = tpu.vector_load %arg8[%get3A_939, %get3A_940] {strides = array<i32>} : memref<128x128xf32, #tpu.memory_space<vmem>>, vector<16xf32>,
        %get3A_942 = arith.index_cast %add3A_924 : i32 to index
        %get3A_943 = arith.constant 32 : index
        %get3A_944 = tpu.vector_load %arg10[%get3A_942, %get3A_943] {strides = array<i32>} : memref<128x128xf32, #tpu.memory_space<vmem>>, vector<16xf32>,
        %mul3A_945 = arith.mulf %get3A_941, %get3A_944 : vector<16xf32>
        %get3A_946 = arith.index_cast %add3A_924 : i32 to index
        %get3A_947 = arith.constant 48 : index
        %get3A_948 = tpu.vector_load %arg8[%get3A_946, %get3A_947] {strides = array<i32>} : memref<128x128xf32, #tpu.memory_space<vmem>>, vector<16xf32>,
        %get3A_949 = arith.index_cast %add3A_924 : i32 to index
        %get3A_950 = arith.constant 48 : index
        %get3A_951 = tpu.vector_load %arg10[%get3A_949, %get3A_950] {strides = array<i32>} : memref<128x128xf32, #tpu.memory_space<vmem>>, vector<16xf32>,
        %mul3A_952 = arith.mulf %get3A_948, %get3A_951 : vector<16xf32>
        %get3A_953 = arith.index_cast %add3A_924 : i32 to index
        %get3A_954 = arith.constant 64 : index
        %get3A_955 = tpu.vector_load %arg8[%get3A_953, %get3A_954] {strides = array<i32>} : memref<128x128xf32, #tpu.memory_space<vmem>>, vector<16xf32>,
        %get3A_956 = arith.index_cast %add3A_924 : i32 to index
        %get3A_957 = arith.constant 64 : index
        %get3A_958 = tpu.vector_load %arg10[%get3A_956, %get3A_957] {strides = array<i32>} : memref<128x128xf32, #tpu.memory_space<vmem>>, vector<16xf32>,
        %mul3A_959 = arith.mulf %get3A_955, %get3A_958 : vector<16xf32>
        %get3A_960 = arith.index_cast %add3A_924 : i32 to index
        %get3A_961 = arith.constant 80 : index
        %get3A_962 = tpu.vector_load %arg8[%get3A_960, %get3A_961] {strides = array<i32>} : memref<128x128xf32, #tpu.memory_space<vmem>>, vector<16xf32>,
        %get3A_963 = arith.index_cast %add3A_924 : i32 to index
        %get3A_964 = arith.constant 80 : index
        %get3A_965 = tpu.vector_load %arg10[%get3A_963, %get3A_964] {strides = array<i32>} : memref<128x128xf32, #tpu.memory_space<vmem>>, vector<16xf32>,
        %mul3A_966 = arith.mulf %get3A_962, %get3A_965 : vector<16xf32>
        %get3A_967 = arith.index_cast %add3A_924 : i32 to index
        %get3A_968 = arith.constant 96 : index
        %get3A_969 = tpu.vector_load %arg8[%get3A_967, %get3A_968] {strides = array<i32>} : memref<128x128xf32, #tpu.memory_space<vmem>>, vector<16xf32>,
        %get3A_970 = arith.index_cast %add3A_924 : i32 to index
        %get3A_971 = arith.constant 96 : index
        %get3A_972 = tpu.vector_load %arg10[%get3A_970, %get3A_971] {strides = array<i32>} : memref<128x128xf32, #tpu.memory_space<vmem>>, vector<16xf32>,
        %mul3A_973 = arith.mulf %get3A_969, %get3A_972 : vector<16xf32>
        %get3A_974 = arith.index_cast %add3A_924 : i32 to index
        %get3A_975 = arith.constant 112 : index
        %get3A_976 = tpu.vector_load %arg8[%get3A_974, %get3A_975] {strides = array<i32>} : memref<128x128xf32, #tpu.memory_space<vmem>>, vector<16xf32>,
        %get3A_977 = arith.index_cast %add3A_924 : i32 to index
        %get3A_978 = arith.constant 112 : index
        %get3A_979 = tpu.vector_load %arg10[%get3A_977, %get3A_978] {strides = array<i32>} : memref<128x128xf32, #tpu.memory_space<vmem>>, vector<16xf32>,
        %mul3A_980 = arith.mulf %get3A_976, %get3A_979 : vector<16xf32>
        %add3A_981 = arith.addf %mul3A_931, %mul3A_938 : vector<16xf32>
        %add3A_982 = arith.addf %mul3A_945, %mul3A_952 : vector<16xf32>
        %add3A_983 = arith.addf %mul3A_959, %mul3A_966 : vector<16xf32>
        %add3A_984 = arith.addf %mul3A_973, %mul3A_980 : vector<16xf32>
        %add3A_985 = arith.addf %add3A_981, %add3A_982 : vector<16xf32>
        %add3A_986 = arith.addf %add3A_983, %add3A_984 : vector<16xf32>
        %add3A_987 = arith.addf %add3A_985, %add3A_986 : vector<16xf32>
        %swap3A_988 = arith.constant 96 : index
        %swap3A_989 = tpu.vector_load %arg13[%swap3A_988] {strides = array<i32>} : memref<256xf32, #tpu.memory_space<vmem>>, vector<16xf32>,
        tpu.vector_store %arg13[%swap3A_988], %add3A_987 {strides = array<i32>} : memref<256xf32, #tpu.memory_space<vmem>>, vector<16xf32>,
        %add3A_990 = arith.constant 7 : i32
        %add3A_991 = arith.addi %mul3A_522, %add3A_990 : i32
        %get3A_992 = arith.index_cast %add3A_991 : i32 to index
        %get3A_993 = arith.constant 0 : index
        %get3A_994 = tpu.vector_load %arg8[%get3A_992, %get3A_993] {strides = array<i32>} : memref<128x128xf32, #tpu.memory_space<vmem>>, vector<16xf32>,
        %get3A_995 = arith.index_cast %add3A_991 : i32 to index
        %get3A_996 = arith.constant 0 : index
        %get3A_997 = tpu.vector_load %arg10[%get3A_995, %get3A_996] {strides = array<i32>} : memref<128x128xf32, #tpu.memory_space<vmem>>, vector<16xf32>,
        %mul3A_998 = arith.mulf %get3A_994, %get3A_997 : vector<16xf32>
        %get3A_999 = arith.index_cast %add3A_991 : i32 to index
        %get3A_1000 = arith.constant 16 : index
        %get3A_1001 = tpu.vector_load %arg8[%get3A_999, %get3A_1000] {strides = array<i32>} : memref<128x128xf32, #tpu.memory_space<vmem>>, vector<16xf32>,
        %get3A_1002 = arith.index_cast %add3A_991 : i32 to index
        %get3A_1003 = arith.constant 16 : index
        %get3A_1004 = tpu.vector_load %arg10[%get3A_1002, %get3A_1003] {strides = array<i32>} : memref<128x128xf32, #tpu.memory_space<vmem>>, vector<16xf32>,
        %mul3A_1005 = arith.mulf %get3A_1001, %get3A_1004 : vector<16xf32>
        %get3A_1006 = arith.index_cast %add3A_991 : i32 to index
        %get3A_1007 = arith.constant 32 : index
        %get3A_1008 = tpu.vector_load %arg8[%get3A_1006, %get3A_1007] {strides = array<i32>} : memref<128x128xf32, #tpu.memory_space<vmem>>, vector<16xf32>,
        %get3A_1009 = arith.index_cast %add3A_991 : i32 to index
        %get3A_1010 = arith.constant 32 : index
        %get3A_1011 = tpu.vector_load %arg10[%get3A_1009, %get3A_1010] {strides = array<i32>} : memref<128x128xf32, #tpu.memory_space<vmem>>, vector<16xf32>,
        %mul3A_1012 = arith.mulf %get3A_1008, %get3A_1011 : vector<16xf32>
        %get3A_1013 = arith.index_cast %add3A_991 : i32 to index
        %get3A_1014 = arith.constant 48 : index
        %get3A_1015 = tpu.vector_load %arg8[%get3A_1013, %get3A_1014] {strides = array<i32>} : memref<128x128xf32, #tpu.memory_space<vmem>>, vector<16xf32>,
        %get3A_1016 = arith.index_cast %add3A_991 : i32 to index
        %get3A_1017 = arith.constant 48 : index
        %get3A_1018 = tpu.vector_load %arg10[%get3A_1016, %get3A_1017] {strides = array<i32>} : memref<128x128xf32, #tpu.memory_space<vmem>>, vector<16xf32>,
        %mul3A_1019 = arith.mulf %get3A_1015, %get3A_1018 : vector<16xf32>
        %get3A_1020 = arith.index_cast %add3A_991 : i32 to index
        %get3A_1021 = arith.constant 64 : index
        %get3A_1022 = tpu.vector_load %arg8[%get3A_1020, %get3A_1021] {strides = array<i32>} : memref<128x128xf32, #tpu.memory_space<vmem>>, vector<16xf32>,
        %get3A_1023 = arith.index_cast %add3A_991 : i32 to index
        %get3A_1024 = arith.constant 64 : index
        %get3A_1025 = tpu.vector_load %arg10[%get3A_1023, %get3A_1024] {strides = array<i32>} : memref<128x128xf32, #tpu.memory_space<vmem>>, vector<16xf32>,
        %mul3A_1026 = arith.mulf %get3A_1022, %get3A_1025 : vector<16xf32>
        %get3A_1027 = arith.index_cast %add3A_991 : i32 to index
        %get3A_1028 = arith.constant 80 : index
        %get3A_1029 = tpu.vector_load %arg8[%get3A_1027, %get3A_1028] {strides = array<i32>} : memref<128x128xf32, #tpu.memory_space<vmem>>, vector<16xf32>,
        %get3A_1030 = arith.index_cast %add3A_991 : i32 to index
        %get3A_1031 = arith.constant 80 : index
        %get3A_1032 = tpu.vector_load %arg10[%get3A_1030, %get3A_1031] {strides = array<i32>} : memref<128x128xf32, #tpu.memory_space<vmem>>, vector<16xf32>,
        %mul3A_1033 = arith.mulf %get3A_1029, %get3A_1032 : vector<16xf32>
        %get3A_1034 = arith.index_cast %add3A_991 : i32 to index
        %get3A_1035 = arith.constant 96 : index
        %get3A_1036 = tpu.vector_load %arg8[%get3A_1034, %get3A_1035] {strides = array<i32>} : memref<128x128xf32, #tpu.memory_space<vmem>>, vector<16xf32>,
        %get3A_1037 = arith.index_cast %add3A_991 : i32 to index
        %get3A_1038 = arith.constant 96 : index
        %get3A_1039 = tpu.vector_load %arg10[%get3A_1037, %get3A_1038] {strides = array<i32>} : memref<128x128xf32, #tpu.memory_space<vmem>>, vector<16xf32>,
        %mul3A_1040 = arith.mulf %get3A_1036, %get3A_1039 : vector<16xf32>
        %get3A_1041 = arith.index_cast %add3A_991 : i32 to index
        %get3A_1042 = arith.constant 112 : index
        %get3A_1043 = tpu.vector_load %arg8[%get3A_1041, %get3A_1042] {strides = array<i32>} : memref<128x128xf32, #tpu.memory_space<vmem>>, vector<16xf32>,
        %get3A_1044 = arith.index_cast %add3A_991 : i32 to index
        %get3A_1045 = arith.constant 112 : index
        %get3A_1046 = tpu.vector_load %arg10[%get3A_1044, %get3A_1045] {strides = array<i32>} : memref<128x128xf32, #tpu.memory_space<vmem>>, vector<16xf32>,
        %mul3A_1047 = arith.mulf %get3A_1043, %get3A_1046 : vector<16xf32>
        %add3A_1048 = arith.addf %mul3A_998, %mul3A_1005 : vector<16xf32>
        %add3A_1049 = arith.addf %mul3A_1012, %mul3A_1019 : vector<16xf32>
        %add3A_1050 = arith.addf %mul3A_1026, %mul3A_1033 : vector<16xf32>
        %add3A_1051 = arith.addf %mul3A_1040, %mul3A_1047 : vector<16xf32>
        %add3A_1052 = arith.addf %add3A_1048, %add3A_1049 : vector<16xf32>
        %add3A_1053 = arith.addf %add3A_1050, %add3A_1051 : vector<16xf32>
        %add3A_1054 = arith.addf %add3A_1052, %add3A_1053 : vector<16xf32>
        %swap3A_1055 = arith.constant 112 : index
        %swap3A_1056 = tpu.vector_load %arg13[%swap3A_1055] {strides = array<i32>} : memref<256xf32, #tpu.memory_space<vmem>>, vector<16xf32>,
        tpu.vector_store %arg13[%swap3A_1055], %add3A_1054 {strides = array<i32>} : memref<256xf32, #tpu.memory_space<vmem>>, vector<16xf32>,
        %add3A_1057 = arith.constant 8 : i32
        %add3A_1058 = arith.addi %mul3A_522, %add3A_1057 : i32
        %get3A_1059 = arith.index_cast %add3A_1058 : i32 to index
        %get3A_1060 = arith.constant 0 : index
        %get3A_1061 = tpu.vector_load %arg8[%get3A_1059, %get3A_1060] {strides = array<i32>} : memref<128x128xf32, #tpu.memory_space<vmem>>, vector<16xf32>,
        %get3A_1062 = arith.index_cast %add3A_1058 : i32 to index
        %get3A_1063 = arith.constant 0 : index
        %get3A_1064 = tpu.vector_load %arg10[%get3A_1062, %get3A_1063] {strides = array<i32>} : memref<128x128xf32, #tpu.memory_space<vmem>>, vector<16xf32>,
        %mul3A_1065 = arith.mulf %get3A_1061, %get3A_1064 : vector<16xf32>
        %get3A_1066 = arith.index_cast %add3A_1058 : i32 to index
        %get3A_1067 = arith.constant 16 : index
        %get3A_1068 = tpu.vector_load %arg8[%get3A_1066, %get3A_1067] {strides = array<i32>} : memref<128x128xf32, #tpu.memory_space<vmem>>, vector<16xf32>,
        %get3A_1069 = arith.index_cast %add3A_1058 : i32 to index
        %get3A_1070 = arith.constant 16 : index
        %get3A_1071 = tpu.vector_load %arg10[%get3A_1069, %get3A_1070] {strides = array<i32>} : memref<128x128xf32, #tpu.memory_space<vmem>>, vector<16xf32>,
        %mul3A_1072 = arith.mulf %get3A_1068, %get3A_1071 : vector<16xf32>
        %get3A_1073 = arith.index_cast %add3A_1058 : i32 to index
        %get3A_1074 = arith.constant 32 : index
        %get3A_1075 = tpu.vector_load %arg8[%get3A_1073, %get3A_1074] {strides = array<i32>} : memref<128x128xf32, #tpu.memory_space<vmem>>, vector<16xf32>,
        %get3A_1076 = arith.index_cast %add3A_1058 : i32 to index
        %get3A_1077 = arith.constant 32 : index
        %get3A_1078 = tpu.vector_load %arg10[%get3A_1076, %get3A_1077] {strides = array<i32>} : memref<128x128xf32, #tpu.memory_space<vmem>>, vector<16xf32>,
        %mul3A_1079 = arith.mulf %get3A_1075, %get3A_1078 : vector<16xf32>
        %get3A_1080 = arith.index_cast %add3A_1058 : i32 to index
        %get3A_1081 = arith.constant 48 : index
        %get3A_1082 = tpu.vector_load %arg8[%get3A_1080, %get3A_1081] {strides = array<i32>} : memref<128x128xf32, #tpu.memory_space<vmem>>, vector<16xf32>,
        %get3A_1083 = arith.index_cast %add3A_1058 : i32 to index
        %get3A_1084 = arith.constant 48 : index
        %get3A_1085 = tpu.vector_load %arg10[%get3A_1083, %get3A_1084] {strides = array<i32>} : memref<128x128xf32, #tpu.memory_space<vmem>>, vector<16xf32>,
        %mul3A_1086 = arith.mulf %get3A_1082, %get3A_1085 : vector<16xf32>
        %get3A_1087 = arith.index_cast %add3A_1058 : i32 to index
        %get3A_1088 = arith.constant 64 : index
        %get3A_1089 = tpu.vector_load %arg8[%get3A_1087, %get3A_1088] {strides = array<i32>} : memref<128x128xf32, #tpu.memory_space<vmem>>, vector<16xf32>,
        %get3A_1090 = arith.index_cast %add3A_1058 : i32 to index
        %get3A_1091 = arith.constant 64 : index
        %get3A_1092 = tpu.vector_load %arg10[%get3A_1090, %get3A_1091] {strides = array<i32>} : memref<128x128xf32, #tpu.memory_space<vmem>>, vector<16xf32>,
        %mul3A_1093 = arith.mulf %get3A_1089, %get3A_1092 : vector<16xf32>
        %get3A_1094 = arith.index_cast %add3A_1058 : i32 to index
        %get3A_1095 = arith.constant 80 : index
        %get3A_1096 = tpu.vector_load %arg8[%get3A_1094, %get3A_1095] {strides = array<i32>} : memref<128x128xf32, #tpu.memory_space<vmem>>, vector<16xf32>,
        %get3A_1097 = arith.index_cast %add3A_1058 : i32 to index
        %get3A_1098 = arith.constant 80 : index
        %get3A_1099 = tpu.vector_load %arg10[%get3A_1097, %get3A_1098] {strides = array<i32>} : memref<128x128xf32, #tpu.memory_space<vmem>>, vector<16xf32>,
        %mul3A_1100 = arith.mulf %get3A_1096, %get3A_1099 : vector<16xf32>
        %get3A_1101 = arith.index_cast %add3A_1058 : i32 to index
        %get3A_1102 = arith.constant 96 : index
        %get3A_1103 = tpu.vector_load %arg8[%get3A_1101, %get3A_1102] {strides = array<i32>} : memref<128x128xf32, #tpu.memory_space<vmem>>, vector<16xf32>,
        %get3A_1104 = arith.index_cast %add3A_1058 : i32 to index
        %get3A_1105 = arith.constant 96 : index
        %get3A_1106 = tpu.vector_load %arg10[%get3A_1104, %get3A_1105] {strides = array<i32>} : memref<128x128xf32, #tpu.memory_space<vmem>>, vector<16xf32>,
        %mul3A_1107 = arith.mulf %get3A_1103, %get3A_1106 : vector<16xf32>
        %get3A_1108 = arith.index_cast %add3A_1058 : i32 to index
        %get3A_1109 = arith.constant 112 : index
        %get3A_1110 = tpu.vector_load %arg8[%get3A_1108, %get3A_1109] {strides = array<i32>} : memref<128x128xf32, #tpu.memory_space<vmem>>, vector<16xf32>,
        %get3A_1111 = arith.index_cast %add3A_1058 : i32 to index
        %get3A_1112 = arith.constant 112 : index
        %get3A_1113 = tpu.vector_load %arg10[%get3A_1111, %get3A_1112] {strides = array<i32>} : memref<128x128xf32, #tpu.memory_space<vmem>>, vector<16xf32>,
        %mul3A_1114 = arith.mulf %get3A_1110, %get3A_1113 : vector<16xf32>
        %add3A_1115 = arith.addf %mul3A_1065, %mul3A_1072 : vector<16xf32>
        %add3A_1116 = arith.addf %mul3A_1079, %mul3A_1086 : vector<16xf32>
        %add3A_1117 = arith.addf %mul3A_1093, %mul3A_1100 : vector<16xf32>
        %add3A_1118 = arith.addf %mul3A_1107, %mul3A_1114 : vector<16xf32>
        %add3A_1119 = arith.addf %add3A_1115, %add3A_1116 : vector<16xf32>
        %add3A_1120 = arith.addf %add3A_1117, %add3A_1118 : vector<16xf32>
        %add3A_1121 = arith.addf %add3A_1119, %add3A_1120 : vector<16xf32>
        %swap3A_1122 = arith.constant 128 : index
        %swap3A_1123 = tpu.vector_load %arg13[%swap3A_1122] {strides = array<i32>} : memref<256xf32, #tpu.memory_space<vmem>>, vector<16xf32>,
        tpu.vector_store %arg13[%swap3A_1122], %add3A_1121 {strides = array<i32>} : memref<256xf32, #tpu.memory_space<vmem>>, vector<16xf32>,
        %add3A_1124 = arith.constant 9 : i32
        %add3A_1125 = arith.addi %mul3A_522, %add3A_1124 : i32
        %get3A_1126 = arith.index_cast %add3A_1125 : i32 to index
        %get3A_1127 = arith.constant 0 : index
        %get3A_1128 = tpu.vector_load %arg8[%get3A_1126, %get3A_1127] {strides = array<i32>} : memref<128x128xf32, #tpu.memory_space<vmem>>, vector<16xf32>,
        %get3A_1129 = arith.index_cast %add3A_1125 : i32 to index
        %get3A_1130 = arith.constant 0 : index
        %get3A_1131 = tpu.vector_load %arg10[%get3A_1129, %get3A_1130] {strides = array<i32>} : memref<128x128xf32, #tpu.memory_space<vmem>>, vector<16xf32>,
        %mul3A_1132 = arith.mulf %get3A_1128, %get3A_1131 : vector<16xf32>
        %get3A_1133 = arith.index_cast %add3A_1125 : i32 to index
        %get3A_1134 = arith.constant 16 : index
        %get3A_1135 = tpu.vector_load %arg8[%get3A_1133, %get3A_1134] {strides = array<i32>} : memref<128x128xf32, #tpu.memory_space<vmem>>, vector<16xf32>,
        %get3A_1136 = arith.index_cast %add3A_1125 : i32 to index
        %get3A_1137 = arith.constant 16 : index
        %get3A_1138 = tpu.vector_load %arg10[%get3A_1136, %get3A_1137] {strides = array<i32>} : memref<128x128xf32, #tpu.memory_space<vmem>>, vector<16xf32>,
        %mul3A_1139 = arith.mulf %get3A_1135, %get3A_1138 : vector<16xf32>
        %get3A_1140 = arith.index_cast %add3A_1125 : i32 to index
        %get3A_1141 = arith.constant 32 : index
        %get3A_1142 = tpu.vector_load %arg8[%get3A_1140, %get3A_1141] {strides = array<i32>} : memref<128x128xf32, #tpu.memory_space<vmem>>, vector<16xf32>,
        %get3A_1143 = arith.index_cast %add3A_1125 : i32 to index
        %get3A_1144 = arith.constant 32 : index
        %get3A_1145 = tpu.vector_load %arg10[%get3A_1143, %get3A_1144] {strides = array<i32>} : memref<128x128xf32, #tpu.memory_space<vmem>>, vector<16xf32>,
        %mul3A_1146 = arith.mulf %get3A_1142, %get3A_1145 : vector<16xf32>
        %get3A_1147 = arith.index_cast %add3A_1125 : i32 to index
        %get3A_1148 = arith.constant 48 : index
        %get3A_1149 = tpu.vector_load %arg8[%get3A_1147, %get3A_1148] {strides = array<i32>} : memref<128x128xf32, #tpu.memory_space<vmem>>, vector<16xf32>,
        %get3A_1150 = arith.index_cast %add3A_1125 : i32 to index
        %get3A_1151 = arith.constant 48 : index
        %get3A_1152 = tpu.vector_load %arg10[%get3A_1150, %get3A_1151] {strides = array<i32>} : memref<128x128xf32, #tpu.memory_space<vmem>>, vector<16xf32>,
        %mul3A_1153 = arith.mulf %get3A_1149, %get3A_1152 : vector<16xf32>
        %get3A_1154 = arith.index_cast %add3A_1125 : i32 to index
        %get3A_1155 = arith.constant 64 : index
        %get3A_1156 = tpu.vector_load %arg8[%get3A_1154, %get3A_1155] {strides = array<i32>} : memref<128x128xf32, #tpu.memory_space<vmem>>, vector<16xf32>,
        %get3A_1157 = arith.index_cast %add3A_1125 : i32 to index
        %get3A_1158 = arith.constant 64 : index
        %get3A_1159 = tpu.vector_load %arg10[%get3A_1157, %get3A_1158] {strides = array<i32>} : memref<128x128xf32, #tpu.memory_space<vmem>>, vector<16xf32>,
        %mul3A_1160 = arith.mulf %get3A_1156, %get3A_1159 : vector<16xf32>
        %get3A_1161 = arith.index_cast %add3A_1125 : i32 to index
        %get3A_1162 = arith.constant 80 : index
        %get3A_1163 = tpu.vector_load %arg8[%get3A_1161, %get3A_1162] {strides = array<i32>} : memref<128x128xf32, #tpu.memory_space<vmem>>, vector<16xf32>,
        %get3A_1164 = arith.index_cast %add3A_1125 : i32 to index
        %get3A_1165 = arith.constant 80 : index
        %get3A_1166 = tpu.vector_load %arg10[%get3A_1164, %get3A_1165] {strides = array<i32>} : memref<128x128xf32, #tpu.memory_space<vmem>>, vector<16xf32>,
        %mul3A_1167 = arith.mulf %get3A_1163, %get3A_1166 : vector<16xf32>
        %get3A_1168 = arith.index_cast %add3A_1125 : i32 to index
        %get3A_1169 = arith.constant 96 : index
        %get3A_1170 = tpu.vector_load %arg8[%get3A_1168, %get3A_1169] {strides = array<i32>} : memref<128x128xf32, #tpu.memory_space<vmem>>, vector<16xf32>,
        %get3A_1171 = arith.index_cast %add3A_1125 : i32 to index
        %get3A_1172 = arith.constant 96 : index
        %get3A_1173 = tpu.vector_load %arg10[%get3A_1171, %get3A_1172] {strides = array<i32>} : memref<128x128xf32, #tpu.memory_space<vmem>>, vector<16xf32>,
        %mul3A_1174 = arith.mulf %get3A_1170, %get3A_1173 : vector<16xf32>
        %get3A_1175 = arith.index_cast %add3A_1125 : i32 to index
        %get3A_1176 = arith.constant 112 : index
        %get3A_1177 = tpu.vector_load %arg8[%get3A_1175, %get3A_1176] {strides = array<i32>} : memref<128x128xf32, #tpu.memory_space<vmem>>, vector<16xf32>,
        %get3A_1178 = arith.index_cast %add3A_1125 : i32 to index
        %get3A_1179 = arith.constant 112 : index
        %get3A_1180 = tpu.vector_load %arg10[%get3A_1178, %get3A_1179] {strides = array<i32>} : memref<128x128xf32, #tpu.memory_space<vmem>>, vector<16xf32>,
        %mul3A_1181 = arith.mulf %get3A_1177, %get3A_1180 : vector<16xf32>
        %add3A_1182 = arith.addf %mul3A_1132, %mul3A_1139 : vector<16xf32>
        %add3A_1183 = arith.addf %mul3A_1146, %mul3A_1153 : vector<16xf32>
        %add3A_1184 = arith.addf %mul3A_1160, %mul3A_1167 : vector<16xf32>
        %add3A_1185 = arith.addf %mul3A_1174, %mul3A_1181 : vector<16xf32>
        %add3A_1186 = arith.addf %add3A_1182, %add3A_1183 : vector<16xf32>
        %add3A_1187 = arith.addf %add3A_1184, %add3A_1185 : vector<16xf32>
        %add3A_1188 = arith.addf %add3A_1186, %add3A_1187 : vector<16xf32>
        %swap3A_1189 = arith.constant 144 : index
        %swap3A_1190 = tpu.vector_load %arg13[%swap3A_1189] {strides = array<i32>} : memref<256xf32, #tpu.memory_space<vmem>>, vector<16xf32>,
        tpu.vector_store %arg13[%swap3A_1189], %add3A_1188 {strides = array<i32>} : memref<256xf32, #tpu.memory_space<vmem>>, vector<16xf32>,
        %add3A_1191 = arith.constant 10 : i32
        %add3A_1192 = arith.addi %mul3A_522, %add3A_1191 : i32
        %get3A_1193 = arith.index_cast %add3A_1192 : i32 to index
        %get3A_1194 = arith.constant 0 : index
        %get3A_1195 = tpu.vector_load %arg8[%get3A_1193, %get3A_1194] {strides = array<i32>} : memref<128x128xf32, #tpu.memory_space<vmem>>, vector<16xf32>,
        %get3A_1196 = arith.index_cast %add3A_1192 : i32 to index
        %get3A_1197 = arith.constant 0 : index
        %get3A_1198 = tpu.vector_load %arg10[%get3A_1196, %get3A_1197] {strides = array<i32>} : memref<128x128xf32, #tpu.memory_space<vmem>>, vector<16xf32>,
        %mul3A_1199 = arith.mulf %get3A_1195, %get3A_1198 : vector<16xf32>
        %get3A_1200 = arith.index_cast %add3A_1192 : i32 to index
        %get3A_1201 = arith.constant 16 : index
        %get3A_1202 = tpu.vector_load %arg8[%get3A_1200, %get3A_1201] {strides = array<i32>} : memref<128x128xf32, #tpu.memory_space<vmem>>, vector<16xf32>,
        %get3A_1203 = arith.index_cast %add3A_1192 : i32 to index
        %get3A_1204 = arith.constant 16 : index
        %get3A_1205 = tpu.vector_load %arg10[%get3A_1203, %get3A_1204] {strides = array<i32>} : memref<128x128xf32, #tpu.memory_space<vmem>>, vector<16xf32>,
        %mul3A_1206 = arith.mulf %get3A_1202, %get3A_1205 : vector<16xf32>
        %get3A_1207 = arith.index_cast %add3A_1192 : i32 to index
        %get3A_1208 = arith.constant 32 : index
        %get3A_1209 = tpu.vector_load %arg8[%get3A_1207, %get3A_1208] {strides = array<i32>} : memref<128x128xf32, #tpu.memory_space<vmem>>, vector<16xf32>,
        %get3A_1210 = arith.index_cast %add3A_1192 : i32 to index
        %get3A_1211 = arith.constant 32 : index
        %get3A_1212 = tpu.vector_load %arg10[%get3A_1210, %get3A_1211] {strides = array<i32>} : memref<128x128xf32, #tpu.memory_space<vmem>>, vector<16xf32>,
        %mul3A_1213 = arith.mulf %get3A_1209, %get3A_1212 : vector<16xf32>
        %get3A_1214 = arith.index_cast %add3A_1192 : i32 to index
        %get3A_1215 = arith.constant 48 : index
        %get3A_1216 = tpu.vector_load %arg8[%get3A_1214, %get3A_1215] {strides = array<i32>} : memref<128x128xf32, #tpu.memory_space<vmem>>, vector<16xf32>,
        %get3A_1217 = arith.index_cast %add3A_1192 : i32 to index
        %get3A_1218 = arith.constant 48 : index
        %get3A_1219 = tpu.vector_load %arg10[%get3A_1217, %get3A_1218] {strides = array<i32>} : memref<128x128xf32, #tpu.memory_space<vmem>>, vector<16xf32>,
        %mul3A_1220 = arith.mulf %get3A_1216, %get3A_1219 : vector<16xf32>
        %get3A_1221 = arith.index_cast %add3A_1192 : i32 to index
        %get3A_1222 = arith.constant 64 : index
        %get3A_1223 = tpu.vector_load %arg8[%get3A_1221, %get3A_1222] {strides = array<i32>} : memref<128x128xf32, #tpu.memory_space<vmem>>, vector<16xf32>,
        %get3A_1224 = arith.index_cast %add3A_1192 : i32 to index
        %get3A_1225 = arith.constant 64 : index
        %get3A_1226 = tpu.vector_load %arg10[%get3A_1224, %get3A_1225] {strides = array<i32>} : memref<128x128xf32, #tpu.memory_space<vmem>>, vector<16xf32>,
        %mul3A_1227 = arith.mulf %get3A_1223, %get3A_1226 : vector<16xf32>
        %get3A_1228 = arith.index_cast %add3A_1192 : i32 to index
        %get3A_1229 = arith.constant 80 : index
        %get3A_1230 = tpu.vector_load %arg8[%get3A_1228, %get3A_1229] {strides = array<i32>} : memref<128x128xf32, #tpu.memory_space<vmem>>, vector<16xf32>,
        %get3A_1231 = arith.index_cast %add3A_1192 : i32 to index
        %get3A_1232 = arith.constant 80 : index
        %get3A_1233 = tpu.vector_load %arg10[%get3A_1231, %get3A_1232] {strides = array<i32>} : memref<128x128xf32, #tpu.memory_space<vmem>>, vector<16xf32>,
        %mul3A_1234 = arith.mulf %get3A_1230, %get3A_1233 : vector<16xf32>
        %get3A_1235 = arith.index_cast %add3A_1192 : i32 to index
        %get3A_1236 = arith.constant 96 : index
        %get3A_1237 = tpu.vector_load %arg8[%get3A_1235, %get3A_1236] {strides = array<i32>} : memref<128x128xf32, #tpu.memory_space<vmem>>, vector<16xf32>,
        %get3A_1238 = arith.index_cast %add3A_1192 : i32 to index
        %get3A_1239 = arith.constant 96 : index
        %get3A_1240 = tpu.vector_load %arg10[%get3A_1238, %get3A_1239] {strides = array<i32>} : memref<128x128xf32, #tpu.memory_space<vmem>>, vector<16xf32>,
        %mul3A_1241 = arith.mulf %get3A_1237, %get3A_1240 : vector<16xf32>
        %get3A_1242 = arith.index_cast %add3A_1192 : i32 to index
        %get3A_1243 = arith.constant 112 : index
        %get3A_1244 = tpu.vector_load %arg8[%get3A_1242, %get3A_1243] {strides = array<i32>} : memref<128x128xf32, #tpu.memory_space<vmem>>, vector<16xf32>,
        %get3A_1245 = arith.index_cast %add3A_1192 : i32 to index
        %get3A_1246 = arith.constant 112 : index
        %get3A_1247 = tpu.vector_load %arg10[%get3A_1245, %get3A_1246] {strides = array<i32>} : memref<128x128xf32, #tpu.memory_space<vmem>>, vector<16xf32>,
        %mul3A_1248 = arith.mulf %get3A_1244, %get3A_1247 : vector<16xf32>
        %add3A_1249 = arith.addf %mul3A_1199, %mul3A_1206 : vector<16xf32>
        %add3A_1250 = arith.addf %mul3A_1213, %mul3A_1220 : vector<16xf32>
        %add3A_1251 = arith.addf %mul3A_1227, %mul3A_1234 : vector<16xf32>
        %add3A_1252 = arith.addf %mul3A_1241, %mul3A_1248 : vector<16xf32>
        %add3A_1253 = arith.addf %add3A_1249, %add3A_1250 : vector<16xf32>
        %add3A_1254 = arith.addf %add3A_1251, %add3A_1252 : vector<16xf32>
        %add3A_1255 = arith.addf %add3A_1253, %add3A_1254 : vector<16xf32>
        %swap3A_1256 = arith.constant 160 : index
        %swap3A_1257 = tpu.vector_load %arg13[%swap3A_1256] {strides = array<i32>} : memref<256xf32, #tpu.memory_space<vmem>>, vector<16xf32>,
        tpu.vector_store %arg13[%swap3A_1256], %add3A_1255 {strides = array<i32>} : memref<256xf32, #tpu.memory_space<vmem>>, vector<16xf32>,
        %add3A_1258 = arith.constant 11 : i32
        %add3A_1259 = arith.addi %mul3A_522, %add3A_1258 : i32
        %get3A_1260 = arith.index_cast %add3A_1259 : i32 to index
        %get3A_1261 = arith.constant 0 : index
        %get3A_1262 = tpu.vector_load %arg8[%get3A_1260, %get3A_1261] {strides = array<i32>} : memref<128x128xf32, #tpu.memory_space<vmem>>, vector<16xf32>,
        %get3A_1263 = arith.index_cast %add3A_1259 : i32 to index
        %get3A_1264 = arith.constant 0 : index
        %get3A_1265 = tpu.vector_load %arg10[%get3A_1263, %get3A_1264] {strides = array<i32>} : memref<128x128xf32, #tpu.memory_space<vmem>>, vector<16xf32>,
        %mul3A_1266 = arith.mulf %get3A_1262, %get3A_1265 : vector<16xf32>
        %get3A_1267 = arith.index_cast %add3A_1259 : i32 to index
        %get3A_1268 = arith.constant 16 : index
        %get3A_1269 = tpu.vector_load %arg8[%get3A_1267, %get3A_1268] {strides = array<i32>} : memref<128x128xf32, #tpu.memory_space<vmem>>, vector<16xf32>,
        %get3A_1270 = arith.index_cast %add3A_1259 : i32 to index
        %get3A_1271 = arith.constant 16 : index
        %get3A_1272 = tpu.vector_load %arg10[%get3A_1270, %get3A_1271] {strides = array<i32>} : memref<128x128xf32, #tpu.memory_space<vmem>>, vector<16xf32>,
        %mul3A_1273 = arith.mulf %get3A_1269, %get3A_1272 : vector<16xf32>
        %get3A_1274 = arith.index_cast %add3A_1259 : i32 to index
        %get3A_1275 = arith.constant 32 : index
        %get3A_1276 = tpu.vector_load %arg8[%get3A_1274, %get3A_1275] {strides = array<i32>} : memref<128x128xf32, #tpu.memory_space<vmem>>, vector<16xf32>,
        %get3A_1277 = arith.index_cast %add3A_1259 : i32 to index
        %get3A_1278 = arith.constant 32 : index
        %get3A_1279 = tpu.vector_load %arg10[%get3A_1277, %get3A_1278] {strides = array<i32>} : memref<128x128xf32, #tpu.memory_space<vmem>>, vector<16xf32>,
        %mul3A_1280 = arith.mulf %get3A_1276, %get3A_1279 : vector<16xf32>
        %get3A_1281 = arith.index_cast %add3A_1259 : i32 to index
        %get3A_1282 = arith.constant 48 : index
        %get3A_1283 = tpu.vector_load %arg8[%get3A_1281, %get3A_1282] {strides = array<i32>} : memref<128x128xf32, #tpu.memory_space<vmem>>, vector<16xf32>,
        %get3A_1284 = arith.index_cast %add3A_1259 : i32 to index
        %get3A_1285 = arith.constant 48 : index
        %get3A_1286 = tpu.vector_load %arg10[%get3A_1284, %get3A_1285] {strides = array<i32>} : memref<128x128xf32, #tpu.memory_space<vmem>>, vector<16xf32>,
        %mul3A_1287 = arith.mulf %get3A_1283, %get3A_1286 : vector<16xf32>
        %get3A_1288 = arith.index_cast %add3A_1259 : i32 to index
        %get3A_1289 = arith.constant 64 : index
        %get3A_1290 = tpu.vector_load %arg8[%get3A_1288, %get3A_1289] {strides = array<i32>} : memref<128x128xf32, #tpu.memory_space<vmem>>, vector<16xf32>,
        %get3A_1291 = arith.index_cast %add3A_1259 : i32 to index
        %get3A_1292 = arith.constant 64 : index
        %get3A_1293 = tpu.vector_load %arg10[%get3A_1291, %get3A_1292] {strides = array<i32>} : memref<128x128xf32, #tpu.memory_space<vmem>>, vector<16xf32>,
        %mul3A_1294 = arith.mulf %get3A_1290, %get3A_1293 : vector<16xf32>
        %get3A_1295 = arith.index_cast %add3A_1259 : i32 to index
        %get3A_1296 = arith.constant 80 : index
        %get3A_1297 = tpu.vector_load %arg8[%get3A_1295, %get3A_1296] {strides = array<i32>} : memref<128x128xf32, #tpu.memory_space<vmem>>, vector<16xf32>,
        %get3A_1298 = arith.index_cast %add3A_1259 : i32 to index
        %get3A_1299 = arith.constant 80 : index
        %get3A_1300 = tpu.vector_load %arg10[%get3A_1298, %get3A_1299] {strides = array<i32>} : memref<128x128xf32, #tpu.memory_space<vmem>>, vector<16xf32>,
        %mul3A_1301 = arith.mulf %get3A_1297, %get3A_1300 : vector<16xf32>
        %get3A_1302 = arith.index_cast %add3A_1259 : i32 to index
        %get3A_1303 = arith.constant 96 : index
        %get3A_1304 = tpu.vector_load %arg8[%get3A_1302, %get3A_1303] {strides = array<i32>} : memref<128x128xf32, #tpu.memory_space<vmem>>, vector<16xf32>,
        %get3A_1305 = arith.index_cast %add3A_1259 : i32 to index
        %get3A_1306 = arith.constant 96 : index
        %get3A_1307 = tpu.vector_load %arg10[%get3A_1305, %get3A_1306] {strides = array<i32>} : memref<128x128xf32, #tpu.memory_space<vmem>>, vector<16xf32>,
        %mul3A_1308 = arith.mulf %get3A_1304, %get3A_1307 : vector<16xf32>
        %get3A_1309 = arith.index_cast %add3A_1259 : i32 to index
        %get3A_1310 = arith.constant 112 : index
        %get3A_1311 = tpu.vector_load %arg8[%get3A_1309, %get3A_1310] {strides = array<i32>} : memref<128x128xf32, #tpu.memory_space<vmem>>, vector<16xf32>,
        %get3A_1312 = arith.index_cast %add3A_1259 : i32 to index
        %get3A_1313 = arith.constant 112 : index
        %get3A_1314 = tpu.vector_load %arg10[%get3A_1312, %get3A_1313] {strides = array<i32>} : memref<128x128xf32, #tpu.memory_space<vmem>>, vector<16xf32>,
        %mul3A_1315 = arith.mulf %get3A_1311, %get3A_1314 : vector<16xf32>
        %add3A_1316 = arith.addf %mul3A_1266, %mul3A_1273 : vector<16xf32>
        %add3A_1317 = arith.addf %mul3A_1280, %mul3A_1287 : vector<16xf32>
        %add3A_1318 = arith.addf %mul3A_1294, %mul3A_1301 : vector<16xf32>
        %add3A_1319 = arith.addf %mul3A_1308, %mul3A_1315 : vector<16xf32>
        %add3A_1320 = arith.addf %add3A_1316, %add3A_1317 : vector<16xf32>
        %add3A_1321 = arith.addf %add3A_1318, %add3A_1319 : vector<16xf32>
        %add3A_1322 = arith.addf %add3A_1320, %add3A_1321 : vector<16xf32>
        %swap3A_1323 = arith.constant 176 : index
        %swap3A_1324 = tpu.vector_load %arg13[%swap3A_1323] {strides = array<i32>} : memref<256xf32, #tpu.memory_space<vmem>>, vector<16xf32>,
        tpu.vector_store %arg13[%swap3A_1323], %add3A_1322 {strides = array<i32>} : memref<256xf32, #tpu.memory_space<vmem>>, vector<16xf32>,
        %add3A_1325 = arith.constant 12 : i32
        %add3A_1326 = arith.addi %mul3A_522, %add3A_1325 : i32
        %get3A_1327 = arith.index_cast %add3A_1326 : i32 to index
        %get3A_1328 = arith.constant 0 : index
        %get3A_1329 = tpu.vector_load %arg8[%get3A_1327, %get3A_1328] {strides = array<i32>} : memref<128x128xf32, #tpu.memory_space<vmem>>, vector<16xf32>,
        %get3A_1330 = arith.index_cast %add3A_1326 : i32 to index
        %get3A_1331 = arith.constant 0 : index
        %get3A_1332 = tpu.vector_load %arg10[%get3A_1330, %get3A_1331] {strides = array<i32>} : memref<128x128xf32, #tpu.memory_space<vmem>>, vector<16xf32>,
        %mul3A_1333 = arith.mulf %get3A_1329, %get3A_1332 : vector<16xf32>
        %get3A_1334 = arith.index_cast %add3A_1326 : i32 to index
        %get3A_1335 = arith.constant 16 : index
        %get3A_1336 = tpu.vector_load %arg8[%get3A_1334, %get3A_1335] {strides = array<i32>} : memref<128x128xf32, #tpu.memory_space<vmem>>, vector<16xf32>,
        %get3A_1337 = arith.index_cast %add3A_1326 : i32 to index
        %get3A_1338 = arith.constant 16 : index
        %get3A_1339 = tpu.vector_load %arg10[%get3A_1337, %get3A_1338] {strides = array<i32>} : memref<128x128xf32, #tpu.memory_space<vmem>>, vector<16xf32>,
        %mul3A_1340 = arith.mulf %get3A_1336, %get3A_1339 : vector<16xf32>
        %get3A_1341 = arith.index_cast %add3A_1326 : i32 to index
        %get3A_1342 = arith.constant 32 : index
        %get3A_1343 = tpu.vector_load %arg8[%get3A_1341, %get3A_1342] {strides = array<i32>} : memref<128x128xf32, #tpu.memory_space<vmem>>, vector<16xf32>,
        %get3A_1344 = arith.index_cast %add3A_1326 : i32 to index
        %get3A_1345 = arith.constant 32 : index
        %get3A_1346 = tpu.vector_load %arg10[%get3A_1344, %get3A_1345] {strides = array<i32>} : memref<128x128xf32, #tpu.memory_space<vmem>>, vector<16xf32>,
        %mul3A_1347 = arith.mulf %get3A_1343, %get3A_1346 : vector<16xf32>
        %get3A_1348 = arith.index_cast %add3A_1326 : i32 to index
        %get3A_1349 = arith.constant 48 : index
        %get3A_1350 = tpu.vector_load %arg8[%get3A_1348, %get3A_1349] {strides = array<i32>} : memref<128x128xf32, #tpu.memory_space<vmem>>, vector<16xf32>,
        %get3A_1351 = arith.index_cast %add3A_1326 : i32 to index
        %get3A_1352 = arith.constant 48 : index
        %get3A_1353 = tpu.vector_load %arg10[%get3A_1351, %get3A_1352] {strides = array<i32>} : memref<128x128xf32, #tpu.memory_space<vmem>>, vector<16xf32>,
        %mul3A_1354 = arith.mulf %get3A_1350, %get3A_1353 : vector<16xf32>
        %get3A_1355 = arith.index_cast %add3A_1326 : i32 to index
        %get3A_1356 = arith.constant 64 : index
        %get3A_1357 = tpu.vector_load %arg8[%get3A_1355, %get3A_1356] {strides = array<i32>} : memref<128x128xf32, #tpu.memory_space<vmem>>, vector<16xf32>,
        %get3A_1358 = arith.index_cast %add3A_1326 : i32 to index
        %get3A_1359 = arith.constant 64 : index
        %get3A_1360 = tpu.vector_load %arg10[%get3A_1358, %get3A_1359] {strides = array<i32>} : memref<128x128xf32, #tpu.memory_space<vmem>>, vector<16xf32>,
        %mul3A_1361 = arith.mulf %get3A_1357, %get3A_1360 : vector<16xf32>
        %get3A_1362 = arith.index_cast %add3A_1326 : i32 to index
        %get3A_1363 = arith.constant 80 : index
        %get3A_1364 = tpu.vector_load %arg8[%get3A_1362, %get3A_1363] {strides = array<i32>} : memref<128x128xf32, #tpu.memory_space<vmem>>, vector<16xf32>,
        %get3A_1365 = arith.index_cast %add3A_1326 : i32 to index
        %get3A_1366 = arith.constant 80 : index
        %get3A_1367 = tpu.vector_load %arg10[%get3A_1365, %get3A_1366] {strides = array<i32>} : memref<128x128xf32, #tpu.memory_space<vmem>>, vector<16xf32>,
        %mul3A_1368 = arith.mulf %get3A_1364, %get3A_1367 : vector<16xf32>
        %get3A_1369 = arith.index_cast %add3A_1326 : i32 to index
        %get3A_1370 = arith.constant 96 : index
        %get3A_1371 = tpu.vector_load %arg8[%get3A_1369, %get3A_1370] {strides = array<i32>} : memref<128x128xf32, #tpu.memory_space<vmem>>, vector<16xf32>,
        %get3A_1372 = arith.index_cast %add3A_1326 : i32 to index
        %get3A_1373 = arith.constant 96 : index
        %get3A_1374 = tpu.vector_load %arg10[%get3A_1372, %get3A_1373] {strides = array<i32>} : memref<128x128xf32, #tpu.memory_space<vmem>>, vector<16xf32>,
        %mul3A_1375 = arith.mulf %get3A_1371, %get3A_1374 : vector<16xf32>
        %get3A_1376 = arith.index_cast %add3A_1326 : i32 to index
        %get3A_1377 = arith.constant 112 : index
        %get3A_1378 = tpu.vector_load %arg8[%get3A_1376, %get3A_1377] {strides = array<i32>} : memref<128x128xf32, #tpu.memory_space<vmem>>, vector<16xf32>,
        %get3A_1379 = arith.index_cast %add3A_1326 : i32 to index
        %get3A_1380 = arith.constant 112 : index
        %get3A_1381 = tpu.vector_load %arg10[%get3A_1379, %get3A_1380] {strides = array<i32>} : memref<128x128xf32, #tpu.memory_space<vmem>>, vector<16xf32>,
        %mul3A_1382 = arith.mulf %get3A_1378, %get3A_1381 : vector<16xf32>
        %add3A_1383 = arith.addf %mul3A_1333, %mul3A_1340 : vector<16xf32>
        %add3A_1384 = arith.addf %mul3A_1347, %mul3A_1354 : vector<16xf32>
        %add3A_1385 = arith.addf %mul3A_1361, %mul3A_1368 : vector<16xf32>
        %add3A_1386 = arith.addf %mul3A_1375, %mul3A_1382 : vector<16xf32>
        %add3A_1387 = arith.addf %add3A_1383, %add3A_1384 : vector<16xf32>
        %add3A_1388 = arith.addf %add3A_1385, %add3A_1386 : vector<16xf32>
        %add3A_1389 = arith.addf %add3A_1387, %add3A_1388 : vector<16xf32>
        %swap3A_1390 = arith.constant 192 : index
        %swap3A_1391 = tpu.vector_load %arg13[%swap3A_1390] {strides = array<i32>} : memref<256xf32, #tpu.memory_space<vmem>>, vector<16xf32>,
        tpu.vector_store %arg13[%swap3A_1390], %add3A_1389 {strides = array<i32>} : memref<256xf32, #tpu.memory_space<vmem>>, vector<16xf32>,
        %add3A_1392 = arith.constant 13 : i32
        %add3A_1393 = arith.addi %mul3A_522, %add3A_1392 : i32
        %get3A_1394 = arith.index_cast %add3A_1393 : i32 to index
        %get3A_1395 = arith.constant 0 : index
        %get3A_1396 = tpu.vector_load %arg8[%get3A_1394, %get3A_1395] {strides = array<i32>} : memref<128x128xf32, #tpu.memory_space<vmem>>, vector<16xf32>,
        %get3A_1397 = arith.index_cast %add3A_1393 : i32 to index
        %get3A_1398 = arith.constant 0 : index
        %get3A_1399 = tpu.vector_load %arg10[%get3A_1397, %get3A_1398] {strides = array<i32>} : memref<128x128xf32, #tpu.memory_space<vmem>>, vector<16xf32>,
        %mul3A_1400 = arith.mulf %get3A_1396, %get3A_1399 : vector<16xf32>
        %get3A_1401 = arith.index_cast %add3A_1393 : i32 to index
        %get3A_1402 = arith.constant 16 : index
        %get3A_1403 = tpu.vector_load %arg8[%get3A_1401, %get3A_1402] {strides = array<i32>} : memref<128x128xf32, #tpu.memory_space<vmem>>, vector<16xf32>,
        %get3A_1404 = arith.index_cast %add3A_1393 : i32 to index
        %get3A_1405 = arith.constant 16 : index
        %get3A_1406 = tpu.vector_load %arg10[%get3A_1404, %get3A_1405] {strides = array<i32>} : memref<128x128xf32, #tpu.memory_space<vmem>>, vector<16xf32>,
        %mul3A_1407 = arith.mulf %get3A_1403, %get3A_1406 : vector<16xf32>
        %get3A_1408 = arith.index_cast %add3A_1393 : i32 to index
        %get3A_1409 = arith.constant 32 : index
        %get3A_1410 = tpu.vector_load %arg8[%get3A_1408, %get3A_1409] {strides = array<i32>} : memref<128x128xf32, #tpu.memory_space<vmem>>, vector<16xf32>,
        %get3A_1411 = arith.index_cast %add3A_1393 : i32 to index
        %get3A_1412 = arith.constant 32 : index
        %get3A_1413 = tpu.vector_load %arg10[%get3A_1411, %get3A_1412] {strides = array<i32>} : memref<128x128xf32, #tpu.memory_space<vmem>>, vector<16xf32>,
        %mul3A_1414 = arith.mulf %get3A_1410, %get3A_1413 : vector<16xf32>
        %get3A_1415 = arith.index_cast %add3A_1393 : i32 to index
        %get3A_1416 = arith.constant 48 : index
        %get3A_1417 = tpu.vector_load %arg8[%get3A_1415, %get3A_1416] {strides = array<i32>} : memref<128x128xf32, #tpu.memory_space<vmem>>, vector<16xf32>,
        %get3A_1418 = arith.index_cast %add3A_1393 : i32 to index
        %get3A_1419 = arith.constant 48 : index
        %get3A_1420 = tpu.vector_load %arg10[%get3A_1418, %get3A_1419] {strides = array<i32>} : memref<128x128xf32, #tpu.memory_space<vmem>>, vector<16xf32>,
        %mul3A_1421 = arith.mulf %get3A_1417, %get3A_1420 : vector<16xf32>
        %get3A_1422 = arith.index_cast %add3A_1393 : i32 to index
        %get3A_1423 = arith.constant 64 : index
        %get3A_1424 = tpu.vector_load %arg8[%get3A_1422, %get3A_1423] {strides = array<i32>} : memref<128x128xf32, #tpu.memory_space<vmem>>, vector<16xf32>,
        %get3A_1425 = arith.index_cast %add3A_1393 : i32 to index
        %get3A_1426 = arith.constant 64 : index
        %get3A_1427 = tpu.vector_load %arg10[%get3A_1425, %get3A_1426] {strides = array<i32>} : memref<128x128xf32, #tpu.memory_space<vmem>>, vector<16xf32>,
        %mul3A_1428 = arith.mulf %get3A_1424, %get3A_1427 : vector<16xf32>
        %get3A_1429 = arith.index_cast %add3A_1393 : i32 to index
        %get3A_1430 = arith.constant 80 : index
        %get3A_1431 = tpu.vector_load %arg8[%get3A_1429, %get3A_1430] {strides = array<i32>} : memref<128x128xf32, #tpu.memory_space<vmem>>, vector<16xf32>,
        %get3A_1432 = arith.index_cast %add3A_1393 : i32 to index
        %get3A_1433 = arith.constant 80 : index
        %get3A_1434 = tpu.vector_load %arg10[%get3A_1432, %get3A_1433] {strides = array<i32>} : memref<128x128xf32, #tpu.memory_space<vmem>>, vector<16xf32>,
        %mul3A_1435 = arith.mulf %get3A_1431, %get3A_1434 : vector<16xf32>
        %get3A_1436 = arith.index_cast %add3A_1393 : i32 to index
        %get3A_1437 = arith.constant 96 : index
        %get3A_1438 = tpu.vector_load %arg8[%get3A_1436, %get3A_1437] {strides = array<i32>} : memref<128x128xf32, #tpu.memory_space<vmem>>, vector<16xf32>,
        %get3A_1439 = arith.index_cast %add3A_1393 : i32 to index
        %get3A_1440 = arith.constant 96 : index
        %get3A_1441 = tpu.vector_load %arg10[%get3A_1439, %get3A_1440] {strides = array<i32>} : memref<128x128xf32, #tpu.memory_space<vmem>>, vector<16xf32>,
        %mul3A_1442 = arith.mulf %get3A_1438, %get3A_1441 : vector<16xf32>
        %get3A_1443 = arith.index_cast %add3A_1393 : i32 to index
        %get3A_1444 = arith.constant 112 : index
        %get3A_1445 = tpu.vector_load %arg8[%get3A_1443, %get3A_1444] {strides = array<i32>} : memref<128x128xf32, #tpu.memory_space<vmem>>, vector<16xf32>,
        %get3A_1446 = arith.index_cast %add3A_1393 : i32 to index
        %get3A_1447 = arith.constant 112 : index
        %get3A_1448 = tpu.vector_load %arg10[%get3A_1446, %get3A_1447] {strides = array<i32>} : memref<128x128xf32, #tpu.memory_space<vmem>>, vector<16xf32>,
        %mul3A_1449 = arith.mulf %get3A_1445, %get3A_1448 : vector<16xf32>
        %add3A_1450 = arith.addf %mul3A_1400, %mul3A_1407 : vector<16xf32>
        %add3A_1451 = arith.addf %mul3A_1414, %mul3A_1421 : vector<16xf32>
        %add3A_1452 = arith.addf %mul3A_1428, %mul3A_1435 : vector<16xf32>
        %add3A_1453 = arith.addf %mul3A_1442, %mul3A_1449 : vector<16xf32>
        %add3A_1454 = arith.addf %add3A_1450, %add3A_1451 : vector<16xf32>
        %add3A_1455 = arith.addf %add3A_1452, %add3A_1453 : vector<16xf32>
        %add3A_1456 = arith.addf %add3A_1454, %add3A_1455 : vector<16xf32>
        %swap3A_1457 = arith.constant 208 : index
        %swap3A_1458 = tpu.vector_load %arg13[%swap3A_1457] {strides = array<i32>} : memref<256xf32, #tpu.memory_space<vmem>>, vector<16xf32>,
        tpu.vector_store %arg13[%swap3A_1457], %add3A_1456 {strides = array<i32>} : memref<256xf32, #tpu.memory_space<vmem>>, vector<16xf32>,
        %add3A_1459 = arith.constant 14 : i32
        %add3A_1460 = arith.addi %mul3A_522, %add3A_1459 : i32
        %get3A_1461 = arith.index_cast %add3A_1460 : i32 to index
        %get3A_1462 = arith.constant 0 : index
        %get3A_1463 = tpu.vector_load %arg8[%get3A_1461, %get3A_1462] {strides = array<i32>} : memref<128x128xf32, #tpu.memory_space<vmem>>, vector<16xf32>,
        %get3A_1464 = arith.index_cast %add3A_1460 : i32 to index
        %get3A_1465 = arith.constant 0 : index
        %get3A_1466 = tpu.vector_load %arg10[%get3A_1464, %get3A_1465] {strides = array<i32>} : memref<128x128xf32, #tpu.memory_space<vmem>>, vector<16xf32>,
        %mul3A_1467 = arith.mulf %get3A_1463, %get3A_1466 : vector<16xf32>
        %get3A_1468 = arith.index_cast %add3A_1460 : i32 to index
        %get3A_1469 = arith.constant 16 : index
        %get3A_1470 = tpu.vector_load %arg8[%get3A_1468, %get3A_1469] {strides = array<i32>} : memref<128x128xf32, #tpu.memory_space<vmem>>, vector<16xf32>,
        %get3A_1471 = arith.index_cast %add3A_1460 : i32 to index
        %get3A_1472 = arith.constant 16 : index
        %get3A_1473 = tpu.vector_load %arg10[%get3A_1471, %get3A_1472] {strides = array<i32>} : memref<128x128xf32, #tpu.memory_space<vmem>>, vector<16xf32>,
        %mul3A_1474 = arith.mulf %get3A_1470, %get3A_1473 : vector<16xf32>
        %get3A_1475 = arith.index_cast %add3A_1460 : i32 to index
        %get3A_1476 = arith.constant 32 : index
        %get3A_1477 = tpu.vector_load %arg8[%get3A_1475, %get3A_1476] {strides = array<i32>} : memref<128x128xf32, #tpu.memory_space<vmem>>, vector<16xf32>,
        %get3A_1478 = arith.index_cast %add3A_1460 : i32 to index
        %get3A_1479 = arith.constant 32 : index
        %get3A_1480 = tpu.vector_load %arg10[%get3A_1478, %get3A_1479] {strides = array<i32>} : memref<128x128xf32, #tpu.memory_space<vmem>>, vector<16xf32>,
        %mul3A_1481 = arith.mulf %get3A_1477, %get3A_1480 : vector<16xf32>
        %get3A_1482 = arith.index_cast %add3A_1460 : i32 to index
        %get3A_1483 = arith.constant 48 : index
        %get3A_1484 = tpu.vector_load %arg8[%get3A_1482, %get3A_1483] {strides = array<i32>} : memref<128x128xf32, #tpu.memory_space<vmem>>, vector<16xf32>,
        %get3A_1485 = arith.index_cast %add3A_1460 : i32 to index
        %get3A_1486 = arith.constant 48 : index
        %get3A_1487 = tpu.vector_load %arg10[%get3A_1485, %get3A_1486] {strides = array<i32>} : memref<128x128xf32, #tpu.memory_space<vmem>>, vector<16xf32>,
        %mul3A_1488 = arith.mulf %get3A_1484, %get3A_1487 : vector<16xf32>
        %get3A_1489 = arith.index_cast %add3A_1460 : i32 to index
        %get3A_1490 = arith.constant 64 : index
        %get3A_1491 = tpu.vector_load %arg8[%get3A_1489, %get3A_1490] {strides = array<i32>} : memref<128x128xf32, #tpu.memory_space<vmem>>, vector<16xf32>,
        %get3A_1492 = arith.index_cast %add3A_1460 : i32 to index
        %get3A_1493 = arith.constant 64 : index
        %get3A_1494 = tpu.vector_load %arg10[%get3A_1492, %get3A_1493] {strides = array<i32>} : memref<128x128xf32, #tpu.memory_space<vmem>>, vector<16xf32>,
        %mul3A_1495 = arith.mulf %get3A_1491, %get3A_1494 : vector<16xf32>
        %get3A_1496 = arith.index_cast %add3A_1460 : i32 to index
        %get3A_1497 = arith.constant 80 : index
        %get3A_1498 = tpu.vector_load %arg8[%get3A_1496, %get3A_1497] {strides = array<i32>} : memref<128x128xf32, #tpu.memory_space<vmem>>, vector<16xf32>,
        %get3A_1499 = arith.index_cast %add3A_1460 : i32 to index
        %get3A_1500 = arith.constant 80 : index
        %get3A_1501 = tpu.vector_load %arg10[%get3A_1499, %get3A_1500] {strides = array<i32>} : memref<128x128xf32, #tpu.memory_space<vmem>>, vector<16xf32>,
        %mul3A_1502 = arith.mulf %get3A_1498, %get3A_1501 : vector<16xf32>
        %get3A_1503 = arith.index_cast %add3A_1460 : i32 to index
        %get3A_1504 = arith.constant 96 : index
        %get3A_1505 = tpu.vector_load %arg8[%get3A_1503, %get3A_1504] {strides = array<i32>} : memref<128x128xf32, #tpu.memory_space<vmem>>, vector<16xf32>,
        %get3A_1506 = arith.index_cast %add3A_1460 : i32 to index
        %get3A_1507 = arith.constant 96 : index
        %get3A_1508 = tpu.vector_load %arg10[%get3A_1506, %get3A_1507] {strides = array<i32>} : memref<128x128xf32, #tpu.memory_space<vmem>>, vector<16xf32>,
        %mul3A_1509 = arith.mulf %get3A_1505, %get3A_1508 : vector<16xf32>
        %get3A_1510 = arith.index_cast %add3A_1460 : i32 to index
        %get3A_1511 = arith.constant 112 : index
        %get3A_1512 = tpu.vector_load %arg8[%get3A_1510, %get3A_1511] {strides = array<i32>} : memref<128x128xf32, #tpu.memory_space<vmem>>, vector<16xf32>,
        %get3A_1513 = arith.index_cast %add3A_1460 : i32 to index
        %get3A_1514 = arith.constant 112 : index
        %get3A_1515 = tpu.vector_load %arg10[%get3A_1513, %get3A_1514] {strides = array<i32>} : memref<128x128xf32, #tpu.memory_space<vmem>>, vector<16xf32>,
        %mul3A_1516 = arith.mulf %get3A_1512, %get3A_1515 : vector<16xf32>
        %add3A_1517 = arith.addf %mul3A_1467, %mul3A_1474 : vector<16xf32>
        %add3A_1518 = arith.addf %mul3A_1481, %mul3A_1488 : vector<16xf32>
        %add3A_1519 = arith.addf %mul3A_1495, %mul3A_1502 : vector<16xf32>
        %add3A_1520 = arith.addf %mul3A_1509, %mul3A_1516 : vector<16xf32>
        %add3A_1521 = arith.addf %add3A_1517, %add3A_1518 : vector<16xf32>
        %add3A_1522 = arith.addf %add3A_1519, %add3A_1520 : vector<16xf32>
        %add3A_1523 = arith.addf %add3A_1521, %add3A_1522 : vector<16xf32>
        %swap3A_1524 = arith.constant 224 : index
        %swap3A_1525 = tpu.vector_load %arg13[%swap3A_1524] {strides = array<i32>} : memref<256xf32, #tpu.memory_space<vmem>>, vector<16xf32>,
        tpu.vector_store %arg13[%swap3A_1524], %add3A_1523 {strides = array<i32>} : memref<256xf32, #tpu.memory_space<vmem>>, vector<16xf32>,
        %add3A_1526 = arith.constant 15 : i32
        %add3A_1527 = arith.addi %mul3A_522, %add3A_1526 : i32
        %get3A_1528 = arith.index_cast %add3A_1527 : i32 to index
        %get3A_1529 = arith.constant 0 : index
        %get3A_1530 = tpu.vector_load %arg8[%get3A_1528, %get3A_1529] {strides = array<i32>} : memref<128x128xf32, #tpu.memory_space<vmem>>, vector<16xf32>,
        %get3A_1531 = arith.index_cast %add3A_1527 : i32 to index
        %get3A_1532 = arith.constant 0 : index
        %get3A_1533 = tpu.vector_load %arg10[%get3A_1531, %get3A_1532] {strides = array<i32>} : memref<128x128xf32, #tpu.memory_space<vmem>>, vector<16xf32>,
        %mul3A_1534 = arith.mulf %get3A_1530, %get3A_1533 : vector<16xf32>
        %get3A_1535 = arith.index_cast %add3A_1527 : i32 to index
        %get3A_1536 = arith.constant 16 : index
        %get3A_1537 = tpu.vector_load %arg8[%get3A_1535, %get3A_1536] {strides = array<i32>} : memref<128x128xf32, #tpu.memory_space<vmem>>, vector<16xf32>,
        %get3A_1538 = arith.index_cast %add3A_1527 : i32 to index
        %get3A_1539 = arith.constant 16 : index
        %get3A_1540 = tpu.vector_load %arg10[%get3A_1538, %get3A_1539] {strides = array<i32>} : memref<128x128xf32, #tpu.memory_space<vmem>>, vector<16xf32>,
        %mul3A_1541 = arith.mulf %get3A_1537, %get3A_1540 : vector<16xf32>
        %get3A_1542 = arith.index_cast %add3A_1527 : i32 to index
        %get3A_1543 = arith.constant 32 : index
        %get3A_1544 = tpu.vector_load %arg8[%get3A_1542, %get3A_1543] {strides = array<i32>} : memref<128x128xf32, #tpu.memory_space<vmem>>, vector<16xf32>,
        %get3A_1545 = arith.index_cast %add3A_1527 : i32 to index
        %get3A_1546 = arith.constant 32 : index
        %get3A_1547 = tpu.vector_load %arg10[%get3A_1545, %get3A_1546] {strides = array<i32>} : memref<128x128xf32, #tpu.memory_space<vmem>>, vector<16xf32>,
        %mul3A_1548 = arith.mulf %get3A_1544, %get3A_1547 : vector<16xf32>
        %get3A_1549 = arith.index_cast %add3A_1527 : i32 to index
        %get3A_1550 = arith.constant 48 : index
        %get3A_1551 = tpu.vector_load %arg8[%get3A_1549, %get3A_1550] {strides = array<i32>} : memref<128x128xf32, #tpu.memory_space<vmem>>, vector<16xf32>,
        %get3A_1552 = arith.index_cast %add3A_1527 : i32 to index
        %get3A_1553 = arith.constant 48 : index
        %get3A_1554 = tpu.vector_load %arg10[%get3A_1552, %get3A_1553] {strides = array<i32>} : memref<128x128xf32, #tpu.memory_space<vmem>>, vector<16xf32>,
        %mul3A_1555 = arith.mulf %get3A_1551, %get3A_1554 : vector<16xf32>
        %get3A_1556 = arith.index_cast %add3A_1527 : i32 to index
        %get3A_1557 = arith.constant 64 : index
        %get3A_1558 = tpu.vector_load %arg8[%get3A_1556, %get3A_1557] {strides = array<i32>} : memref<128x128xf32, #tpu.memory_space<vmem>>, vector<16xf32>,
        %get3A_1559 = arith.index_cast %add3A_1527 : i32 to index
        %get3A_1560 = arith.constant 64 : index
        %get3A_1561 = tpu.vector_load %arg10[%get3A_1559, %get3A_1560] {strides = array<i32>} : memref<128x128xf32, #tpu.memory_space<vmem>>, vector<16xf32>,
        %mul3A_1562 = arith.mulf %get3A_1558, %get3A_1561 : vector<16xf32>
        %get3A_1563 = arith.index_cast %add3A_1527 : i32 to index
        %get3A_1564 = arith.constant 80 : index
        %get3A_1565 = tpu.vector_load %arg8[%get3A_1563, %get3A_1564] {strides = array<i32>} : memref<128x128xf32, #tpu.memory_space<vmem>>, vector<16xf32>,
        %get3A_1566 = arith.index_cast %add3A_1527 : i32 to index
        %get3A_1567 = arith.constant 80 : index
        %get3A_1568 = tpu.vector_load %arg10[%get3A_1566, %get3A_1567] {strides = array<i32>} : memref<128x128xf32, #tpu.memory_space<vmem>>, vector<16xf32>,
        %mul3A_1569 = arith.mulf %get3A_1565, %get3A_1568 : vector<16xf32>
        %get3A_1570 = arith.index_cast %add3A_1527 : i32 to index
        %get3A_1571 = arith.constant 96 : index
        %get3A_1572 = tpu.vector_load %arg8[%get3A_1570, %get3A_1571] {strides = array<i32>} : memref<128x128xf32, #tpu.memory_space<vmem>>, vector<16xf32>,
        %get3A_1573 = arith.index_cast %add3A_1527 : i32 to index
        %get3A_1574 = arith.constant 96 : index
        %get3A_1575 = tpu.vector_load %arg10[%get3A_1573, %get3A_1574] {strides = array<i32>} : memref<128x128xf32, #tpu.memory_space<vmem>>, vector<16xf32>,
        %mul3A_1576 = arith.mulf %get3A_1572, %get3A_1575 : vector<16xf32>
        %get3A_1577 = arith.index_cast %add3A_1527 : i32 to index
        %get3A_1578 = arith.constant 112 : index
        %get3A_1579 = tpu.vector_load %arg8[%get3A_1577, %get3A_1578] {strides = array<i32>} : memref<128x128xf32, #tpu.memory_space<vmem>>, vector<16xf32>,
        %get3A_1580 = arith.index_cast %add3A_1527 : i32 to index
        %get3A_1581 = arith.constant 112 : index
        %get3A_1582 = tpu.vector_load %arg10[%get3A_1580, %get3A_1581] {strides = array<i32>} : memref<128x128xf32, #tpu.memory_space<vmem>>, vector<16xf32>,
        %mul3A_1583 = arith.mulf %get3A_1579, %get3A_1582 : vector<16xf32>
        %add3A_1584 = arith.addf %mul3A_1534, %mul3A_1541 : vector<16xf32>
        %add3A_1585 = arith.addf %mul3A_1548, %mul3A_1555 : vector<16xf32>
        %add3A_1586 = arith.addf %mul3A_1562, %mul3A_1569 : vector<16xf32>
        %add3A_1587 = arith.addf %mul3A_1576, %mul3A_1583 : vector<16xf32>
        %add3A_1588 = arith.addf %add3A_1584, %add3A_1585 : vector<16xf32>
        %add3A_1589 = arith.addf %add3A_1586, %add3A_1587 : vector<16xf32>
        %add3A_1590 = arith.addf %add3A_1588, %add3A_1589 : vector<16xf32>
        %swap3A_1591 = arith.constant 240 : index
        %swap3A_1592 = tpu.vector_load %arg13[%swap3A_1591] {strides = array<i32>} : memref<256xf32, #tpu.memory_space<vmem>>, vector<16xf32>,
        tpu.vector_store %arg13[%swap3A_1591], %add3A_1590 {strides = array<i32>} : memref<256xf32, #tpu.memory_space<vmem>>, vector<16xf32>,
        %broadcast_in_dim3A = arith.constant 0.000000e+00 : f32
        %broadcast_in_dim3A_1593 = vector.broadcast %broadcast_in_dim3A : f32 to vector<16xf32>
        %gather3A = tpu.vector_load_idx %arg13[%add3A_401] : memref<256xf32, #tpu.memory_space<vmem>>[vector<16xi32>], vector<16xf32>,
        %add3A_1594 = arith.addf %broadcast_in_dim3A_1593, %gather3A : vector<16xf32>
        %gather3A_1595 = tpu.vector_load_idx %arg13[%add3A_408] : memref<256xf32, #tpu.memory_space<vmem>>[vector<16xi32>], vector<16xf32>,
        %add3A_1596 = arith.addf %add3A_1594, %gather3A_1595 : vector<16xf32>
        %gather3A_1597 = tpu.vector_load_idx %arg13[%add3A_415] : memref<256xf32, #tpu.memory_space<vmem>>[vector<16xi32>], vector<16xf32>,
        %add3A_1598 = arith.addf %add3A_1596, %gather3A_1597 : vector<16xf32>
        %gather3A_1599 = tpu.vector_load_idx %arg13[%add3A_422] : memref<256xf32, #tpu.memory_space<vmem>>[vector<16xi32>], vector<16xf32>,
        %add3A_1600 = arith.addf %add3A_1598, %gather3A_1599 : vector<16xf32>
        %gather3A_1601 = tpu.vector_load_idx %arg13[%add3A_429] : memref<256xf32, #tpu.memory_space<vmem>>[vector<16xi32>], vector<16xf32>,
        %add3A_1602 = arith.addf %add3A_1600, %gather3A_1601 : vector<16xf32>
        %gather3A_1603 = tpu.vector_load_idx %arg13[%add3A_436] : memref<256xf32, #tpu.memory_space<vmem>>[vector<16xi32>], vector<16xf32>,
        %add3A_1604 = arith.addf %add3A_1602, %gather3A_1603 : vector<16xf32>
        %gather3A_1605 = tpu.vector_load_idx %arg13[%add3A_443] : memref<256xf32, #tpu.memory_space<vmem>>[vector<16xi32>], vector<16xf32>,
        %add3A_1606 = arith.addf %add3A_1604, %gather3A_1605 : vector<16xf32>
        %gather3A_1607 = tpu.vector_load_idx %arg13[%add3A_450] : memref<256xf32, #tpu.memory_space<vmem>>[vector<16xi32>], vector<16xf32>,
        %add3A_1608 = arith.addf %add3A_1606, %gather3A_1607 : vector<16xf32>
        %gather3A_1609 = tpu.vector_load_idx %arg13[%add3A_457] : memref<256xf32, #tpu.memory_space<vmem>>[vector<16xi32>], vector<16xf32>,
        %add3A_1610 = arith.addf %add3A_1608, %gather3A_1609 : vector<16xf32>
        %gather3A_1611 = tpu.vector_load_idx %arg13[%add3A_464] : memref<256xf32, #tpu.memory_space<vmem>>[vector<16xi32>], vector<16xf32>,
        %add3A_1612 = arith.addf %add3A_1610, %gather3A_1611 : vector<16xf32>
        %gather3A_1613 = tpu.vector_load_idx %arg13[%add3A_471] : memref<256xf32, #tpu.memory_space<vmem>>[vector<16xi32>], vector<16xf32>,
        %add3A_1614 = arith.addf %add3A_1612, %gather3A_1613 : vector<16xf32>
        %gather3A_1615 = tpu.vector_load_idx %arg13[%add3A_478] : memref<256xf32, #tpu.memory_space<vmem>>[vector<16xi32>], vector<16xf32>,
        %add3A_1616 = arith.addf %add3A_1614, %gather3A_1615 : vector<16xf32>
        %gather3A_1617 = tpu.vector_load_idx %arg13[%add3A_485] : memref<256xf32, #tpu.memory_space<vmem>>[vector<16xi32>], vector<16xf32>,
        %add3A_1618 = arith.addf %add3A_1616, %gather3A_1617 : vector<16xf32>
        %gather3A_1619 = tpu.vector_load_idx %arg13[%add3A_492] : memref<256xf32, #tpu.memory_space<vmem>>[vector<16xi32>], vector<16xf32>,
        %add3A_1620 = arith.addf %add3A_1618, %gather3A_1619 : vector<16xf32>
        %gather3A_1621 = tpu.vector_load_idx %arg13[%add3A_499] : memref<256xf32, #tpu.memory_space<vmem>>[vector<16xi32>], vector<16xf32>,
        %add3A_1622 = arith.addf %add3A_1620, %gather3A_1621 : vector<16xf32>
        %gather3A_1623 = tpu.vector_load_idx %arg13[%add3A_506] : memref<256xf32, #tpu.memory_space<vmem>>[vector<16xi32>], vector<16xf32>,
        %add3A_1624 = arith.addf %add3A_1622, %gather3A_1623 : vector<16xf32>
        %neg3A = arith.constant 0.000000e+00 : f32
        %neg3A_1625 = vector.broadcast %neg3A : f32 to vector<16xf32>
        %neg3A_1626 = arith.subf %neg3A_1625, %add3A_1624 : vector<16xf32>
        %exp3A = math.exp %neg3A_1626 : vector<16xf32>
        %add3A_1627 = arith.constant 1.000000e+00 : f32
        %add3A_1628 = vector.broadcast %add3A_1627 : f32 to vector<16xf32>
        %add3A_1629 = arith.addf %add3A_1628, %exp3A : vector<16xf32>
        %div3A = arith.constant 1.000000e+00 : f32
        %div3A_1630 = vector.broadcast %div3A : f32 to vector<16xf32>
        %div3A_1631 = arith.divf %div3A_1630, %add3A_1629 : vector<16xf32>
        %mul3A_1632 = arith.constant 16 : i32
        %mul3A_1633 = arith.muli %scan3A_520, %mul3A_1632 : i32
        %swap3A_1634 = arith.index_cast %mul3A_1633 : i32 to index
        %swap3A_1635 = tpu.vector_load %arg12[%swap3A_1634] {strides = array<i32>} : memref<128xf32, #tpu.memory_space<vmem>>, vector<16xf32>,
        tpu.vector_store %arg12[%swap3A_1634], %div3A_1631 {strides = array<i32>} : memref<128xf32, #tpu.memory_space<vmem>>, vector<16xf32>,
      }
      %scan3A_512 = arith.constant 8 : i32
      %mul3A_513 = arith.constant 128 : i32
      %mul3A_514 = arith.muli %add3A_359, %mul3A_513 : i32
      %min3A_515 = arith.constant 9872 : i32
      %min3A_516 = arith.minsi %mul3A_514, %min3A_515 : i32
      %add3A_517 = arith.addi %mul3A_2, %min3A_516 : i32
      %dma_start3A_518 = tpu.memref_slice %arg4[%add3A_517] : memref<320000xf32, #tpu.memory_space<hbm>> -> memref<128xf32, #tpu.memory_space<hbm>>
      %dma_start3A_519 = tpu.memref_slice %arg4[%add3A_517] : memref<320000xf32, #tpu.memory_space<hbm>> -> memref<128xf32, #tpu.memory_space<hbm>>
      tpu.enqueue_dma source(%arg12 : memref<128xf32, #tpu.memory_space<vmem>>) target(%dma_start3A_519 : memref<128xf32, #tpu.memory_space<hbm>>) target_semaphore(%arg19 : memref<!tpu.dma_semaphore, #tpu.memory_space<semaphore_mem>>)
    }
    %scan3A_42 = arith.constant 39 : i32
    %dma_wait3A_43 = arith.constant 0 : i32
    %dma_wait3A_44 = arith.constant 0 : i32
    %dma_wait3A_45 = tpu.memref_slice %arg5[%dma_wait3A_43, %dma_wait3A_44] : memref<2x128xi32, #tpu.memory_space<vmem>> -> memref<1x128xi32, #tpu.memory_space<vmem>>
    %dma_wait3A_46 = tpu.memref_squeeze %dma_wait3A_45 : memref<1x128xi32, #tpu.memory_space<vmem>> -> memref<128xi32, #tpu.memory_space<vmem>>
    %dma_wait3A_47 = arith.constant 0 : i32
    %dma_wait3A_48 = arith.constant 0 : i32
    %dma_wait3A_49 = tpu.memref_slice %arg2[%dma_wait3A_47, %dma_wait3A_48] : memref<10000x128xf32, #tpu.memory_space<hbm>> -> memref<10000x128xf32, #tpu.memory_space<hbm>>
    tpu.wait_indirect_dma semaphore(%arg16 : memref<!tpu.dma_semaphore, #tpu.memory_space<semaphore_mem>>) src(%dma_wait3A_49 : memref<10000x128xf32, #tpu.memory_space<hbm>>) dst(%arg7 : memref<128x128xf32, #tpu.memory_space<vmem>>)
    %dma_wait3A_50 = arith.constant 1 : i32
    %dma_wait3A_51 = arith.constant 0 : i32
    %dma_wait3A_52 = tpu.memref_slice %arg5[%dma_wait3A_50, %dma_wait3A_51] : memref<2x128xi32, #tpu.memory_space<vmem>> -> memref<1x128xi32, #tpu.memory_space<vmem>>
    %dma_wait3A_53 = tpu.memref_squeeze %dma_wait3A_52 : memref<1x128xi32, #tpu.memory_space<vmem>> -> memref<128xi32, #tpu.memory_space<vmem>>
    %dma_wait3A_54 = arith.constant 0 : i32
    %dma_wait3A_55 = arith.constant 0 : i32
    %dma_wait3A_56 = tpu.memref_slice %arg2[%dma_wait3A_54, %dma_wait3A_55] : memref<10000x128xf32, #tpu.memory_space<hbm>> -> memref<10000x128xf32, #tpu.memory_space<hbm>>
    tpu.wait_indirect_dma semaphore(%arg16 : memref<!tpu.dma_semaphore, #tpu.memory_space<semaphore_mem>>) src(%dma_wait3A_56 : memref<10000x128xf32, #tpu.memory_space<hbm>>) dst(%arg9 : memref<128x128xf32, #tpu.memory_space<vmem>>)
    %min3A_57 = arith.constant 9728 : i32
    %min3A_58 = arith.constant 9872 : i32
    %min3A_59 = arith.minsi %min3A_57, %min3A_58 : i32
    %add3A_60 = arith.addi %mul3A_2, %min3A_59 : i32
    %dma_wait3A_61 = tpu.memref_slice %arg4[%add3A_60] : memref<320000xf32, #tpu.memory_space<hbm>> -> memref<128xf32, #tpu.memory_space<hbm>>
    %dma_wait3A_62 = tpu.memref_slice %arg4[%add3A_60] : memref<320000xf32, #tpu.memory_space<hbm>> -> memref<128xf32, #tpu.memory_space<hbm>>
    tpu.wait_dma2 semaphore(%arg18 : memref<!tpu.dma_semaphore, #tpu.memory_space<semaphore_mem>>) src(%arg11 : memref<128xf32, #tpu.memory_space<vmem>>) dst(%dma_wait3A_62 : memref<128xf32, #tpu.memory_space<hbm>>)
    %iota3A = tpu.iota {dimensions = array<i32: 0>} : vector<16xi32>
    %mul3A_63 = arith.constant 16 : i32
    %mul3A_64 = vector.broadcast %mul3A_63 : i32 to vector<16xi32>
    %mul3A_65 = arith.muli %iota3A, %mul3A_64 : vector<16xi32>
    %add3A_66 = arith.constant 0 : i32
    %add3A_67 = vector.broadcast %add3A_66 : i32 to vector<16xi32>
    %add3A_68 = arith.addi %mul3A_65, %add3A_67 : vector<16xi32>
    %iota3A_69 = tpu.iota {dimensions = array<i32: 0>} : vector<16xi32>
    %mul3A_70 = arith.constant 16 : i32
    %mul3A_71 = vector.broadcast %mul3A_70 : i32 to vector<16xi32>
    %mul3A_72 = arith.muli %iota3A_69, %mul3A_71 : vector<16xi32>
    %add3A_73 = arith.constant 1 : i32
    %add3A_74 = vector.broadcast %add3A_73 : i32 to vector<16xi32>
    %add3A_75 = arith.addi %mul3A_72, %add3A_74 : vector<16xi32>
    %iota3A_76 = tpu.iota {dimensions = array<i32: 0>} : vector<16xi32>
    %mul3A_77 = arith.constant 16 : i32
    %mul3A_78 = vector.broadcast %mul3A_77 : i32 to vector<16xi32>
    %mul3A_79 = arith.muli %iota3A_76, %mul3A_78 : vector<16xi32>
    %add3A_80 = arith.constant 2 : i32
    %add3A_81 = vector.broadcast %add3A_80 : i32 to vector<16xi32>
    %add3A_82 = arith.addi %mul3A_79, %add3A_81 : vector<16xi32>
    %iota3A_83 = tpu.iota {dimensions = array<i32: 0>} : vector<16xi32>
    %mul3A_84 = arith.constant 16 : i32
    %mul3A_85 = vector.broadcast %mul3A_84 : i32 to vector<16xi32>
    %mul3A_86 = arith.muli %iota3A_83, %mul3A_85 : vector<16xi32>
    %add3A_87 = arith.constant 3 : i32
    %add3A_88 = vector.broadcast %add3A_87 : i32 to vector<16xi32>
    %add3A_89 = arith.addi %mul3A_86, %add3A_88 : vector<16xi32>
    %iota3A_90 = tpu.iota {dimensions = array<i32: 0>} : vector<16xi32>
    %mul3A_91 = arith.constant 16 : i32
    %mul3A_92 = vector.broadcast %mul3A_91 : i32 to vector<16xi32>
    %mul3A_93 = arith.muli %iota3A_90, %mul3A_92 : vector<16xi32>
    %add3A_94 = arith.constant 4 : i32
    %add3A_95 = vector.broadcast %add3A_94 : i32 to vector<16xi32>
    %add3A_96 = arith.addi %mul3A_93, %add3A_95 : vector<16xi32>
    %iota3A_97 = tpu.iota {dimensions = array<i32: 0>} : vector<16xi32>
    %mul3A_98 = arith.constant 16 : i32
    %mul3A_99 = vector.broadcast %mul3A_98 : i32 to vector<16xi32>
    %mul3A_100 = arith.muli %iota3A_97, %mul3A_99 : vector<16xi32>
    %add3A_101 = arith.constant 5 : i32
    %add3A_102 = vector.broadcast %add3A_101 : i32 to vector<16xi32>
    %add3A_103 = arith.addi %mul3A_100, %add3A_102 : vector<16xi32>
    %iota3A_104 = tpu.iota {dimensions = array<i32: 0>} : vector<16xi32>
    %mul3A_105 = arith.constant 16 : i32
    %mul3A_106 = vector.broadcast %mul3A_105 : i32 to vector<16xi32>
    %mul3A_107 = arith.muli %iota3A_104, %mul3A_106 : vector<16xi32>
    %add3A_108 = arith.constant 6 : i32
    %add3A_109 = vector.broadcast %add3A_108 : i32 to vector<16xi32>
    %add3A_110 = arith.addi %mul3A_107, %add3A_109 : vector<16xi32>
    %iota3A_111 = tpu.iota {dimensions = array<i32: 0>} : vector<16xi32>
    %mul3A_112 = arith.constant 16 : i32
    %mul3A_113 = vector.broadcast %mul3A_112 : i32 to vector<16xi32>
    %mul3A_114 = arith.muli %iota3A_111, %mul3A_113 : vector<16xi32>
    %add3A_115 = arith.constant 7 : i32
    %add3A_116 = vector.broadcast %add3A_115 : i32 to vector<16xi32>
    %add3A_117 = arith.addi %mul3A_114, %add3A_116 : vector<16xi32>
    %iota3A_118 = tpu.iota {dimensions = array<i32: 0>} : vector<16xi32>
    %mul3A_119 = arith.constant 16 : i32
    %mul3A_120 = vector.broadcast %mul3A_119 : i32 to vector<16xi32>
    %mul3A_121 = arith.muli %iota3A_118, %mul3A_120 : vector<16xi32>
    %add3A_122 = arith.constant 8 : i32
    %add3A_123 = vector.broadcast %add3A_122 : i32 to vector<16xi32>
    %add3A_124 = arith.addi %mul3A_121, %add3A_123 : vector<16xi32>
    %iota3A_125 = tpu.iota {dimensions = array<i32: 0>} : vector<16xi32>
    %mul3A_126 = arith.constant 16 : i32
    %mul3A_127 = vector.broadcast %mul3A_126 : i32 to vector<16xi32>
    %mul3A_128 = arith.muli %iota3A_125, %mul3A_127 : vector<16xi32>
    %add3A_129 = arith.constant 9 : i32
    %add3A_130 = vector.broadcast %add3A_129 : i32 to vector<16xi32>
    %add3A_131 = arith.addi %mul3A_128, %add3A_130 : vector<16xi32>
    %iota3A_132 = tpu.iota {dimensions = array<i32: 0>} : vector<16xi32>
    %mul3A_133 = arith.constant 16 : i32
    %mul3A_134 = vector.broadcast %mul3A_133 : i32 to vector<16xi32>
    %mul3A_135 = arith.muli %iota3A_132, %mul3A_134 : vector<16xi32>
    %add3A_136 = arith.constant 10 : i32
    %add3A_137 = vector.broadcast %add3A_136 : i32 to vector<16xi32>
    %add3A_138 = arith.addi %mul3A_135, %add3A_137 : vector<16xi32>
    %iota3A_139 = tpu.iota {dimensions = array<i32: 0>} : vector<16xi32>
    %mul3A_140 = arith.constant 16 : i32
    %mul3A_141 = vector.broadcast %mul3A_140 : i32 to vector<16xi32>
    %mul3A_142 = arith.muli %iota3A_139, %mul3A_141 : vector<16xi32>
    %add3A_143 = arith.constant 11 : i32
    %add3A_144 = vector.broadcast %add3A_143 : i32 to vector<16xi32>
    %add3A_145 = arith.addi %mul3A_142, %add3A_144 : vector<16xi32>
    %iota3A_146 = tpu.iota {dimensions = array<i32: 0>} : vector<16xi32>
    %mul3A_147 = arith.constant 16 : i32
    %mul3A_148 = vector.broadcast %mul3A_147 : i32 to vector<16xi32>
    %mul3A_149 = arith.muli %iota3A_146, %mul3A_148 : vector<16xi32>
    %add3A_150 = arith.constant 12 : i32
    %add3A_151 = vector.broadcast %add3A_150 : i32 to vector<16xi32>
    %add3A_152 = arith.addi %mul3A_149, %add3A_151 : vector<16xi32>
    %iota3A_153 = tpu.iota {dimensions = array<i32: 0>} : vector<16xi32>
    %mul3A_154 = arith.constant 16 : i32
    %mul3A_155 = vector.broadcast %mul3A_154 : i32 to vector<16xi32>
    %mul3A_156 = arith.muli %iota3A_153, %mul3A_155 : vector<16xi32>
    %add3A_157 = arith.constant 13 : i32
    %add3A_158 = vector.broadcast %add3A_157 : i32 to vector<16xi32>
    %add3A_159 = arith.addi %mul3A_156, %add3A_158 : vector<16xi32>
    %iota3A_160 = tpu.iota {dimensions = array<i32: 0>} : vector<16xi32>
    %mul3A_161 = arith.constant 16 : i32
    %mul3A_162 = vector.broadcast %mul3A_161 : i32 to vector<16xi32>
    %mul3A_163 = arith.muli %iota3A_160, %mul3A_162 : vector<16xi32>
    %add3A_164 = arith.constant 14 : i32
    %add3A_165 = vector.broadcast %add3A_164 : i32 to vector<16xi32>
    %add3A_166 = arith.addi %mul3A_163, %add3A_165 : vector<16xi32>
    %iota3A_167 = tpu.iota {dimensions = array<i32: 0>} : vector<16xi32>
    %mul3A_168 = arith.constant 16 : i32
    %mul3A_169 = vector.broadcast %mul3A_168 : i32 to vector<16xi32>
    %mul3A_170 = arith.muli %iota3A_167, %mul3A_169 : vector<16xi32>
    %add3A_171 = arith.constant 15 : i32
    %add3A_172 = vector.broadcast %add3A_171 : i32 to vector<16xi32>
    %add3A_173 = arith.addi %mul3A_170, %add3A_172 : vector<16xi32>
    %scan3A_174 = arith.constant 0 : i32
    %scan3A_175 = arith.constant 0 : i32
    %scan3A_176 = arith.constant 8 : i32
    %scan3A_177 = arith.addi %scan3A_175, %scan3A_176 : i32
    %scan3A_178 = arith.constant 1 : i32
    scf.for %scan3A_198 = %scan3A_175 to %scan3A_177 step %scan3A_178  : i32 {
      %mul3A_199 = arith.constant 16 : i32
      %mul3A_200 = arith.muli %scan3A_198, %mul3A_199 : i32
      %add3A_201 = arith.constant 0 : i32
      %add3A_202 = arith.addi %mul3A_200, %add3A_201 : i32
      %get3A = arith.index_cast %add3A_202 : i32 to index
      %get3A_203 = arith.constant 0 : index
      %get3A_204 = tpu.vector_load %arg7[%get3A, %get3A_203] {strides = array<i32>} : memref<128x128xf32, #tpu.memory_space<vmem>>, vector<16xf32>,
      %get3A_205 = arith.index_cast %add3A_202 : i32 to index
      %get3A_206 = arith.constant 0 : index
      %get3A_207 = tpu.vector_load %arg9[%get3A_205, %get3A_206] {strides = array<i32>} : memref<128x128xf32, #tpu.memory_space<vmem>>, vector<16xf32>,
      %mul3A_208 = arith.mulf %get3A_204, %get3A_207 : vector<16xf32>
      %get3A_209 = arith.index_cast %add3A_202 : i32 to index
      %get3A_210 = arith.constant 16 : index
      %get3A_211 = tpu.vector_load %arg7[%get3A_209, %get3A_210] {strides = array<i32>} : memref<128x128xf32, #tpu.memory_space<vmem>>, vector<16xf32>,
      %get3A_212 = arith.index_cast %add3A_202 : i32 to index
      %get3A_213 = arith.constant 16 : index
      %get3A_214 = tpu.vector_load %arg9[%get3A_212, %get3A_213] {strides = array<i32>} : memref<128x128xf32, #tpu.memory_space<vmem>>, vector<16xf32>,
      %mul3A_215 = arith.mulf %get3A_211, %get3A_214 : vector<16xf32>
      %get3A_216 = arith.index_cast %add3A_202 : i32 to index
      %get3A_217 = arith.constant 32 : index
      %get3A_218 = tpu.vector_load %arg7[%get3A_216, %get3A_217] {strides = array<i32>} : memref<128x128xf32, #tpu.memory_space<vmem>>, vector<16xf32>,
      %get3A_219 = arith.index_cast %add3A_202 : i32 to index
      %get3A_220 = arith.constant 32 : index
      %get3A_221 = tpu.vector_load %arg9[%get3A_219, %get3A_220] {strides = array<i32>} : memref<128x128xf32, #tpu.memory_space<vmem>>, vector<16xf32>,
      %mul3A_222 = arith.mulf %get3A_218, %get3A_221 : vector<16xf32>
      %get3A_223 = arith.index_cast %add3A_202 : i32 to index
      %get3A_224 = arith.constant 48 : index
      %get3A_225 = tpu.vector_load %arg7[%get3A_223, %get3A_224] {strides = array<i32>} : memref<128x128xf32, #tpu.memory_space<vmem>>, vector<16xf32>,
      %get3A_226 = arith.index_cast %add3A_202 : i32 to index
      %get3A_227 = arith.constant 48 : index
      %get3A_228 = tpu.vector_load %arg9[%get3A_226, %get3A_227] {strides = array<i32>} : memref<128x128xf32, #tpu.memory_space<vmem>>, vector<16xf32>,
      %mul3A_229 = arith.mulf %get3A_225, %get3A_228 : vector<16xf32>
      %get3A_230 = arith.index_cast %add3A_202 : i32 to index
      %get3A_231 = arith.constant 64 : index
      %get3A_232 = tpu.vector_load %arg7[%get3A_230, %get3A_231] {strides = array<i32>} : memref<128x128xf32, #tpu.memory_space<vmem>>, vector<16xf32>,
      %get3A_233 = arith.index_cast %add3A_202 : i32 to index
      %get3A_234 = arith.constant 64 : index
      %get3A_235 = tpu.vector_load %arg9[%get3A_233, %get3A_234] {strides = array<i32>} : memref<128x128xf32, #tpu.memory_space<vmem>>, vector<16xf32>,
      %mul3A_236 = arith.mulf %get3A_232, %get3A_235 : vector<16xf32>
      %get3A_237 = arith.index_cast %add3A_202 : i32 to index
      %get3A_238 = arith.constant 80 : index
      %get3A_239 = tpu.vector_load %arg7[%get3A_237, %get3A_238] {strides = array<i32>} : memref<128x128xf32, #tpu.memory_space<vmem>>, vector<16xf32>,
      %get3A_240 = arith.index_cast %add3A_202 : i32 to index
      %get3A_241 = arith.constant 80 : index
      %get3A_242 = tpu.vector_load %arg9[%get3A_240, %get3A_241] {strides = array<i32>} : memref<128x128xf32, #tpu.memory_space<vmem>>, vector<16xf32>,
      %mul3A_243 = arith.mulf %get3A_239, %get3A_242 : vector<16xf32>
      %get3A_244 = arith.index_cast %add3A_202 : i32 to index
      %get3A_245 = arith.constant 96 : index
      %get3A_246 = tpu.vector_load %arg7[%get3A_244, %get3A_245] {strides = array<i32>} : memref<128x128xf32, #tpu.memory_space<vmem>>, vector<16xf32>,
      %get3A_247 = arith.index_cast %add3A_202 : i32 to index
      %get3A_248 = arith.constant 96 : index
      %get3A_249 = tpu.vector_load %arg9[%get3A_247, %get3A_248] {strides = array<i32>} : memref<128x128xf32, #tpu.memory_space<vmem>>, vector<16xf32>,
      %mul3A_250 = arith.mulf %get3A_246, %get3A_249 : vector<16xf32>
      %get3A_251 = arith.index_cast %add3A_202 : i32 to index
      %get3A_252 = arith.constant 112 : index
      %get3A_253 = tpu.vector_load %arg7[%get3A_251, %get3A_252] {strides = array<i32>} : memref<128x128xf32, #tpu.memory_space<vmem>>, vector<16xf32>,
      %get3A_254 = arith.index_cast %add3A_202 : i32 to index
      %get3A_255 = arith.constant 112 : index
      %get3A_256 = tpu.vector_load %arg9[%get3A_254, %get3A_255] {strides = array<i32>} : memref<128x128xf32, #tpu.memory_space<vmem>>, vector<16xf32>,
      %mul3A_257 = arith.mulf %get3A_253, %get3A_256 : vector<16xf32>
      %add3A_258 = arith.addf %mul3A_208, %mul3A_215 : vector<16xf32>
      %add3A_259 = arith.addf %mul3A_222, %mul3A_229 : vector<16xf32>
      %add3A_260 = arith.addf %mul3A_236, %mul3A_243 : vector<16xf32>
      %add3A_261 = arith.addf %mul3A_250, %mul3A_257 : vector<16xf32>
      %add3A_262 = arith.addf %add3A_258, %add3A_259 : vector<16xf32>
      %add3A_263 = arith.addf %add3A_260, %add3A_261 : vector<16xf32>
      %add3A_264 = arith.addf %add3A_262, %add3A_263 : vector<16xf32>
      %swap3A = arith.constant 0 : index
      %swap3A_265 = tpu.vector_load %arg13[%swap3A] {strides = array<i32>} : memref<256xf32, #tpu.memory_space<vmem>>, vector<16xf32>,
      tpu.vector_store %arg13[%swap3A], %add3A_264 {strides = array<i32>} : memref<256xf32, #tpu.memory_space<vmem>>, vector<16xf32>,
      %add3A_266 = arith.constant 1 : i32
      %add3A_267 = arith.addi %mul3A_200, %add3A_266 : i32
      %get3A_268 = arith.index_cast %add3A_267 : i32 to index
      %get3A_269 = arith.constant 0 : index
      %get3A_270 = tpu.vector_load %arg7[%get3A_268, %get3A_269] {strides = array<i32>} : memref<128x128xf32, #tpu.memory_space<vmem>>, vector<16xf32>,
      %get3A_271 = arith.index_cast %add3A_267 : i32 to index
      %get3A_272 = arith.constant 0 : index
      %get3A_273 = tpu.vector_load %arg9[%get3A_271, %get3A_272] {strides = array<i32>} : memref<128x128xf32, #tpu.memory_space<vmem>>, vector<16xf32>,
      %mul3A_274 = arith.mulf %get3A_270, %get3A_273 : vector<16xf32>
      %get3A_275 = arith.index_cast %add3A_267 : i32 to index
      %get3A_276 = arith.constant 16 : index
      %get3A_277 = tpu.vector_load %arg7[%get3A_275, %get3A_276] {strides = array<i32>} : memref<128x128xf32, #tpu.memory_space<vmem>>, vector<16xf32>,
      %get3A_278 = arith.index_cast %add3A_267 : i32 to index
      %get3A_279 = arith.constant 16 : index
      %get3A_280 = tpu.vector_load %arg9[%get3A_278, %get3A_279] {strides = array<i32>} : memref<128x128xf32, #tpu.memory_space<vmem>>, vector<16xf32>,
      %mul3A_281 = arith.mulf %get3A_277, %get3A_280 : vector<16xf32>
      %get3A_282 = arith.index_cast %add3A_267 : i32 to index
      %get3A_283 = arith.constant 32 : index
      %get3A_284 = tpu.vector_load %arg7[%get3A_282, %get3A_283] {strides = array<i32>} : memref<128x128xf32, #tpu.memory_space<vmem>>, vector<16xf32>,
      %get3A_285 = arith.index_cast %add3A_267 : i32 to index
      %get3A_286 = arith.constant 32 : index
      %get3A_287 = tpu.vector_load %arg9[%get3A_285, %get3A_286] {strides = array<i32>} : memref<128x128xf32, #tpu.memory_space<vmem>>, vector<16xf32>,
      %mul3A_288 = arith.mulf %get3A_284, %get3A_287 : vector<16xf32>
      %get3A_289 = arith.index_cast %add3A_267 : i32 to index
      %get3A_290 = arith.constant 48 : index
      %get3A_291 = tpu.vector_load %arg7[%get3A_289, %get3A_290] {strides = array<i32>} : memref<128x128xf32, #tpu.memory_space<vmem>>, vector<16xf32>,
      %get3A_292 = arith.index_cast %add3A_267 : i32 to index
      %get3A_293 = arith.constant 48 : index
      %get3A_294 = tpu.vector_load %arg9[%get3A_292, %get3A_293] {strides = array<i32>} : memref<128x128xf32, #tpu.memory_space<vmem>>, vector<16xf32>,
      %mul3A_295 = arith.mulf %get3A_291, %get3A_294 : vector<16xf32>
      %get3A_296 = arith.index_cast %add3A_267 : i32 to index
      %get3A_297 = arith.constant 64 : index
      %get3A_298 = tpu.vector_load %arg7[%get3A_296, %get3A_297] {strides = array<i32>} : memref<128x128xf32, #tpu.memory_space<vmem>>, vector<16xf32>,
      %get3A_299 = arith.index_cast %add3A_267 : i32 to index
      %get3A_300 = arith.constant 64 : index
      %get3A_301 = tpu.vector_load %arg9[%get3A_299, %get3A_300] {strides = array<i32>} : memref<128x128xf32, #tpu.memory_space<vmem>>, vector<16xf32>,
      %mul3A_302 = arith.mulf %get3A_298, %get3A_301 : vector<16xf32>
      %get3A_303 = arith.index_cast %add3A_267 : i32 to index
      %get3A_304 = arith.constant 80 : index
      %get3A_305 = tpu.vector_load %arg7[%get3A_303, %get3A_304] {strides = array<i32>} : memref<128x128xf32, #tpu.memory_space<vmem>>, vector<16xf32>,
      %get3A_306 = arith.index_cast %add3A_267 : i32 to index
      %get3A_307 = arith.constant 80 : index
      %get3A_308 = tpu.vector_load %arg9[%get3A_306, %get3A_307] {strides = array<i32>} : memref<128x128xf32, #tpu.memory_space<vmem>>, vector<16xf32>,
      %mul3A_309 = arith.mulf %get3A_305, %get3A_308 : vector<16xf32>
      %get3A_310 = arith.index_cast %add3A_267 : i32 to index
      %get3A_311 = arith.constant 96 : index
      %get3A_312 = tpu.vector_load %arg7[%get3A_310, %get3A_311] {strides = array<i32>} : memref<128x128xf32, #tpu.memory_space<vmem>>, vector<16xf32>,
      %get3A_313 = arith.index_cast %add3A_267 : i32 to index
      %get3A_314 = arith.constant 96 : index
      %get3A_315 = tpu.vector_load %arg9[%get3A_313, %get3A_314] {strides = array<i32>} : memref<128x128xf32, #tpu.memory_space<vmem>>, vector<16xf32>,
      %mul3A_316 = arith.mulf %get3A_312, %get3A_315 : vector<16xf32>
      %get3A_317 = arith.index_cast %add3A_267 : i32 to index
      %get3A_318 = arith.constant 112 : index
      %get3A_319 = tpu.vector_load %arg7[%get3A_317, %get3A_318] {strides = array<i32>} : memref<128x128xf32, #tpu.memory_space<vmem>>, vector<16xf32>,
      %get3A_320 = arith.index_cast %add3A_267 : i32 to index
      %get3A_321 = arith.constant 112 : index
      %get3A_322 = tpu.vector_load %arg9[%get3A_320, %get3A_321] {strides = array<i32>} : memref<128x128xf32, #tpu.memory_space<vmem>>, vector<16xf32>,
      %mul3A_323 = arith.mulf %get3A_319, %get3A_322 : vector<16xf32>
      %add3A_324 = arith.addf %mul3A_274, %mul3A_281 : vector<16xf32>
      %add3A_325 = arith.addf %mul3A_288, %mul3A_295 : vector<16xf32>
      %add3A_326 = arith.addf %mul3A_302, %mul3A_309 : vector<16xf32>
      %add3A_327 = arith.addf %mul3A_316, %mul3A_323 : vector<16xf32>
      %add3A_328 = arith.addf %add3A_324, %add3A_325 : vector<16xf32>
      %add3A_329 = arith.addf %add3A_326, %add3A_327 : vector<16xf32>
      %add3A_330 = arith.addf %add3A_328, %add3A_329 : vector<16xf32>
      %swap3A_331 = arith.constant 16 : index
      %swap3A_332 = tpu.vector_load %arg13[%swap3A_331] {strides = array<i32>} : memref<256xf32, #tpu.memory_space<vmem>>, vector<16xf32>,
      tpu.vector_store %arg13[%swap3A_331], %add3A_330 {strides = array<i32>} : memref<256xf32, #tpu.memory_space<vmem>>, vector<16xf32>,
      %add3A_333 = arith.constant 2 : i32
      %add3A_334 = arith.addi %mul3A_200, %add3A_333 : i32
      %get3A_335 = arith.index_cast %add3A_334 : i32 to index
      %get3A_336 = arith.constant 0 : index
      %get3A_337 = tpu.vector_load %arg7[%get3A_335, %get3A_336] {strides = array<i32>} : memref<128x128xf32, #tpu.memory_space<vmem>>, vector<16xf32>,
      %get3A_338 = arith.index_cast %add3A_334 : i32 to index
      %get3A_339 = arith.constant 0 : index
      %get3A_340 = tpu.vector_load %arg9[%get3A_338, %get3A_339] {strides = array<i32>} : memref<128x128xf32, #tpu.memory_space<vmem>>, vector<16xf32>,
      %mul3A_341 = arith.mulf %get3A_337, %get3A_340 : vector<16xf32>
      %get3A_342 = arith.index_cast %add3A_334 : i32 to index
      %get3A_343 = arith.constant 16 : index
      %get3A_344 = tpu.vector_load %arg7[%get3A_342, %get3A_343] {strides = array<i32>} : memref<128x128xf32, #tpu.memory_space<vmem>>, vector<16xf32>,
      %get3A_345 = arith.index_cast %add3A_334 : i32 to index
      %get3A_346 = arith.constant 16 : index
      %get3A_347 = tpu.vector_load %arg9[%get3A_345, %get3A_346] {strides = array<i32>} : memref<128x128xf32, #tpu.memory_space<vmem>>, vector<16xf32>,
      %mul3A_348 = arith.mulf %get3A_344, %get3A_347 : vector<16xf32>
      %get3A_349 = arith.index_cast %add3A_334 : i32 to index
      %get3A_350 = arith.constant 32 : index
      %get3A_351 = tpu.vector_load %arg7[%get3A_349, %get3A_350] {strides = array<i32>} : memref<128x128xf32, #tpu.memory_space<vmem>>, vector<16xf32>,
      %get3A_352 = arith.index_cast %add3A_334 : i32 to index
      %get3A_353 = arith.constant 32 : index
      %get3A_354 = tpu.vector_load %arg9[%get3A_352, %get3A_353] {strides = array<i32>} : memref<128x128xf32, #tpu.memory_space<vmem>>, vector<16xf32>,
      %mul3A_355 = arith.mulf %get3A_351, %get3A_354 : vector<16xf32>
      %get3A_356 = arith.index_cast %add3A_334 : i32 to index
      %get3A_357 = arith.constant 48 : index
      %get3A_358 = tpu.vector_load %arg7[%get3A_356, %get3A_357] {strides = array<i32>} : memref<128x128xf32, #tpu.memory_space<vmem>>, vector<16xf32>,
      %get3A_359 = arith.index_cast %add3A_334 : i32 to index
      %get3A_360 = arith.constant 48 : index
      %get3A_361 = tpu.vector_load %arg9[%get3A_359, %get3A_360] {strides = array<i32>} : memref<128x128xf32, #tpu.memory_space<vmem>>, vector<16xf32>,
      %mul3A_362 = arith.mulf %get3A_358, %get3A_361 : vector<16xf32>
      %get3A_363 = arith.index_cast %add3A_334 : i32 to index
      %get3A_364 = arith.constant 64 : index
      %get3A_365 = tpu.vector_load %arg7[%get3A_363, %get3A_364] {strides = array<i32>} : memref<128x128xf32, #tpu.memory_space<vmem>>, vector<16xf32>,
      %get3A_366 = arith.index_cast %add3A_334 : i32 to index
      %get3A_367 = arith.constant 64 : index
      %get3A_368 = tpu.vector_load %arg9[%get3A_366, %get3A_367] {strides = array<i32>} : memref<128x128xf32, #tpu.memory_space<vmem>>, vector<16xf32>,
      %mul3A_369 = arith.mulf %get3A_365, %get3A_368 : vector<16xf32>
      %get3A_370 = arith.index_cast %add3A_334 : i32 to index
      %get3A_371 = arith.constant 80 : index
      %get3A_372 = tpu.vector_load %arg7[%get3A_370, %get3A_371] {strides = array<i32>} : memref<128x128xf32, #tpu.memory_space<vmem>>, vector<16xf32>,
      %get3A_373 = arith.index_cast %add3A_334 : i32 to index
      %get3A_374 = arith.constant 80 : index
      %get3A_375 = tpu.vector_load %arg9[%get3A_373, %get3A_374] {strides = array<i32>} : memref<128x128xf32, #tpu.memory_space<vmem>>, vector<16xf32>,
      %mul3A_376 = arith.mulf %get3A_372, %get3A_375 : vector<16xf32>
      %get3A_377 = arith.index_cast %add3A_334 : i32 to index
      %get3A_378 = arith.constant 96 : index
      %get3A_379 = tpu.vector_load %arg7[%get3A_377, %get3A_378] {strides = array<i32>} : memref<128x128xf32, #tpu.memory_space<vmem>>, vector<16xf32>,
      %get3A_380 = arith.index_cast %add3A_334 : i32 to index
      %get3A_381 = arith.constant 96 : index
      %get3A_382 = tpu.vector_load %arg9[%get3A_380, %get3A_381] {strides = array<i32>} : memref<128x128xf32, #tpu.memory_space<vmem>>, vector<16xf32>,
      %mul3A_383 = arith.mulf %get3A_379, %get3A_382 : vector<16xf32>
      %get3A_384 = arith.index_cast %add3A_334 : i32 to index
      %get3A_385 = arith.constant 112 : index
      %get3A_386 = tpu.vector_load %arg7[%get3A_384, %get3A_385] {strides = array<i32>} : memref<128x128xf32, #tpu.memory_space<vmem>>, vector<16xf32>,
      %get3A_387 = arith.index_cast %add3A_334 : i32 to index
      %get3A_388 = arith.constant 112 : index
      %get3A_389 = tpu.vector_load %arg9[%get3A_387, %get3A_388] {strides = array<i32>} : memref<128x128xf32, #tpu.memory_space<vmem>>, vector<16xf32>,
      %mul3A_390 = arith.mulf %get3A_386, %get3A_389 : vector<16xf32>
      %add3A_391 = arith.addf %mul3A_341, %mul3A_348 : vector<16xf32>
      %add3A_392 = arith.addf %mul3A_355, %mul3A_362 : vector<16xf32>
      %add3A_393 = arith.addf %mul3A_369, %mul3A_376 : vector<16xf32>
      %add3A_394 = arith.addf %mul3A_383, %mul3A_390 : vector<16xf32>
      %add3A_395 = arith.addf %add3A_391, %add3A_392 : vector<16xf32>
      %add3A_396 = arith.addf %add3A_393, %add3A_394 : vector<16xf32>
      %add3A_397 = arith.addf %add3A_395, %add3A_396 : vector<16xf32>
      %swap3A_398 = arith.constant 32 : index
      %swap3A_399 = tpu.vector_load %arg13[%swap3A_398] {strides = array<i32>} : memref<256xf32, #tpu.memory_space<vmem>>, vector<16xf32>,
      tpu.vector_store %arg13[%swap3A_398], %add3A_397 {strides = array<i32>} : memref<256xf32, #tpu.memory_space<vmem>>, vector<16xf32>,
      %add3A_400 = arith.constant 3 : i32
      %add3A_401 = arith.addi %mul3A_200, %add3A_400 : i32
      %get3A_402 = arith.index_cast %add3A_401 : i32 to index
      %get3A_403 = arith.constant 0 : index
      %get3A_404 = tpu.vector_load %arg7[%get3A_402, %get3A_403] {strides = array<i32>} : memref<128x128xf32, #tpu.memory_space<vmem>>, vector<16xf32>,
      %get3A_405 = arith.index_cast %add3A_401 : i32 to index
      %get3A_406 = arith.constant 0 : index
      %get3A_407 = tpu.vector_load %arg9[%get3A_405, %get3A_406] {strides = array<i32>} : memref<128x128xf32, #tpu.memory_space<vmem>>, vector<16xf32>,
      %mul3A_408 = arith.mulf %get3A_404, %get3A_407 : vector<16xf32>
      %get3A_409 = arith.index_cast %add3A_401 : i32 to index
      %get3A_410 = arith.constant 16 : index
      %get3A_411 = tpu.vector_load %arg7[%get3A_409, %get3A_410] {strides = array<i32>} : memref<128x128xf32, #tpu.memory_space<vmem>>, vector<16xf32>,
      %get3A_412 = arith.index_cast %add3A_401 : i32 to index
      %get3A_413 = arith.constant 16 : index
      %get3A_414 = tpu.vector_load %arg9[%get3A_412, %get3A_413] {strides = array<i32>} : memref<128x128xf32, #tpu.memory_space<vmem>>, vector<16xf32>,
      %mul3A_415 = arith.mulf %get3A_411, %get3A_414 : vector<16xf32>
      %get3A_416 = arith.index_cast %add3A_401 : i32 to index
      %get3A_417 = arith.constant 32 : index
      %get3A_418 = tpu.vector_load %arg7[%get3A_416, %get3A_417] {strides = array<i32>} : memref<128x128xf32, #tpu.memory_space<vmem>>, vector<16xf32>,
      %get3A_419 = arith.index_cast %add3A_401 : i32 to index
      %get3A_420 = arith.constant 32 : index
      %get3A_421 = tpu.vector_load %arg9[%get3A_419, %get3A_420] {strides = array<i32>} : memref<128x128xf32, #tpu.memory_space<vmem>>, vector<16xf32>,
      %mul3A_422 = arith.mulf %get3A_418, %get3A_421 : vector<16xf32>
      %get3A_423 = arith.index_cast %add3A_401 : i32 to index
      %get3A_424 = arith.constant 48 : index
      %get3A_425 = tpu.vector_load %arg7[%get3A_423, %get3A_424] {strides = array<i32>} : memref<128x128xf32, #tpu.memory_space<vmem>>, vector<16xf32>,
      %get3A_426 = arith.index_cast %add3A_401 : i32 to index
      %get3A_427 = arith.constant 48 : index
      %get3A_428 = tpu.vector_load %arg9[%get3A_426, %get3A_427] {strides = array<i32>} : memref<128x128xf32, #tpu.memory_space<vmem>>, vector<16xf32>,
      %mul3A_429 = arith.mulf %get3A_425, %get3A_428 : vector<16xf32>
      %get3A_430 = arith.index_cast %add3A_401 : i32 to index
      %get3A_431 = arith.constant 64 : index
      %get3A_432 = tpu.vector_load %arg7[%get3A_430, %get3A_431] {strides = array<i32>} : memref<128x128xf32, #tpu.memory_space<vmem>>, vector<16xf32>,
      %get3A_433 = arith.index_cast %add3A_401 : i32 to index
      %get3A_434 = arith.constant 64 : index
      %get3A_435 = tpu.vector_load %arg9[%get3A_433, %get3A_434] {strides = array<i32>} : memref<128x128xf32, #tpu.memory_space<vmem>>, vector<16xf32>,
      %mul3A_436 = arith.mulf %get3A_432, %get3A_435 : vector<16xf32>
      %get3A_437 = arith.index_cast %add3A_401 : i32 to index
      %get3A_438 = arith.constant 80 : index
      %get3A_439 = tpu.vector_load %arg7[%get3A_437, %get3A_438] {strides = array<i32>} : memref<128x128xf32, #tpu.memory_space<vmem>>, vector<16xf32>,
      %get3A_440 = arith.index_cast %add3A_401 : i32 to index
      %get3A_441 = arith.constant 80 : index
      %get3A_442 = tpu.vector_load %arg9[%get3A_440, %get3A_441] {strides = array<i32>} : memref<128x128xf32, #tpu.memory_space<vmem>>, vector<16xf32>,
      %mul3A_443 = arith.mulf %get3A_439, %get3A_442 : vector<16xf32>
      %get3A_444 = arith.index_cast %add3A_401 : i32 to index
      %get3A_445 = arith.constant 96 : index
      %get3A_446 = tpu.vector_load %arg7[%get3A_444, %get3A_445] {strides = array<i32>} : memref<128x128xf32, #tpu.memory_space<vmem>>, vector<16xf32>,
      %get3A_447 = arith.index_cast %add3A_401 : i32 to index
      %get3A_448 = arith.constant 96 : index
      %get3A_449 = tpu.vector_load %arg9[%get3A_447, %get3A_448] {strides = array<i32>} : memref<128x128xf32, #tpu.memory_space<vmem>>, vector<16xf32>,
      %mul3A_450 = arith.mulf %get3A_446, %get3A_449 : vector<16xf32>
      %get3A_451 = arith.index_cast %add3A_401 : i32 to index
      %get3A_452 = arith.constant 112 : index
      %get3A_453 = tpu.vector_load %arg7[%get3A_451, %get3A_452] {strides = array<i32>} : memref<128x128xf32, #tpu.memory_space<vmem>>, vector<16xf32>,
      %get3A_454 = arith.index_cast %add3A_401 : i32 to index
      %get3A_455 = arith.constant 112 : index
      %get3A_456 = tpu.vector_load %arg9[%get3A_454, %get3A_455] {strides = array<i32>} : memref<128x128xf32, #tpu.memory_space<vmem>>, vector<16xf32>,
      %mul3A_457 = arith.mulf %get3A_453, %get3A_456 : vector<16xf32>
      %add3A_458 = arith.addf %mul3A_408, %mul3A_415 : vector<16xf32>
      %add3A_459 = arith.addf %mul3A_422, %mul3A_429 : vector<16xf32>
      %add3A_460 = arith.addf %mul3A_436, %mul3A_443 : vector<16xf32>
      %add3A_461 = arith.addf %mul3A_450, %mul3A_457 : vector<16xf32>
      %add3A_462 = arith.addf %add3A_458, %add3A_459 : vector<16xf32>
      %add3A_463 = arith.addf %add3A_460, %add3A_461 : vector<16xf32>
      %add3A_464 = arith.addf %add3A_462, %add3A_463 : vector<16xf32>
      %swap3A_465 = arith.constant 48 : index
      %swap3A_466 = tpu.vector_load %arg13[%swap3A_465] {strides = array<i32>} : memref<256xf32, #tpu.memory_space<vmem>>, vector<16xf32>,
      tpu.vector_store %arg13[%swap3A_465], %add3A_464 {strides = array<i32>} : memref<256xf32, #tpu.memory_space<vmem>>, vector<16xf32>,
      %add3A_467 = arith.constant 4 : i32
      %add3A_468 = arith.addi %mul3A_200, %add3A_467 : i32
      %get3A_469 = arith.index_cast %add3A_468 : i32 to index
      %get3A_470 = arith.constant 0 : index
      %get3A_471 = tpu.vector_load %arg7[%get3A_469, %get3A_470] {strides = array<i32>} : memref<128x128xf32, #tpu.memory_space<vmem>>, vector<16xf32>,
      %get3A_472 = arith.index_cast %add3A_468 : i32 to index
      %get3A_473 = arith.constant 0 : index
      %get3A_474 = tpu.vector_load %arg9[%get3A_472, %get3A_473] {strides = array<i32>} : memref<128x128xf32, #tpu.memory_space<vmem>>, vector<16xf32>,
      %mul3A_475 = arith.mulf %get3A_471, %get3A_474 : vector<16xf32>
      %get3A_476 = arith.index_cast %add3A_468 : i32 to index
      %get3A_477 = arith.constant 16 : index
      %get3A_478 = tpu.vector_load %arg7[%get3A_476, %get3A_477] {strides = array<i32>} : memref<128x128xf32, #tpu.memory_space<vmem>>, vector<16xf32>,
      %get3A_479 = arith.index_cast %add3A_468 : i32 to index
      %get3A_480 = arith.constant 16 : index
      %get3A_481 = tpu.vector_load %arg9[%get3A_479, %get3A_480] {strides = array<i32>} : memref<128x128xf32, #tpu.memory_space<vmem>>, vector<16xf32>,
      %mul3A_482 = arith.mulf %get3A_478, %get3A_481 : vector<16xf32>
      %get3A_483 = arith.index_cast %add3A_468 : i32 to index
      %get3A_484 = arith.constant 32 : index
      %get3A_485 = tpu.vector_load %arg7[%get3A_483, %get3A_484] {strides = array<i32>} : memref<128x128xf32, #tpu.memory_space<vmem>>, vector<16xf32>,
      %get3A_486 = arith.index_cast %add3A_468 : i32 to index
      %get3A_487 = arith.constant 32 : index
      %get3A_488 = tpu.vector_load %arg9[%get3A_486, %get3A_487] {strides = array<i32>} : memref<128x128xf32, #tpu.memory_space<vmem>>, vector<16xf32>,
      %mul3A_489 = arith.mulf %get3A_485, %get3A_488 : vector<16xf32>
      %get3A_490 = arith.index_cast %add3A_468 : i32 to index
      %get3A_491 = arith.constant 48 : index
      %get3A_492 = tpu.vector_load %arg7[%get3A_490, %get3A_491] {strides = array<i32>} : memref<128x128xf32, #tpu.memory_space<vmem>>, vector<16xf32>,
      %get3A_493 = arith.index_cast %add3A_468 : i32 to index
      %get3A_494 = arith.constant 48 : index
      %get3A_495 = tpu.vector_load %arg9[%get3A_493, %get3A_494] {strides = array<i32>} : memref<128x128xf32, #tpu.memory_space<vmem>>, vector<16xf32>,
      %mul3A_496 = arith.mulf %get3A_492, %get3A_495 : vector<16xf32>
      %get3A_497 = arith.index_cast %add3A_468 : i32 to index
      %get3A_498 = arith.constant 64 : index
      %get3A_499 = tpu.vector_load %arg7[%get3A_497, %get3A_498] {strides = array<i32>} : memref<128x128xf32, #tpu.memory_space<vmem>>, vector<16xf32>,
      %get3A_500 = arith.index_cast %add3A_468 : i32 to index
      %get3A_501 = arith.constant 64 : index
      %get3A_502 = tpu.vector_load %arg9[%get3A_500, %get3A_501] {strides = array<i32>} : memref<128x128xf32, #tpu.memory_space<vmem>>, vector<16xf32>,
      %mul3A_503 = arith.mulf %get3A_499, %get3A_502 : vector<16xf32>
      %get3A_504 = arith.index_cast %add3A_468 : i32 to index
      %get3A_505 = arith.constant 80 : index
      %get3A_506 = tpu.vector_load %arg7[%get3A_504, %get3A_505] {strides = array<i32>} : memref<128x128xf32, #tpu.memory_space<vmem>>, vector<16xf32>,
      %get3A_507 = arith.index_cast %add3A_468 : i32 to index
      %get3A_508 = arith.constant 80 : index
      %get3A_509 = tpu.vector_load %arg9[%get3A_507, %get3A_508] {strides = array<i32>} : memref<128x128xf32, #tpu.memory_space<vmem>>, vector<16xf32>,
      %mul3A_510 = arith.mulf %get3A_506, %get3A_509 : vector<16xf32>
      %get3A_511 = arith.index_cast %add3A_468 : i32 to index
      %get3A_512 = arith.constant 96 : index
      %get3A_513 = tpu.vector_load %arg7[%get3A_511, %get3A_512] {strides = array<i32>} : memref<128x128xf32, #tpu.memory_space<vmem>>, vector<16xf32>,
      %get3A_514 = arith.index_cast %add3A_468 : i32 to index
      %get3A_515 = arith.constant 96 : index
      %get3A_516 = tpu.vector_load %arg9[%get3A_514, %get3A_515] {strides = array<i32>} : memref<128x128xf32, #tpu.memory_space<vmem>>, vector<16xf32>,
      %mul3A_517 = arith.mulf %get3A_513, %get3A_516 : vector<16xf32>
      %get3A_518 = arith.index_cast %add3A_468 : i32 to index
      %get3A_519 = arith.constant 112 : index
      %get3A_520 = tpu.vector_load %arg7[%get3A_518, %get3A_519] {strides = array<i32>} : memref<128x128xf32, #tpu.memory_space<vmem>>, vector<16xf32>,
      %get3A_521 = arith.index_cast %add3A_468 : i32 to index
      %get3A_522 = arith.constant 112 : index
      %get3A_523 = tpu.vector_load %arg9[%get3A_521, %get3A_522] {strides = array<i32>} : memref<128x128xf32, #tpu.memory_space<vmem>>, vector<16xf32>,
      %mul3A_524 = arith.mulf %get3A_520, %get3A_523 : vector<16xf32>
      %add3A_525 = arith.addf %mul3A_475, %mul3A_482 : vector<16xf32>
      %add3A_526 = arith.addf %mul3A_489, %mul3A_496 : vector<16xf32>
      %add3A_527 = arith.addf %mul3A_503, %mul3A_510 : vector<16xf32>
      %add3A_528 = arith.addf %mul3A_517, %mul3A_524 : vector<16xf32>
      %add3A_529 = arith.addf %add3A_525, %add3A_526 : vector<16xf32>
      %add3A_530 = arith.addf %add3A_527, %add3A_528 : vector<16xf32>
      %add3A_531 = arith.addf %add3A_529, %add3A_530 : vector<16xf32>
      %swap3A_532 = arith.constant 64 : index
      %swap3A_533 = tpu.vector_load %arg13[%swap3A_532] {strides = array<i32>} : memref<256xf32, #tpu.memory_space<vmem>>, vector<16xf32>,
      tpu.vector_store %arg13[%swap3A_532], %add3A_531 {strides = array<i32>} : memref<256xf32, #tpu.memory_space<vmem>>, vector<16xf32>,
      %add3A_534 = arith.constant 5 : i32
      %add3A_535 = arith.addi %mul3A_200, %add3A_534 : i32
      %get3A_536 = arith.index_cast %add3A_535 : i32 to index
      %get3A_537 = arith.constant 0 : index
      %get3A_538 = tpu.vector_load %arg7[%get3A_536, %get3A_537] {strides = array<i32>} : memref<128x128xf32, #tpu.memory_space<vmem>>, vector<16xf32>,
      %get3A_539 = arith.index_cast %add3A_535 : i32 to index
      %get3A_540 = arith.constant 0 : index
      %get3A_541 = tpu.vector_load %arg9[%get3A_539, %get3A_540] {strides = array<i32>} : memref<128x128xf32, #tpu.memory_space<vmem>>, vector<16xf32>,
      %mul3A_542 = arith.mulf %get3A_538, %get3A_541 : vector<16xf32>
      %get3A_543 = arith.index_cast %add3A_535 : i32 to index
      %get3A_544 = arith.constant 16 : index
      %get3A_545 = tpu.vector_load %arg7[%get3A_543, %get3A_544] {strides = array<i32>} : memref<128x128xf32, #tpu.memory_space<vmem>>, vector<16xf32>,
      %get3A_546 = arith.index_cast %add3A_535 : i32 to index
      %get3A_547 = arith.constant 16 : index
      %get3A_548 = tpu.vector_load %arg9[%get3A_546, %get3A_547] {strides = array<i32>} : memref<128x128xf32, #tpu.memory_space<vmem>>, vector<16xf32>,
      %mul3A_549 = arith.mulf %get3A_545, %get3A_548 : vector<16xf32>
      %get3A_550 = arith.index_cast %add3A_535 : i32 to index
      %get3A_551 = arith.constant 32 : index
      %get3A_552 = tpu.vector_load %arg7[%get3A_550, %get3A_551] {strides = array<i32>} : memref<128x128xf32, #tpu.memory_space<vmem>>, vector<16xf32>,
      %get3A_553 = arith.index_cast %add3A_535 : i32 to index
      %get3A_554 = arith.constant 32 : index
      %get3A_555 = tpu.vector_load %arg9[%get3A_553, %get3A_554] {strides = array<i32>} : memref<128x128xf32, #tpu.memory_space<vmem>>, vector<16xf32>,
      %mul3A_556 = arith.mulf %get3A_552, %get3A_555 : vector<16xf32>
      %get3A_557 = arith.index_cast %add3A_535 : i32 to index
      %get3A_558 = arith.constant 48 : index
      %get3A_559 = tpu.vector_load %arg7[%get3A_557, %get3A_558] {strides = array<i32>} : memref<128x128xf32, #tpu.memory_space<vmem>>, vector<16xf32>,
      %get3A_560 = arith.index_cast %add3A_535 : i32 to index
      %get3A_561 = arith.constant 48 : index
      %get3A_562 = tpu.vector_load %arg9[%get3A_560, %get3A_561] {strides = array<i32>} : memref<128x128xf32, #tpu.memory_space<vmem>>, vector<16xf32>,
      %mul3A_563 = arith.mulf %get3A_559, %get3A_562 : vector<16xf32>
      %get3A_564 = arith.index_cast %add3A_535 : i32 to index
      %get3A_565 = arith.constant 64 : index
      %get3A_566 = tpu.vector_load %arg7[%get3A_564, %get3A_565] {strides = array<i32>} : memref<128x128xf32, #tpu.memory_space<vmem>>, vector<16xf32>,
      %get3A_567 = arith.index_cast %add3A_535 : i32 to index
      %get3A_568 = arith.constant 64 : index
      %get3A_569 = tpu.vector_load %arg9[%get3A_567, %get3A_568] {strides = array<i32>} : memref<128x128xf32, #tpu.memory_space<vmem>>, vector<16xf32>,
      %mul3A_570 = arith.mulf %get3A_566, %get3A_569 : vector<16xf32>
      %get3A_571 = arith.index_cast %add3A_535 : i32 to index
      %get3A_572 = arith.constant 80 : index
      %get3A_573 = tpu.vector_load %arg7[%get3A_571, %get3A_572] {strides = array<i32>} : memref<128x128xf32, #tpu.memory_space<vmem>>, vector<16xf32>,
      %get3A_574 = arith.index_cast %add3A_535 : i32 to index
      %get3A_575 = arith.constant 80 : index
      %get3A_576 = tpu.vector_load %arg9[%get3A_574, %get3A_575] {strides = array<i32>} : memref<128x128xf32, #tpu.memory_space<vmem>>, vector<16xf32>,
      %mul3A_577 = arith.mulf %get3A_573, %get3A_576 : vector<16xf32>
      %get3A_578 = arith.index_cast %add3A_535 : i32 to index
      %get3A_579 = arith.constant 96 : index
      %get3A_580 = tpu.vector_load %arg7[%get3A_578, %get3A_579] {strides = array<i32>} : memref<128x128xf32, #tpu.memory_space<vmem>>, vector<16xf32>,
      %get3A_581 = arith.index_cast %add3A_535 : i32 to index
      %get3A_582 = arith.constant 96 : index
      %get3A_583 = tpu.vector_load %arg9[%get3A_581, %get3A_582] {strides = array<i32>} : memref<128x128xf32, #tpu.memory_space<vmem>>, vector<16xf32>,
      %mul3A_584 = arith.mulf %get3A_580, %get3A_583 : vector<16xf32>
      %get3A_585 = arith.index_cast %add3A_535 : i32 to index
      %get3A_586 = arith.constant 112 : index
      %get3A_587 = tpu.vector_load %arg7[%get3A_585, %get3A_586] {strides = array<i32>} : memref<128x128xf32, #tpu.memory_space<vmem>>, vector<16xf32>,
      %get3A_588 = arith.index_cast %add3A_535 : i32 to index
      %get3A_589 = arith.constant 112 : index
      %get3A_590 = tpu.vector_load %arg9[%get3A_588, %get3A_589] {strides = array<i32>} : memref<128x128xf32, #tpu.memory_space<vmem>>, vector<16xf32>,
      %mul3A_591 = arith.mulf %get3A_587, %get3A_590 : vector<16xf32>
      %add3A_592 = arith.addf %mul3A_542, %mul3A_549 : vector<16xf32>
      %add3A_593 = arith.addf %mul3A_556, %mul3A_563 : vector<16xf32>
      %add3A_594 = arith.addf %mul3A_570, %mul3A_577 : vector<16xf32>
      %add3A_595 = arith.addf %mul3A_584, %mul3A_591 : vector<16xf32>
      %add3A_596 = arith.addf %add3A_592, %add3A_593 : vector<16xf32>
      %add3A_597 = arith.addf %add3A_594, %add3A_595 : vector<16xf32>
      %add3A_598 = arith.addf %add3A_596, %add3A_597 : vector<16xf32>
      %swap3A_599 = arith.constant 80 : index
      %swap3A_600 = tpu.vector_load %arg13[%swap3A_599] {strides = array<i32>} : memref<256xf32, #tpu.memory_space<vmem>>, vector<16xf32>,
      tpu.vector_store %arg13[%swap3A_599], %add3A_598 {strides = array<i32>} : memref<256xf32, #tpu.memory_space<vmem>>, vector<16xf32>,
      %add3A_601 = arith.constant 6 : i32
      %add3A_602 = arith.addi %mul3A_200, %add3A_601 : i32
      %get3A_603 = arith.index_cast %add3A_602 : i32 to index
      %get3A_604 = arith.constant 0 : index
      %get3A_605 = tpu.vector_load %arg7[%get3A_603, %get3A_604] {strides = array<i32>} : memref<128x128xf32, #tpu.memory_space<vmem>>, vector<16xf32>,
      %get3A_606 = arith.index_cast %add3A_602 : i32 to index
      %get3A_607 = arith.constant 0 : index
      %get3A_608 = tpu.vector_load %arg9[%get3A_606, %get3A_607] {strides = array<i32>} : memref<128x128xf32, #tpu.memory_space<vmem>>, vector<16xf32>,
      %mul3A_609 = arith.mulf %get3A_605, %get3A_608 : vector<16xf32>
      %get3A_610 = arith.index_cast %add3A_602 : i32 to index
      %get3A_611 = arith.constant 16 : index
      %get3A_612 = tpu.vector_load %arg7[%get3A_610, %get3A_611] {strides = array<i32>} : memref<128x128xf32, #tpu.memory_space<vmem>>, vector<16xf32>,
      %get3A_613 = arith.index_cast %add3A_602 : i32 to index
      %get3A_614 = arith.constant 16 : index
      %get3A_615 = tpu.vector_load %arg9[%get3A_613, %get3A_614] {strides = array<i32>} : memref<128x128xf32, #tpu.memory_space<vmem>>, vector<16xf32>,
      %mul3A_616 = arith.mulf %get3A_612, %get3A_615 : vector<16xf32>
      %get3A_617 = arith.index_cast %add3A_602 : i32 to index
      %get3A_618 = arith.constant 32 : index
      %get3A_619 = tpu.vector_load %arg7[%get3A_617, %get3A_618] {strides = array<i32>} : memref<128x128xf32, #tpu.memory_space<vmem>>, vector<16xf32>,
      %get3A_620 = arith.index_cast %add3A_602 : i32 to index
      %get3A_621 = arith.constant 32 : index
      %get3A_622 = tpu.vector_load %arg9[%get3A_620, %get3A_621] {strides = array<i32>} : memref<128x128xf32, #tpu.memory_space<vmem>>, vector<16xf32>,
      %mul3A_623 = arith.mulf %get3A_619, %get3A_622 : vector<16xf32>
      %get3A_624 = arith.index_cast %add3A_602 : i32 to index
      %get3A_625 = arith.constant 48 : index
      %get3A_626 = tpu.vector_load %arg7[%get3A_624, %get3A_625] {strides = array<i32>} : memref<128x128xf32, #tpu.memory_space<vmem>>, vector<16xf32>,
      %get3A_627 = arith.index_cast %add3A_602 : i32 to index
      %get3A_628 = arith.constant 48 : index
      %get3A_629 = tpu.vector_load %arg9[%get3A_627, %get3A_628] {strides = array<i32>} : memref<128x128xf32, #tpu.memory_space<vmem>>, vector<16xf32>,
      %mul3A_630 = arith.mulf %get3A_626, %get3A_629 : vector<16xf32>
      %get3A_631 = arith.index_cast %add3A_602 : i32 to index
      %get3A_632 = arith.constant 64 : index
      %get3A_633 = tpu.vector_load %arg7[%get3A_631, %get3A_632] {strides = array<i32>} : memref<128x128xf32, #tpu.memory_space<vmem>>, vector<16xf32>,
      %get3A_634 = arith.index_cast %add3A_602 : i32 to index
      %get3A_635 = arith.constant 64 : index
      %get3A_636 = tpu.vector_load %arg9[%get3A_634, %get3A_635] {strides = array<i32>} : memref<128x128xf32, #tpu.memory_space<vmem>>, vector<16xf32>,
      %mul3A_637 = arith.mulf %get3A_633, %get3A_636 : vector<16xf32>
      %get3A_638 = arith.index_cast %add3A_602 : i32 to index
      %get3A_639 = arith.constant 80 : index
      %get3A_640 = tpu.vector_load %arg7[%get3A_638, %get3A_639] {strides = array<i32>} : memref<128x128xf32, #tpu.memory_space<vmem>>, vector<16xf32>,
      %get3A_641 = arith.index_cast %add3A_602 : i32 to index
      %get3A_642 = arith.constant 80 : index
      %get3A_643 = tpu.vector_load %arg9[%get3A_641, %get3A_642] {strides = array<i32>} : memref<128x128xf32, #tpu.memory_space<vmem>>, vector<16xf32>,
      %mul3A_644 = arith.mulf %get3A_640, %get3A_643 : vector<16xf32>
      %get3A_645 = arith.index_cast %add3A_602 : i32 to index
      %get3A_646 = arith.constant 96 : index
      %get3A_647 = tpu.vector_load %arg7[%get3A_645, %get3A_646] {strides = array<i32>} : memref<128x128xf32, #tpu.memory_space<vmem>>, vector<16xf32>,
      %get3A_648 = arith.index_cast %add3A_602 : i32 to index
      %get3A_649 = arith.constant 96 : index
      %get3A_650 = tpu.vector_load %arg9[%get3A_648, %get3A_649] {strides = array<i32>} : memref<128x128xf32, #tpu.memory_space<vmem>>, vector<16xf32>,
      %mul3A_651 = arith.mulf %get3A_647, %get3A_650 : vector<16xf32>
      %get3A_652 = arith.index_cast %add3A_602 : i32 to index
      %get3A_653 = arith.constant 112 : index
      %get3A_654 = tpu.vector_load %arg7[%get3A_652, %get3A_653] {strides = array<i32>} : memref<128x128xf32, #tpu.memory_space<vmem>>, vector<16xf32>,
      %get3A_655 = arith.index_cast %add3A_602 : i32 to index
      %get3A_656 = arith.constant 112 : index
      %get3A_657 = tpu.vector_load %arg9[%get3A_655, %get3A_656] {strides = array<i32>} : memref<128x128xf32, #tpu.memory_space<vmem>>, vector<16xf32>,
      %mul3A_658 = arith.mulf %get3A_654, %get3A_657 : vector<16xf32>
      %add3A_659 = arith.addf %mul3A_609, %mul3A_616 : vector<16xf32>
      %add3A_660 = arith.addf %mul3A_623, %mul3A_630 : vector<16xf32>
      %add3A_661 = arith.addf %mul3A_637, %mul3A_644 : vector<16xf32>
      %add3A_662 = arith.addf %mul3A_651, %mul3A_658 : vector<16xf32>
      %add3A_663 = arith.addf %add3A_659, %add3A_660 : vector<16xf32>
      %add3A_664 = arith.addf %add3A_661, %add3A_662 : vector<16xf32>
      %add3A_665 = arith.addf %add3A_663, %add3A_664 : vector<16xf32>
      %swap3A_666 = arith.constant 96 : index
      %swap3A_667 = tpu.vector_load %arg13[%swap3A_666] {strides = array<i32>} : memref<256xf32, #tpu.memory_space<vmem>>, vector<16xf32>,
      tpu.vector_store %arg13[%swap3A_666], %add3A_665 {strides = array<i32>} : memref<256xf32, #tpu.memory_space<vmem>>, vector<16xf32>,
      %add3A_668 = arith.constant 7 : i32
      %add3A_669 = arith.addi %mul3A_200, %add3A_668 : i32
      %get3A_670 = arith.index_cast %add3A_669 : i32 to index
      %get3A_671 = arith.constant 0 : index
      %get3A_672 = tpu.vector_load %arg7[%get3A_670, %get3A_671] {strides = array<i32>} : memref<128x128xf32, #tpu.memory_space<vmem>>, vector<16xf32>,
      %get3A_673 = arith.index_cast %add3A_669 : i32 to index
      %get3A_674 = arith.constant 0 : index
      %get3A_675 = tpu.vector_load %arg9[%get3A_673, %get3A_674] {strides = array<i32>} : memref<128x128xf32, #tpu.memory_space<vmem>>, vector<16xf32>,
      %mul3A_676 = arith.mulf %get3A_672, %get3A_675 : vector<16xf32>
      %get3A_677 = arith.index_cast %add3A_669 : i32 to index
      %get3A_678 = arith.constant 16 : index
      %get3A_679 = tpu.vector_load %arg7[%get3A_677, %get3A_678] {strides = array<i32>} : memref<128x128xf32, #tpu.memory_space<vmem>>, vector<16xf32>,
      %get3A_680 = arith.index_cast %add3A_669 : i32 to index
      %get3A_681 = arith.constant 16 : index
      %get3A_682 = tpu.vector_load %arg9[%get3A_680, %get3A_681] {strides = array<i32>} : memref<128x128xf32, #tpu.memory_space<vmem>>, vector<16xf32>,
      %mul3A_683 = arith.mulf %get3A_679, %get3A_682 : vector<16xf32>
      %get3A_684 = arith.index_cast %add3A_669 : i32 to index
      %get3A_685 = arith.constant 32 : index
      %get3A_686 = tpu.vector_load %arg7[%get3A_684, %get3A_685] {strides = array<i32>} : memref<128x128xf32, #tpu.memory_space<vmem>>, vector<16xf32>,
      %get3A_687 = arith.index_cast %add3A_669 : i32 to index
      %get3A_688 = arith.constant 32 : index
      %get3A_689 = tpu.vector_load %arg9[%get3A_687, %get3A_688] {strides = array<i32>} : memref<128x128xf32, #tpu.memory_space<vmem>>, vector<16xf32>,
      %mul3A_690 = arith.mulf %get3A_686, %get3A_689 : vector<16xf32>
      %get3A_691 = arith.index_cast %add3A_669 : i32 to index
      %get3A_692 = arith.constant 48 : index
      %get3A_693 = tpu.vector_load %arg7[%get3A_691, %get3A_692] {strides = array<i32>} : memref<128x128xf32, #tpu.memory_space<vmem>>, vector<16xf32>,
      %get3A_694 = arith.index_cast %add3A_669 : i32 to index
      %get3A_695 = arith.constant 48 : index
      %get3A_696 = tpu.vector_load %arg9[%get3A_694, %get3A_695] {strides = array<i32>} : memref<128x128xf32, #tpu.memory_space<vmem>>, vector<16xf32>,
      %mul3A_697 = arith.mulf %get3A_693, %get3A_696 : vector<16xf32>
      %get3A_698 = arith.index_cast %add3A_669 : i32 to index
      %get3A_699 = arith.constant 64 : index
      %get3A_700 = tpu.vector_load %arg7[%get3A_698, %get3A_699] {strides = array<i32>} : memref<128x128xf32, #tpu.memory_space<vmem>>, vector<16xf32>,
      %get3A_701 = arith.index_cast %add3A_669 : i32 to index
      %get3A_702 = arith.constant 64 : index
      %get3A_703 = tpu.vector_load %arg9[%get3A_701, %get3A_702] {strides = array<i32>} : memref<128x128xf32, #tpu.memory_space<vmem>>, vector<16xf32>,
      %mul3A_704 = arith.mulf %get3A_700, %get3A_703 : vector<16xf32>
      %get3A_705 = arith.index_cast %add3A_669 : i32 to index
      %get3A_706 = arith.constant 80 : index
      %get3A_707 = tpu.vector_load %arg7[%get3A_705, %get3A_706] {strides = array<i32>} : memref<128x128xf32, #tpu.memory_space<vmem>>, vector<16xf32>,
      %get3A_708 = arith.index_cast %add3A_669 : i32 to index
      %get3A_709 = arith.constant 80 : index
      %get3A_710 = tpu.vector_load %arg9[%get3A_708, %get3A_709] {strides = array<i32>} : memref<128x128xf32, #tpu.memory_space<vmem>>, vector<16xf32>,
      %mul3A_711 = arith.mulf %get3A_707, %get3A_710 : vector<16xf32>
      %get3A_712 = arith.index_cast %add3A_669 : i32 to index
      %get3A_713 = arith.constant 96 : index
      %get3A_714 = tpu.vector_load %arg7[%get3A_712, %get3A_713] {strides = array<i32>} : memref<128x128xf32, #tpu.memory_space<vmem>>, vector<16xf32>,
      %get3A_715 = arith.index_cast %add3A_669 : i32 to index
      %get3A_716 = arith.constant 96 : index
      %get3A_717 = tpu.vector_load %arg9[%get3A_715, %get3A_716] {strides = array<i32>} : memref<128x128xf32, #tpu.memory_space<vmem>>, vector<16xf32>,
      %mul3A_718 = arith.mulf %get3A_714, %get3A_717 : vector<16xf32>
      %get3A_719 = arith.index_cast %add3A_669 : i32 to index
      %get3A_720 = arith.constant 112 : index
      %get3A_721 = tpu.vector_load %arg7[%get3A_719, %get3A_720] {strides = array<i32>} : memref<128x128xf32, #tpu.memory_space<vmem>>, vector<16xf32>,
      %get3A_722 = arith.index_cast %add3A_669 : i32 to index
      %get3A_723 = arith.constant 112 : index
      %get3A_724 = tpu.vector_load %arg9[%get3A_722, %get3A_723] {strides = array<i32>} : memref<128x128xf32, #tpu.memory_space<vmem>>, vector<16xf32>,
      %mul3A_725 = arith.mulf %get3A_721, %get3A_724 : vector<16xf32>
      %add3A_726 = arith.addf %mul3A_676, %mul3A_683 : vector<16xf32>
      %add3A_727 = arith.addf %mul3A_690, %mul3A_697 : vector<16xf32>
      %add3A_728 = arith.addf %mul3A_704, %mul3A_711 : vector<16xf32>
      %add3A_729 = arith.addf %mul3A_718, %mul3A_725 : vector<16xf32>
      %add3A_730 = arith.addf %add3A_726, %add3A_727 : vector<16xf32>
      %add3A_731 = arith.addf %add3A_728, %add3A_729 : vector<16xf32>
      %add3A_732 = arith.addf %add3A_730, %add3A_731 : vector<16xf32>
      %swap3A_733 = arith.constant 112 : index
      %swap3A_734 = tpu.vector_load %arg13[%swap3A_733] {strides = array<i32>} : memref<256xf32, #tpu.memory_space<vmem>>, vector<16xf32>,
      tpu.vector_store %arg13[%swap3A_733], %add3A_732 {strides = array<i32>} : memref<256xf32, #tpu.memory_space<vmem>>, vector<16xf32>,
      %add3A_735 = arith.constant 8 : i32
      %add3A_736 = arith.addi %mul3A_200, %add3A_735 : i32
      %get3A_737 = arith.index_cast %add3A_736 : i32 to index
      %get3A_738 = arith.constant 0 : index
      %get3A_739 = tpu.vector_load %arg7[%get3A_737, %get3A_738] {strides = array<i32>} : memref<128x128xf32, #tpu.memory_space<vmem>>, vector<16xf32>,
      %get3A_740 = arith.index_cast %add3A_736 : i32 to index
      %get3A_741 = arith.constant 0 : index
      %get3A_742 = tpu.vector_load %arg9[%get3A_740, %get3A_741] {strides = array<i32>} : memref<128x128xf32, #tpu.memory_space<vmem>>, vector<16xf32>,
      %mul3A_743 = arith.mulf %get3A_739, %get3A_742 : vector<16xf32>
      %get3A_744 = arith.index_cast %add3A_736 : i32 to index
      %get3A_745 = arith.constant 16 : index
      %get3A_746 = tpu.vector_load %arg7[%get3A_744, %get3A_745] {strides = array<i32>} : memref<128x128xf32, #tpu.memory_space<vmem>>, vector<16xf32>,
      %get3A_747 = arith.index_cast %add3A_736 : i32 to index
      %get3A_748 = arith.constant 16 : index
      %get3A_749 = tpu.vector_load %arg9[%get3A_747, %get3A_748] {strides = array<i32>} : memref<128x128xf32, #tpu.memory_space<vmem>>, vector<16xf32>,
      %mul3A_750 = arith.mulf %get3A_746, %get3A_749 : vector<16xf32>
      %get3A_751 = arith.index_cast %add3A_736 : i32 to index
      %get3A_752 = arith.constant 32 : index
      %get3A_753 = tpu.vector_load %arg7[%get3A_751, %get3A_752] {strides = array<i32>} : memref<128x128xf32, #tpu.memory_space<vmem>>, vector<16xf32>,
      %get3A_754 = arith.index_cast %add3A_736 : i32 to index
      %get3A_755 = arith.constant 32 : index
      %get3A_756 = tpu.vector_load %arg9[%get3A_754, %get3A_755] {strides = array<i32>} : memref<128x128xf32, #tpu.memory_space<vmem>>, vector<16xf32>,
      %mul3A_757 = arith.mulf %get3A_753, %get3A_756 : vector<16xf32>
      %get3A_758 = arith.index_cast %add3A_736 : i32 to index
      %get3A_759 = arith.constant 48 : index
      %get3A_760 = tpu.vector_load %arg7[%get3A_758, %get3A_759] {strides = array<i32>} : memref<128x128xf32, #tpu.memory_space<vmem>>, vector<16xf32>,
      %get3A_761 = arith.index_cast %add3A_736 : i32 to index
      %get3A_762 = arith.constant 48 : index
      %get3A_763 = tpu.vector_load %arg9[%get3A_761, %get3A_762] {strides = array<i32>} : memref<128x128xf32, #tpu.memory_space<vmem>>, vector<16xf32>,
      %mul3A_764 = arith.mulf %get3A_760, %get3A_763 : vector<16xf32>
      %get3A_765 = arith.index_cast %add3A_736 : i32 to index
      %get3A_766 = arith.constant 64 : index
      %get3A_767 = tpu.vector_load %arg7[%get3A_765, %get3A_766] {strides = array<i32>} : memref<128x128xf32, #tpu.memory_space<vmem>>, vector<16xf32>,
      %get3A_768 = arith.index_cast %add3A_736 : i32 to index
      %get3A_769 = arith.constant 64 : index
      %get3A_770 = tpu.vector_load %arg9[%get3A_768, %get3A_769] {strides = array<i32>} : memref<128x128xf32, #tpu.memory_space<vmem>>, vector<16xf32>,
      %mul3A_771 = arith.mulf %get3A_767, %get3A_770 : vector<16xf32>
      %get3A_772 = arith.index_cast %add3A_736 : i32 to index
      %get3A_773 = arith.constant 80 : index
      %get3A_774 = tpu.vector_load %arg7[%get3A_772, %get3A_773] {strides = array<i32>} : memref<128x128xf32, #tpu.memory_space<vmem>>, vector<16xf32>,
      %get3A_775 = arith.index_cast %add3A_736 : i32 to index
      %get3A_776 = arith.constant 80 : index
      %get3A_777 = tpu.vector_load %arg9[%get3A_775, %get3A_776] {strides = array<i32>} : memref<128x128xf32, #tpu.memory_space<vmem>>, vector<16xf32>,
      %mul3A_778 = arith.mulf %get3A_774, %get3A_777 : vector<16xf32>
      %get3A_779 = arith.index_cast %add3A_736 : i32 to index
      %get3A_780 = arith.constant 96 : index
      %get3A_781 = tpu.vector_load %arg7[%get3A_779, %get3A_780] {strides = array<i32>} : memref<128x128xf32, #tpu.memory_space<vmem>>, vector<16xf32>,
      %get3A_782 = arith.index_cast %add3A_736 : i32 to index
      %get3A_783 = arith.constant 96 : index
      %get3A_784 = tpu.vector_load %arg9[%get3A_782, %get3A_783] {strides = array<i32>} : memref<128x128xf32, #tpu.memory_space<vmem>>, vector<16xf32>,
      %mul3A_785 = arith.mulf %get3A_781, %get3A_784 : vector<16xf32>
      %get3A_786 = arith.index_cast %add3A_736 : i32 to index
      %get3A_787 = arith.constant 112 : index
      %get3A_788 = tpu.vector_load %arg7[%get3A_786, %get3A_787] {strides = array<i32>} : memref<128x128xf32, #tpu.memory_space<vmem>>, vector<16xf32>,
      %get3A_789 = arith.index_cast %add3A_736 : i32 to index
      %get3A_790 = arith.constant 112 : index
      %get3A_791 = tpu.vector_load %arg9[%get3A_789, %get3A_790] {strides = array<i32>} : memref<128x128xf32, #tpu.memory_space<vmem>>, vector<16xf32>,
      %mul3A_792 = arith.mulf %get3A_788, %get3A_791 : vector<16xf32>
      %add3A_793 = arith.addf %mul3A_743, %mul3A_750 : vector<16xf32>
      %add3A_794 = arith.addf %mul3A_757, %mul3A_764 : vector<16xf32>
      %add3A_795 = arith.addf %mul3A_771, %mul3A_778 : vector<16xf32>
      %add3A_796 = arith.addf %mul3A_785, %mul3A_792 : vector<16xf32>
      %add3A_797 = arith.addf %add3A_793, %add3A_794 : vector<16xf32>
      %add3A_798 = arith.addf %add3A_795, %add3A_796 : vector<16xf32>
      %add3A_799 = arith.addf %add3A_797, %add3A_798 : vector<16xf32>
      %swap3A_800 = arith.constant 128 : index
      %swap3A_801 = tpu.vector_load %arg13[%swap3A_800] {strides = array<i32>} : memref<256xf32, #tpu.memory_space<vmem>>, vector<16xf32>,
      tpu.vector_store %arg13[%swap3A_800], %add3A_799 {strides = array<i32>} : memref<256xf32, #tpu.memory_space<vmem>>, vector<16xf32>,
      %add3A_802 = arith.constant 9 : i32
      %add3A_803 = arith.addi %mul3A_200, %add3A_802 : i32
      %get3A_804 = arith.index_cast %add3A_803 : i32 to index
      %get3A_805 = arith.constant 0 : index
      %get3A_806 = tpu.vector_load %arg7[%get3A_804, %get3A_805] {strides = array<i32>} : memref<128x128xf32, #tpu.memory_space<vmem>>, vector<16xf32>,
      %get3A_807 = arith.index_cast %add3A_803 : i32 to index
      %get3A_808 = arith.constant 0 : index
      %get3A_809 = tpu.vector_load %arg9[%get3A_807, %get3A_808] {strides = array<i32>} : memref<128x128xf32, #tpu.memory_space<vmem>>, vector<16xf32>,
      %mul3A_810 = arith.mulf %get3A_806, %get3A_809 : vector<16xf32>
      %get3A_811 = arith.index_cast %add3A_803 : i32 to index
      %get3A_812 = arith.constant 16 : index
      %get3A_813 = tpu.vector_load %arg7[%get3A_811, %get3A_812] {strides = array<i32>} : memref<128x128xf32, #tpu.memory_space<vmem>>, vector<16xf32>,
      %get3A_814 = arith.index_cast %add3A_803 : i32 to index
      %get3A_815 = arith.constant 16 : index
      %get3A_816 = tpu.vector_load %arg9[%get3A_814, %get3A_815] {strides = array<i32>} : memref<128x128xf32, #tpu.memory_space<vmem>>, vector<16xf32>,
      %mul3A_817 = arith.mulf %get3A_813, %get3A_816 : vector<16xf32>
      %get3A_818 = arith.index_cast %add3A_803 : i32 to index
      %get3A_819 = arith.constant 32 : index
      %get3A_820 = tpu.vector_load %arg7[%get3A_818, %get3A_819] {strides = array<i32>} : memref<128x128xf32, #tpu.memory_space<vmem>>, vector<16xf32>,
      %get3A_821 = arith.index_cast %add3A_803 : i32 to index
      %get3A_822 = arith.constant 32 : index
      %get3A_823 = tpu.vector_load %arg9[%get3A_821, %get3A_822] {strides = array<i32>} : memref<128x128xf32, #tpu.memory_space<vmem>>, vector<16xf32>,
      %mul3A_824 = arith.mulf %get3A_820, %get3A_823 : vector<16xf32>
      %get3A_825 = arith.index_cast %add3A_803 : i32 to index
      %get3A_826 = arith.constant 48 : index
      %get3A_827 = tpu.vector_load %arg7[%get3A_825, %get3A_826] {strides = array<i32>} : memref<128x128xf32, #tpu.memory_space<vmem>>, vector<16xf32>,
      %get3A_828 = arith.index_cast %add3A_803 : i32 to index
      %get3A_829 = arith.constant 48 : index
      %get3A_830 = tpu.vector_load %arg9[%get3A_828, %get3A_829] {strides = array<i32>} : memref<128x128xf32, #tpu.memory_space<vmem>>, vector<16xf32>,
      %mul3A_831 = arith.mulf %get3A_827, %get3A_830 : vector<16xf32>
      %get3A_832 = arith.index_cast %add3A_803 : i32 to index
      %get3A_833 = arith.constant 64 : index
      %get3A_834 = tpu.vector_load %arg7[%get3A_832, %get3A_833] {strides = array<i32>} : memref<128x128xf32, #tpu.memory_space<vmem>>, vector<16xf32>,
      %get3A_835 = arith.index_cast %add3A_803 : i32 to index
      %get3A_836 = arith.constant 64 : index
      %get3A_837 = tpu.vector_load %arg9[%get3A_835, %get3A_836] {strides = array<i32>} : memref<128x128xf32, #tpu.memory_space<vmem>>, vector<16xf32>,
      %mul3A_838 = arith.mulf %get3A_834, %get3A_837 : vector<16xf32>
      %get3A_839 = arith.index_cast %add3A_803 : i32 to index
      %get3A_840 = arith.constant 80 : index
      %get3A_841 = tpu.vector_load %arg7[%get3A_839, %get3A_840] {strides = array<i32>} : memref<128x128xf32, #tpu.memory_space<vmem>>, vector<16xf32>,
      %get3A_842 = arith.index_cast %add3A_803 : i32 to index
      %get3A_843 = arith.constant 80 : index
      %get3A_844 = tpu.vector_load %arg9[%get3A_842, %get3A_843] {strides = array<i32>} : memref<128x128xf32, #tpu.memory_space<vmem>>, vector<16xf32>,
      %mul3A_845 = arith.mulf %get3A_841, %get3A_844 : vector<16xf32>
      %get3A_846 = arith.index_cast %add3A_803 : i32 to index
      %get3A_847 = arith.constant 96 : index
      %get3A_848 = tpu.vector_load %arg7[%get3A_846, %get3A_847] {strides = array<i32>} : memref<128x128xf32, #tpu.memory_space<vmem>>, vector<16xf32>,
      %get3A_849 = arith.index_cast %add3A_803 : i32 to index
      %get3A_850 = arith.constant 96 : index
      %get3A_851 = tpu.vector_load %arg9[%get3A_849, %get3A_850] {strides = array<i32>} : memref<128x128xf32, #tpu.memory_space<vmem>>, vector<16xf32>,
      %mul3A_852 = arith.mulf %get3A_848, %get3A_851 : vector<16xf32>
      %get3A_853 = arith.index_cast %add3A_803 : i32 to index
      %get3A_854 = arith.constant 112 : index
      %get3A_855 = tpu.vector_load %arg7[%get3A_853, %get3A_854] {strides = array<i32>} : memref<128x128xf32, #tpu.memory_space<vmem>>, vector<16xf32>,
      %get3A_856 = arith.index_cast %add3A_803 : i32 to index
      %get3A_857 = arith.constant 112 : index
      %get3A_858 = tpu.vector_load %arg9[%get3A_856, %get3A_857] {strides = array<i32>} : memref<128x128xf32, #tpu.memory_space<vmem>>, vector<16xf32>,
      %mul3A_859 = arith.mulf %get3A_855, %get3A_858 : vector<16xf32>
      %add3A_860 = arith.addf %mul3A_810, %mul3A_817 : vector<16xf32>
      %add3A_861 = arith.addf %mul3A_824, %mul3A_831 : vector<16xf32>
      %add3A_862 = arith.addf %mul3A_838, %mul3A_845 : vector<16xf32>
      %add3A_863 = arith.addf %mul3A_852, %mul3A_859 : vector<16xf32>
      %add3A_864 = arith.addf %add3A_860, %add3A_861 : vector<16xf32>
      %add3A_865 = arith.addf %add3A_862, %add3A_863 : vector<16xf32>
      %add3A_866 = arith.addf %add3A_864, %add3A_865 : vector<16xf32>
      %swap3A_867 = arith.constant 144 : index
      %swap3A_868 = tpu.vector_load %arg13[%swap3A_867] {strides = array<i32>} : memref<256xf32, #tpu.memory_space<vmem>>, vector<16xf32>,
      tpu.vector_store %arg13[%swap3A_867], %add3A_866 {strides = array<i32>} : memref<256xf32, #tpu.memory_space<vmem>>, vector<16xf32>,
      %add3A_869 = arith.constant 10 : i32
      %add3A_870 = arith.addi %mul3A_200, %add3A_869 : i32
      %get3A_871 = arith.index_cast %add3A_870 : i32 to index
      %get3A_872 = arith.constant 0 : index
      %get3A_873 = tpu.vector_load %arg7[%get3A_871, %get3A_872] {strides = array<i32>} : memref<128x128xf32, #tpu.memory_space<vmem>>, vector<16xf32>,
      %get3A_874 = arith.index_cast %add3A_870 : i32 to index
      %get3A_875 = arith.constant 0 : index
      %get3A_876 = tpu.vector_load %arg9[%get3A_874, %get3A_875] {strides = array<i32>} : memref<128x128xf32, #tpu.memory_space<vmem>>, vector<16xf32>,
      %mul3A_877 = arith.mulf %get3A_873, %get3A_876 : vector<16xf32>
      %get3A_878 = arith.index_cast %add3A_870 : i32 to index
      %get3A_879 = arith.constant 16 : index
      %get3A_880 = tpu.vector_load %arg7[%get3A_878, %get3A_879] {strides = array<i32>} : memref<128x128xf32, #tpu.memory_space<vmem>>, vector<16xf32>,
      %get3A_881 = arith.index_cast %add3A_870 : i32 to index
      %get3A_882 = arith.constant 16 : index
      %get3A_883 = tpu.vector_load %arg9[%get3A_881, %get3A_882] {strides = array<i32>} : memref<128x128xf32, #tpu.memory_space<vmem>>, vector<16xf32>,
      %mul3A_884 = arith.mulf %get3A_880, %get3A_883 : vector<16xf32>
      %get3A_885 = arith.index_cast %add3A_870 : i32 to index
      %get3A_886 = arith.constant 32 : index
      %get3A_887 = tpu.vector_load %arg7[%get3A_885, %get3A_886] {strides = array<i32>} : memref<128x128xf32, #tpu.memory_space<vmem>>, vector<16xf32>,
      %get3A_888 = arith.index_cast %add3A_870 : i32 to index
      %get3A_889 = arith.constant 32 : index
      %get3A_890 = tpu.vector_load %arg9[%get3A_888, %get3A_889] {strides = array<i32>} : memref<128x128xf32, #tpu.memory_space<vmem>>, vector<16xf32>,
      %mul3A_891 = arith.mulf %get3A_887, %get3A_890 : vector<16xf32>
      %get3A_892 = arith.index_cast %add3A_870 : i32 to index
      %get3A_893 = arith.constant 48 : index
      %get3A_894 = tpu.vector_load %arg7[%get3A_892, %get3A_893] {strides = array<i32>} : memref<128x128xf32, #tpu.memory_space<vmem>>, vector<16xf32>,
      %get3A_895 = arith.index_cast %add3A_870 : i32 to index
      %get3A_896 = arith.constant 48 : index
      %get3A_897 = tpu.vector_load %arg9[%get3A_895, %get3A_896] {strides = array<i32>} : memref<128x128xf32, #tpu.memory_space<vmem>>, vector<16xf32>,
      %mul3A_898 = arith.mulf %get3A_894, %get3A_897 : vector<16xf32>
      %get3A_899 = arith.index_cast %add3A_870 : i32 to index
      %get3A_900 = arith.constant 64 : index
      %get3A_901 = tpu.vector_load %arg7[%get3A_899, %get3A_900] {strides = array<i32>} : memref<128x128xf32, #tpu.memory_space<vmem>>, vector<16xf32>,
      %get3A_902 = arith.index_cast %add3A_870 : i32 to index
      %get3A_903 = arith.constant 64 : index
      %get3A_904 = tpu.vector_load %arg9[%get3A_902, %get3A_903] {strides = array<i32>} : memref<128x128xf32, #tpu.memory_space<vmem>>, vector<16xf32>,
      %mul3A_905 = arith.mulf %get3A_901, %get3A_904 : vector<16xf32>
      %get3A_906 = arith.index_cast %add3A_870 : i32 to index
      %get3A_907 = arith.constant 80 : index
      %get3A_908 = tpu.vector_load %arg7[%get3A_906, %get3A_907] {strides = array<i32>} : memref<128x128xf32, #tpu.memory_space<vmem>>, vector<16xf32>,
      %get3A_909 = arith.index_cast %add3A_870 : i32 to index
      %get3A_910 = arith.constant 80 : index
      %get3A_911 = tpu.vector_load %arg9[%get3A_909, %get3A_910] {strides = array<i32>} : memref<128x128xf32, #tpu.memory_space<vmem>>, vector<16xf32>,
      %mul3A_912 = arith.mulf %get3A_908, %get3A_911 : vector<16xf32>
      %get3A_913 = arith.index_cast %add3A_870 : i32 to index
      %get3A_914 = arith.constant 96 : index
      %get3A_915 = tpu.vector_load %arg7[%get3A_913, %get3A_914] {strides = array<i32>} : memref<128x128xf32, #tpu.memory_space<vmem>>, vector<16xf32>,
      %get3A_916 = arith.index_cast %add3A_870 : i32 to index
      %get3A_917 = arith.constant 96 : index
      %get3A_918 = tpu.vector_load %arg9[%get3A_916, %get3A_917] {strides = array<i32>} : memref<128x128xf32, #tpu.memory_space<vmem>>, vector<16xf32>,
      %mul3A_919 = arith.mulf %get3A_915, %get3A_918 : vector<16xf32>
      %get3A_920 = arith.index_cast %add3A_870 : i32 to index
      %get3A_921 = arith.constant 112 : index
      %get3A_922 = tpu.vector_load %arg7[%get3A_920, %get3A_921] {strides = array<i32>} : memref<128x128xf32, #tpu.memory_space<vmem>>, vector<16xf32>,
      %get3A_923 = arith.index_cast %add3A_870 : i32 to index
      %get3A_924 = arith.constant 112 : index
      %get3A_925 = tpu.vector_load %arg9[%get3A_923, %get3A_924] {strides = array<i32>} : memref<128x128xf32, #tpu.memory_space<vmem>>, vector<16xf32>,
      %mul3A_926 = arith.mulf %get3A_922, %get3A_925 : vector<16xf32>
      %add3A_927 = arith.addf %mul3A_877, %mul3A_884 : vector<16xf32>
      %add3A_928 = arith.addf %mul3A_891, %mul3A_898 : vector<16xf32>
      %add3A_929 = arith.addf %mul3A_905, %mul3A_912 : vector<16xf32>
      %add3A_930 = arith.addf %mul3A_919, %mul3A_926 : vector<16xf32>
      %add3A_931 = arith.addf %add3A_927, %add3A_928 : vector<16xf32>
      %add3A_932 = arith.addf %add3A_929, %add3A_930 : vector<16xf32>
      %add3A_933 = arith.addf %add3A_931, %add3A_932 : vector<16xf32>
      %swap3A_934 = arith.constant 160 : index
      %swap3A_935 = tpu.vector_load %arg13[%swap3A_934] {strides = array<i32>} : memref<256xf32, #tpu.memory_space<vmem>>, vector<16xf32>,
      tpu.vector_store %arg13[%swap3A_934], %add3A_933 {strides = array<i32>} : memref<256xf32, #tpu.memory_space<vmem>>, vector<16xf32>,
      %add3A_936 = arith.constant 11 : i32
      %add3A_937 = arith.addi %mul3A_200, %add3A_936 : i32
      %get3A_938 = arith.index_cast %add3A_937 : i32 to index
      %get3A_939 = arith.constant 0 : index
      %get3A_940 = tpu.vector_load %arg7[%get3A_938, %get3A_939] {strides = array<i32>} : memref<128x128xf32, #tpu.memory_space<vmem>>, vector<16xf32>,
      %get3A_941 = arith.index_cast %add3A_937 : i32 to index
      %get3A_942 = arith.constant 0 : index
      %get3A_943 = tpu.vector_load %arg9[%get3A_941, %get3A_942] {strides = array<i32>} : memref<128x128xf32, #tpu.memory_space<vmem>>, vector<16xf32>,
      %mul3A_944 = arith.mulf %get3A_940, %get3A_943 : vector<16xf32>
      %get3A_945 = arith.index_cast %add3A_937 : i32 to index
      %get3A_946 = arith.constant 16 : index
      %get3A_947 = tpu.vector_load %arg7[%get3A_945, %get3A_946] {strides = array<i32>} : memref<128x128xf32, #tpu.memory_space<vmem>>, vector<16xf32>,
      %get3A_948 = arith.index_cast %add3A_937 : i32 to index
      %get3A_949 = arith.constant 16 : index
      %get3A_950 = tpu.vector_load %arg9[%get3A_948, %get3A_949] {strides = array<i32>} : memref<128x128xf32, #tpu.memory_space<vmem>>, vector<16xf32>,
      %mul3A_951 = arith.mulf %get3A_947, %get3A_950 : vector<16xf32>
      %get3A_952 = arith.index_cast %add3A_937 : i32 to index
      %get3A_953 = arith.constant 32 : index
      %get3A_954 = tpu.vector_load %arg7[%get3A_952, %get3A_953] {strides = array<i32>} : memref<128x128xf32, #tpu.memory_space<vmem>>, vector<16xf32>,
      %get3A_955 = arith.index_cast %add3A_937 : i32 to index
      %get3A_956 = arith.constant 32 : index
      %get3A_957 = tpu.vector_load %arg9[%get3A_955, %get3A_956] {strides = array<i32>} : memref<128x128xf32, #tpu.memory_space<vmem>>, vector<16xf32>,
      %mul3A_958 = arith.mulf %get3A_954, %get3A_957 : vector<16xf32>
      %get3A_959 = arith.index_cast %add3A_937 : i32 to index
      %get3A_960 = arith.constant 48 : index
      %get3A_961 = tpu.vector_load %arg7[%get3A_959, %get3A_960] {strides = array<i32>} : memref<128x128xf32, #tpu.memory_space<vmem>>, vector<16xf32>,
      %get3A_962 = arith.index_cast %add3A_937 : i32 to index
      %get3A_963 = arith.constant 48 : index
      %get3A_964 = tpu.vector_load %arg9[%get3A_962, %get3A_963] {strides = array<i32>} : memref<128x128xf32, #tpu.memory_space<vmem>>, vector<16xf32>,
      %mul3A_965 = arith.mulf %get3A_961, %get3A_964 : vector<16xf32>
      %get3A_966 = arith.index_cast %add3A_937 : i32 to index
      %get3A_967 = arith.constant 64 : index
      %get3A_968 = tpu.vector_load %arg7[%get3A_966, %get3A_967] {strides = array<i32>} : memref<128x128xf32, #tpu.memory_space<vmem>>, vector<16xf32>,
      %get3A_969 = arith.index_cast %add3A_937 : i32 to index
      %get3A_970 = arith.constant 64 : index
      %get3A_971 = tpu.vector_load %arg9[%get3A_969, %get3A_970] {strides = array<i32>} : memref<128x128xf32, #tpu.memory_space<vmem>>, vector<16xf32>,
      %mul3A_972 = arith.mulf %get3A_968, %get3A_971 : vector<16xf32>
      %get3A_973 = arith.index_cast %add3A_937 : i32 to index
      %get3A_974 = arith.constant 80 : index
      %get3A_975 = tpu.vector_load %arg7[%get3A_973, %get3A_974] {strides = array<i32>} : memref<128x128xf32, #tpu.memory_space<vmem>>, vector<16xf32>,
      %get3A_976 = arith.index_cast %add3A_937 : i32 to index
      %get3A_977 = arith.constant 80 : index
      %get3A_978 = tpu.vector_load %arg9[%get3A_976, %get3A_977] {strides = array<i32>} : memref<128x128xf32, #tpu.memory_space<vmem>>, vector<16xf32>,
      %mul3A_979 = arith.mulf %get3A_975, %get3A_978 : vector<16xf32>
      %get3A_980 = arith.index_cast %add3A_937 : i32 to index
      %get3A_981 = arith.constant 96 : index
      %get3A_982 = tpu.vector_load %arg7[%get3A_980, %get3A_981] {strides = array<i32>} : memref<128x128xf32, #tpu.memory_space<vmem>>, vector<16xf32>,
      %get3A_983 = arith.index_cast %add3A_937 : i32 to index
      %get3A_984 = arith.constant 96 : index
      %get3A_985 = tpu.vector_load %arg9[%get3A_983, %get3A_984] {strides = array<i32>} : memref<128x128xf32, #tpu.memory_space<vmem>>, vector<16xf32>,
      %mul3A_986 = arith.mulf %get3A_982, %get3A_985 : vector<16xf32>
      %get3A_987 = arith.index_cast %add3A_937 : i32 to index
      %get3A_988 = arith.constant 112 : index
      %get3A_989 = tpu.vector_load %arg7[%get3A_987, %get3A_988] {strides = array<i32>} : memref<128x128xf32, #tpu.memory_space<vmem>>, vector<16xf32>,
      %get3A_990 = arith.index_cast %add3A_937 : i32 to index
      %get3A_991 = arith.constant 112 : index
      %get3A_992 = tpu.vector_load %arg9[%get3A_990, %get3A_991] {strides = array<i32>} : memref<128x128xf32, #tpu.memory_space<vmem>>, vector<16xf32>,
      %mul3A_993 = arith.mulf %get3A_989, %get3A_992 : vector<16xf32>
      %add3A_994 = arith.addf %mul3A_944, %mul3A_951 : vector<16xf32>
      %add3A_995 = arith.addf %mul3A_958, %mul3A_965 : vector<16xf32>
      %add3A_996 = arith.addf %mul3A_972, %mul3A_979 : vector<16xf32>
      %add3A_997 = arith.addf %mul3A_986, %mul3A_993 : vector<16xf32>
      %add3A_998 = arith.addf %add3A_994, %add3A_995 : vector<16xf32>
      %add3A_999 = arith.addf %add3A_996, %add3A_997 : vector<16xf32>
      %add3A_1000 = arith.addf %add3A_998, %add3A_999 : vector<16xf32>
      %swap3A_1001 = arith.constant 176 : index
      %swap3A_1002 = tpu.vector_load %arg13[%swap3A_1001] {strides = array<i32>} : memref<256xf32, #tpu.memory_space<vmem>>, vector<16xf32>,
      tpu.vector_store %arg13[%swap3A_1001], %add3A_1000 {strides = array<i32>} : memref<256xf32, #tpu.memory_space<vmem>>, vector<16xf32>,
      %add3A_1003 = arith.constant 12 : i32
      %add3A_1004 = arith.addi %mul3A_200, %add3A_1003 : i32
      %get3A_1005 = arith.index_cast %add3A_1004 : i32 to index
      %get3A_1006 = arith.constant 0 : index
      %get3A_1007 = tpu.vector_load %arg7[%get3A_1005, %get3A_1006] {strides = array<i32>} : memref<128x128xf32, #tpu.memory_space<vmem>>, vector<16xf32>,
      %get3A_1008 = arith.index_cast %add3A_1004 : i32 to index
      %get3A_1009 = arith.constant 0 : index
      %get3A_1010 = tpu.vector_load %arg9[%get3A_1008, %get3A_1009] {strides = array<i32>} : memref<128x128xf32, #tpu.memory_space<vmem>>, vector<16xf32>,
      %mul3A_1011 = arith.mulf %get3A_1007, %get3A_1010 : vector<16xf32>
      %get3A_1012 = arith.index_cast %add3A_1004 : i32 to index
      %get3A_1013 = arith.constant 16 : index
      %get3A_1014 = tpu.vector_load %arg7[%get3A_1012, %get3A_1013] {strides = array<i32>} : memref<128x128xf32, #tpu.memory_space<vmem>>, vector<16xf32>,
      %get3A_1015 = arith.index_cast %add3A_1004 : i32 to index
      %get3A_1016 = arith.constant 16 : index
      %get3A_1017 = tpu.vector_load %arg9[%get3A_1015, %get3A_1016] {strides = array<i32>} : memref<128x128xf32, #tpu.memory_space<vmem>>, vector<16xf32>,
      %mul3A_1018 = arith.mulf %get3A_1014, %get3A_1017 : vector<16xf32>
      %get3A_1019 = arith.index_cast %add3A_1004 : i32 to index
      %get3A_1020 = arith.constant 32 : index
      %get3A_1021 = tpu.vector_load %arg7[%get3A_1019, %get3A_1020] {strides = array<i32>} : memref<128x128xf32, #tpu.memory_space<vmem>>, vector<16xf32>,
      %get3A_1022 = arith.index_cast %add3A_1004 : i32 to index
      %get3A_1023 = arith.constant 32 : index
      %get3A_1024 = tpu.vector_load %arg9[%get3A_1022, %get3A_1023] {strides = array<i32>} : memref<128x128xf32, #tpu.memory_space<vmem>>, vector<16xf32>,
      %mul3A_1025 = arith.mulf %get3A_1021, %get3A_1024 : vector<16xf32>
      %get3A_1026 = arith.index_cast %add3A_1004 : i32 to index
      %get3A_1027 = arith.constant 48 : index
      %get3A_1028 = tpu.vector_load %arg7[%get3A_1026, %get3A_1027] {strides = array<i32>} : memref<128x128xf32, #tpu.memory_space<vmem>>, vector<16xf32>,
      %get3A_1029 = arith.index_cast %add3A_1004 : i32 to index
      %get3A_1030 = arith.constant 48 : index
      %get3A_1031 = tpu.vector_load %arg9[%get3A_1029, %get3A_1030] {strides = array<i32>} : memref<128x128xf32, #tpu.memory_space<vmem>>, vector<16xf32>,
      %mul3A_1032 = arith.mulf %get3A_1028, %get3A_1031 : vector<16xf32>
      %get3A_1033 = arith.index_cast %add3A_1004 : i32 to index
      %get3A_1034 = arith.constant 64 : index
      %get3A_1035 = tpu.vector_load %arg7[%get3A_1033, %get3A_1034] {strides = array<i32>} : memref<128x128xf32, #tpu.memory_space<vmem>>, vector<16xf32>,
      %get3A_1036 = arith.index_cast %add3A_1004 : i32 to index
      %get3A_1037 = arith.constant 64 : index
      %get3A_1038 = tpu.vector_load %arg9[%get3A_1036, %get3A_1037] {strides = array<i32>} : memref<128x128xf32, #tpu.memory_space<vmem>>, vector<16xf32>,
      %mul3A_1039 = arith.mulf %get3A_1035, %get3A_1038 : vector<16xf32>
      %get3A_1040 = arith.index_cast %add3A_1004 : i32 to index
      %get3A_1041 = arith.constant 80 : index
      %get3A_1042 = tpu.vector_load %arg7[%get3A_1040, %get3A_1041] {strides = array<i32>} : memref<128x128xf32, #tpu.memory_space<vmem>>, vector<16xf32>,
      %get3A_1043 = arith.index_cast %add3A_1004 : i32 to index
      %get3A_1044 = arith.constant 80 : index
      %get3A_1045 = tpu.vector_load %arg9[%get3A_1043, %get3A_1044] {strides = array<i32>} : memref<128x128xf32, #tpu.memory_space<vmem>>, vector<16xf32>,
      %mul3A_1046 = arith.mulf %get3A_1042, %get3A_1045 : vector<16xf32>
      %get3A_1047 = arith.index_cast %add3A_1004 : i32 to index
      %get3A_1048 = arith.constant 96 : index
      %get3A_1049 = tpu.vector_load %arg7[%get3A_1047, %get3A_1048] {strides = array<i32>} : memref<128x128xf32, #tpu.memory_space<vmem>>, vector<16xf32>,
      %get3A_1050 = arith.index_cast %add3A_1004 : i32 to index
      %get3A_1051 = arith.constant 96 : index
      %get3A_1052 = tpu.vector_load %arg9[%get3A_1050, %get3A_1051] {strides = array<i32>} : memref<128x128xf32, #tpu.memory_space<vmem>>, vector<16xf32>,
      %mul3A_1053 = arith.mulf %get3A_1049, %get3A_1052 : vector<16xf32>
      %get3A_1054 = arith.index_cast %add3A_1004 : i32 to index
      %get3A_1055 = arith.constant 112 : index
      %get3A_1056 = tpu.vector_load %arg7[%get3A_1054, %get3A_1055] {strides = array<i32>} : memref<128x128xf32, #tpu.memory_space<vmem>>, vector<16xf32>,
      %get3A_1057 = arith.index_cast %add3A_1004 : i32 to index
      %get3A_1058 = arith.constant 112 : index
      %get3A_1059 = tpu.vector_load %arg9[%get3A_1057, %get3A_1058] {strides = array<i32>} : memref<128x128xf32, #tpu.memory_space<vmem>>, vector<16xf32>,
      %mul3A_1060 = arith.mulf %get3A_1056, %get3A_1059 : vector<16xf32>
      %add3A_1061 = arith.addf %mul3A_1011, %mul3A_1018 : vector<16xf32>
      %add3A_1062 = arith.addf %mul3A_1025, %mul3A_1032 : vector<16xf32>
      %add3A_1063 = arith.addf %mul3A_1039, %mul3A_1046 : vector<16xf32>
      %add3A_1064 = arith.addf %mul3A_1053, %mul3A_1060 : vector<16xf32>
      %add3A_1065 = arith.addf %add3A_1061, %add3A_1062 : vector<16xf32>
      %add3A_1066 = arith.addf %add3A_1063, %add3A_1064 : vector<16xf32>
      %add3A_1067 = arith.addf %add3A_1065, %add3A_1066 : vector<16xf32>
      %swap3A_1068 = arith.constant 192 : index
      %swap3A_1069 = tpu.vector_load %arg13[%swap3A_1068] {strides = array<i32>} : memref<256xf32, #tpu.memory_space<vmem>>, vector<16xf32>,
      tpu.vector_store %arg13[%swap3A_1068], %add3A_1067 {strides = array<i32>} : memref<256xf32, #tpu.memory_space<vmem>>, vector<16xf32>,
      %add3A_1070 = arith.constant 13 : i32
      %add3A_1071 = arith.addi %mul3A_200, %add3A_1070 : i32
      %get3A_1072 = arith.index_cast %add3A_1071 : i32 to index
      %get3A_1073 = arith.constant 0 : index
      %get3A_1074 = tpu.vector_load %arg7[%get3A_1072, %get3A_1073] {strides = array<i32>} : memref<128x128xf32, #tpu.memory_space<vmem>>, vector<16xf32>,
      %get3A_1075 = arith.index_cast %add3A_1071 : i32 to index
      %get3A_1076 = arith.constant 0 : index
      %get3A_1077 = tpu.vector_load %arg9[%get3A_1075, %get3A_1076] {strides = array<i32>} : memref<128x128xf32, #tpu.memory_space<vmem>>, vector<16xf32>,
      %mul3A_1078 = arith.mulf %get3A_1074, %get3A_1077 : vector<16xf32>
      %get3A_1079 = arith.index_cast %add3A_1071 : i32 to index
      %get3A_1080 = arith.constant 16 : index
      %get3A_1081 = tpu.vector_load %arg7[%get3A_1079, %get3A_1080] {strides = array<i32>} : memref<128x128xf32, #tpu.memory_space<vmem>>, vector<16xf32>,
      %get3A_1082 = arith.index_cast %add3A_1071 : i32 to index
      %get3A_1083 = arith.constant 16 : index
      %get3A_1084 = tpu.vector_load %arg9[%get3A_1082, %get3A_1083] {strides = array<i32>} : memref<128x128xf32, #tpu.memory_space<vmem>>, vector<16xf32>,
      %mul3A_1085 = arith.mulf %get3A_1081, %get3A_1084 : vector<16xf32>
      %get3A_1086 = arith.index_cast %add3A_1071 : i32 to index
      %get3A_1087 = arith.constant 32 : index
      %get3A_1088 = tpu.vector_load %arg7[%get3A_1086, %get3A_1087] {strides = array<i32>} : memref<128x128xf32, #tpu.memory_space<vmem>>, vector<16xf32>,
      %get3A_1089 = arith.index_cast %add3A_1071 : i32 to index
      %get3A_1090 = arith.constant 32 : index
      %get3A_1091 = tpu.vector_load %arg9[%get3A_1089, %get3A_1090] {strides = array<i32>} : memref<128x128xf32, #tpu.memory_space<vmem>>, vector<16xf32>,
      %mul3A_1092 = arith.mulf %get3A_1088, %get3A_1091 : vector<16xf32>
      %get3A_1093 = arith.index_cast %add3A_1071 : i32 to index
      %get3A_1094 = arith.constant 48 : index
      %get3A_1095 = tpu.vector_load %arg7[%get3A_1093, %get3A_1094] {strides = array<i32>} : memref<128x128xf32, #tpu.memory_space<vmem>>, vector<16xf32>,
      %get3A_1096 = arith.index_cast %add3A_1071 : i32 to index
      %get3A_1097 = arith.constant 48 : index
      %get3A_1098 = tpu.vector_load %arg9[%get3A_1096, %get3A_1097] {strides = array<i32>} : memref<128x128xf32, #tpu.memory_space<vmem>>, vector<16xf32>,
      %mul3A_1099 = arith.mulf %get3A_1095, %get3A_1098 : vector<16xf32>
      %get3A_1100 = arith.index_cast %add3A_1071 : i32 to index
      %get3A_1101 = arith.constant 64 : index
      %get3A_1102 = tpu.vector_load %arg7[%get3A_1100, %get3A_1101] {strides = array<i32>} : memref<128x128xf32, #tpu.memory_space<vmem>>, vector<16xf32>,
      %get3A_1103 = arith.index_cast %add3A_1071 : i32 to index
      %get3A_1104 = arith.constant 64 : index
      %get3A_1105 = tpu.vector_load %arg9[%get3A_1103, %get3A_1104] {strides = array<i32>} : memref<128x128xf32, #tpu.memory_space<vmem>>, vector<16xf32>,
      %mul3A_1106 = arith.mulf %get3A_1102, %get3A_1105 : vector<16xf32>
      %get3A_1107 = arith.index_cast %add3A_1071 : i32 to index
      %get3A_1108 = arith.constant 80 : index
      %get3A_1109 = tpu.vector_load %arg7[%get3A_1107, %get3A_1108] {strides = array<i32>} : memref<128x128xf32, #tpu.memory_space<vmem>>, vector<16xf32>,
      %get3A_1110 = arith.index_cast %add3A_1071 : i32 to index
      %get3A_1111 = arith.constant 80 : index
      %get3A_1112 = tpu.vector_load %arg9[%get3A_1110, %get3A_1111] {strides = array<i32>} : memref<128x128xf32, #tpu.memory_space<vmem>>, vector<16xf32>,
      %mul3A_1113 = arith.mulf %get3A_1109, %get3A_1112 : vector<16xf32>
      %get3A_1114 = arith.index_cast %add3A_1071 : i32 to index
      %get3A_1115 = arith.constant 96 : index
      %get3A_1116 = tpu.vector_load %arg7[%get3A_1114, %get3A_1115] {strides = array<i32>} : memref<128x128xf32, #tpu.memory_space<vmem>>, vector<16xf32>,
      %get3A_1117 = arith.index_cast %add3A_1071 : i32 to index
      %get3A_1118 = arith.constant 96 : index
      %get3A_1119 = tpu.vector_load %arg9[%get3A_1117, %get3A_1118] {strides = array<i32>} : memref<128x128xf32, #tpu.memory_space<vmem>>, vector<16xf32>,
      %mul3A_1120 = arith.mulf %get3A_1116, %get3A_1119 : vector<16xf32>
      %get3A_1121 = arith.index_cast %add3A_1071 : i32 to index
      %get3A_1122 = arith.constant 112 : index
      %get3A_1123 = tpu.vector_load %arg7[%get3A_1121, %get3A_1122] {strides = array<i32>} : memref<128x128xf32, #tpu.memory_space<vmem>>, vector<16xf32>,
      %get3A_1124 = arith.index_cast %add3A_1071 : i32 to index
      %get3A_1125 = arith.constant 112 : index
      %get3A_1126 = tpu.vector_load %arg9[%get3A_1124, %get3A_1125] {strides = array<i32>} : memref<128x128xf32, #tpu.memory_space<vmem>>, vector<16xf32>,
      %mul3A_1127 = arith.mulf %get3A_1123, %get3A_1126 : vector<16xf32>
      %add3A_1128 = arith.addf %mul3A_1078, %mul3A_1085 : vector<16xf32>
      %add3A_1129 = arith.addf %mul3A_1092, %mul3A_1099 : vector<16xf32>
      %add3A_1130 = arith.addf %mul3A_1106, %mul3A_1113 : vector<16xf32>
      %add3A_1131 = arith.addf %mul3A_1120, %mul3A_1127 : vector<16xf32>
      %add3A_1132 = arith.addf %add3A_1128, %add3A_1129 : vector<16xf32>
      %add3A_1133 = arith.addf %add3A_1130, %add3A_1131 : vector<16xf32>
      %add3A_1134 = arith.addf %add3A_1132, %add3A_1133 : vector<16xf32>
      %swap3A_1135 = arith.constant 208 : index
      %swap3A_1136 = tpu.vector_load %arg13[%swap3A_1135] {strides = array<i32>} : memref<256xf32, #tpu.memory_space<vmem>>, vector<16xf32>,
      tpu.vector_store %arg13[%swap3A_1135], %add3A_1134 {strides = array<i32>} : memref<256xf32, #tpu.memory_space<vmem>>, vector<16xf32>,
      %add3A_1137 = arith.constant 14 : i32
      %add3A_1138 = arith.addi %mul3A_200, %add3A_1137 : i32
      %get3A_1139 = arith.index_cast %add3A_1138 : i32 to index
      %get3A_1140 = arith.constant 0 : index
      %get3A_1141 = tpu.vector_load %arg7[%get3A_1139, %get3A_1140] {strides = array<i32>} : memref<128x128xf32, #tpu.memory_space<vmem>>, vector<16xf32>,
      %get3A_1142 = arith.index_cast %add3A_1138 : i32 to index
      %get3A_1143 = arith.constant 0 : index
      %get3A_1144 = tpu.vector_load %arg9[%get3A_1142, %get3A_1143] {strides = array<i32>} : memref<128x128xf32, #tpu.memory_space<vmem>>, vector<16xf32>,
      %mul3A_1145 = arith.mulf %get3A_1141, %get3A_1144 : vector<16xf32>
      %get3A_1146 = arith.index_cast %add3A_1138 : i32 to index
      %get3A_1147 = arith.constant 16 : index
      %get3A_1148 = tpu.vector_load %arg7[%get3A_1146, %get3A_1147] {strides = array<i32>} : memref<128x128xf32, #tpu.memory_space<vmem>>, vector<16xf32>,
      %get3A_1149 = arith.index_cast %add3A_1138 : i32 to index
      %get3A_1150 = arith.constant 16 : index
      %get3A_1151 = tpu.vector_load %arg9[%get3A_1149, %get3A_1150] {strides = array<i32>} : memref<128x128xf32, #tpu.memory_space<vmem>>, vector<16xf32>,
      %mul3A_1152 = arith.mulf %get3A_1148, %get3A_1151 : vector<16xf32>
      %get3A_1153 = arith.index_cast %add3A_1138 : i32 to index
      %get3A_1154 = arith.constant 32 : index
      %get3A_1155 = tpu.vector_load %arg7[%get3A_1153, %get3A_1154] {strides = array<i32>} : memref<128x128xf32, #tpu.memory_space<vmem>>, vector<16xf32>,
      %get3A_1156 = arith.index_cast %add3A_1138 : i32 to index
      %get3A_1157 = arith.constant 32 : index
      %get3A_1158 = tpu.vector_load %arg9[%get3A_1156, %get3A_1157] {strides = array<i32>} : memref<128x128xf32, #tpu.memory_space<vmem>>, vector<16xf32>,
      %mul3A_1159 = arith.mulf %get3A_1155, %get3A_1158 : vector<16xf32>
      %get3A_1160 = arith.index_cast %add3A_1138 : i32 to index
      %get3A_1161 = arith.constant 48 : index
      %get3A_1162 = tpu.vector_load %arg7[%get3A_1160, %get3A_1161] {strides = array<i32>} : memref<128x128xf32, #tpu.memory_space<vmem>>, vector<16xf32>,
      %get3A_1163 = arith.index_cast %add3A_1138 : i32 to index
      %get3A_1164 = arith.constant 48 : index
      %get3A_1165 = tpu.vector_load %arg9[%get3A_1163, %get3A_1164] {strides = array<i32>} : memref<128x128xf32, #tpu.memory_space<vmem>>, vector<16xf32>,
      %mul3A_1166 = arith.mulf %get3A_1162, %get3A_1165 : vector<16xf32>
      %get3A_1167 = arith.index_cast %add3A_1138 : i32 to index
      %get3A_1168 = arith.constant 64 : index
      %get3A_1169 = tpu.vector_load %arg7[%get3A_1167, %get3A_1168] {strides = array<i32>} : memref<128x128xf32, #tpu.memory_space<vmem>>, vector<16xf32>,
      %get3A_1170 = arith.index_cast %add3A_1138 : i32 to index
      %get3A_1171 = arith.constant 64 : index
      %get3A_1172 = tpu.vector_load %arg9[%get3A_1170, %get3A_1171] {strides = array<i32>} : memref<128x128xf32, #tpu.memory_space<vmem>>, vector<16xf32>,
      %mul3A_1173 = arith.mulf %get3A_1169, %get3A_1172 : vector<16xf32>
      %get3A_1174 = arith.index_cast %add3A_1138 : i32 to index
      %get3A_1175 = arith.constant 80 : index
      %get3A_1176 = tpu.vector_load %arg7[%get3A_1174, %get3A_1175] {strides = array<i32>} : memref<128x128xf32, #tpu.memory_space<vmem>>, vector<16xf32>,
      %get3A_1177 = arith.index_cast %add3A_1138 : i32 to index
      %get3A_1178 = arith.constant 80 : index
      %get3A_1179 = tpu.vector_load %arg9[%get3A_1177, %get3A_1178] {strides = array<i32>} : memref<128x128xf32, #tpu.memory_space<vmem>>, vector<16xf32>,
      %mul3A_1180 = arith.mulf %get3A_1176, %get3A_1179 : vector<16xf32>
      %get3A_1181 = arith.index_cast %add3A_1138 : i32 to index
      %get3A_1182 = arith.constant 96 : index
      %get3A_1183 = tpu.vector_load %arg7[%get3A_1181, %get3A_1182] {strides = array<i32>} : memref<128x128xf32, #tpu.memory_space<vmem>>, vector<16xf32>,
      %get3A_1184 = arith.index_cast %add3A_1138 : i32 to index
      %get3A_1185 = arith.constant 96 : index
      %get3A_1186 = tpu.vector_load %arg9[%get3A_1184, %get3A_1185] {strides = array<i32>} : memref<128x128xf32, #tpu.memory_space<vmem>>, vector<16xf32>,
      %mul3A_1187 = arith.mulf %get3A_1183, %get3A_1186 : vector<16xf32>
      %get3A_1188 = arith.index_cast %add3A_1138 : i32 to index
      %get3A_1189 = arith.constant 112 : index
      %get3A_1190 = tpu.vector_load %arg7[%get3A_1188, %get3A_1189] {strides = array<i32>} : memref<128x128xf32, #tpu.memory_space<vmem>>, vector<16xf32>,
      %get3A_1191 = arith.index_cast %add3A_1138 : i32 to index
      %get3A_1192 = arith.constant 112 : index
      %get3A_1193 = tpu.vector_load %arg9[%get3A_1191, %get3A_1192] {strides = array<i32>} : memref<128x128xf32, #tpu.memory_space<vmem>>, vector<16xf32>,
      %mul3A_1194 = arith.mulf %get3A_1190, %get3A_1193 : vector<16xf32>
      %add3A_1195 = arith.addf %mul3A_1145, %mul3A_1152 : vector<16xf32>
      %add3A_1196 = arith.addf %mul3A_1159, %mul3A_1166 : vector<16xf32>
      %add3A_1197 = arith.addf %mul3A_1173, %mul3A_1180 : vector<16xf32>
      %add3A_1198 = arith.addf %mul3A_1187, %mul3A_1194 : vector<16xf32>
      %add3A_1199 = arith.addf %add3A_1195, %add3A_1196 : vector<16xf32>
      %add3A_1200 = arith.addf %add3A_1197, %add3A_1198 : vector<16xf32>
      %add3A_1201 = arith.addf %add3A_1199, %add3A_1200 : vector<16xf32>
      %swap3A_1202 = arith.constant 224 : index
      %swap3A_1203 = tpu.vector_load %arg13[%swap3A_1202] {strides = array<i32>} : memref<256xf32, #tpu.memory_space<vmem>>, vector<16xf32>,
      tpu.vector_store %arg13[%swap3A_1202], %add3A_1201 {strides = array<i32>} : memref<256xf32, #tpu.memory_space<vmem>>, vector<16xf32>,
      %add3A_1204 = arith.constant 15 : i32
      %add3A_1205 = arith.addi %mul3A_200, %add3A_1204 : i32
      %get3A_1206 = arith.index_cast %add3A_1205 : i32 to index
      %get3A_1207 = arith.constant 0 : index
      %get3A_1208 = tpu.vector_load %arg7[%get3A_1206, %get3A_1207] {strides = array<i32>} : memref<128x128xf32, #tpu.memory_space<vmem>>, vector<16xf32>,
      %get3A_1209 = arith.index_cast %add3A_1205 : i32 to index
      %get3A_1210 = arith.constant 0 : index
      %get3A_1211 = tpu.vector_load %arg9[%get3A_1209, %get3A_1210] {strides = array<i32>} : memref<128x128xf32, #tpu.memory_space<vmem>>, vector<16xf32>,
      %mul3A_1212 = arith.mulf %get3A_1208, %get3A_1211 : vector<16xf32>
      %get3A_1213 = arith.index_cast %add3A_1205 : i32 to index
      %get3A_1214 = arith.constant 16 : index
      %get3A_1215 = tpu.vector_load %arg7[%get3A_1213, %get3A_1214] {strides = array<i32>} : memref<128x128xf32, #tpu.memory_space<vmem>>, vector<16xf32>,
      %get3A_1216 = arith.index_cast %add3A_1205 : i32 to index
      %get3A_1217 = arith.constant 16 : index
      %get3A_1218 = tpu.vector_load %arg9[%get3A_1216, %get3A_1217] {strides = array<i32>} : memref<128x128xf32, #tpu.memory_space<vmem>>, vector<16xf32>,
      %mul3A_1219 = arith.mulf %get3A_1215, %get3A_1218 : vector<16xf32>
      %get3A_1220 = arith.index_cast %add3A_1205 : i32 to index
      %get3A_1221 = arith.constant 32 : index
      %get3A_1222 = tpu.vector_load %arg7[%get3A_1220, %get3A_1221] {strides = array<i32>} : memref<128x128xf32, #tpu.memory_space<vmem>>, vector<16xf32>,
      %get3A_1223 = arith.index_cast %add3A_1205 : i32 to index
      %get3A_1224 = arith.constant 32 : index
      %get3A_1225 = tpu.vector_load %arg9[%get3A_1223, %get3A_1224] {strides = array<i32>} : memref<128x128xf32, #tpu.memory_space<vmem>>, vector<16xf32>,
      %mul3A_1226 = arith.mulf %get3A_1222, %get3A_1225 : vector<16xf32>
      %get3A_1227 = arith.index_cast %add3A_1205 : i32 to index
      %get3A_1228 = arith.constant 48 : index
      %get3A_1229 = tpu.vector_load %arg7[%get3A_1227, %get3A_1228] {strides = array<i32>} : memref<128x128xf32, #tpu.memory_space<vmem>>, vector<16xf32>,
      %get3A_1230 = arith.index_cast %add3A_1205 : i32 to index
      %get3A_1231 = arith.constant 48 : index
      %get3A_1232 = tpu.vector_load %arg9[%get3A_1230, %get3A_1231] {strides = array<i32>} : memref<128x128xf32, #tpu.memory_space<vmem>>, vector<16xf32>,
      %mul3A_1233 = arith.mulf %get3A_1229, %get3A_1232 : vector<16xf32>
      %get3A_1234 = arith.index_cast %add3A_1205 : i32 to index
      %get3A_1235 = arith.constant 64 : index
      %get3A_1236 = tpu.vector_load %arg7[%get3A_1234, %get3A_1235] {strides = array<i32>} : memref<128x128xf32, #tpu.memory_space<vmem>>, vector<16xf32>,
      %get3A_1237 = arith.index_cast %add3A_1205 : i32 to index
      %get3A_1238 = arith.constant 64 : index
      %get3A_1239 = tpu.vector_load %arg9[%get3A_1237, %get3A_1238] {strides = array<i32>} : memref<128x128xf32, #tpu.memory_space<vmem>>, vector<16xf32>,
      %mul3A_1240 = arith.mulf %get3A_1236, %get3A_1239 : vector<16xf32>
      %get3A_1241 = arith.index_cast %add3A_1205 : i32 to index
      %get3A_1242 = arith.constant 80 : index
      %get3A_1243 = tpu.vector_load %arg7[%get3A_1241, %get3A_1242] {strides = array<i32>} : memref<128x128xf32, #tpu.memory_space<vmem>>, vector<16xf32>,
      %get3A_1244 = arith.index_cast %add3A_1205 : i32 to index
      %get3A_1245 = arith.constant 80 : index
      %get3A_1246 = tpu.vector_load %arg9[%get3A_1244, %get3A_1245] {strides = array<i32>} : memref<128x128xf32, #tpu.memory_space<vmem>>, vector<16xf32>,
      %mul3A_1247 = arith.mulf %get3A_1243, %get3A_1246 : vector<16xf32>
      %get3A_1248 = arith.index_cast %add3A_1205 : i32 to index
      %get3A_1249 = arith.constant 96 : index
      %get3A_1250 = tpu.vector_load %arg7[%get3A_1248, %get3A_1249] {strides = array<i32>} : memref<128x128xf32, #tpu.memory_space<vmem>>, vector<16xf32>,
      %get3A_1251 = arith.index_cast %add3A_1205 : i32 to index
      %get3A_1252 = arith.constant 96 : index
      %get3A_1253 = tpu.vector_load %arg9[%get3A_1251, %get3A_1252] {strides = array<i32>} : memref<128x128xf32, #tpu.memory_space<vmem>>, vector<16xf32>,
      %mul3A_1254 = arith.mulf %get3A_1250, %get3A_1253 : vector<16xf32>
      %get3A_1255 = arith.index_cast %add3A_1205 : i32 to index
      %get3A_1256 = arith.constant 112 : index
      %get3A_1257 = tpu.vector_load %arg7[%get3A_1255, %get3A_1256] {strides = array<i32>} : memref<128x128xf32, #tpu.memory_space<vmem>>, vector<16xf32>,
      %get3A_1258 = arith.index_cast %add3A_1205 : i32 to index
      %get3A_1259 = arith.constant 112 : index
      %get3A_1260 = tpu.vector_load %arg9[%get3A_1258, %get3A_1259] {strides = array<i32>} : memref<128x128xf32, #tpu.memory_space<vmem>>, vector<16xf32>,
      %mul3A_1261 = arith.mulf %get3A_1257, %get3A_1260 : vector<16xf32>
      %add3A_1262 = arith.addf %mul3A_1212, %mul3A_1219 : vector<16xf32>
      %add3A_1263 = arith.addf %mul3A_1226, %mul3A_1233 : vector<16xf32>
      %add3A_1264 = arith.addf %mul3A_1240, %mul3A_1247 : vector<16xf32>
      %add3A_1265 = arith.addf %mul3A_1254, %mul3A_1261 : vector<16xf32>
      %add3A_1266 = arith.addf %add3A_1262, %add3A_1263 : vector<16xf32>
      %add3A_1267 = arith.addf %add3A_1264, %add3A_1265 : vector<16xf32>
      %add3A_1268 = arith.addf %add3A_1266, %add3A_1267 : vector<16xf32>
      %swap3A_1269 = arith.constant 240 : index
      %swap3A_1270 = tpu.vector_load %arg13[%swap3A_1269] {strides = array<i32>} : memref<256xf32, #tpu.memory_space<vmem>>, vector<16xf32>,
      tpu.vector_store %arg13[%swap3A_1269], %add3A_1268 {strides = array<i32>} : memref<256xf32, #tpu.memory_space<vmem>>, vector<16xf32>,
      %broadcast_in_dim3A = arith.constant 0.000000e+00 : f32
      %broadcast_in_dim3A_1271 = vector.broadcast %broadcast_in_dim3A : f32 to vector<16xf32>
      %gather3A = tpu.vector_load_idx %arg13[%add3A_68] : memref<256xf32, #tpu.memory_space<vmem>>[vector<16xi32>], vector<16xf32>,
      %add3A_1272 = arith.addf %broadcast_in_dim3A_1271, %gather3A : vector<16xf32>
      %gather3A_1273 = tpu.vector_load_idx %arg13[%add3A_75] : memref<256xf32, #tpu.memory_space<vmem>>[vector<16xi32>], vector<16xf32>,
      %add3A_1274 = arith.addf %add3A_1272, %gather3A_1273 : vector<16xf32>
      %gather3A_1275 = tpu.vector_load_idx %arg13[%add3A_82] : memref<256xf32, #tpu.memory_space<vmem>>[vector<16xi32>], vector<16xf32>,
      %add3A_1276 = arith.addf %add3A_1274, %gather3A_1275 : vector<16xf32>
      %gather3A_1277 = tpu.vector_load_idx %arg13[%add3A_89] : memref<256xf32, #tpu.memory_space<vmem>>[vector<16xi32>], vector<16xf32>,
      %add3A_1278 = arith.addf %add3A_1276, %gather3A_1277 : vector<16xf32>
      %gather3A_1279 = tpu.vector_load_idx %arg13[%add3A_96] : memref<256xf32, #tpu.memory_space<vmem>>[vector<16xi32>], vector<16xf32>,
      %add3A_1280 = arith.addf %add3A_1278, %gather3A_1279 : vector<16xf32>
      %gather3A_1281 = tpu.vector_load_idx %arg13[%add3A_103] : memref<256xf32, #tpu.memory_space<vmem>>[vector<16xi32>], vector<16xf32>,
      %add3A_1282 = arith.addf %add3A_1280, %gather3A_1281 : vector<16xf32>
      %gather3A_1283 = tpu.vector_load_idx %arg13[%add3A_110] : memref<256xf32, #tpu.memory_space<vmem>>[vector<16xi32>], vector<16xf32>,
      %add3A_1284 = arith.addf %add3A_1282, %gather3A_1283 : vector<16xf32>
      %gather3A_1285 = tpu.vector_load_idx %arg13[%add3A_117] : memref<256xf32, #tpu.memory_space<vmem>>[vector<16xi32>], vector<16xf32>,
      %add3A_1286 = arith.addf %add3A_1284, %gather3A_1285 : vector<16xf32>
      %gather3A_1287 = tpu.vector_load_idx %arg13[%add3A_124] : memref<256xf32, #tpu.memory_space<vmem>>[vector<16xi32>], vector<16xf32>,
      %add3A_1288 = arith.addf %add3A_1286, %gather3A_1287 : vector<16xf32>
      %gather3A_1289 = tpu.vector_load_idx %arg13[%add3A_131] : memref<256xf32, #tpu.memory_space<vmem>>[vector<16xi32>], vector<16xf32>,
      %add3A_1290 = arith.addf %add3A_1288, %gather3A_1289 : vector<16xf32>
      %gather3A_1291 = tpu.vector_load_idx %arg13[%add3A_138] : memref<256xf32, #tpu.memory_space<vmem>>[vector<16xi32>], vector<16xf32>,
      %add3A_1292 = arith.addf %add3A_1290, %gather3A_1291 : vector<16xf32>
      %gather3A_1293 = tpu.vector_load_idx %arg13[%add3A_145] : memref<256xf32, #tpu.memory_space<vmem>>[vector<16xi32>], vector<16xf32>,
      %add3A_1294 = arith.addf %add3A_1292, %gather3A_1293 : vector<16xf32>
      %gather3A_1295 = tpu.vector_load_idx %arg13[%add3A_152] : memref<256xf32, #tpu.memory_space<vmem>>[vector<16xi32>], vector<16xf32>,
      %add3A_1296 = arith.addf %add3A_1294, %gather3A_1295 : vector<16xf32>
      %gather3A_1297 = tpu.vector_load_idx %arg13[%add3A_159] : memref<256xf32, #tpu.memory_space<vmem>>[vector<16xi32>], vector<16xf32>,
      %add3A_1298 = arith.addf %add3A_1296, %gather3A_1297 : vector<16xf32>
      %gather3A_1299 = tpu.vector_load_idx %arg13[%add3A_166] : memref<256xf32, #tpu.memory_space<vmem>>[vector<16xi32>], vector<16xf32>,
      %add3A_1300 = arith.addf %add3A_1298, %gather3A_1299 : vector<16xf32>
      %gather3A_1301 = tpu.vector_load_idx %arg13[%add3A_173] : memref<256xf32, #tpu.memory_space<vmem>>[vector<16xi32>], vector<16xf32>,
      %add3A_1302 = arith.addf %add3A_1300, %gather3A_1301 : vector<16xf32>
      %neg3A = arith.constant 0.000000e+00 : f32
      %neg3A_1303 = vector.broadcast %neg3A : f32 to vector<16xf32>
      %neg3A_1304 = arith.subf %neg3A_1303, %add3A_1302 : vector<16xf32>
      %exp3A = math.exp %neg3A_1304 : vector<16xf32>
      %add3A_1305 = arith.constant 1.000000e+00 : f32
      %add3A_1306 = vector.broadcast %add3A_1305 : f32 to vector<16xf32>
      %add3A_1307 = arith.addf %add3A_1306, %exp3A : vector<16xf32>
      %div3A = arith.constant 1.000000e+00 : f32
      %div3A_1308 = vector.broadcast %div3A : f32 to vector<16xf32>
      %div3A_1309 = arith.divf %div3A_1308, %add3A_1307 : vector<16xf32>
      %mul3A_1310 = arith.constant 16 : i32
      %mul3A_1311 = arith.muli %scan3A_198, %mul3A_1310 : i32
      %swap3A_1312 = arith.index_cast %mul3A_1311 : i32 to index
      %swap3A_1313 = tpu.vector_load %arg11[%swap3A_1312] {strides = array<i32>} : memref<128xf32, #tpu.memory_space<vmem>>, vector<16xf32>,
      tpu.vector_store %arg11[%swap3A_1312], %div3A_1309 {strides = array<i32>} : memref<128xf32, #tpu.memory_space<vmem>>, vector<16xf32>,
    }
    %scan3A_179 = arith.constant 8 : i32
    %min3A_180 = arith.constant 9984 : i32
    %min3A_181 = arith.constant 9872 : i32
    %min3A_182 = arith.minsi %min3A_180, %min3A_181 : i32
    %add3A_183 = arith.addi %mul3A_2, %min3A_182 : i32
    %dma_start3A_184 = tpu.memref_slice %arg4[%add3A_183] : memref<320000xf32, #tpu.memory_space<hbm>> -> memref<128xf32, #tpu.memory_space<hbm>>
    %dma_start3A_185 = tpu.memref_slice %arg4[%add3A_183] : memref<320000xf32, #tpu.memory_space<hbm>> -> memref<128xf32, #tpu.memory_space<hbm>>
    tpu.enqueue_dma source(%arg11 : memref<128xf32, #tpu.memory_space<vmem>>) target(%dma_start3A_185 : memref<128xf32, #tpu.memory_space<hbm>>) target_semaphore(%arg18 : memref<!tpu.dma_semaphore, #tpu.memory_space<semaphore_mem>>)
    %min3A_186 = arith.constant 9984 : i32
    %min3A_187 = arith.constant 9872 : i32
    %min3A_188 = arith.minsi %min3A_186, %min3A_187 : i32
    %add3A_189 = arith.addi %mul3A_2, %min3A_188 : i32
    %dma_wait3A_190 = tpu.memref_slice %arg4[%add3A_189] : memref<320000xf32, #tpu.memory_space<hbm>> -> memref<128xf32, #tpu.memory_space<hbm>>
    %dma_wait3A_191 = tpu.memref_slice %arg4[%add3A_189] : memref<320000xf32, #tpu.memory_space<hbm>> -> memref<128xf32, #tpu.memory_space<hbm>>
    tpu.wait_dma2 semaphore(%arg18 : memref<!tpu.dma_semaphore, #tpu.memory_space<semaphore_mem>>) src(%arg11 : memref<128xf32, #tpu.memory_space<vmem>>) dst(%dma_wait3A_191 : memref<128xf32, #tpu.memory_space<hbm>>)
    %min3A_192 = arith.constant 9856 : i32
    %min3A_193 = arith.constant 9872 : i32
    %min3A_194 = arith.minsi %min3A_192, %min3A_193 : i32
    %add3A_195 = arith.addi %mul3A_2, %min3A_194 : i32
    %dma_wait3A_196 = tpu.memref_slice %arg4[%add3A_195] : memref<320000xf32, #tpu.memory_space<hbm>> -> memref<128xf32, #tpu.memory_space<hbm>>
    %dma_wait3A_197 = tpu.memref_slice %arg4[%add3A_195] : memref<320000xf32, #tpu.memory_space<hbm>> -> memref<128xf32, #tpu.memory_space<hbm>>
    tpu.wait_dma2 semaphore(%arg19 : memref<!tpu.dma_semaphore, #tpu.memory_space<semaphore_mem>>) src(%arg12 : memref<128xf32, #tpu.memory_space<vmem>>) dst(%dma_wait3A_197 : memref<128xf32, #tpu.memory_space<hbm>>)
    return
  }
}

</mosaic_0001>

<sc_bundles>
// kernel: _decode.3.cloned.1.call-start
scs
__scs_entry_jumppad:
0x0: {  	(pc) =	sbr.rel $0x88, $3  }
0x1: {  	(tag) =	ssettag $0x0;
	lr =	simm.s32 $0x1  }
0x2: {  	[smem:$0x3F9F] =	sst lr;
	_ =	strace $0xD0000000  }
0x3: {  	_ = 	snop  }
0x4: {  	_ = 	snop  }
0x5: {  	_ = 	snop  }
0x6: {  	_ = 	snop  }
0x7: {  	_ = 	snop  }
__scs_overlays_trampoline_lowered:
0x8: {  	[smem:$0x3FAE] =	sst s0  }
0x9: {  	[smem:$0x3FAF] =	sst s1  }
0xa: {  	[smem:$0x3FB0] =	sst s2  }
0xb: {  	[smem:$0x3FB1] =	sst s3  }
0xc: {  	[smem:$0x3FB2] =	sst s4  }
0xd: {  	[smem:$0x3FB3] =	sst s5  }
0xe: {  	[smem:$0x3FB4] =	sst s6  }
0xf: {  	[smem:$0x3FB5] =	sst s7  }
0x10: {  	[smem:$0x3FB6] =	sst s8  }
0x11: {  	[smem:$0x3FB7] =	sst s9;
	s0 =	simm.s32 @!p0 $0x0  }
0x12: {  	s1 =	sld [smem:$0x3F9D];
	s0 =	simm.s32 @p0 $0x1  }
0x13: {  	[smem:$0x3FB8] =	sst s0;
	s0 =	simm.s32 @!p1 $0x0  }
0x14: {  	s2 =	sld [smem:$0x3F9C];
	s0 =	simm.s32 @p1 $0x1  }
0x15: {  	[smem:$0x3FB9] =	sst s0;
	s0 =	simm.s32 @!p2 $0x0  }
0x16: {  	s3 =	sld [smem:$0x3FDB];
	s0 =	simm.s32 @p2 $0x1  }
0x17: {  	s4 =	simm.s32 $0x1BF5;
	[smem:$0x3FBB] =	sst s0  }
0x18: {  	s0 =	sld [smem:$0x3F9E];
	_ =	swait.ge [sflag:s4], $0x0  }
0x19: {  	s7 =	sld [smem:$0x3F9F]  }
0x1a: {  	s8 =	sadd.s32 $0xFFFFE003, lr  }
0x1b: {  	s9 =	sadd.s32 $0xFFFFFEF7, lr;
	s5 =	simm.s32 $0xFFFFFFFF;
	p2 =	slt.u32 s8, $0xFFFFF086  }
0x1c: {  	p1 =	slt.u32 s9, $0xF7A;
	s5 =	simm.s32 @!p2 $0x0  }
0x1d: {  	s5 =	simm.s32 @p1 $0x1;
	p0 =	seq.s32 s7, s2  }
0x1e: {  	s7 =	smul.u32 @!p0 $0xF7A, s2;
	p2 =	seq.s32 @!p0 s5, $0x0  }
0x1f: {  	s9 =	smul.u32 $0xF7A, s1;
	s8 =	simm.s32 @!p0 $0x1BF5;
	p2 =	por !p2, p0  }
0x20: {  	[sflag:s8] =	ssyncset.s32 @!p0 $0xFFFFF086;
	s6 =	sadd.s32 @!p0 s3, s7;
	s7 =	simm.s32 @!p0 $0x108  }
0x21: {  	s3 =	sadd.s32 s3, s9;
	s6 =	sadd.s32 @!p0 $0x88, s6;
	s7 =	simm.s32 @p2 $0x1082  }
0x22: {  	[simem:s7], [sflag:s8] =	dma.local @!p0 [hbm:s6], $0xF7A  }
0x23: {  	s9 =	sor.u32 $0xD0000000, s2;
	s6 =	simm.s32 $0x108;
	_ =	swait.ge @!p0 [sflag:s8], $0x0  }
0x24: {  	s3 =	sadd.s32 $0x88, s3;
	s6 =	simm.s32 @!p1 $0x1082;
	[sflag:s4] =	ssyncset.s32 $0xFFFFF086  }
0x25: {  	[simem:s6], [sflag:s4] =	dma.local [hbm:s3], $0xF7A  }
0x26: {  	[smem:$0x3F9F] =	sst s1;
	(tag) =	ssettag s2;
	_ =	strace s9  }
0x27: {  	s1 =	sld [smem:$0x3FAF]  }
0x28: {  	s2 =	sld [smem:$0x3FB0]  }
0x29: {  	s4 =	sld [smem:$0x3FB2]  }
0x2a: {  	p0 =	seq.s32 s5, $0x0;
	s5 =	sld [smem:$0x3FB3]  }
0x2b: {  	s6 =	sld [smem:$0x3FB4]  }
0x2c: {  	s7 =	sld [smem:$0x3FB5]  }
0x2d: {  	s3 =	simm.s32 $0x108;
	s8 =	sld [smem:$0x3FB6]  }
0x2e: {  	s3 =	simm.s32 @!p0 $0x1082;
	s9 =	sld [smem:$0x3FB7]  }
0x2f: {  	lr =	sadd.s32 s0, s3;
	s0 =	sld [smem:$0x3FAE]  }
0x30: {  	s3 =	sld [smem:$0x3FB1]  }
0x31: {  	[smem:$0x3FBA] =	sst s10  }
0x32: {  	s10 =	sld [smem:$0x3FB8];
	_ =	sdelay $0x3  }
0x33: {  	p0 =	seq.s32 s10, $0x1;
	s10 =	sld [smem:$0x3FBA];
	_ =	sdelay $0x3  }
0x34: {  	[smem:$0x3FBA] =	sst s10  }
0x35: {  	s10 =	sld [smem:$0x3FB9];
	_ =	sdelay $0x3  }
0x36: {  	p1 =	seq.s32 s10, $0x1;
	s10 =	sld [smem:$0x3FBA];
	_ =	sdelay $0x3  }
0x37: {  	[smem:$0x3FBA] =	sst s10  }
0x38: {  	s10 =	sld [smem:$0x3FBB]  }
0x39: {  	_ = 	snop;
	(pc) =	sbr.ind lr, $3  }
0x3a: {  	_ = 	snop  }
0x3b: {  	_ = 	snop  }
0x3c: {  	p2 =	seq.s32 s10, $0x1;
	s10 =	sld [smem:$0x3FBA]  }
0x3d: {  	_ =	shalt  }
0x3e: {  	_ =	shalt  }
0x3f: {  	_ =	shalt  }
0x40: {  	_ =	shalt  }
0x41: {  	_ =	shalt  }
0x42: {  	_ =	shalt  }
0x43: {  	_ =	shalt  }
0x44: {  	_ =	shalt  }
0x45: {  	_ =	shalt  }
0x46: {  	_ =	shalt  }
0x47: {  	_ =	shalt  }
0x48: {  	_ =	shalt  }
0x49: {  	_ =	shalt  }
0x4a: {  	_ =	shalt  }
0x4b: {  	_ =	shalt  }
0x4c: {  	_ =	shalt  }
0x4d: {  	_ =	shalt  }
0x4e: {  	_ =	shalt  }
0x4f: {  	_ =	shalt  }
0x50: {  	_ =	shalt  }
0x51: {  	_ =	shalt  }
0x52: {  	_ =	shalt  }
0x53: {  	_ =	shalt  }
0x54: {  	_ =	shalt  }
0x55: {  	_ =	shalt  }
0x56: {  	_ =	shalt  }
0x57: {  	_ =	shalt  }
0x58: {  	_ =	shalt  }
0x59: {  	_ =	shalt  }
0x5a: {  	_ =	shalt  }
0x5b: {  	_ =	shalt  }
0x5c: {  	_ =	shalt  }
0x5d: {  	_ =	shalt  }
0x5e: {  	_ =	shalt  }
0x5f: {  	_ =	shalt  }
0x60: {  	_ =	shalt  }
0x61: {  	_ =	shalt  }
0x62: {  	_ =	shalt  }
0x63: {  	_ =	shalt  }
0x64: {  	_ =	shalt  }
0x65: {  	_ =	shalt  }
0x66: {  	_ =	shalt  }
0x67: {  	_ =	shalt  }
0x68: {  	_ =	shalt  }
0x69: {  	_ =	shalt  }
0x6a: {  	_ =	shalt  }
0x6b: {  	_ =	shalt  }
0x6c: {  	_ =	shalt  }
0x6d: {  	_ =	shalt  }
0x6e: {  	_ =	shalt  }
0x6f: {  	_ =	shalt  }
0x70: {  	_ =	shalt  }
0x71: {  	_ =	shalt  }
0x72: {  	_ =	shalt  }
0x73: {  	_ =	shalt  }
0x74: {  	_ =	shalt  }
0x75: {  	_ =	shalt  }
0x76: {  	_ =	shalt  }
0x77: {  	_ =	shalt  }
0x78: {  	_ =	shalt  }
0x79: {  	_ =	shalt  }
0x7a: {  	_ =	shalt  }
0x7b: {  	_ =	shalt  }
0x7c: {  	_ =	shalt  }
0x7d: {  	_ =	shalt  }
0x7e: {  	_ =	shalt  }
0x7f: {  	_ =	shalt  }
0x80: {  	_ =	shalt  }
0x81: {  	_ =	shalt  }
0x82: {  	_ =	shalt  }
0x83: {  	_ =	shalt  }
0x84: {  	_ =	shalt  }
0x85: {  	_ =	shalt  }
0x86: {  	_ =	shalt  }
0x87: {  	_ =	shalt  }
.Lfunc_end0:
.L_simem_size_0:
called_computation_lowered:
.L_overlay_start_0:
0x88: {  	s2 =	sld [smem:$0x3FD9]  }
0x89: {  	s3 =	sld [smem:$0x3FFE];
	_ =	sdelay $0x1  }
0x8a: {  	s1 =	srdreg.scid  }
0x8b: {  	s0 =	sand.u32 $0x1, s1  }
0x8c: {  	s17 =	sshll.u32 s0, $0xA;
	s2 =	sadd.s32 s3, s2  }
0x8d: {  	s2 =	sadd.s32 s2, s17  }
0x8e: {  	[smem:$0x3FC6] =	sst s2  }
0x8f: {  	_ = 	snop  }
0x90: {  	s2 =	sld [smem:$0x3FC9]  }
0x91: {  	s18 =	sld [smem:$0x3FD0];
	(tm) =	ssettm $0x1  }
0x92: {  	s4 =	sld [smem:$0x3FFB];
	_ =	sdelay $0x3  }
0x93: {  	_ =	strace s4  }
0x94: {  	s4 =	sld [smem:$0x3FFC];
	_ =	sdelay $0x3  }
0x95: {  	_ =	strace s4  }
0x96: {  	s4 =	sld [smem:$0x3FFD];
	_ =	sdelay $0x3  }
0x97: {  	_ =	strace s4  }
0x98: {  	_ =	strace $0x8FFFFFFF  }
0x99: {  	s19 =	sld [smem:$0x3FDB];
	_ =	sdelay $0x1  }
0x9a: {  	s5 =	simm.s32 $_scs_section_size  }
0x9b: {  	s6 =	simm.s32 $_size__tile_overlayer_lowered;
	s7 =	simm.s32 $_tile_overlayer_lowered  }
0x9c: {  	s22 =	simm.s32 $0x1BFF;
	s21 =	sshll.u32 s7, $0x1;
	s4 =	sadd.s32 s5, s19  }
0x9d: {  	s8 =	simm.s32 $0x0;
	s20 =	sshll.u32 s6, $0x1;
	s6 =	sadd.s32 s21, s4  }
0x9e: {  	[timem:s8], [sflag:s22] =	dma.local [hbm:s6], s20  }
0x9f: {  	_ =	swait.ge [sflag:s22], s20  }
0xa0: {  	s5 =	ssub.s32 $0x0, s20;
	[sflag:s22] =	ssyncset.done $0x0  }
0xa1: {  	[sflag:s22] =	ssyncadd.s32 s5;
	_ =	sdelay $0x1  }
0xa2: {  	s23 =	simm.s32 $0x1B8B  }
0xa3: {  	_ =	swait.ge [sflag:s23], $0x1  }
0xa4: {  	[sflag:s23] =	ssyncset.done $0x0  }
0xa5: {  	s25 =	simm.s32 $0x1B8E;
	s24 =	sld [smem:$0x3FFE];
	[sflag:s23] =	ssyncadd.s32 $0xFFFFFFFF  }
0xa6: {  	s26 =	simm.s32 $execute0_lowered;
	[smem:$0x3FD2] =	sst s25  }
0xa7: {  	s6 =	sshll.u32 s26, $0x1;
	_ =	strace $0x80000046;
	[dreg:$0x1] =	wrdreg $0xFFFFFFFF  }
0xa8: {  	s28 =	simm.s32 $_size_execute0_lowered;
	s4 =	sadd.s32 s4, s6;
	[dreg:$0x0] =	wrdreg $0x0  }
0xa9: {  	s6 =	sshll.u32 s28, $0x1;
	[dreg:$0x2] =	wrdreg s4  }
0xaa: {  	[dreg:$0x3] =	wrdreg s6  }
0xab: {  	[dreg:$0x4] =	wrdreg $0xC0  }
0xac: {  	_ =	task [dreg:s8], $0x5FFFF  }
0xad: {  	[dreg:$0x1] =	wrdreg $0xFFFFFFFF  }
0xae: {  	[dreg:$0x0] =	wrdreg $0x60  }
0xaf: {  	[dreg:$0x2] =	wrdreg s2  }
0xb0: {  	[dreg:$0x3] =	wrdreg s24  }
0xb1: {  	[dreg:$0x4] =	wrdreg s18  }
0xb2: {  	[dreg:$0x5] =	wrdreg $0x9  }
0xb3: {  	_ =	task.clear_ibuf [dreg:s8], $0x6FFFF;
	_ =	strace $0x90000046  }
0xb4: {  	s29 =	simm.s32 $0x9;
	_ =	strace $0x80000048  }
0xb5: {  	_ =	swait.ge [sflag:s29], $0x1  }
0xb6: {  	[sflag:s29] =	ssyncadd.s32 $0xFFFFFFFF  }
0xb7: {  	_ =	strace $0x90000048  }
0xb8: {  	_ =	sfence  }
0xb9: {  	s30 =	sld [smem:$0x0];
	_ =	sdelay $0x2  }
0xba: {  	s31 =	sshll.u32 s1, $0xD;
	s1 =	sshrl.u32 s1, $0x2  }
0xbb: {  	s3 =	sand.u32 $0x4000, s31;
	s1 =	sadd.s32 s1, s30  }
0xbc: {  	s0 =	sor.u32 s3, s0;
	s1 =	sshll.u32 s1, $0x11  }
0xbd: {  	s0 =	sor.u32 s1, s0  }
0xbe: {  	s0 =	sadd.s32 $0x8F2B, s0  }
0xbf: {  	[sflag:s0] =	ssyncadd.remote.s32 $0x1  }
0xc0: {  	_ =	sfence.sel $0xFFFF  }
0xc1: {  	[dreg:$0x0] =	wrdreg $0xFFFFFFFF;
	(pc) =	sbr.abs _section_cstart, $3  }
0xc2: {  	[dreg:$0x1] =	wrdreg $0xFFFFFFFF  }
0xc3: {  	_ =	task.clear_ibuf [dreg:s8], $0x2FFFF;
	_ =	strace $0x9FFFFFFF  }
0xc4: {  	(tm) =	ssettm $0x7FFFFFFF  }
0xc5: {  	_ =	shalt  }
tec
execute0_lowered:
.L_overlay_start_1:
0x0: {  	(tag) =	ssettag $0x1  }
0x1: {  	s0 =	rddreg [dreg:$0x0]  }
0x2: {  	s1 =	srdreg.scid;
	s2 =	rddreg [dreg:$0x1]  }
0x3: {  	s3 =	rddreg [dreg:$0x2];
	s6 =	stileid.u32  }
0x4: {  	s4 =	simm.s32 $0x0;
	s14 =	simm.s32 $0x80;
	s15 =	simm.s32 $0x4E200  }
0x5: {  	s16 =	simm.s32 $0x100;
	s17 =	simm.s32 $0x1;
	s18 =	simm.s32 $0x200  }
0x6: {  	s19 =	simm.s32 $0x8200;
	s20 =	simm.s32 $0x3;
	s21 =	simm.s32 $0x2  }
0x7: {  	s22 =	simm.s32 $0x4200;
	s23 =	simm.s32 $0x180;
	s1 =	sand.u32 $0x1, s1  }
0x8: {  	s28 =	simm.s32 $0x4;
	s29 =	simm.s32 $0x10280;
	s5 =	sshll.u32 s1, $0x4  }
0x9: {  	s30 =	simm.s32 $0x5;
	s1 =	ssub.s32 $0x2, s1;
	s5 =	sor.u32 s6, s5  }
0xa: {  	v0 =	vlaneseq.u32;
	[smem:$0x7FF] =	sst s4;
	s24 =	sshrl.u32 s1, $0x1;
	s5 =	smul.u32 $0x2710, s5  }
0xb: {  	v0 =	vmul.u32 $0x10, v0;
	_ =	strace $0x80000047;
	s6 =	sadd.s32 $0x400, s2;
	s1 =	ssub.s32 s1, s24  }
0xc: {  	s24 =	simm.s32 $0xC200;
	s1 =	smax.u32 s1, $0x1;
	s8 =	sshrl.u32 s5, $0x3  }
0xd: {  	v1 =	vor.u32 $0x1, v0;
	v2 =	vor.u32 $0x2, v0;
	v3 =	vor.u32 $0x3, v0;
	s7 =	sadd.s32 $0x80, s5;
	s10 =	sadd.s32 $0x100, s5;
	s11 =	sadd.s32 $0x180, s5  }
0xe: {  	v4 =	vor.u32 $0x4, v0;
	v5 =	vor.u32 $0x5, v0;
	v6 =	vor.u32 $0x6, v0;
	[dreg:$0x7] =	wrdreg s1;
	s25 =	sadd.s32 s6, s8;
	s26 =	sshrl.u32 s7, $0x3  }
0xf: {  	v7 =	vor.u32 $0x7, v0;
	v8 =	vor.u32 $0x8, v0;
	v9 =	vor.u32 $0x9, v0;
	s31 =	sadd.s32 s3, s8;
	[dreg:$0x4] =	wrdreg s25;
	s2 =	sadd.s32 s6, s26  }
0x10: {  	v10 =	vor.u32 $0xA, v0;
	v11 =	vor.u32 $0xB, v0;
	v12 =	vor.u32 $0xC, v0;
	s1 =	simm.s32 $0x0;
	[dreg:$0x5] =	wrdreg s2;
	s2 =	sadd.s32 $0x4D2, s31  }
0x11: {  	v13 =	vor.u32 $0xD, v0;
	v14 =	vor.u32 $0xE, v0;
	v15 =	vor.u32 $0xF, v0;
	s25 =	simm.s32 $0x10300;
	s26 =	simm.s32 $0x10200;
	[dreg:$0x6] =	wrdreg s2  }
.LBB2_1:
0x12: {  	s2 =	rddreg [dreg:$0x4]  }
0x13: {  	[tilespmem:s4], [sflag:$0x1] =	stream.strided.gather [hbm4b:s2+s14], $0x100, s15, s14, $0x38;
	[tilespmem:$0x10400] =	vst v63  }
0x14: {  	s31 =	rddreg [dreg:$0x5]  }
0x15: {  	[tilespmem:s16], [sflag:$0x2] =	stream.strided.gather [hbm4b:s31+s14], $0x100, s15, s14, $0x38;
	[tilespmem:$0x10400] =	vst v63  }
0x16: {  	_ =	swait.ge [sflag:s17], $0x100  }
0x17: {  	[sflag:s17] =	ssyncset.done $0x0  }
0x18: {  	[sflag:s17] =	ssyncadd.s32 $0xFFFFFF00  }
0x19: {  	[tilespmem:s18], [sflag:$0x3] =	stream.indirect.gather [hbm4b:s0+s14], $0x80, s4, s14, $0xb8;
	[tilespmem:$0x10400] =	vst v63  }
0x1a: {  	s2 =	simm.s32 $0x0  }
0x1b: {  	[tilespmem:s19], [sflag:$0x3] =	stream.indirect.gather [hbm4b:s0+s14], $0x80, s14, s14, $0xb8;
	[tilespmem:$0x10400] =	vst v63  }
.LBB2_2:
0x1c: {  	_ =	swait.ge [sflag:s20], $0x4000  }
0x1d: {  	s8 =	sshll.u32 s2, $0x8;
	[sflag:s20] =	ssyncset.done $0x0  }
0x1e: {  	s9 =	smin.u32 s8, $0x2590;
	[sflag:s20] =	ssyncadd.s32 $0xFFFFC000  }
0x1f: {  	s9 =	sadd.s32 s9, s10;
	_ =	swait.ge [sflag:s20], $0x4000  }
0x20: {  	s9 =	sshrl.u32 s9, $0x3;
	[sflag:s20] =	ssyncset.done $0x0  }
0x21: {  	s9 =	sadd.s32 s6, s9;
	[sflag:s20] =	ssyncadd.s32 $0xFFFFC000  }
0x22: {  	[tilespmem:s4], [sflag:$0x1] =	stream.strided.gather [hbm4b:s9+s14], $0x100, s15, s14, $0x38;
	[tilespmem:$0x10400] =	vst v63  }
0x23: {  	_ =	swait.ge [sflag:s21], $0x100  }
0x24: {  	[sflag:s21] =	ssyncset.done $0x0  }
0x25: {  	p0 =	seq.s32 s2, $0x0;
	[sflag:s21] =	ssyncadd.s32 $0xFFFFFF00  }
0x26: {  	[tilespmem:s22], [sflag:$0x4] =	stream.indirect.gather [hbm4b:s0+s14], $0x80, s16, s14, $0xb8;
	[tilespmem:$0x10400] =	vst v63  }
0x27: {  	s9 =	simm.s32 @!p0 $0x5  }
0x28: {  	[tilespmem:s24], [sflag:$0x4] =	stream.indirect.gather [hbm4b:s0+s14], $0x80, s23, s14, $0xb8;
	[tilespmem:$0x10400] =	vst v63  }
0x29: {  	_ =	swait.ge @!p0 [sflag:s9], $0x80  }
0x2a: {  	[sflag:s9] =	ssyncset.done @!p0 $0x0  }
0x2b: {  	[sflag:s9] =	ssyncadd.s32 @!p0 $0xFFFFFF80;
	s9 =	simm.s32 $0x0  }
.LBB2_3:
0x2c: {  	s12 =	sshll.u32 s9, $0xB  }
0x2d: {  	v16 =	vld [tilespmem:s12+$0x200]  }
0x2e: {  	v17 =	vld [tilespmem:s12+$0x8200]  }
0x2f: {  	v18 =	vld [tilespmem:s12+$0x210]  }
0x30: {  	v19 =	vld [tilespmem:s12+$0x8210]  }
0x31: {  	v20 =	vld [tilespmem:s12+$0x220]  }
0x32: {  	v21 =	vld [tilespmem:s12+$0x8220]  }
0x33: {  	v22 =	vld [tilespmem:s12+$0x230]  }
0x34: {  	v23 =	vld [tilespmem:s12+$0x8230]  }
0x35: {  	v24 =	vld [tilespmem:s12+$0x240]  }
0x36: {  	v25 =	vld [tilespmem:s12+$0x8240]  }
0x37: {  	v26 =	vld [tilespmem:s12+$0x250]  }
0x38: {  	v27 =	vld [tilespmem:s12+$0x8250]  }
0x39: {  	v28 =	vld [tilespmem:s12+$0x260]  }
0x3a: {  	v29 =	vld [tilespmem:s12+$0x8260]  }
0x3b: {  	v30 =	vld [tilespmem:s12+$0x270]  }
0x3c: {  	v31 =	vld [tilespmem:s12+$0x8270];
	_ =	sdelay $0x1  }
0x3d: {  	v16 =	vmul.f32 v17, v16;
	v17 =	vmul.f32 v19, v18  }
0x3e: {  	v40 =	vmul.f32 v21, v20;
	v41 =	vmul.f32 v23, v22  }
0x3f: {  	v42 =	vmul.f32 v25, v24;
	v43 =	vmul.f32 v27, v26  }
0x40: {  	v44 =	vmul.f32 v29, v28;
	v45 =	vmul.f32 v31, v30  }
0x41: {  	v16 =	vadd.f32 v17, v16;
	v17 =	vadd.f32 v41, v40  }
0x42: {  	v46 =	vadd.f32 v43, v42;
	v47 =	vadd.f32 v45, v44;
	_ =	sdelay $0x1  }
0x43: {  	v16 =	vadd.f32 v17, v16;
	v17 =	vadd.f32 v47, v46;
	_ =	sdelay $0x1  }
0x44: {  	v16 =	vadd.f32 v17, v16;
	_ =	sdelay $0x1  }
0x45: {  	[tilespmem:$0x10300] =	vst v16  }
0x46: {  	v16 =	vld [tilespmem:s12+$0x280]  }
0x47: {  	v17 =	vld [tilespmem:s12+$0x8280]  }
0x48: {  	v48 =	vld [tilespmem:s12+$0x290]  }
0x49: {  	v49 =	vld [tilespmem:s12+$0x8290]  }
0x4a: {  	v50 =	vld [tilespmem:s12+$0x2A0]  }
0x4b: {  	v51 =	vld [tilespmem:s12+$0x82A0]  }
0x4c: {  	v52 =	vld [tilespmem:s12+$0x2B0]  }
0x4d: {  	v53 =	vld [tilespmem:s12+$0x82B0]  }
0x4e: {  	v54 =	vld [tilespmem:s12+$0x2C0]  }
0x4f: {  	v55 =	vld [tilespmem:s12+$0x82C0]  }
0x50: {  	v56 =	vld [tilespmem:s12+$0x2D0]  }
0x51: {  	v57 =	vld [tilespmem:s12+$0x82D0]  }
0x52: {  	v58 =	vld [tilespmem:s12+$0x2E0]  }
0x53: {  	v59 =	vld [tilespmem:s12+$0x82E0]  }
0x54: {  	v60 =	vld [tilespmem:s12+$0x2F0]  }
0x55: {  	v61 =	vld [tilespmem:s12+$0x82F0];
	_ =	sdelay $0x1  }
0x56: {  	v16 =	vmul.f32 v17, v16;
	v17 =	vmul.f32 v49, v48  }
0x57: {  	v62 =	vmul.f32 v51, v50;
	v63 =	vmul.f32 v53, v52  }
0x58: {  	v25 =	vmul.f32 v55, v54;
	v27 =	vmul.f32 v57, v56  }
0x59: {  	v29 =	vmul.f32 v59, v58;
	v32 =	vmul.f32 v61, v60  }
0x5a: {  	v16 =	vadd.f32 v17, v16;
	v17 =	vadd.f32 v63, v62  }
0x5b: {  	v33 =	vadd.f32 v27, v25;
	v34 =	vadd.f32 v32, v29;
	_ =	sdelay $0x1  }
0x5c: {  	v16 =	vadd.f32 v17, v16;
	v17 =	vadd.f32 v34, v33;
	_ =	sdelay $0x1  }
0x5d: {  	v16 =	vadd.f32 v17, v16;
	_ =	sdelay $0x1  }
0x5e: {  	[tilespmem:$0x10310] =	vst v16  }
0x5f: {  	v16 =	vld [tilespmem:s12+$0x300]  }
0x60: {  	v17 =	vld [tilespmem:s12+$0x8300]  }
0x61: {  	v35 =	vld [tilespmem:s12+$0x310]  }
0x62: {  	v36 =	vld [tilespmem:s12+$0x8310]  }
0x63: {  	v37 =	vld [tilespmem:s12+$0x320]  }
0x64: {  	v38 =	vld [tilespmem:s12+$0x8320]  }
0x65: {  	v39 =	vld [tilespmem:s12+$0x330]  }
0x66: {  	v40 =	vld [tilespmem:s12+$0x8330]  }
0x67: {  	v41 =	vld [tilespmem:s12+$0x340]  }
0x68: {  	v42 =	vld [tilespmem:s12+$0x8340]  }
0x69: {  	v43 =	vld [tilespmem:s12+$0x350]  }
0x6a: {  	v44 =	vld [tilespmem:s12+$0x8350]  }
0x6b: {  	v45 =	vld [tilespmem:s12+$0x360]  }
0x6c: {  	v46 =	vld [tilespmem:s12+$0x8360]  }
0x6d: {  	v47 =	vld [tilespmem:s12+$0x370]  }
0x6e: {  	v48 =	vld [tilespmem:s12+$0x8370];
	_ =	sdelay $0x1  }
0x6f: {  	v16 =	vmul.f32 v17, v16;
	v17 =	vmul.f32 v36, v35  }
0x70: {  	v49 =	vmul.f32 v38, v37;
	v50 =	vmul.f32 v40, v39  }
0x71: {  	v51 =	vmul.f32 v42, v41;
	v52 =	vmul.f32 v44, v43  }
0x72: {  	v53 =	vmul.f32 v46, v45;
	v54 =	vmul.f32 v48, v47  }
0x73: {  	v16 =	vadd.f32 v17, v16;
	v17 =	vadd.f32 v50, v49  }
0x74: {  	v55 =	vadd.f32 v52, v51;
	v56 =	vadd.f32 v54, v53;
	_ =	sdelay $0x1  }
0x75: {  	v16 =	vadd.f32 v17, v16;
	v17 =	vadd.f32 v56, v55;
	_ =	sdelay $0x1  }
0x76: {  	v16 =	vadd.f32 v17, v16;
	_ =	sdelay $0x1  }
0x77: {  	[tilespmem:$0x10320] =	vst v16  }
0x78: {  	v16 =	vld [tilespmem:s12+$0x380]  }
0x79: {  	v17 =	vld [tilespmem:s12+$0x8380]  }
0x7a: {  	v57 =	vld [tilespmem:s12+$0x390]  }
0x7b: {  	v58 =	vld [tilespmem:s12+$0x8390]  }
0x7c: {  	v59 =	vld [tilespmem:s12+$0x3A0]  }
0x7d: {  	v60 =	vld [tilespmem:s12+$0x83A0]  }
0x7e: {  	v61 =	vld [tilespmem:s12+$0x3B0]  }
0x7f: {  	v62 =	vld [tilespmem:s12+$0x83B0]  }
0x80: {  	v63 =	vld [tilespmem:s12+$0x3C0]  }
0x81: {  	v33 =	vld [tilespmem:s12+$0x83C0]  }
0x82: {  	v34 =	vld [tilespmem:s12+$0x3D0]  }
0x83: {  	v35 =	vld [tilespmem:s12+$0x83D0]  }
0x84: {  	v36 =	vld [tilespmem:s12+$0x3E0]  }
0x85: {  	v37 =	vld [tilespmem:s12+$0x83E0]  }
0x86: {  	v38 =	vld [tilespmem:s12+$0x3F0]  }
0x87: {  	v39 =	vld [tilespmem:s12+$0x83F0];
	_ =	sdelay $0x1  }
0x88: {  	v16 =	vmul.f32 v17, v16;
	v17 =	vmul.f32 v58, v57  }
0x89: {  	v40 =	vmul.f32 v60, v59;
	v41 =	vmul.f32 v62, v61  }
0x8a: {  	v42 =	vmul.f32 v33, v63;
	v43 =	vmul.f32 v35, v34  }
0x8b: {  	v44 =	vmul.f32 v37, v36;
	v45 =	vmul.f32 v39, v38  }
0x8c: {  	v16 =	vadd.f32 v17, v16;
	v17 =	vadd.f32 v41, v40  }
0x8d: {  	v46 =	vadd.f32 v43, v42;
	v47 =	vadd.f32 v45, v44;
	_ =	sdelay $0x1  }
0x8e: {  	v16 =	vadd.f32 v17, v16;
	v17 =	vadd.f32 v47, v46;
	_ =	sdelay $0x1  }
0x8f: {  	v16 =	vadd.f32 v17, v16;
	_ =	sdelay $0x1  }
0x90: {  	[tilespmem:$0x10330] =	vst v16  }
0x91: {  	v16 =	vld [tilespmem:s12+$0x400]  }
0x92: {  	v17 =	vld [tilespmem:s12+$0x8400]  }
0x93: {  	v48 =	vld [tilespmem:s12+$0x410]  }
0x94: {  	v49 =	vld [tilespmem:s12+$0x8410]  }
0x95: {  	v50 =	vld [tilespmem:s12+$0x420]  }
0x96: {  	v51 =	vld [tilespmem:s12+$0x8420]  }
0x97: {  	v52 =	vld [tilespmem:s12+$0x430]  }
0x98: {  	v53 =	vld [tilespmem:s12+$0x8430]  }
0x99: {  	v54 =	vld [tilespmem:s12+$0x440]  }
0x9a: {  	v55 =	vld [tilespmem:s12+$0x8440]  }
0x9b: {  	v56 =	vld [tilespmem:s12+$0x450]  }
0x9c: {  	v57 =	vld [tilespmem:s12+$0x8450]  }
0x9d: {  	v58 =	vld [tilespmem:s12+$0x460]  }
0x9e: {  	v59 =	vld [tilespmem:s12+$0x8460]  }
0x9f: {  	v60 =	vld [tilespmem:s12+$0x470]  }
0xa0: {  	v61 =	vld [tilespmem:s12+$0x8470];
	_ =	sdelay $0x1  }
0xa1: {  	v16 =	vmul.f32 v17, v16;
	v17 =	vmul.f32 v49, v48  }
0xa2: {  	v62 =	vmul.f32 v51, v50;
	v63 =	vmul.f32 v53, v52  }
0xa3: {  	v25 =	vmul.f32 v55, v54;
	v27 =	vmul.f32 v57, v56  }
0xa4: {  	v29 =	vmul.f32 v59, v58;
	v32 =	vmul.f32 v61, v60  }
0xa5: {  	v16 =	vadd.f32 v17, v16;
	v17 =	vadd.f32 v63, v62  }
0xa6: {  	v33 =	vadd.f32 v27, v25;
	v34 =	vadd.f32 v32, v29;
	_ =	sdelay $0x1  }
0xa7: {  	v16 =	vadd.f32 v17, v16;
	v17 =	vadd.f32 v34, v33;
	_ =	sdelay $0x1  }
0xa8: {  	v16 =	vadd.f32 v17, v16;
	_ =	sdelay $0x1  }
0xa9: {  	[tilespmem:$0x10340] =	vst v16  }
0xaa: {  	v16 =	vld [tilespmem:s12+$0x480]  }
0xab: {  	v17 =	vld [tilespmem:s12+$0x8480]  }
0xac: {  	v35 =	vld [tilespmem:s12+$0x490]  }
0xad: {  	v36 =	vld [tilespmem:s12+$0x8490]  }
0xae: {  	v37 =	vld [tilespmem:s12+$0x4A0]  }
0xaf: {  	v38 =	vld [tilespmem:s12+$0x84A0]  }
0xb0: {  	v39 =	vld [tilespmem:s12+$0x4B0]  }
0xb1: {  	v40 =	vld [tilespmem:s12+$0x84B0]  }
0xb2: {  	v41 =	vld [tilespmem:s12+$0x4C0]  }
0xb3: {  	v42 =	vld [tilespmem:s12+$0x84C0]  }
0xb4: {  	v43 =	vld [tilespmem:s12+$0x4D0]  }
0xb5: {  	v44 =	vld [tilespmem:s12+$0x84D0]  }
0xb6: {  	v45 =	vld [tilespmem:s12+$0x4E0]  }
0xb7: {  	v46 =	vld [tilespmem:s12+$0x84E0]  }
0xb8: {  	v47 =	vld [tilespmem:s12+$0x4F0]  }
0xb9: {  	v48 =	vld [tilespmem:s12+$0x84F0];
	_ =	sdelay $0x1  }
0xba: {  	v16 =	vmul.f32 v17, v16;
	v17 =	vmul.f32 v36, v35  }
0xbb: {  	v49 =	vmul.f32 v38, v37;
	v50 =	vmul.f32 v40, v39  }
0xbc: {  	v51 =	vmul.f32 v42, v41;
	v52 =	vmul.f32 v44, v43  }
0xbd: {  	v53 =	vmul.f32 v46, v45;
	v54 =	vmul.f32 v48, v47  }
0xbe: {  	v16 =	vadd.f32 v17, v16;
	v17 =	vadd.f32 v50, v49  }
0xbf: {  	v55 =	vadd.f32 v52, v51;
	v56 =	vadd.f32 v54, v53;
	_ =	sdelay $0x1  }
0xc0: {  	v16 =	vadd.f32 v17, v16;
	v17 =	vadd.f32 v56, v55;
	_ =	sdelay $0x1  }
0xc1: {  	v16 =	vadd.f32 v17, v16;
	_ =	sdelay $0x1  }
0xc2: {  	[tilespmem:$0x10350] =	vst v16  }
0xc3: {  	v16 =	vld [tilespmem:s12+$0x500]  }
0xc4: {  	v17 =	vld [tilespmem:s12+$0x8500]  }
0xc5: {  	v57 =	vld [tilespmem:s12+$0x510]  }
0xc6: {  	v58 =	vld [tilespmem:s12+$0x8510]  }
0xc7: {  	v59 =	vld [tilespmem:s12+$0x520]  }
0xc8: {  	v60 =	vld [tilespmem:s12+$0x8520]  }
0xc9: {  	v61 =	vld [tilespmem:s12+$0x530]  }
0xca: {  	v62 =	vld [tilespmem:s12+$0x8530]  }
0xcb: {  	v63 =	vld [tilespmem:s12+$0x540]  }
0xcc: {  	v33 =	vld [tilespmem:s12+$0x8540]  }
0xcd: {  	v34 =	vld [tilespmem:s12+$0x550]  }
0xce: {  	v35 =	vld [tilespmem:s12+$0x8550]  }
0xcf: {  	v36 =	vld [tilespmem:s12+$0x560]  }
0xd0: {  	v37 =	vld [tilespmem:s12+$0x8560]  }
0xd1: {  	v38 =	vld [tilespmem:s12+$0x570]  }
0xd2: {  	v39 =	vld [tilespmem:s12+$0x8570];
	_ =	sdelay $0x1  }
0xd3: {  	v16 =	vmul.f32 v17, v16;
	v17 =	vmul.f32 v58, v57  }
0xd4: {  	v40 =	vmul.f32 v60, v59;
	v41 =	vmul.f32 v62, v61  }
0xd5: {  	v42 =	vmul.f32 v33, v63;
	v43 =	vmul.f32 v35, v34  }
0xd6: {  	v44 =	vmul.f32 v37, v36;
	v45 =	vmul.f32 v39, v38  }
0xd7: {  	v16 =	vadd.f32 v17, v16;
	v17 =	vadd.f32 v41, v40  }
0xd8: {  	v46 =	vadd.f32 v43, v42;
	v47 =	vadd.f32 v45, v44;
	_ =	sdelay $0x1  }
0xd9: {  	v16 =	vadd.f32 v17, v16;
	v17 =	vadd.f32 v47, v46;
	_ =	sdelay $0x1  }
0xda: {  	v16 =	vadd.f32 v17, v16;
	_ =	sdelay $0x1  }
0xdb: {  	[tilespmem:$0x10360] =	vst v16  }
0xdc: {  	v16 =	vld [tilespmem:s12+$0x580]  }
0xdd: {  	v17 =	vld [tilespmem:s12+$0x8580]  }
0xde: {  	v48 =	vld [tilespmem:s12+$0x590]  }
0xdf: {  	v49 =	vld [tilespmem:s12+$0x8590]  }
0xe0: {  	v50 =	vld [tilespmem:s12+$0x5A0]  }
0xe1: {  	v51 =	vld [tilespmem:s12+$0x85A0]  }
0xe2: {  	v52 =	vld [tilespmem:s12+$0x5B0]  }
0xe3: {  	v53 =	vld [tilespmem:s12+$0x85B0]  }
0xe4: {  	v54 =	vld [tilespmem:s12+$0x5C0]  }
0xe5: {  	v55 =	vld [tilespmem:s12+$0x85C0]  }
0xe6: {  	v56 =	vld [tilespmem:s12+$0x5D0]  }
0xe7: {  	v57 =	vld [tilespmem:s12+$0x85D0]  }
0xe8: {  	v58 =	vld [tilespmem:s12+$0x5E0]  }
0xe9: {  	v59 =	vld [tilespmem:s12+$0x85E0]  }
0xea: {  	v60 =	vld [tilespmem:s12+$0x5F0]  }
0xeb: {  	v61 =	vld [tilespmem:s12+$0x85F0];
	_ =	sdelay $0x1  }
0xec: {  	v16 =	vmul.f32 v17, v16;
	v17 =	vmul.f32 v49, v48  }
0xed: {  	v62 =	vmul.f32 v51, v50;
	v63 =	vmul.f32 v53, v52  }
0xee: {  	v25 =	vmul.f32 v55, v54;
	v27 =	vmul.f32 v57, v56  }
0xef: {  	v29 =	vmul.f32 v59, v58;
	v32 =	vmul.f32 v61, v60  }
0xf0: {  	v16 =	vadd.f32 v17, v16;
	v17 =	vadd.f32 v63, v62  }
0xf1: {  	v33 =	vadd.f32 v27, v25;
	v34 =	vadd.f32 v32, v29;
	_ =	sdelay $0x1  }
0xf2: {  	v16 =	vadd.f32 v17, v16;
	v17 =	vadd.f32 v34, v33;
	_ =	sdelay $0x1  }
0xf3: {  	v16 =	vadd.f32 v17, v16;
	_ =	sdelay $0x1  }
0xf4: {  	[tilespmem:$0x10370] =	vst v16  }
0xf5: {  	v16 =	vld [tilespmem:s12+$0x600]  }
0xf6: {  	v17 =	vld [tilespmem:s12+$0x8600]  }
0xf7: {  	v35 =	vld [tilespmem:s12+$0x610]  }
0xf8: {  	v36 =	vld [tilespmem:s12+$0x8610]  }
0xf9: {  	v37 =	vld [tilespmem:s12+$0x620]  }
0xfa: {  	v38 =	vld [tilespmem:s12+$0x8620]  }
0xfb: {  	v39 =	vld [tilespmem:s12+$0x630]  }
0xfc: {  	v40 =	vld [tilespmem:s12+$0x8630]  }
0xfd: {  	v41 =	vld [tilespmem:s12+$0x640]  }
0xfe: {  	v42 =	vld [tilespmem:s12+$0x8640]  }
0xff: {  	v43 =	vld [tilespmem:s12+$0x650]  }
0x100: {  	v44 =	vld [tilespmem:s12+$0x8650]  }
0x101: {  	v45 =	vld [tilespmem:s12+$0x660]  }
0x102: {  	v46 =	vld [tilespmem:s12+$0x8660]  }
0x103: {  	v47 =	vld [tilespmem:s12+$0x670]  }
0x104: {  	v48 =	vld [tilespmem:s12+$0x8670];
	_ =	sdelay $0x1  }
0x105: {  	v16 =	vmul.f32 v17, v16;
	v17 =	vmul.f32 v36, v35  }
0x106: {  	v49 =	vmul.f32 v38, v37;
	v50 =	vmul.f32 v40, v39  }
0x107: {  	v51 =	vmul.f32 v42, v41;
	v52 =	vmul.f32 v44, v43  }
0x108: {  	v53 =	vmul.f32 v46, v45;
	v54 =	vmul.f32 v48, v47  }
0x109: {  	v16 =	vadd.f32 v17, v16;
	v17 =	vadd.f32 v50, v49  }
0x10a: {  	v55 =	vadd.f32 v52, v51;
	v56 =	vadd.f32 v54, v53;
	_ =	sdelay $0x1  }
0x10b: {  	v16 =	vadd.f32 v17, v16;
	v17 =	vadd.f32 v56, v55;
	_ =	sdelay $0x1  }
0x10c: {  	v16 =	vadd.f32 v17, v16;
	_ =	sdelay $0x1  }
0x10d: {  	[tilespmem:$0x10380] =	vst v16  }
0x10e: {  	v16 =	vld [tilespmem:s12+$0x680]  }
0x10f: {  	v17 =	vld [tilespmem:s12+$0x8680]  }
0x110: {  	v57 =	vld [tilespmem:s12+$0x690]  }
0x111: {  	v58 =	vld [tilespmem:s12+$0x8690]  }
0x112: {  	v59 =	vld [tilespmem:s12+$0x6A0]  }
0x113: {  	v60 =	vld [tilespmem:s12+$0x86A0]  }
0x114: {  	v61 =	vld [tilespmem:s12+$0x6B0]  }
0x115: {  	v62 =	vld [tilespmem:s12+$0x86B0]  }
0x116: {  	v63 =	vld [tilespmem:s12+$0x6C0]  }
0x117: {  	v33 =	vld [tilespmem:s12+$0x86C0]  }
0x118: {  	v34 =	vld [tilespmem:s12+$0x6D0]  }
0x119: {  	v35 =	vld [tilespmem:s12+$0x86D0]  }
0x11a: {  	v36 =	vld [tilespmem:s12+$0x6E0]  }
0x11b: {  	v37 =	vld [tilespmem:s12+$0x86E0]  }
0x11c: {  	v38 =	vld [tilespmem:s12+$0x6F0]  }
0x11d: {  	v39 =	vld [tilespmem:s12+$0x86F0];
	_ =	sdelay $0x1  }
0x11e: {  	v16 =	vmul.f32 v17, v16;
	v17 =	vmul.f32 v58, v57  }
0x11f: {  	v40 =	vmul.f32 v60, v59;
	v41 =	vmul.f32 v62, v61  }
0x120: {  	v42 =	vmul.f32 v33, v63;
	v43 =	vmul.f32 v35, v34  }
0x121: {  	v44 =	vmul.f32 v37, v36;
	v45 =	vmul.f32 v39, v38  }
0x122: {  	v16 =	vadd.f32 v17, v16;
	v17 =	vadd.f32 v41, v40  }
0x123: {  	v46 =	vadd.f32 v43, v42;
	v47 =	vadd.f32 v45, v44;
	_ =	sdelay $0x1  }
0x124: {  	v16 =	vadd.f32 v17, v16;
	v17 =	vadd.f32 v47, v46;
	_ =	sdelay $0x1  }
0x125: {  	v16 =	vadd.f32 v17, v16;
	_ =	sdelay $0x1  }
0x126: {  	[tilespmem:$0x10390] =	vst v16  }
0x127: {  	v16 =	vld [tilespmem:s12+$0x700]  }
0x128: {  	v17 =	vld [tilespmem:s12+$0x8700]  }
0x129: {  	v48 =	vld [tilespmem:s12+$0x710]  }
0x12a: {  	v49 =	vld [tilespmem:s12+$0x8710]  }
0x12b: {  	v50 =	vld [tilespmem:s12+$0x720]  }
0x12c: {  	v51 =	vld [tilespmem:s12+$0x8720]  }
0x12d: {  	v52 =	vld [tilespmem:s12+$0x730]  }
0x12e: {  	v53 =	vld [tilespmem:s12+$0x8730]  }
0x12f: {  	v54 =	vld [tilespmem:s12+$0x740]  }
0x130: {  	v55 =	vld [tilespmem:s12+$0x8740]  }
0x131: {  	v56 =	vld [tilespmem:s12+$0x750]  }
0x132: {  	v57 =	vld [tilespmem:s12+$0x8750]  }
0x133: {  	v58 =	vld [tilespmem:s12+$0x760]  }
0x134: {  	v59 =	vld [tilespmem:s12+$0x8760]  }
0x135: {  	v60 =	vld [tilespmem:s12+$0x770]  }
0x136: {  	v61 =	vld [tilespmem:s12+$0x8770];
	_ =	sdelay $0x1  }
0x137: {  	v16 =	vmul.f32 v17, v16;
	v17 =	vmul.f32 v49, v48  }
0x138: {  	v62 =	vmul.f32 v51, v50;
	v63 =	vmul.f32 v53, v52  }
0x139: {  	v25 =	vmul.f32 v55, v54;
	v32 =	vmul.f32 v57, v56  }
0x13a: {  	v33 =	vmul.f32 v59, v58;
	v34 =	vmul.f32 v61, v60  }
0x13b: {  	v16 =	vadd.f32 v17, v16;
	v17 =	vadd.f32 v63, v62  }
0x13c: {  	v35 =	vadd.f32 v32, v25;
	v36 =	vadd.f32 v34, v33;
	_ =	sdelay $0x1  }
0x13d: {  	v16 =	vadd.f32 v17, v16;
	v17 =	vadd.f32 v36, v35;
	_ =	sdelay $0x1  }
0x13e: {  	v16 =	vadd.f32 v17, v16;
	_ =	sdelay $0x1  }
0x13f: {  	[tilespmem:$0x103A0] =	vst v16  }
0x140: {  	v16 =	vld [tilespmem:s12+$0x780]  }
0x141: {  	v17 =	vld [tilespmem:s12+$0x8780]  }
0x142: {  	v37 =	vld [tilespmem:s12+$0x790]  }
0x143: {  	v38 =	vld [tilespmem:s12+$0x8790]  }
0x144: {  	v39 =	vld [tilespmem:s12+$0x7A0]  }
0x145: {  	v40 =	vld [tilespmem:s12+$0x87A0]  }
0x146: {  	v41 =	vld [tilespmem:s12+$0x7B0]  }
0x147: {  	v42 =	vld [tilespmem:s12+$0x87B0]  }
0x148: {  	v43 =	vld [tilespmem:s12+$0x7C0]  }
0x149: {  	v44 =	vld [tilespmem:s12+$0x87C0]  }
0x14a: {  	v45 =	vld [tilespmem:s12+$0x7D0]  }
0x14b: {  	v46 =	vld [tilespmem:s12+$0x87D0]  }
0x14c: {  	v47 =	vld [tilespmem:s12+$0x7E0]  }
0x14d: {  	v48 =	vld [tilespmem:s12+$0x87E0]  }
0x14e: {  	v49 =	vld [tilespmem:s12+$0x7F0]  }
0x14f: {  	v50 =	vld [tilespmem:s12+$0x87F0];
	_ =	sdelay $0x1  }
0x150: {  	v16 =	vmul.f32 v17, v16;
	v17 =	vmul.f32 v38, v37  }
0x151: {  	v51 =	vmul.f32 v40, v39;
	v52 =	vmul.f32 v42, v41  }
0x152: {  	v53 =	vmul.f32 v44, v43;
	v54 =	vmul.f32 v46, v45  }
0x153: {  	v55 =	vmul.f32 v48, v47;
	v56 =	vmul.f32 v50, v49  }
0x154: {  	v16 =	vadd.f32 v17, v16;
	v17 =	vadd.f32 v52, v51  }
0x155: {  	v57 =	vadd.f32 v54, v53;
	v58 =	vadd.f32 v56, v55;
	_ =	sdelay $0x1  }
0x156: {  	v16 =	vadd.f32 v17, v16;
	v17 =	vadd.f32 v58, v57;
	_ =	sdelay $0x1  }
0x157: {  	v16 =	vadd.f32 v17, v16;
	_ =	sdelay $0x1  }
0x158: {  	[tilespmem:$0x103B0] =	vst v16  }
0x159: {  	v16 =	vld [tilespmem:s12+$0x800]  }
0x15a: {  	v17 =	vld [tilespmem:s12+$0x8800]  }
0x15b: {  	v59 =	vld [tilespmem:s12+$0x810]  }
0x15c: {  	v60 =	vld [tilespmem:s12+$0x8810]  }
0x15d: {  	v61 =	vld [tilespmem:s12+$0x820]  }
0x15e: {  	v62 =	vld [tilespmem:s12+$0x8820]  }
0x15f: {  	v63 =	vld [tilespmem:s12+$0x830]  }
0x160: {  	v33 =	vld [tilespmem:s12+$0x8830]  }
0x161: {  	v34 =	vld [tilespmem:s12+$0x840]  }
0x162: {  	v35 =	vld [tilespmem:s12+$0x8840]  }
0x163: {  	v36 =	vld [tilespmem:s12+$0x850]  }
0x164: {  	v37 =	vld [tilespmem:s12+$0x8850]  }
0x165: {  	v38 =	vld [tilespmem:s12+$0x860]  }
0x166: {  	v39 =	vld [tilespmem:s12+$0x8860]  }
0x167: {  	v40 =	vld [tilespmem:s12+$0x870]  }
0x168: {  	v41 =	vld [tilespmem:s12+$0x8870];
	_ =	sdelay $0x1  }
0x169: {  	v16 =	vmul.f32 v17, v16;
	v17 =	vmul.f32 v60, v59  }
0x16a: {  	v42 =	vmul.f32 v62, v61;
	v43 =	vmul.f32 v33, v63  }
0x16b: {  	v44 =	vmul.f32 v35, v34;
	v45 =	vmul.f32 v37, v36  }
0x16c: {  	v46 =	vmul.f32 v39, v38;
	v47 =	vmul.f32 v41, v40  }
0x16d: {  	v16 =	vadd.f32 v17, v16;
	v17 =	vadd.f32 v43, v42  }
0x16e: {  	v48 =	vadd.f32 v45, v44;
	v49 =	vadd.f32 v47, v46;
	_ =	sdelay $0x1  }
0x16f: {  	v16 =	vadd.f32 v17, v16;
	v17 =	vadd.f32 v49, v48;
	_ =	sdelay $0x1  }
0x170: {  	v16 =	vadd.f32 v17, v16;
	_ =	sdelay $0x1  }
0x171: {  	[tilespmem:$0x103C0] =	vst v16  }
0x172: {  	v16 =	vld [tilespmem:s12+$0x880]  }
0x173: {  	v17 =	vld [tilespmem:s12+$0x8880]  }
0x174: {  	v50 =	vld [tilespmem:s12+$0x890]  }
0x175: {  	v51 =	vld [tilespmem:s12+$0x8890]  }
0x176: {  	v52 =	vld [tilespmem:s12+$0x8A0]  }
0x177: {  	v53 =	vld [tilespmem:s12+$0x88A0]  }
0x178: {  	v54 =	vld [tilespmem:s12+$0x8B0]  }
0x179: {  	v55 =	vld [tilespmem:s12+$0x88B0]  }
0x17a: {  	v56 =	vld [tilespmem:s12+$0x8C0]  }
0x17b: {  	v57 =	vld [tilespmem:s12+$0x88C0]  }
0x17c: {  	v58 =	vld [tilespmem:s12+$0x8D0]  }
0x17d: {  	v59 =	vld [tilespmem:s12+$0x88D0]  }
0x17e: {  	v60 =	vld [tilespmem:s12+$0x8E0]  }
0x17f: {  	v61 =	vld [tilespmem:s12+$0x88E0]  }
0x180: {  	v62 =	vld [tilespmem:s12+$0x8F0]  }
0x181: {  	v63 =	vld [tilespmem:s12+$0x88F0];
	_ =	sdelay $0x1  }
0x182: {  	v16 =	vmul.f32 v17, v16;
	v17 =	vmul.f32 v51, v50  }
0x183: {  	v33 =	vmul.f32 v53, v52;
	v34 =	vmul.f32 v55, v54  }
0x184: {  	v35 =	vmul.f32 v57, v56;
	v36 =	vmul.f32 v59, v58  }
0x185: {  	v37 =	vmul.f32 v61, v60;
	v38 =	vmul.f32 v63, v62  }
0x186: {  	v16 =	vadd.f32 v17, v16;
	v17 =	vadd.f32 v34, v33  }
0x187: {  	v39 =	vadd.f32 v36, v35;
	v40 =	vadd.f32 v38, v37;
	_ =	sdelay $0x1  }
0x188: {  	v16 =	vadd.f32 v17, v16;
	v17 =	vadd.f32 v40, v39;
	_ =	sdelay $0x1  }
0x189: {  	v16 =	vadd.f32 v17, v16;
	_ =	sdelay $0x1  }
0x18a: {  	[tilespmem:$0x103D0] =	vst v16  }
0x18b: {  	v16 =	vld [tilespmem:s12+$0x900]  }
0x18c: {  	v17 =	vld [tilespmem:s12+$0x8900]  }
0x18d: {  	v41 =	vld [tilespmem:s12+$0x910]  }
0x18e: {  	v42 =	vld [tilespmem:s12+$0x8910]  }
0x18f: {  	v43 =	vld [tilespmem:s12+$0x920]  }
0x190: {  	v44 =	vld [tilespmem:s12+$0x8920]  }
0x191: {  	v45 =	vld [tilespmem:s12+$0x930]  }
0x192: {  	v46 =	vld [tilespmem:s12+$0x8930]  }
0x193: {  	v47 =	vld [tilespmem:s12+$0x940]  }
0x194: {  	v48 =	vld [tilespmem:s12+$0x8940]  }
0x195: {  	v49 =	vld [tilespmem:s12+$0x950]  }
0x196: {  	v50 =	vld [tilespmem:s12+$0x8950]  }
0x197: {  	v51 =	vld [tilespmem:s12+$0x960]  }
0x198: {  	v52 =	vld [tilespmem:s12+$0x8960]  }
0x199: {  	v53 =	vld [tilespmem:s12+$0x970]  }
0x19a: {  	v54 =	vld [tilespmem:s12+$0x8970];
	_ =	sdelay $0x1  }
0x19b: {  	v16 =	vmul.f32 v17, v16;
	v17 =	vmul.f32 v42, v41  }
0x19c: {  	v55 =	vmul.f32 v44, v43;
	v56 =	vmul.f32 v46, v45  }
0x19d: {  	v57 =	vmul.f32 v48, v47;
	v58 =	vmul.f32 v50, v49  }
0x19e: {  	v59 =	vmul.f32 v52, v51;
	v60 =	vmul.f32 v54, v53  }
0x19f: {  	v16 =	vadd.f32 v17, v16;
	v17 =	vadd.f32 v56, v55  }
0x1a0: {  	v61 =	vadd.f32 v58, v57;
	v62 =	vadd.f32 v60, v59;
	_ =	sdelay $0x1  }
0x1a1: {  	v16 =	vadd.f32 v17, v16;
	v17 =	vadd.f32 v62, v61;
	_ =	sdelay $0x1  }
0x1a2: {  	v16 =	vadd.f32 v17, v16;
	_ =	sdelay $0x1  }
0x1a3: {  	[tilespmem:$0x103E0] =	vst v16  }
0x1a4: {  	v16 =	vld [tilespmem:s12+$0x980]  }
0x1a5: {  	v17 =	vld [tilespmem:s12+$0x8980]  }
0x1a6: {  	v63 =	vld [tilespmem:s12+$0x990]  }
0x1a7: {  	v33 =	vld [tilespmem:s12+$0x8990]  }
0x1a8: {  	v34 =	vld [tilespmem:s12+$0x9A0]  }
0x1a9: {  	v35 =	vld [tilespmem:s12+$0x89A0]  }
0x1aa: {  	v36 =	vld [tilespmem:s12+$0x9B0]  }
0x1ab: {  	v37 =	vld [tilespmem:s12+$0x89B0]  }
0x1ac: {  	v38 =	vld [tilespmem:s12+$0x9C0]  }
0x1ad: {  	v39 =	vld [tilespmem:s12+$0x89C0]  }
0x1ae: {  	v40 =	vld [tilespmem:s12+$0x9D0]  }
0x1af: {  	v41 =	vld [tilespmem:s12+$0x89D0]  }
0x1b0: {  	v42 =	vld [tilespmem:s12+$0x9E0]  }
0x1b1: {  	v43 =	vld [tilespmem:s12+$0x89E0]  }
0x1b2: {  	v44 =	vld [tilespmem:s12+$0x9F0]  }
0x1b3: {  	v45 =	vld [tilespmem:s12+$0x89F0];
	_ =	sdelay $0x1  }
0x1b4: {  	v16 =	vmul.f32 v17, v16;
	v17 =	vmul.f32 v33, v63  }
0x1b5: {  	v46 =	vmul.f32 v35, v34;
	v47 =	vmul.f32 v37, v36  }
0x1b6: {  	v48 =	vmul.f32 v39, v38;
	v49 =	vmul.f32 v41, v40  }
0x1b7: {  	v50 =	vmul.f32 v43, v42;
	v51 =	vmul.f32 v45, v44  }
0x1b8: {  	v16 =	vadd.f32 v17, v16;
	v17 =	vadd.f32 v47, v46  }
0x1b9: {  	v52 =	vadd.f32 v49, v48;
	v53 =	vadd.f32 v51, v50;
	_ =	sdelay $0x1  }
0x1ba: {  	v16 =	vadd.f32 v17, v16;
	v17 =	vadd.f32 v53, v52;
	_ =	sdelay $0x1  }
0x1bb: {  	v16 =	vadd.f32 v17, v16;
	_ =	sdelay $0x1  }
0x1bc: {  	[tilespmem:$0x103F0] =	vst v16  }
0x1bd: {  	v16 =	vld.idx.msk [tilespmem:v0+s25+$0x0], $0xffff;
	_ =	sdelay $0x1  }
0x1be: {  	v17 =	vld.idx.msk [tilespmem:v1+s25+$0x0], $0xffff;
	_ =	sdelay $0x1  }
0x1bf: {  	v54 =	vld.idx.msk [tilespmem:v2+s25+$0x0], $0xffff  }
0x1c0: {  	v16 =	vadd.f32 $0.0e+00, v16  }
0x1c1: {  	v55 =	vld.idx.msk [tilespmem:v3+s25+$0x0], $0xffff  }
0x1c2: {  	v16 =	vadd.f32 v17, v16  }
0x1c3: {  	v17 =	vld.idx.msk [tilespmem:v4+s25+$0x0], $0xffff  }
0x1c4: {  	v16 =	vadd.f32 v54, v16  }
0x1c5: {  	v56 =	vld.idx.msk [tilespmem:v5+s25+$0x0], $0xffff  }
0x1c6: {  	v16 =	vadd.f32 v55, v16  }
0x1c7: {  	v57 =	vld.idx.msk [tilespmem:v6+s25+$0x0], $0xffff  }
0x1c8: {  	v16 =	vadd.f32 v17, v16  }
0x1c9: {  	v17 =	vld.idx.msk [tilespmem:v7+s25+$0x0], $0xffff  }
0x1ca: {  	v16 =	vadd.f32 v56, v16  }
0x1cb: {  	v58 =	vld.idx.msk [tilespmem:v8+s25+$0x0], $0xffff  }
0x1cc: {  	v16 =	vadd.f32 v57, v16  }
0x1cd: {  	v59 =	vld.idx.msk [tilespmem:v9+s25+$0x0], $0xffff  }
0x1ce: {  	v16 =	vadd.f32 v17, v16  }
0x1cf: {  	v17 =	vld.idx.msk [tilespmem:v10+s25+$0x0], $0xffff  }
0x1d0: {  	v16 =	vadd.f32 v58, v16  }
0x1d1: {  	v60 =	vld.idx.msk [tilespmem:v11+s25+$0x0], $0xffff  }
0x1d2: {  	v16 =	vadd.f32 v59, v16  }
0x1d3: {  	v61 =	vld.idx.msk [tilespmem:v12+s25+$0x0], $0xffff  }
0x1d4: {  	v16 =	vadd.f32 v17, v16  }
0x1d5: {  	v17 =	vld.idx.msk [tilespmem:v13+s25+$0x0], $0xffff  }
0x1d6: {  	v16 =	vadd.f32 v60, v16  }
0x1d7: {  	v62 =	vld.idx.msk [tilespmem:v14+s25+$0x0], $0xffff  }
0x1d8: {  	v16 =	vadd.f32 v61, v16  }
0x1d9: {  	v63 =	vld.idx.msk [tilespmem:v15+s25+$0x0], $0xffff  }
0x1da: {  	v16 =	vadd.f32 v17, v16;
	_ =	sdelay $0x1  }
0x1db: {  	v16 =	vadd.f32 v62, v16;
	_ =	sdelay $0x1  }
0x1dc: {  	v16 =	vadd.f32 v63, v16;
	_ =	sdelay $0x1  }
0x1dd: {  	v16 =	vsub.f32 $0.0e+00, v16;
	_ =	sdelay $0x1  }
0x1de: {  	v16 =	vmul.f32 $1.442695020e+00, v16;
	_ =	sdelay $0x1  }
0x1df: {  	(erf) = vpow2.f32 v16;
	_ =	sdelay $0x8  }
0x1e0: {  	v16 =	vpop (erf)  }
0x1e1: {  	v16 =	vadd.f32 $1.000000000e+00, v16;
	_ =	sdelay $0x1  }
0x1e2: {  	(erf) = vrcp.f32 v16;
	_ =	sdelay $0x4  }
0x1e3: {  	p1 =	sne.s32 s9, $0x7  }
.Ltmp0:
0x1e4: {  	_ = 	snop;
	(pc) =	sbr.rel @p1 .LBB2_3-.Ltmp0, $4  }
0x1e5: {  	_ = 	snop  }
0x1e6: {  	s31 =	sshll.u32 s9, $0x4  }
0x1e7: {  	s12 =	sand.u32 $0x3FFFFFF0, s31;
	v16 =	vpop (erf)  }
0x1e8: {  	s9 =	sadd.s32 $0x1, s9;
	[tilespmem:s12+$0x10200] =	vst v16  }
0x1e9: {  	s9 =	sadd.s32 s5, s8  }
0x1ea: {  	s9 =	sshrl.u32 s9, $0x3  }
0x1eb: {  	s9 =	sadd.s32 s3, s9  }
0x1ec: {  	[hbm4b:s9+s4] =	stream.linear.scatter [tilespmem:s26], [sflag:$0x5], $0x80, $0x38;
	[tilespmem:$0x10400] =	vst v63  }
0x1ed: {  	_ =	swait.ge [sflag:s28], $0x4000  }
0x1ee: {  	p1 =	seq.s32 s2, $0x26;
	[sflag:s28] =	ssyncset.done $0x0  }
0x1ef: {  	s9 =	smin.u32 @!p1 s8, $0x2510;
	[sflag:s28] =	ssyncadd.s32 $0xFFFFC000  }
0x1f0: {  	s12 =	simm.s32 @!p1 $0x80;
	s9 =	sadd.s32 @!p1 s9, s11;
	_ =	swait.ge [sflag:s28], $0x4000  }
0x1f1: {  	s13 =	simm.s32 @!p1 $0x4E200;
	s9 =	sshrl.u32 @!p1 s9, $0x3;
	[sflag:s28] =	ssyncset.done $0x0  }
0x1f2: {  	s31 =	simm.s32 @!p1 $0x100;
	s9 =	sadd.s32 @!p1 s6, s9;
	[sflag:s28] =	ssyncadd.s32 $0xFFFFC000  }
0x1f3: {  	[tilespmem:s31], [sflag:$0x2] =	stream.strided.gather @!p1 [hbm4b:s9+s12], $0x100, s13, s12, $0x38;
	[tilespmem:$0x10400] =	vst v63  }
0x1f4: {  	_ =	swait.ge [sflag:s17], $0x100  }
0x1f5: {  	[sflag:s17] =	ssyncset.done $0x0  }
0x1f6: {  	[sflag:s17] =	ssyncadd.s32 $0xFFFFFF00  }
0x1f7: {  	[tilespmem:s18], [sflag:$0x3] =	stream.indirect.gather [hbm4b:s0+s14], $0x80, s4, s14, $0xb8;
	[tilespmem:$0x10400] =	vst v63  }
0x1f8: {  	s9 =	simm.s32 @!p0 $0x6  }
0x1f9: {  	[tilespmem:s19], [sflag:$0x3] =	stream.indirect.gather [hbm4b:s0+s14], $0x80, s14, s14, $0xb8;
	[tilespmem:$0x10400] =	vst v63  }
0x1fa: {  	_ =	swait.ge @!p0 [sflag:s9], $0x80  }
0x1fb: {  	[sflag:s9] =	ssyncset.done @!p0 $0x0  }
0x1fc: {  	[sflag:s9] =	ssyncadd.s32 @!p0 $0xFFFFFF80;
	s9 =	simm.s32 $0x0  }
.LBB2_5:
0x1fd: {  	s12 =	sshll.u32 s9, $0xB  }
0x1fe: {  	v16 =	vld [tilespmem:s12+$0x4200]  }
0x1ff: {  	v17 =	vld [tilespmem:s12+$0xC200]  }
0x200: {  	v18 =	vld [tilespmem:s12+$0x4210]  }
0x201: {  	v19 =	vld [tilespmem:s12+$0xC210]  }
0x202: {  	v20 =	vld [tilespmem:s12+$0x4220]  }
0x203: {  	v21 =	vld [tilespmem:s12+$0xC220]  }
0x204: {  	v22 =	vld [tilespmem:s12+$0x4230]  }
0x205: {  	v23 =	vld [tilespmem:s12+$0xC230]  }
0x206: {  	v24 =	vld [tilespmem:s12+$0x4240]  }
0x207: {  	v25 =	vld [tilespmem:s12+$0xC240]  }
0x208: {  	v26 =	vld [tilespmem:s12+$0x4250]  }
0x209: {  	v27 =	vld [tilespmem:s12+$0xC250]  }
0x20a: {  	v28 =	vld [tilespmem:s12+$0x4260]  }
0x20b: {  	v29 =	vld [tilespmem:s12+$0xC260]  }
0x20c: {  	v30 =	vld [tilespmem:s12+$0x4270]  }
0x20d: {  	v31 =	vld [tilespmem:s12+$0xC270];
	_ =	sdelay $0x1  }
0x20e: {  	v16 =	vmul.f32 v17, v16;
	v17 =	vmul.f32 v19, v18  }
0x20f: {  	v40 =	vmul.f32 v21, v20;
	v41 =	vmul.f32 v23, v22  }
0x210: {  	v42 =	vmul.f32 v25, v24;
	v43 =	vmul.f32 v27, v26  }
0x211: {  	v44 =	vmul.f32 v29, v28;
	v45 =	vmul.f32 v31, v30  }
0x212: {  	v16 =	vadd.f32 v17, v16;
	v17 =	vadd.f32 v41, v40  }
0x213: {  	v46 =	vadd.f32 v43, v42;
	v47 =	vadd.f32 v45, v44;
	_ =	sdelay $0x1  }
0x214: {  	v16 =	vadd.f32 v17, v16;
	v17 =	vadd.f32 v47, v46;
	_ =	sdelay $0x1  }
0x215: {  	v16 =	vadd.f32 v17, v16;
	_ =	sdelay $0x1  }
0x216: {  	[tilespmem:$0x10300] =	vst v16  }
0x217: {  	v16 =	vld [tilespmem:s12+$0x4280]  }
0x218: {  	v17 =	vld [tilespmem:s12+$0xC280]  }
0x219: {  	v48 =	vld [tilespmem:s12+$0x4290]  }
0x21a: {  	v49 =	vld [tilespmem:s12+$0xC290]  }
0x21b: {  	v50 =	vld [tilespmem:s12+$0x42A0]  }
0x21c: {  	v51 =	vld [tilespmem:s12+$0xC2A0]  }
0x21d: {  	v52 =	vld [tilespmem:s12+$0x42B0]  }
0x21e: {  	v53 =	vld [tilespmem:s12+$0xC2B0]  }
0x21f: {  	v54 =	vld [tilespmem:s12+$0x42C0]  }
0x220: {  	v55 =	vld [tilespmem:s12+$0xC2C0]  }
0x221: {  	v56 =	vld [tilespmem:s12+$0x42D0]  }
0x222: {  	v57 =	vld [tilespmem:s12+$0xC2D0]  }
0x223: {  	v58 =	vld [tilespmem:s12+$0x42E0]  }
0x224: {  	v59 =	vld [tilespmem:s12+$0xC2E0]  }
0x225: {  	v60 =	vld [tilespmem:s12+$0x42F0]  }
0x226: {  	v61 =	vld [tilespmem:s12+$0xC2F0];
	_ =	sdelay $0x1  }
0x227: {  	v16 =	vmul.f32 v17, v16;
	v17 =	vmul.f32 v49, v48  }
0x228: {  	v62 =	vmul.f32 v51, v50;
	v63 =	vmul.f32 v53, v52  }
0x229: {  	v25 =	vmul.f32 v55, v54;
	v27 =	vmul.f32 v57, v56  }
0x22a: {  	v29 =	vmul.f32 v59, v58;
	v32 =	vmul.f32 v61, v60  }
0x22b: {  	v16 =	vadd.f32 v17, v16;
	v17 =	vadd.f32 v63, v62  }
0x22c: {  	v33 =	vadd.f32 v27, v25;
	v34 =	vadd.f32 v32, v29;
	_ =	sdelay $0x1  }
0x22d: {  	v16 =	vadd.f32 v17, v16;
	v17 =	vadd.f32 v34, v33;
	_ =	sdelay $0x1  }
0x22e: {  	v16 =	vadd.f32 v17, v16;
	_ =	sdelay $0x1  }
0x22f: {  	[tilespmem:$0x10310] =	vst v16  }
0x230: {  	v16 =	vld [tilespmem:s12+$0x4300]  }
0x231: {  	v17 =	vld [tilespmem:s12+$0xC300]  }
0x232: {  	v35 =	vld [tilespmem:s12+$0x4310]  }
0x233: {  	v36 =	vld [tilespmem:s12+$0xC310]  }
0x234: {  	v37 =	vld [tilespmem:s12+$0x4320]  }
0x235: {  	v38 =	vld [tilespmem:s12+$0xC320]  }
0x236: {  	v39 =	vld [tilespmem:s12+$0x4330]  }
0x237: {  	v40 =	vld [tilespmem:s12+$0xC330]  }
0x238: {  	v41 =	vld [tilespmem:s12+$0x4340]  }
0x239: {  	v42 =	vld [tilespmem:s12+$0xC340]  }
0x23a: {  	v43 =	vld [tilespmem:s12+$0x4350]  }
0x23b: {  	v44 =	vld [tilespmem:s12+$0xC350]  }
0x23c: {  	v45 =	vld [tilespmem:s12+$0x4360]  }
0x23d: {  	v46 =	vld [tilespmem:s12+$0xC360]  }
0x23e: {  	v47 =	vld [tilespmem:s12+$0x4370]  }
0x23f: {  	v48 =	vld [tilespmem:s12+$0xC370];
	_ =	sdelay $0x1  }
0x240: {  	v16 =	vmul.f32 v17, v16;
	v17 =	vmul.f32 v36, v35  }
0x241: {  	v49 =	vmul.f32 v38, v37;
	v50 =	vmul.f32 v40, v39  }
0x242: {  	v51 =	vmul.f32 v42, v41;
	v52 =	vmul.f32 v44, v43  }
0x243: {  	v53 =	vmul.f32 v46, v45;
	v54 =	vmul.f32 v48, v47  }
0x244: {  	v16 =	vadd.f32 v17, v16;
	v17 =	vadd.f32 v50, v49  }
0x245: {  	v55 =	vadd.f32 v52, v51;
	v56 =	vadd.f32 v54, v53;
	_ =	sdelay $0x1  }
0x246: {  	v16 =	vadd.f32 v17, v16;
	v17 =	vadd.f32 v56, v55;
	_ =	sdelay $0x1  }
0x247: {  	v16 =	vadd.f32 v17, v16;
	_ =	sdelay $0x1  }
0x248: {  	[tilespmem:$0x10320] =	vst v16  }
0x249: {  	v16 =	vld [tilespmem:s12+$0x4380]  }
0x24a: {  	v17 =	vld [tilespmem:s12+$0xC380]  }
0x24b: {  	v57 =	vld [tilespmem:s12+$0x4390]  }
0x24c: {  	v58 =	vld [tilespmem:s12+$0xC390]  }
0x24d: {  	v59 =	vld [tilespmem:s12+$0x43A0]  }
0x24e: {  	v60 =	vld [tilespmem:s12+$0xC3A0]  }
0x24f: {  	v61 =	vld [tilespmem:s12+$0x43B0]  }
0x250: {  	v62 =	vld [tilespmem:s12+$0xC3B0]  }
0x251: {  	v63 =	vld [tilespmem:s12+$0x43C0]  }
0x252: {  	v33 =	vld [tilespmem:s12+$0xC3C0]  }
0x253: {  	v34 =	vld [tilespmem:s12+$0x43D0]  }
0x254: {  	v35 =	vld [tilespmem:s12+$0xC3D0]  }
0x255: {  	v36 =	vld [tilespmem:s12+$0x43E0]  }
0x256: {  	v37 =	vld [tilespmem:s12+$0xC3E0]  }
0x257: {  	v38 =	vld [tilespmem:s12+$0x43F0]  }
0x258: {  	v39 =	vld [tilespmem:s12+$0xC3F0];
	_ =	sdelay $0x1  }
0x259: {  	v16 =	vmul.f32 v17, v16;
	v17 =	vmul.f32 v58, v57  }
0x25a: {  	v40 =	vmul.f32 v60, v59;
	v41 =	vmul.f32 v62, v61  }
0x25b: {  	v42 =	vmul.f32 v33, v63;
	v43 =	vmul.f32 v35, v34  }
0x25c: {  	v44 =	vmul.f32 v37, v36;
	v45 =	vmul.f32 v39, v38  }
0x25d: {  	v16 =	vadd.f32 v17, v16;
	v17 =	vadd.f32 v41, v40  }
0x25e: {  	v46 =	vadd.f32 v43, v42;
	v47 =	vadd.f32 v45, v44;
	_ =	sdelay $0x1  }
0x25f: {  	v16 =	vadd.f32 v17, v16;
	v17 =	vadd.f32 v47, v46;
	_ =	sdelay $0x1  }
0x260: {  	v16 =	vadd.f32 v17, v16;
	_ =	sdelay $0x1  }
0x261: {  	[tilespmem:$0x10330] =	vst v16  }
0x262: {  	v16 =	vld [tilespmem:s12+$0x4400]  }
0x263: {  	v17 =	vld [tilespmem:s12+$0xC400]  }
0x264: {  	v48 =	vld [tilespmem:s12+$0x4410]  }
0x265: {  	v49 =	vld [tilespmem:s12+$0xC410]  }
0x266: {  	v50 =	vld [tilespmem:s12+$0x4420]  }
0x267: {  	v51 =	vld [tilespmem:s12+$0xC420]  }
0x268: {  	v52 =	vld [tilespmem:s12+$0x4430]  }
0x269: {  	v53 =	vld [tilespmem:s12+$0xC430]  }
0x26a: {  	v54 =	vld [tilespmem:s12+$0x4440]  }
0x26b: {  	v55 =	vld [tilespmem:s12+$0xC440]  }
0x26c: {  	v56 =	vld [tilespmem:s12+$0x4450]  }
0x26d: {  	v57 =	vld [tilespmem:s12+$0xC450]  }
0x26e: {  	v58 =	vld [tilespmem:s12+$0x4460]  }
0x26f: {  	v59 =	vld [tilespmem:s12+$0xC460]  }
0x270: {  	v60 =	vld [tilespmem:s12+$0x4470]  }
0x271: {  	v61 =	vld [tilespmem:s12+$0xC470];
	_ =	sdelay $0x1  }
0x272: {  	v16 =	vmul.f32 v17, v16;
	v17 =	vmul.f32 v49, v48  }
0x273: {  	v62 =	vmul.f32 v51, v50;
	v63 =	vmul.f32 v53, v52  }
0x274: {  	v25 =	vmul.f32 v55, v54;
	v27 =	vmul.f32 v57, v56  }
0x275: {  	v29 =	vmul.f32 v59, v58;
	v32 =	vmul.f32 v61, v60  }
0x276: {  	v16 =	vadd.f32 v17, v16;
	v17 =	vadd.f32 v63, v62  }
0x277: {  	v33 =	vadd.f32 v27, v25;
	v34 =	vadd.f32 v32, v29;
	_ =	sdelay $0x1  }
0x278: {  	v16 =	vadd.f32 v17, v16;
	v17 =	vadd.f32 v34, v33;
	_ =	sdelay $0x1  }
0x279: {  	v16 =	vadd.f32 v17, v16;
	_ =	sdelay $0x1  }
0x27a: {  	[tilespmem:$0x10340] =	vst v16  }
0x27b: {  	v16 =	vld [tilespmem:s12+$0x4480]  }
0x27c: {  	v17 =	vld [tilespmem:s12+$0xC480]  }
0x27d: {  	v35 =	vld [tilespmem:s12+$0x4490]  }
0x27e: {  	v36 =	vld [tilespmem:s12+$0xC490]  }
0x27f: {  	v37 =	vld [tilespmem:s12+$0x44A0]  }
0x280: {  	v38 =	vld [tilespmem:s12+$0xC4A0]  }
0x281: {  	v39 =	vld [tilespmem:s12+$0x44B0]  }
0x282: {  	v40 =	vld [tilespmem:s12+$0xC4B0]  }
0x283: {  	v41 =	vld [tilespmem:s12+$0x44C0]  }
0x284: {  	v42 =	vld [tilespmem:s12+$0xC4C0]  }
0x285: {  	v43 =	vld [tilespmem:s12+$0x44D0]  }
0x286: {  	v44 =	vld [tilespmem:s12+$0xC4D0]  }
0x287: {  	v45 =	vld [tilespmem:s12+$0x44E0]  }
0x288: {  	v46 =	vld [tilespmem:s12+$0xC4E0]  }
0x289: {  	v47 =	vld [tilespmem:s12+$0x44F0]  }
0x28a: {  	v48 =	vld [tilespmem:s12+$0xC4F0];
	_ =	sdelay $0x1  }
0x28b: {  	v16 =	vmul.f32 v17, v16;
	v17 =	vmul.f32 v36, v35  }
0x28c: {  	v49 =	vmul.f32 v38, v37;
	v50 =	vmul.f32 v40, v39  }
0x28d: {  	v51 =	vmul.f32 v42, v41;
	v52 =	vmul.f32 v44, v43  }
0x28e: {  	v53 =	vmul.f32 v46, v45;
	v54 =	vmul.f32 v48, v47  }
0x28f: {  	v16 =	vadd.f32 v17, v16;
	v17 =	vadd.f32 v50, v49  }
0x290: {  	v55 =	vadd.f32 v52, v51;
	v56 =	vadd.f32 v54, v53;
	_ =	sdelay $0x1  }
0x291: {  	v16 =	vadd.f32 v17, v16;
	v17 =	vadd.f32 v56, v55;
	_ =	sdelay $0x1  }
0x292: {  	v16 =	vadd.f32 v17, v16;
	_ =	sdelay $0x1  }
0x293: {  	[tilespmem:$0x10350] =	vst v16  }
0x294: {  	v16 =	vld [tilespmem:s12+$0x4500]  }
0x295: {  	v17 =	vld [tilespmem:s12+$0xC500]  }
0x296: {  	v57 =	vld [tilespmem:s12+$0x4510]  }
0x297: {  	v58 =	vld [tilespmem:s12+$0xC510]  }
0x298: {  	v59 =	vld [tilespmem:s12+$0x4520]  }
0x299: {  	v60 =	vld [tilespmem:s12+$0xC520]  }
0x29a: {  	v61 =	vld [tilespmem:s12+$0x4530]  }
0x29b: {  	v62 =	vld [tilespmem:s12+$0xC530]  }
0x29c: {  	v63 =	vld [tilespmem:s12+$0x4540]  }
0x29d: {  	v33 =	vld [tilespmem:s12+$0xC540]  }
0x29e: {  	v34 =	vld [tilespmem:s12+$0x4550]  }
0x29f: {  	v35 =	vld [tilespmem:s12+$0xC550]  }
0x2a0: {  	v36 =	vld [tilespmem:s12+$0x4560]  }
0x2a1: {  	v37 =	vld [tilespmem:s12+$0xC560]  }
0x2a2: {  	v38 =	vld [tilespmem:s12+$0x4570]  }
0x2a3: {  	v39 =	vld [tilespmem:s12+$0xC570];
	_ =	sdelay $0x1  }
0x2a4: {  	v16 =	vmul.f32 v17, v16;
	v17 =	vmul.f32 v58, v57  }
0x2a5: {  	v40 =	vmul.f32 v60, v59;
	v41 =	vmul.f32 v62, v61  }
0x2a6: {  	v42 =	vmul.f32 v33, v63;
	v43 =	vmul.f32 v35, v34  }
0x2a7: {  	v44 =	vmul.f32 v37, v36;
	v45 =	vmul.f32 v39, v38  }
0x2a8: {  	v16 =	vadd.f32 v17, v16;
	v17 =	vadd.f32 v41, v40  }
0x2a9: {  	v46 =	vadd.f32 v43, v42;
	v47 =	vadd.f32 v45, v44;
	_ =	sdelay $0x1  }
0x2aa: {  	v16 =	vadd.f32 v17, v16;
	v17 =	vadd.f32 v47, v46;
	_ =	sdelay $0x1  }
0x2ab: {  	v16 =	vadd.f32 v17, v16;
	_ =	sdelay $0x1  }
0x2ac: {  	[tilespmem:$0x10360] =	vst v16  }
0x2ad: {  	v16 =	vld [tilespmem:s12+$0x4580]  }
0x2ae: {  	v17 =	vld [tilespmem:s12+$0xC580]  }
0x2af: {  	v48 =	vld [tilespmem:s12+$0x4590]  }
0x2b0: {  	v49 =	vld [tilespmem:s12+$0xC590]  }
0x2b1: {  	v50 =	vld [tilespmem:s12+$0x45A0]  }
0x2b2: {  	v51 =	vld [tilespmem:s12+$0xC5A0]  }
0x2b3: {  	v52 =	vld [tilespmem:s12+$0x45B0]  }
0x2b4: {  	v53 =	vld [tilespmem:s12+$0xC5B0]  }
0x2b5: {  	v54 =	vld [tilespmem:s12+$0x45C0]  }
0x2b6: {  	v55 =	vld [tilespmem:s12+$0xC5C0]  }
0x2b7: {  	v56 =	vld [tilespmem:s12+$0x45D0]  }
0x2b8: {  	v57 =	vld [tilespmem:s12+$0xC5D0]  }
0x2b9: {  	v58 =	vld [tilespmem:s12+$0x45E0]  }
0x2ba: {  	v59 =	vld [tilespmem:s12+$0xC5E0]  }
0x2bb: {  	v60 =	vld [tilespmem:s12+$0x45F0]  }
0x2bc: {  	v61 =	vld [tilespmem:s12+$0xC5F0];
	_ =	sdelay $0x1  }
0x2bd: {  	v16 =	vmul.f32 v17, v16;
	v17 =	vmul.f32 v49, v48  }
0x2be: {  	v62 =	vmul.f32 v51, v50;
	v63 =	vmul.f32 v53, v52  }
0x2bf: {  	v25 =	vmul.f32 v55, v54;
	v27 =	vmul.f32 v57, v56  }
0x2c0: {  	v29 =	vmul.f32 v59, v58;
	v32 =	vmul.f32 v61, v60  }
0x2c1: {  	v16 =	vadd.f32 v17, v16;
	v17 =	vadd.f32 v63, v62  }
0x2c2: {  	v33 =	vadd.f32 v27, v25;
	v34 =	vadd.f32 v32, v29;
	_ =	sdelay $0x1  }
0x2c3: {  	v16 =	vadd.f32 v17, v16;
	v17 =	vadd.f32 v34, v33;
	_ =	sdelay $0x1  }
0x2c4: {  	v16 =	vadd.f32 v17, v16;
	_ =	sdelay $0x1  }
0x2c5: {  	[tilespmem:$0x10370] =	vst v16  }
0x2c6: {  	v16 =	vld [tilespmem:s12+$0x4600]  }
0x2c7: {  	v17 =	vld [tilespmem:s12+$0xC600]  }
0x2c8: {  	v35 =	vld [tilespmem:s12+$0x4610]  }
0x2c9: {  	v36 =	vld [tilespmem:s12+$0xC610]  }
0x2ca: {  	v37 =	vld [tilespmem:s12+$0x4620]  }
0x2cb: {  	v38 =	vld [tilespmem:s12+$0xC620]  }
0x2cc: {  	v39 =	vld [tilespmem:s12+$0x4630]  }
0x2cd: {  	v40 =	vld [tilespmem:s12+$0xC630]  }
0x2ce: {  	v41 =	vld [tilespmem:s12+$0x4640]  }
0x2cf: {  	v42 =	vld [tilespmem:s12+$0xC640]  }
0x2d0: {  	v43 =	vld [tilespmem:s12+$0x4650]  }
0x2d1: {  	v44 =	vld [tilespmem:s12+$0xC650]  }
0x2d2: {  	v45 =	vld [tilespmem:s12+$0x4660]  }
0x2d3: {  	v46 =	vld [tilespmem:s12+$0xC660]  }
0x2d4: {  	v47 =	vld [tilespmem:s12+$0x4670]  }
0x2d5: {  	v48 =	vld [tilespmem:s12+$0xC670];
	_ =	sdelay $0x1  }
0x2d6: {  	v16 =	vmul.f32 v17, v16;
	v17 =	vmul.f32 v36, v35  }
0x2d7: {  	v49 =	vmul.f32 v38, v37;
	v50 =	vmul.f32 v40, v39  }
0x2d8: {  	v51 =	vmul.f32 v42, v41;
	v52 =	vmul.f32 v44, v43  }
0x2d9: {  	v53 =	vmul.f32 v46, v45;
	v54 =	vmul.f32 v48, v47  }
0x2da: {  	v16 =	vadd.f32 v17, v16;
	v17 =	vadd.f32 v50, v49  }
0x2db: {  	v55 =	vadd.f32 v52, v51;
	v56 =	vadd.f32 v54, v53;
	_ =	sdelay $0x1  }
0x2dc: {  	v16 =	vadd.f32 v17, v16;
	v17 =	vadd.f32 v56, v55;
	_ =	sdelay $0x1  }
0x2dd: {  	v16 =	vadd.f32 v17, v16;
	_ =	sdelay $0x1  }
0x2de: {  	[tilespmem:$0x10380] =	vst v16  }
0x2df: {  	v16 =	vld [tilespmem:s12+$0x4680]  }
0x2e0: {  	v17 =	vld [tilespmem:s12+$0xC680]  }
0x2e1: {  	v57 =	vld [tilespmem:s12+$0x4690]  }
0x2e2: {  	v58 =	vld [tilespmem:s12+$0xC690]  }
0x2e3: {  	v59 =	vld [tilespmem:s12+$0x46A0]  }
0x2e4: {  	v60 =	vld [tilespmem:s12+$0xC6A0]  }
0x2e5: {  	v61 =	vld [tilespmem:s12+$0x46B0]  }
0x2e6: {  	v62 =	vld [tilespmem:s12+$0xC6B0]  }
0x2e7: {  	v63 =	vld [tilespmem:s12+$0x46C0]  }
0x2e8: {  	v33 =	vld [tilespmem:s12+$0xC6C0]  }
0x2e9: {  	v34 =	vld [tilespmem:s12+$0x46D0]  }
0x2ea: {  	v35 =	vld [tilespmem:s12+$0xC6D0]  }
0x2eb: {  	v36 =	vld [tilespmem:s12+$0x46E0]  }
0x2ec: {  	v37 =	vld [tilespmem:s12+$0xC6E0]  }
0x2ed: {  	v38 =	vld [tilespmem:s12+$0x46F0]  }
0x2ee: {  	v39 =	vld [tilespmem:s12+$0xC6F0];
	_ =	sdelay $0x1  }
0x2ef: {  	v16 =	vmul.f32 v17, v16;
	v17 =	vmul.f32 v58, v57  }
0x2f0: {  	v40 =	vmul.f32 v60, v59;
	v41 =	vmul.f32 v62, v61  }
0x2f1: {  	v42 =	vmul.f32 v33, v63;
	v43 =	vmul.f32 v35, v34  }
0x2f2: {  	v44 =	vmul.f32 v37, v36;
	v45 =	vmul.f32 v39, v38  }
0x2f3: {  	v16 =	vadd.f32 v17, v16;
	v17 =	vadd.f32 v41, v40  }
0x2f4: {  	v46 =	vadd.f32 v43, v42;
	v47 =	vadd.f32 v45, v44;
	_ =	sdelay $0x1  }
0x2f5: {  	v16 =	vadd.f32 v17, v16;
	v17 =	vadd.f32 v47, v46;
	_ =	sdelay $0x1  }
0x2f6: {  	v16 =	vadd.f32 v17, v16;
	_ =	sdelay $0x1  }
0x2f7: {  	[tilespmem:$0x10390] =	vst v16  }
0x2f8: {  	v16 =	vld [tilespmem:s12+$0x4700]  }
0x2f9: {  	v17 =	vld [tilespmem:s12+$0xC700]  }
0x2fa: {  	v48 =	vld [tilespmem:s12+$0x4710]  }
0x2fb: {  	v49 =	vld [tilespmem:s12+$0xC710]  }
0x2fc: {  	v50 =	vld [tilespmem:s12+$0x4720]  }
0x2fd: {  	v51 =	vld [tilespmem:s12+$0xC720]  }
0x2fe: {  	v52 =	vld [tilespmem:s12+$0x4730]  }
0x2ff: {  	v53 =	vld [tilespmem:s12+$0xC730]  }
0x300: {  	v54 =	vld [tilespmem:s12+$0x4740]  }
0x301: {  	v55 =	vld [tilespmem:s12+$0xC740]  }
0x302: {  	v56 =	vld [tilespmem:s12+$0x4750]  }
0x303: {  	v57 =	vld [tilespmem:s12+$0xC750]  }
0x304: {  	v58 =	vld [tilespmem:s12+$0x4760]  }
0x305: {  	v59 =	vld [tilespmem:s12+$0xC760]  }
0x306: {  	v60 =	vld [tilespmem:s12+$0x4770]  }
0x307: {  	v61 =	vld [tilespmem:s12+$0xC770];
	_ =	sdelay $0x1  }
0x308: {  	v16 =	vmul.f32 v17, v16;
	v17 =	vmul.f32 v49, v48  }
0x309: {  	v62 =	vmul.f32 v51, v50;
	v63 =	vmul.f32 v53, v52  }
0x30a: {  	v25 =	vmul.f32 v55, v54;
	v32 =	vmul.f32 v57, v56  }
0x30b: {  	v33 =	vmul.f32 v59, v58;
	v34 =	vmul.f32 v61, v60  }
0x30c: {  	v16 =	vadd.f32 v17, v16;
	v17 =	vadd.f32 v63, v62  }
0x30d: {  	v35 =	vadd.f32 v32, v25;
	v36 =	vadd.f32 v34, v33;
	_ =	sdelay $0x1  }
0x30e: {  	v16 =	vadd.f32 v17, v16;
	v17 =	vadd.f32 v36, v35;
	_ =	sdelay $0x1  }
0x30f: {  	v16 =	vadd.f32 v17, v16;
	_ =	sdelay $0x1  }
0x310: {  	[tilespmem:$0x103A0] =	vst v16  }
0x311: {  	v16 =	vld [tilespmem:s12+$0x4780]  }
0x312: {  	v17 =	vld [tilespmem:s12+$0xC780]  }
0x313: {  	v37 =	vld [tilespmem:s12+$0x4790]  }
0x314: {  	v38 =	vld [tilespmem:s12+$0xC790]  }
0x315: {  	v39 =	vld [tilespmem:s12+$0x47A0]  }
0x316: {  	v40 =	vld [tilespmem:s12+$0xC7A0]  }
0x317: {  	v41 =	vld [tilespmem:s12+$0x47B0]  }
0x318: {  	v42 =	vld [tilespmem:s12+$0xC7B0]  }
0x319: {  	v43 =	vld [tilespmem:s12+$0x47C0]  }
0x31a: {  	v44 =	vld [tilespmem:s12+$0xC7C0]  }
0x31b: {  	v45 =	vld [tilespmem:s12+$0x47D0]  }
0x31c: {  	v46 =	vld [tilespmem:s12+$0xC7D0]  }
0x31d: {  	v47 =	vld [tilespmem:s12+$0x47E0]  }
0x31e: {  	v48 =	vld [tilespmem:s12+$0xC7E0]  }
0x31f: {  	v49 =	vld [tilespmem:s12+$0x47F0]  }
0x320: {  	v50 =	vld [tilespmem:s12+$0xC7F0];
	_ =	sdelay $0x1  }
0x321: {  	v16 =	vmul.f32 v17, v16;
	v17 =	vmul.f32 v38, v37  }
0x322: {  	v51 =	vmul.f32 v40, v39;
	v52 =	vmul.f32 v42, v41  }
0x323: {  	v53 =	vmul.f32 v44, v43;
	v54 =	vmul.f32 v46, v45  }
0x324: {  	v55 =	vmul.f32 v48, v47;
	v56 =	vmul.f32 v50, v49  }
0x325: {  	v16 =	vadd.f32 v17, v16;
	v17 =	vadd.f32 v52, v51  }
0x326: {  	v57 =	vadd.f32 v54, v53;
	v58 =	vadd.f32 v56, v55;
	_ =	sdelay $0x1  }
0x327: {  	v16 =	vadd.f32 v17, v16;
	v17 =	vadd.f32 v58, v57;
	_ =	sdelay $0x1  }
0x328: {  	v16 =	vadd.f32 v17, v16;
	_ =	sdelay $0x1  }
0x329: {  	[tilespmem:$0x103B0] =	vst v16  }
0x32a: {  	v16 =	vld [tilespmem:s12+$0x4800]  }
0x32b: {  	v17 =	vld [tilespmem:s12+$0xC800]  }
0x32c: {  	v59 =	vld [tilespmem:s12+$0x4810]  }
0x32d: {  	v60 =	vld [tilespmem:s12+$0xC810]  }
0x32e: {  	v61 =	vld [tilespmem:s12+$0x4820]  }
0x32f: {  	v62 =	vld [tilespmem:s12+$0xC820]  }
0x330: {  	v63 =	vld [tilespmem:s12+$0x4830]  }
0x331: {  	v33 =	vld [tilespmem:s12+$0xC830]  }
0x332: {  	v34 =	vld [tilespmem:s12+$0x4840]  }
0x333: {  	v35 =	vld [tilespmem:s12+$0xC840]  }
0x334: {  	v36 =	vld [tilespmem:s12+$0x4850]  }
0x335: {  	v37 =	vld [tilespmem:s12+$0xC850]  }
0x336: {  	v38 =	vld [tilespmem:s12+$0x4860]  }
0x337: {  	v39 =	vld [tilespmem:s12+$0xC860]  }
0x338: {  	v40 =	vld [tilespmem:s12+$0x4870]  }
0x339: {  	v41 =	vld [tilespmem:s12+$0xC870];
	_ =	sdelay $0x1  }
0x33a: {  	v16 =	vmul.f32 v17, v16;
	v17 =	vmul.f32 v60, v59  }
0x33b: {  	v42 =	vmul.f32 v62, v61;
	v43 =	vmul.f32 v33, v63  }
0x33c: {  	v44 =	vmul.f32 v35, v34;
	v45 =	vmul.f32 v37, v36  }
0x33d: {  	v46 =	vmul.f32 v39, v38;
	v47 =	vmul.f32 v41, v40  }
0x33e: {  	v16 =	vadd.f32 v17, v16;
	v17 =	vadd.f32 v43, v42  }
0x33f: {  	v48 =	vadd.f32 v45, v44;
	v49 =	vadd.f32 v47, v46;
	_ =	sdelay $0x1  }
0x340: {  	v16 =	vadd.f32 v17, v16;
	v17 =	vadd.f32 v49, v48;
	_ =	sdelay $0x1  }
0x341: {  	v16 =	vadd.f32 v17, v16;
	_ =	sdelay $0x1  }
0x342: {  	[tilespmem:$0x103C0] =	vst v16  }
0x343: {  	v16 =	vld [tilespmem:s12+$0x4880]  }
0x344: {  	v17 =	vld [tilespmem:s12+$0xC880]  }
0x345: {  	v50 =	vld [tilespmem:s12+$0x4890]  }
0x346: {  	v51 =	vld [tilespmem:s12+$0xC890]  }
0x347: {  	v52 =	vld [tilespmem:s12+$0x48A0]  }
0x348: {  	v53 =	vld [tilespmem:s12+$0xC8A0]  }
0x349: {  	v54 =	vld [tilespmem:s12+$0x48B0]  }
0x34a: {  	v55 =	vld [tilespmem:s12+$0xC8B0]  }
0x34b: {  	v56 =	vld [tilespmem:s12+$0x48C0]  }
0x34c: {  	v57 =	vld [tilespmem:s12+$0xC8C0]  }
0x34d: {  	v58 =	vld [tilespmem:s12+$0x48D0]  }
0x34e: {  	v59 =	vld [tilespmem:s12+$0xC8D0]  }
0x34f: {  	v60 =	vld [tilespmem:s12+$0x48E0]  }
0x350: {  	v61 =	vld [tilespmem:s12+$0xC8E0]  }
0x351: {  	v62 =	vld [tilespmem:s12+$0x48F0]  }
0x352: {  	v63 =	vld [tilespmem:s12+$0xC8F0];
	_ =	sdelay $0x1  }
0x353: {  	v16 =	vmul.f32 v17, v16;
	v17 =	vmul.f32 v51, v50  }
0x354: {  	v33 =	vmul.f32 v53, v52;
	v34 =	vmul.f32 v55, v54  }
0x355: {  	v35 =	vmul.f32 v57, v56;
	v36 =	vmul.f32 v59, v58  }
0x356: {  	v37 =	vmul.f32 v61, v60;
	v38 =	vmul.f32 v63, v62  }
0x357: {  	v16 =	vadd.f32 v17, v16;
	v17 =	vadd.f32 v34, v33  }
0x358: {  	v39 =	vadd.f32 v36, v35;
	v40 =	vadd.f32 v38, v37;
	_ =	sdelay $0x1  }
0x359: {  	v16 =	vadd.f32 v17, v16;
	v17 =	vadd.f32 v40, v39;
	_ =	sdelay $0x1  }
0x35a: {  	v16 =	vadd.f32 v17, v16;
	_ =	sdelay $0x1  }
0x35b: {  	[tilespmem:$0x103D0] =	vst v16  }
0x35c: {  	v16 =	vld [tilespmem:s12+$0x4900]  }
0x35d: {  	v17 =	vld [tilespmem:s12+$0xC900]  }
0x35e: {  	v41 =	vld [tilespmem:s12+$0x4910]  }
0x35f: {  	v42 =	vld [tilespmem:s12+$0xC910]  }
0x360: {  	v43 =	vld [tilespmem:s12+$0x4920]  }
0x361: {  	v44 =	vld [tilespmem:s12+$0xC920]  }
0x362: {  	v45 =	vld [tilespmem:s12+$0x4930]  }
0x363: {  	v46 =	vld [tilespmem:s12+$0xC930]  }
0x364: {  	v47 =	vld [tilespmem:s12+$0x4940]  }
0x365: {  	v48 =	vld [tilespmem:s12+$0xC940]  }
0x366: {  	v49 =	vld [tilespmem:s12+$0x4950]  }
0x367: {  	v50 =	vld [tilespmem:s12+$0xC950]  }
0x368: {  	v51 =	vld [tilespmem:s12+$0x4960]  }
0x369: {  	v52 =	vld [tilespmem:s12+$0xC960]  }
0x36a: {  	v53 =	vld [tilespmem:s12+$0x4970]  }
0x36b: {  	v54 =	vld [tilespmem:s12+$0xC970];
	_ =	sdelay $0x1  }
0x36c: {  	v16 =	vmul.f32 v17, v16;
	v17 =	vmul.f32 v42, v41  }
0x36d: {  	v55 =	vmul.f32 v44, v43;
	v56 =	vmul.f32 v46, v45  }
0x36e: {  	v57 =	vmul.f32 v48, v47;
	v58 =	vmul.f32 v50, v49  }
0x36f: {  	v59 =	vmul.f32 v52, v51;
	v60 =	vmul.f32 v54, v53  }
0x370: {  	v16 =	vadd.f32 v17, v16;
	v17 =	vadd.f32 v56, v55  }
0x371: {  	v61 =	vadd.f32 v58, v57;
	v62 =	vadd.f32 v60, v59;
	_ =	sdelay $0x1  }
0x372: {  	v16 =	vadd.f32 v17, v16;
	v17 =	vadd.f32 v62, v61;
	_ =	sdelay $0x1  }
0x373: {  	v16 =	vadd.f32 v17, v16;
	_ =	sdelay $0x1  }
0x374: {  	[tilespmem:$0x103E0] =	vst v16  }
0x375: {  	v16 =	vld [tilespmem:s12+$0x4980]  }
0x376: {  	v17 =	vld [tilespmem:s12+$0xC980]  }
0x377: {  	v63 =	vld [tilespmem:s12+$0x4990]  }
0x378: {  	v33 =	vld [tilespmem:s12+$0xC990]  }
0x379: {  	v34 =	vld [tilespmem:s12+$0x49A0]  }
0x37a: {  	v35 =	vld [tilespmem:s12+$0xC9A0]  }
0x37b: {  	v36 =	vld [tilespmem:s12+$0x49B0]  }
0x37c: {  	v37 =	vld [tilespmem:s12+$0xC9B0]  }
0x37d: {  	v38 =	vld [tilespmem:s12+$0x49C0]  }
0x37e: {  	v39 =	vld [tilespmem:s12+$0xC9C0]  }
0x37f: {  	v40 =	vld [tilespmem:s12+$0x49D0]  }
0x380: {  	v41 =	vld [tilespmem:s12+$0xC9D0]  }
0x381: {  	v42 =	vld [tilespmem:s12+$0x49E0]  }
0x382: {  	v43 =	vld [tilespmem:s12+$0xC9E0]  }
0x383: {  	v44 =	vld [tilespmem:s12+$0x49F0]  }
0x384: {  	v45 =	vld [tilespmem:s12+$0xC9F0];
	_ =	sdelay $0x1  }
0x385: {  	v16 =	vmul.f32 v17, v16;
	v17 =	vmul.f32 v33, v63  }
0x386: {  	v46 =	vmul.f32 v35, v34;
	v47 =	vmul.f32 v37, v36  }
0x387: {  	v48 =	vmul.f32 v39, v38;
	v49 =	vmul.f32 v41, v40  }
0x388: {  	v50 =	vmul.f32 v43, v42;
	v51 =	vmul.f32 v45, v44  }
0x389: {  	v16 =	vadd.f32 v17, v16;
	v17 =	vadd.f32 v47, v46  }
0x38a: {  	v52 =	vadd.f32 v49, v48;
	v53 =	vadd.f32 v51, v50;
	_ =	sdelay $0x1  }
0x38b: {  	v16 =	vadd.f32 v17, v16;
	v17 =	vadd.f32 v53, v52;
	_ =	sdelay $0x1  }
0x38c: {  	v16 =	vadd.f32 v17, v16;
	_ =	sdelay $0x1  }
0x38d: {  	[tilespmem:$0x103F0] =	vst v16  }
0x38e: {  	v16 =	vld.idx.msk [tilespmem:v0+s25+$0x0], $0xffff;
	_ =	sdelay $0x1  }
0x38f: {  	v17 =	vld.idx.msk [tilespmem:v1+s25+$0x0], $0xffff;
	_ =	sdelay $0x1  }
0x390: {  	v54 =	vld.idx.msk [tilespmem:v2+s25+$0x0], $0xffff  }
0x391: {  	v16 =	vadd.f32 $0.0e+00, v16  }
0x392: {  	v55 =	vld.idx.msk [tilespmem:v3+s25+$0x0], $0xffff  }
0x393: {  	v16 =	vadd.f32 v17, v16  }
0x394: {  	v17 =	vld.idx.msk [tilespmem:v4+s25+$0x0], $0xffff  }
0x395: {  	v16 =	vadd.f32 v54, v16  }
0x396: {  	v56 =	vld.idx.msk [tilespmem:v5+s25+$0x0], $0xffff  }
0x397: {  	v16 =	vadd.f32 v55, v16  }
0x398: {  	v57 =	vld.idx.msk [tilespmem:v6+s25+$0x0], $0xffff  }
0x399: {  	v16 =	vadd.f32 v17, v16  }
0x39a: {  	v17 =	vld.idx.msk [tilespmem:v7+s25+$0x0], $0xffff  }
0x39b: {  	v16 =	vadd.f32 v56, v16  }
0x39c: {  	v58 =	vld.idx.msk [tilespmem:v8+s25+$0x0], $0xffff  }
0x39d: {  	v16 =	vadd.f32 v57, v16  }
0x39e: {  	v59 =	vld.idx.msk [tilespmem:v9+s25+$0x0], $0xffff  }
0x39f: {  	v16 =	vadd.f32 v17, v16  }
0x3a0: {  	v17 =	vld.idx.msk [tilespmem:v10+s25+$0x0], $0xffff  }
0x3a1: {  	v16 =	vadd.f32 v58, v16  }
0x3a2: {  	v60 =	vld.idx.msk [tilespmem:v11+s25+$0x0], $0xffff  }
0x3a3: {  	v16 =	vadd.f32 v59, v16  }
0x3a4: {  	v61 =	vld.idx.msk [tilespmem:v12+s25+$0x0], $0xffff  }
0x3a5: {  	v16 =	vadd.f32 v17, v16  }
0x3a6: {  	v17 =	vld.idx.msk [tilespmem:v13+s25+$0x0], $0xffff  }
0x3a7: {  	v16 =	vadd.f32 v60, v16  }
0x3a8: {  	v62 =	vld.idx.msk [tilespmem:v14+s25+$0x0], $0xffff  }
0x3a9: {  	v16 =	vadd.f32 v61, v16  }
0x3aa: {  	v63 =	vld.idx.msk [tilespmem:v15+s25+$0x0], $0xffff  }
0x3ab: {  	v16 =	vadd.f32 v17, v16;
	_ =	sdelay $0x1  }
0x3ac: {  	v16 =	vadd.f32 v62, v16;
	_ =	sdelay $0x1  }
0x3ad: {  	v16 =	vadd.f32 v63, v16;
	_ =	sdelay $0x1  }
0x3ae: {  	v16 =	vsub.f32 $0.0e+00, v16;
	_ =	sdelay $0x1  }
0x3af: {  	v16 =	vmul.f32 $1.442695020e+00, v16;
	_ =	sdelay $0x1  }
0x3b0: {  	(erf) = vpow2.f32 v16;
	_ =	sdelay $0x8  }
0x3b1: {  	v16 =	vpop (erf)  }
0x3b2: {  	v16 =	vadd.f32 $1.000000000e+00, v16;
	_ =	sdelay $0x1  }
0x3b3: {  	(erf) = vrcp.f32 v16;
	_ =	sdelay $0x4  }
0x3b4: {  	p0 =	sne.s32 s9, $0x7  }
.Ltmp1:
0x3b5: {  	_ = 	snop;
	(pc) =	sbr.rel @p0 .LBB2_5-.Ltmp1, $4  }
0x3b6: {  	_ = 	snop  }
0x3b7: {  	s31 =	sshll.u32 s9, $0x4  }
0x3b8: {  	s12 =	sand.u32 $0x3FFFFFF0, s31;
	v16 =	vpop (erf)  }
0x3b9: {  	s9 =	sadd.s32 $0x1, s9;
	[tilespmem:s12+$0x10280] =	vst v16  }
0x3ba: {  	s2 =	sadd.s32 $0x1, s2  }
0x3bb: {  	p0 =	sne.s32 s2, $0x27  }
.Ltmp2:
0x3bc: {  	_ = 	snop;
	(pc) =	sbr.rel @p0 .LBB2_2-.Ltmp2, $4  }
0x3bd: {  	s8 =	sadd.s32 s7, s8  }
0x3be: {  	s8 =	sshrl.u32 s8, $0x3  }
0x3bf: {  	s8 =	sadd.s32 s3, s8  }
0x3c0: {  	[hbm4b:s8+s4] =	stream.linear.scatter [tilespmem:s29], [sflag:$0x6], $0x80, $0x38;
	[tilespmem:$0x10400] =	vst v63  }
0x3c1: {  	_ =	swait.ge [sflag:s20], $0x4000  }
0x3c2: {  	[sflag:s20] =	ssyncset.done $0x0  }
0x3c3: {  	[sflag:s20] =	ssyncadd.s32 $0xFFFFC000  }
0x3c4: {  	_ =	swait.ge [sflag:s20], $0x4000  }
0x3c5: {  	[sflag:s20] =	ssyncset.done $0x0  }
0x3c6: {  	[sflag:s20] =	ssyncadd.s32 $0xFFFFC000  }
0x3c7: {  	_ =	swait.ge [sflag:s30], $0x80  }
0x3c8: {  	[sflag:s30] =	ssyncset.done $0x0  }
0x3c9: {  	s2 =	simm.s32 $0x0;
	[sflag:s30] =	ssyncadd.s32 $0xFFFFFF80  }
.LBB2_8:
0x3ca: {  	s8 =	sshll.u32 s2, $0xB  }
0x3cb: {  	v16 =	vld [tilespmem:s8+$0x200]  }
0x3cc: {  	v17 =	vld [tilespmem:s8+$0x8200]  }
0x3cd: {  	v18 =	vld [tilespmem:s8+$0x210]  }
0x3ce: {  	v19 =	vld [tilespmem:s8+$0x8210]  }
0x3cf: {  	v20 =	vld [tilespmem:s8+$0x220]  }
0x3d0: {  	v21 =	vld [tilespmem:s8+$0x8220]  }
0x3d1: {  	v22 =	vld [tilespmem:s8+$0x230]  }
0x3d2: {  	v23 =	vld [tilespmem:s8+$0x8230]  }
0x3d3: {  	v24 =	vld [tilespmem:s8+$0x240]  }
0x3d4: {  	v25 =	vld [tilespmem:s8+$0x8240]  }
0x3d5: {  	v26 =	vld [tilespmem:s8+$0x250]  }
0x3d6: {  	v27 =	vld [tilespmem:s8+$0x8250]  }
0x3d7: {  	v28 =	vld [tilespmem:s8+$0x260]  }
0x3d8: {  	v29 =	vld [tilespmem:s8+$0x8260]  }
0x3d9: {  	v30 =	vld [tilespmem:s8+$0x270]  }
0x3da: {  	v31 =	vld [tilespmem:s8+$0x8270];
	_ =	sdelay $0x1  }
0x3db: {  	v16 =	vmul.f32 v17, v16;
	v17 =	vmul.f32 v19, v18  }
0x3dc: {  	v40 =	vmul.f32 v21, v20;
	v41 =	vmul.f32 v23, v22  }
0x3dd: {  	v42 =	vmul.f32 v25, v24;
	v43 =	vmul.f32 v27, v26  }
0x3de: {  	v44 =	vmul.f32 v29, v28;
	v45 =	vmul.f32 v31, v30  }
0x3df: {  	v16 =	vadd.f32 v17, v16;
	v17 =	vadd.f32 v41, v40  }
0x3e0: {  	v46 =	vadd.f32 v43, v42;
	v47 =	vadd.f32 v45, v44;
	_ =	sdelay $0x1  }
0x3e1: {  	v16 =	vadd.f32 v17, v16;
	v17 =	vadd.f32 v47, v46;
	_ =	sdelay $0x1  }
0x3e2: {  	v16 =	vadd.f32 v17, v16;
	_ =	sdelay $0x1  }
0x3e3: {  	[tilespmem:$0x10300] =	vst v16  }
0x3e4: {  	v16 =	vld [tilespmem:s8+$0x280]  }
0x3e5: {  	v17 =	vld [tilespmem:s8+$0x8280]  }
0x3e6: {  	v48 =	vld [tilespmem:s8+$0x290]  }
0x3e7: {  	v49 =	vld [tilespmem:s8+$0x8290]  }
0x3e8: {  	v50 =	vld [tilespmem:s8+$0x2A0]  }
0x3e9: {  	v51 =	vld [tilespmem:s8+$0x82A0]  }
0x3ea: {  	v52 =	vld [tilespmem:s8+$0x2B0]  }
0x3eb: {  	v53 =	vld [tilespmem:s8+$0x82B0]  }
0x3ec: {  	v54 =	vld [tilespmem:s8+$0x2C0]  }
0x3ed: {  	v55 =	vld [tilespmem:s8+$0x82C0]  }
0x3ee: {  	v56 =	vld [tilespmem:s8+$0x2D0]  }
0x3ef: {  	v57 =	vld [tilespmem:s8+$0x82D0]  }
0x3f0: {  	v58 =	vld [tilespmem:s8+$0x2E0]  }
0x3f1: {  	v59 =	vld [tilespmem:s8+$0x82E0]  }
0x3f2: {  	v60 =	vld [tilespmem:s8+$0x2F0]  }
0x3f3: {  	v61 =	vld [tilespmem:s8+$0x82F0];
	_ =	sdelay $0x1  }
0x3f4: {  	v16 =	vmul.f32 v17, v16;
	v17 =	vmul.f32 v49, v48  }
0x3f5: {  	v62 =	vmul.f32 v51, v50;
	v63 =	vmul.f32 v53, v52  }
0x3f6: {  	v25 =	vmul.f32 v55, v54;
	v27 =	vmul.f32 v57, v56  }
0x3f7: {  	v29 =	vmul.f32 v59, v58;
	v32 =	vmul.f32 v61, v60  }
0x3f8: {  	v16 =	vadd.f32 v17, v16;
	v17 =	vadd.f32 v63, v62  }
0x3f9: {  	v33 =	vadd.f32 v27, v25;
	v34 =	vadd.f32 v32, v29;
	_ =	sdelay $0x1  }
0x3fa: {  	v16 =	vadd.f32 v17, v16;
	v17 =	vadd.f32 v34, v33;
	_ =	sdelay $0x1  }
0x3fb: {  	v16 =	vadd.f32 v17, v16;
	_ =	sdelay $0x1  }
0x3fc: {  	[tilespmem:$0x10310] =	vst v16  }
0x3fd: {  	v16 =	vld [tilespmem:s8+$0x300]  }
0x3fe: {  	v17 =	vld [tilespmem:s8+$0x8300]  }
0x3ff: {  	v35 =	vld [tilespmem:s8+$0x310]  }
0x400: {  	v36 =	vld [tilespmem:s8+$0x8310]  }
0x401: {  	v37 =	vld [tilespmem:s8+$0x320]  }
0x402: {  	v38 =	vld [tilespmem:s8+$0x8320]  }
0x403: {  	v39 =	vld [tilespmem:s8+$0x330]  }
0x404: {  	v40 =	vld [tilespmem:s8+$0x8330]  }
0x405: {  	v41 =	vld [tilespmem:s8+$0x340]  }
0x406: {  	v42 =	vld [tilespmem:s8+$0x8340]  }
0x407: {  	v43 =	vld [tilespmem:s8+$0x350]  }
0x408: {  	v44 =	vld [tilespmem:s8+$0x8350]  }
0x409: {  	v45 =	vld [tilespmem:s8+$0x360]  }
0x40a: {  	v46 =	vld [tilespmem:s8+$0x8360]  }
0x40b: {  	v47 =	vld [tilespmem:s8+$0x370]  }
0x40c: {  	v48 =	vld [tilespmem:s8+$0x8370];
	_ =	sdelay $0x1  }
0x40d: {  	v16 =	vmul.f32 v17, v16;
	v17 =	vmul.f32 v36, v35  }
0x40e: {  	v49 =	vmul.f32 v38, v37;
	v50 =	vmul.f32 v40, v39  }
0x40f: {  	v51 =	vmul.f32 v42, v41;
	v52 =	vmul.f32 v44, v43  }
0x410: {  	v53 =	vmul.f32 v46, v45;
	v54 =	vmul.f32 v48, v47  }
0x411: {  	v16 =	vadd.f32 v17, v16;
	v17 =	vadd.f32 v50, v49  }
0x412: {  	v55 =	vadd.f32 v52, v51;
	v56 =	vadd.f32 v54, v53;
	_ =	sdelay $0x1  }
0x413: {  	v16 =	vadd.f32 v17, v16;
	v17 =	vadd.f32 v56, v55;
	_ =	sdelay $0x1  }
0x414: {  	v16 =	vadd.f32 v17, v16;
	_ =	sdelay $0x1  }
0x415: {  	[tilespmem:$0x10320] =	vst v16  }
0x416: {  	v16 =	vld [tilespmem:s8+$0x380]  }
0x417: {  	v17 =	vld [tilespmem:s8+$0x8380]  }
0x418: {  	v57 =	vld [tilespmem:s8+$0x390]  }
0x419: {  	v58 =	vld [tilespmem:s8+$0x8390]  }
0x41a: {  	v59 =	vld [tilespmem:s8+$0x3A0]  }
0x41b: {  	v60 =	vld [tilespmem:s8+$0x83A0]  }
0x41c: {  	v61 =	vld [tilespmem:s8+$0x3B0]  }
0x41d: {  	v62 =	vld [tilespmem:s8+$0x83B0]  }
0x41e: {  	v63 =	vld [tilespmem:s8+$0x3C0]  }
0x41f: {  	v33 =	vld [tilespmem:s8+$0x83C0]  }
0x420: {  	v34 =	vld [tilespmem:s8+$0x3D0]  }
0x421: {  	v35 =	vld [tilespmem:s8+$0x83D0]  }
0x422: {  	v36 =	vld [tilespmem:s8+$0x3E0]  }
0x423: {  	v37 =	vld [tilespmem:s8+$0x83E0]  }
0x424: {  	v38 =	vld [tilespmem:s8+$0x3F0]  }
0x425: {  	v39 =	vld [tilespmem:s8+$0x83F0];
	_ =	sdelay $0x1  }
0x426: {  	v16 =	vmul.f32 v17, v16;
	v17 =	vmul.f32 v58, v57  }
0x427: {  	v40 =	vmul.f32 v60, v59;
	v41 =	vmul.f32 v62, v61  }
0x428: {  	v42 =	vmul.f32 v33, v63;
	v43 =	vmul.f32 v35, v34  }
0x429: {  	v44 =	vmul.f32 v37, v36;
	v45 =	vmul.f32 v39, v38  }
0x42a: {  	v16 =	vadd.f32 v17, v16;
	v17 =	vadd.f32 v41, v40  }
0x42b: {  	v46 =	vadd.f32 v43, v42;
	v47 =	vadd.f32 v45, v44;
	_ =	sdelay $0x1  }
0x42c: {  	v16 =	vadd.f32 v17, v16;
	v17 =	vadd.f32 v47, v46;
	_ =	sdelay $0x1  }
0x42d: {  	v16 =	vadd.f32 v17, v16;
	_ =	sdelay $0x1  }
0x42e: {  	[tilespmem:$0x10330] =	vst v16  }
0x42f: {  	v16 =	vld [tilespmem:s8+$0x400]  }
0x430: {  	v17 =	vld [tilespmem:s8+$0x8400]  }
0x431: {  	v48 =	vld [tilespmem:s8+$0x410]  }
0x432: {  	v49 =	vld [tilespmem:s8+$0x8410]  }
0x433: {  	v50 =	vld [tilespmem:s8+$0x420]  }
0x434: {  	v51 =	vld [tilespmem:s8+$0x8420]  }
0x435: {  	v52 =	vld [tilespmem:s8+$0x430]  }
0x436: {  	v53 =	vld [tilespmem:s8+$0x8430]  }
0x437: {  	v54 =	vld [tilespmem:s8+$0x440]  }
0x438: {  	v55 =	vld [tilespmem:s8+$0x8440]  }
0x439: {  	v56 =	vld [tilespmem:s8+$0x450]  }
0x43a: {  	v57 =	vld [tilespmem:s8+$0x8450]  }
0x43b: {  	v58 =	vld [tilespmem:s8+$0x460]  }
0x43c: {  	v59 =	vld [tilespmem:s8+$0x8460]  }
0x43d: {  	v60 =	vld [tilespmem:s8+$0x470]  }
0x43e: {  	v61 =	vld [tilespmem:s8+$0x8470];
	_ =	sdelay $0x1  }
0x43f: {  	v16 =	vmul.f32 v17, v16;
	v17 =	vmul.f32 v49, v48  }
0x440: {  	v62 =	vmul.f32 v51, v50;
	v63 =	vmul.f32 v53, v52  }
0x441: {  	v25 =	vmul.f32 v55, v54;
	v27 =	vmul.f32 v57, v56  }
0x442: {  	v29 =	vmul.f32 v59, v58;
	v32 =	vmul.f32 v61, v60  }
0x443: {  	v16 =	vadd.f32 v17, v16;
	v17 =	vadd.f32 v63, v62  }
0x444: {  	v33 =	vadd.f32 v27, v25;
	v34 =	vadd.f32 v32, v29;
	_ =	sdelay $0x1  }
0x445: {  	v16 =	vadd.f32 v17, v16;
	v17 =	vadd.f32 v34, v33;
	_ =	sdelay $0x1  }
0x446: {  	v16 =	vadd.f32 v17, v16;
	_ =	sdelay $0x1  }
0x447: {  	[tilespmem:$0x10340] =	vst v16  }
0x448: {  	v16 =	vld [tilespmem:s8+$0x480]  }
0x449: {  	v17 =	vld [tilespmem:s8+$0x8480]  }
0x44a: {  	v35 =	vld [tilespmem:s8+$0x490]  }
0x44b: {  	v36 =	vld [tilespmem:s8+$0x8490]  }
0x44c: {  	v37 =	vld [tilespmem:s8+$0x4A0]  }
0x44d: {  	v38 =	vld [tilespmem:s8+$0x84A0]  }
0x44e: {  	v39 =	vld [tilespmem:s8+$0x4B0]  }
0x44f: {  	v40 =	vld [tilespmem:s8+$0x84B0]  }
0x450: {  	v41 =	vld [tilespmem:s8+$0x4C0]  }
0x451: {  	v42 =	vld [tilespmem:s8+$0x84C0]  }
0x452: {  	v43 =	vld [tilespmem:s8+$0x4D0]  }
0x453: {  	v44 =	vld [tilespmem:s8+$0x84D0]  }
0x454: {  	v45 =	vld [tilespmem:s8+$0x4E0]  }
0x455: {  	v46 =	vld [tilespmem:s8+$0x84E0]  }
0x456: {  	v47 =	vld [tilespmem:s8+$0x4F0]  }
0x457: {  	v48 =	vld [tilespmem:s8+$0x84F0];
	_ =	sdelay $0x1  }
0x458: {  	v16 =	vmul.f32 v17, v16;
	v17 =	vmul.f32 v36, v35  }
0x459: {  	v49 =	vmul.f32 v38, v37;
	v50 =	vmul.f32 v40, v39  }
0x45a: {  	v51 =	vmul.f32 v42, v41;
	v52 =	vmul.f32 v44, v43  }
0x45b: {  	v53 =	vmul.f32 v46, v45;
	v54 =	vmul.f32 v48, v47  }
0x45c: {  	v16 =	vadd.f32 v17, v16;
	v17 =	vadd.f32 v50, v49  }
0x45d: {  	v55 =	vadd.f32 v52, v51;
	v56 =	vadd.f32 v54, v53;
	_ =	sdelay $0x1  }
0x45e: {  	v16 =	vadd.f32 v17, v16;
	v17 =	vadd.f32 v56, v55;
	_ =	sdelay $0x1  }
0x45f: {  	v16 =	vadd.f32 v17, v16;
	_ =	sdelay $0x1  }
0x460: {  	[tilespmem:$0x10350] =	vst v16  }
0x461: {  	v16 =	vld [tilespmem:s8+$0x500]  }
0x462: {  	v17 =	vld [tilespmem:s8+$0x8500]  }
0x463: {  	v57 =	vld [tilespmem:s8+$0x510]  }
0x464: {  	v58 =	vld [tilespmem:s8+$0x8510]  }
0x465: {  	v59 =	vld [tilespmem:s8+$0x520]  }
0x466: {  	v60 =	vld [tilespmem:s8+$0x8520]  }
0x467: {  	v61 =	vld [tilespmem:s8+$0x530]  }
0x468: {  	v62 =	vld [tilespmem:s8+$0x8530]  }
0x469: {  	v63 =	vld [tilespmem:s8+$0x540]  }
0x46a: {  	v33 =	vld [tilespmem:s8+$0x8540]  }
0x46b: {  	v34 =	vld [tilespmem:s8+$0x550]  }
0x46c: {  	v35 =	vld [tilespmem:s8+$0x8550]  }
0x46d: {  	v36 =	vld [tilespmem:s8+$0x560]  }
0x46e: {  	v37 =	vld [tilespmem:s8+$0x8560]  }
0x46f: {  	v38 =	vld [tilespmem:s8+$0x570]  }
0x470: {  	v39 =	vld [tilespmem:s8+$0x8570];
	_ =	sdelay $0x1  }
0x471: {  	v16 =	vmul.f32 v17, v16;
	v17 =	vmul.f32 v58, v57  }
0x472: {  	v40 =	vmul.f32 v60, v59;
	v41 =	vmul.f32 v62, v61  }
0x473: {  	v42 =	vmul.f32 v33, v63;
	v43 =	vmul.f32 v35, v34  }
0x474: {  	v44 =	vmul.f32 v37, v36;
	v45 =	vmul.f32 v39, v38  }
0x475: {  	v16 =	vadd.f32 v17, v16;
	v17 =	vadd.f32 v41, v40  }
0x476: {  	v46 =	vadd.f32 v43, v42;
	v47 =	vadd.f32 v45, v44;
	_ =	sdelay $0x1  }
0x477: {  	v16 =	vadd.f32 v17, v16;
	v17 =	vadd.f32 v47, v46;
	_ =	sdelay $0x1  }
0x478: {  	v16 =	vadd.f32 v17, v16;
	_ =	sdelay $0x1  }
0x479: {  	[tilespmem:$0x10360] =	vst v16  }
0x47a: {  	v16 =	vld [tilespmem:s8+$0x580]  }
0x47b: {  	v17 =	vld [tilespmem:s8+$0x8580]  }
0x47c: {  	v48 =	vld [tilespmem:s8+$0x590]  }
0x47d: {  	v49 =	vld [tilespmem:s8+$0x8590]  }
0x47e: {  	v50 =	vld [tilespmem:s8+$0x5A0]  }
0x47f: {  	v51 =	vld [tilespmem:s8+$0x85A0]  }
0x480: {  	v52 =	vld [tilespmem:s8+$0x5B0]  }
0x481: {  	v53 =	vld [tilespmem:s8+$0x85B0]  }
0x482: {  	v54 =	vld [tilespmem:s8+$0x5C0]  }
0x483: {  	v55 =	vld [tilespmem:s8+$0x85C0]  }
0x484: {  	v56 =	vld [tilespmem:s8+$0x5D0]  }
0x485: {  	v57 =	vld [tilespmem:s8+$0x85D0]  }
0x486: {  	v58 =	vld [tilespmem:s8+$0x5E0]  }
0x487: {  	v59 =	vld [tilespmem:s8+$0x85E0]  }
0x488: {  	v60 =	vld [tilespmem:s8+$0x5F0]  }
0x489: {  	v61 =	vld [tilespmem:s8+$0x85F0];
	_ =	sdelay $0x1  }
0x48a: {  	v16 =	vmul.f32 v17, v16;
	v17 =	vmul.f32 v49, v48  }
0x48b: {  	v62 =	vmul.f32 v51, v50;
	v63 =	vmul.f32 v53, v52  }
0x48c: {  	v25 =	vmul.f32 v55, v54;
	v27 =	vmul.f32 v57, v56  }
0x48d: {  	v29 =	vmul.f32 v59, v58;
	v32 =	vmul.f32 v61, v60  }
0x48e: {  	v16 =	vadd.f32 v17, v16;
	v17 =	vadd.f32 v63, v62  }
0x48f: {  	v33 =	vadd.f32 v27, v25;
	v34 =	vadd.f32 v32, v29;
	_ =	sdelay $0x1  }
0x490: {  	v16 =	vadd.f32 v17, v16;
	v17 =	vadd.f32 v34, v33;
	_ =	sdelay $0x1  }
0x491: {  	v16 =	vadd.f32 v17, v16;
	_ =	sdelay $0x1  }
0x492: {  	[tilespmem:$0x10370] =	vst v16  }
0x493: {  	v16 =	vld [tilespmem:s8+$0x600]  }
0x494: {  	v17 =	vld [tilespmem:s8+$0x8600]  }
0x495: {  	v35 =	vld [tilespmem:s8+$0x610]  }
0x496: {  	v36 =	vld [tilespmem:s8+$0x8610]  }
0x497: {  	v37 =	vld [tilespmem:s8+$0x620]  }
0x498: {  	v38 =	vld [tilespmem:s8+$0x8620]  }
0x499: {  	v39 =	vld [tilespmem:s8+$0x630]  }
0x49a: {  	v40 =	vld [tilespmem:s8+$0x8630]  }
0x49b: {  	v41 =	vld [tilespmem:s8+$0x640]  }
0x49c: {  	v42 =	vld [tilespmem:s8+$0x8640]  }
0x49d: {  	v43 =	vld [tilespmem:s8+$0x650]  }
0x49e: {  	v44 =	vld [tilespmem:s8+$0x8650]  }
0x49f: {  	v45 =	vld [tilespmem:s8+$0x660]  }
0x4a0: {  	v46 =	vld [tilespmem:s8+$0x8660]  }
0x4a1: {  	v47 =	vld [tilespmem:s8+$0x670]  }
0x4a2: {  	v48 =	vld [tilespmem:s8+$0x8670];
	_ =	sdelay $0x1  }
0x4a3: {  	v16 =	vmul.f32 v17, v16;
	v17 =	vmul.f32 v36, v35  }
0x4a4: {  	v49 =	vmul.f32 v38, v37;
	v50 =	vmul.f32 v40, v39  }
0x4a5: {  	v51 =	vmul.f32 v42, v41;
	v52 =	vmul.f32 v44, v43  }
0x4a6: {  	v53 =	vmul.f32 v46, v45;
	v54 =	vmul.f32 v48, v47  }
0x4a7: {  	v16 =	vadd.f32 v17, v16;
	v17 =	vadd.f32 v50, v49  }
0x4a8: {  	v55 =	vadd.f32 v52, v51;
	v56 =	vadd.f32 v54, v53;
	_ =	sdelay $0x1  }
0x4a9: {  	v16 =	vadd.f32 v17, v16;
	v17 =	vadd.f32 v56, v55;
	_ =	sdelay $0x1  }
0x4aa: {  	v16 =	vadd.f32 v17, v16;
	_ =	sdelay $0x1  }
0x4ab: {  	[tilespmem:$0x10380] =	vst v16  }
0x4ac: {  	v16 =	vld [tilespmem:s8+$0x680]  }
0x4ad: {  	v17 =	vld [tilespmem:s8+$0x8680]  }
0x4ae: {  	v57 =	vld [tilespmem:s8+$0x690]  }
0x4af: {  	v58 =	vld [tilespmem:s8+$0x8690]  }
0x4b0: {  	v59 =	vld [tilespmem:s8+$0x6A0]  }
0x4b1: {  	v60 =	vld [tilespmem:s8+$0x86A0]  }
0x4b2: {  	v61 =	vld [tilespmem:s8+$0x6B0]  }
0x4b3: {  	v62 =	vld [tilespmem:s8+$0x86B0]  }
0x4b4: {  	v63 =	vld [tilespmem:s8+$0x6C0]  }
0x4b5: {  	v33 =	vld [tilespmem:s8+$0x86C0]  }
0x4b6: {  	v34 =	vld [tilespmem:s8+$0x6D0]  }
0x4b7: {  	v35 =	vld [tilespmem:s8+$0x86D0]  }
0x4b8: {  	v36 =	vld [tilespmem:s8+$0x6E0]  }
0x4b9: {  	v37 =	vld [tilespmem:s8+$0x86E0]  }
0x4ba: {  	v38 =	vld [tilespmem:s8+$0x6F0]  }
0x4bb: {  	v39 =	vld [tilespmem:s8+$0x86F0];
	_ =	sdelay $0x1  }
0x4bc: {  	v16 =	vmul.f32 v17, v16;
	v17 =	vmul.f32 v58, v57  }
0x4bd: {  	v40 =	vmul.f32 v60, v59;
	v41 =	vmul.f32 v62, v61  }
0x4be: {  	v42 =	vmul.f32 v33, v63;
	v43 =	vmul.f32 v35, v34  }
0x4bf: {  	v44 =	vmul.f32 v37, v36;
	v45 =	vmul.f32 v39, v38  }
0x4c0: {  	v16 =	vadd.f32 v17, v16;
	v17 =	vadd.f32 v41, v40  }
0x4c1: {  	v46 =	vadd.f32 v43, v42;
	v47 =	vadd.f32 v45, v44;
	_ =	sdelay $0x1  }
0x4c2: {  	v16 =	vadd.f32 v17, v16;
	v17 =	vadd.f32 v47, v46;
	_ =	sdelay $0x1  }
0x4c3: {  	v16 =	vadd.f32 v17, v16;
	_ =	sdelay $0x1  }
0x4c4: {  	[tilespmem:$0x10390] =	vst v16  }
0x4c5: {  	v16 =	vld [tilespmem:s8+$0x700]  }
0x4c6: {  	v17 =	vld [tilespmem:s8+$0x8700]  }
0x4c7: {  	v48 =	vld [tilespmem:s8+$0x710]  }
0x4c8: {  	v49 =	vld [tilespmem:s8+$0x8710]  }
0x4c9: {  	v50 =	vld [tilespmem:s8+$0x720]  }
0x4ca: {  	v51 =	vld [tilespmem:s8+$0x8720]  }
0x4cb: {  	v52 =	vld [tilespmem:s8+$0x730]  }
0x4cc: {  	v53 =	vld [tilespmem:s8+$0x8730]  }
0x4cd: {  	v54 =	vld [tilespmem:s8+$0x740]  }
0x4ce: {  	v55 =	vld [tilespmem:s8+$0x8740]  }
0x4cf: {  	v56 =	vld [tilespmem:s8+$0x750]  }
0x4d0: {  	v57 =	vld [tilespmem:s8+$0x8750]  }
0x4d1: {  	v58 =	vld [tilespmem:s8+$0x760]  }
0x4d2: {  	v59 =	vld [tilespmem:s8+$0x8760]  }
0x4d3: {  	v60 =	vld [tilespmem:s8+$0x770]  }
0x4d4: {  	v61 =	vld [tilespmem:s8+$0x8770];
	_ =	sdelay $0x1  }
0x4d5: {  	v16 =	vmul.f32 v17, v16;
	v17 =	vmul.f32 v49, v48  }
0x4d6: {  	v62 =	vmul.f32 v51, v50;
	v63 =	vmul.f32 v53, v52  }
0x4d7: {  	v25 =	vmul.f32 v55, v54;
	v32 =	vmul.f32 v57, v56  }
0x4d8: {  	v33 =	vmul.f32 v59, v58;
	v34 =	vmul.f32 v61, v60  }
0x4d9: {  	v16 =	vadd.f32 v17, v16;
	v17 =	vadd.f32 v63, v62  }
0x4da: {  	v35 =	vadd.f32 v32, v25;
	v36 =	vadd.f32 v34, v33;
	_ =	sdelay $0x1  }
0x4db: {  	v16 =	vadd.f32 v17, v16;
	v17 =	vadd.f32 v36, v35;
	_ =	sdelay $0x1  }
0x4dc: {  	v16 =	vadd.f32 v17, v16;
	_ =	sdelay $0x1  }
0x4dd: {  	[tilespmem:$0x103A0] =	vst v16  }
0x4de: {  	v16 =	vld [tilespmem:s8+$0x780]  }
0x4df: {  	v17 =	vld [tilespmem:s8+$0x8780]  }
0x4e0: {  	v37 =	vld [tilespmem:s8+$0x790]  }
0x4e1: {  	v38 =	vld [tilespmem:s8+$0x8790]  }
0x4e2: {  	v39 =	vld [tilespmem:s8+$0x7A0]  }
0x4e3: {  	v40 =	vld [tilespmem:s8+$0x87A0]  }
0x4e4: {  	v41 =	vld [tilespmem:s8+$0x7B0]  }
0x4e5: {  	v42 =	vld [tilespmem:s8+$0x87B0]  }
0x4e6: {  	v43 =	vld [tilespmem:s8+$0x7C0]  }
0x4e7: {  	v44 =	vld [tilespmem:s8+$0x87C0]  }
0x4e8: {  	v45 =	vld [tilespmem:s8+$0x7D0]  }
0x4e9: {  	v46 =	vld [tilespmem:s8+$0x87D0]  }
0x4ea: {  	v47 =	vld [tilespmem:s8+$0x7E0]  }
0x4eb: {  	v48 =	vld [tilespmem:s8+$0x87E0]  }
0x4ec: {  	v49 =	vld [tilespmem:s8+$0x7F0]  }
0x4ed: {  	v50 =	vld [tilespmem:s8+$0x87F0];
	_ =	sdelay $0x1  }
0x4ee: {  	v16 =	vmul.f32 v17, v16;
	v17 =	vmul.f32 v38, v37  }
0x4ef: {  	v51 =	vmul.f32 v40, v39;
	v52 =	vmul.f32 v42, v41  }
0x4f0: {  	v53 =	vmul.f32 v44, v43;
	v54 =	vmul.f32 v46, v45  }
0x4f1: {  	v55 =	vmul.f32 v48, v47;
	v56 =	vmul.f32 v50, v49  }
0x4f2: {  	v16 =	vadd.f32 v17, v16;
	v17 =	vadd.f32 v52, v51  }
0x4f3: {  	v57 =	vadd.f32 v54, v53;
	v58 =	vadd.f32 v56, v55;
	_ =	sdelay $0x1  }
0x4f4: {  	v16 =	vadd.f32 v17, v16;
	v17 =	vadd.f32 v58, v57;
	_ =	sdelay $0x1  }
0x4f5: {  	v16 =	vadd.f32 v17, v16;
	_ =	sdelay $0x1  }
0x4f6: {  	[tilespmem:$0x103B0] =	vst v16  }
0x4f7: {  	v16 =	vld [tilespmem:s8+$0x800]  }
0x4f8: {  	v17 =	vld [tilespmem:s8+$0x8800]  }
0x4f9: {  	v59 =	vld [tilespmem:s8+$0x810]  }
0x4fa: {  	v60 =	vld [tilespmem:s8+$0x8810]  }
0x4fb: {  	v61 =	vld [tilespmem:s8+$0x820]  }
0x4fc: {  	v62 =	vld [tilespmem:s8+$0x8820]  }
0x4fd: {  	v63 =	vld [tilespmem:s8+$0x830]  }
0x4fe: {  	v33 =	vld [tilespmem:s8+$0x8830]  }
0x4ff: {  	v34 =	vld [tilespmem:s8+$0x840]  }
0x500: {  	v35 =	vld [tilespmem:s8+$0x8840]  }
0x501: {  	v36 =	vld [tilespmem:s8+$0x850]  }
0x502: {  	v37 =	vld [tilespmem:s8+$0x8850]  }
0x503: {  	v38 =	vld [tilespmem:s8+$0x860]  }
0x504: {  	v39 =	vld [tilespmem:s8+$0x8860]  }
0x505: {  	v40 =	vld [tilespmem:s8+$0x870]  }
0x506: {  	v41 =	vld [tilespmem:s8+$0x8870];
	_ =	sdelay $0x1  }
0x507: {  	v16 =	vmul.f32 v17, v16;
	v17 =	vmul.f32 v60, v59  }
0x508: {  	v42 =	vmul.f32 v62, v61;
	v43 =	vmul.f32 v33, v63  }
0x509: {  	v44 =	vmul.f32 v35, v34;
	v45 =	vmul.f32 v37, v36  }
0x50a: {  	v46 =	vmul.f32 v39, v38;
	v47 =	vmul.f32 v41, v40  }
0x50b: {  	v16 =	vadd.f32 v17, v16;
	v17 =	vadd.f32 v43, v42  }
0x50c: {  	v48 =	vadd.f32 v45, v44;
	v49 =	vadd.f32 v47, v46;
	_ =	sdelay $0x1  }
0x50d: {  	v16 =	vadd.f32 v17, v16;
	v17 =	vadd.f32 v49, v48;
	_ =	sdelay $0x1  }
0x50e: {  	v16 =	vadd.f32 v17, v16;
	_ =	sdelay $0x1  }
0x50f: {  	[tilespmem:$0x103C0] =	vst v16  }
0x510: {  	v16 =	vld [tilespmem:s8+$0x880]  }
0x511: {  	v17 =	vld [tilespmem:s8+$0x8880]  }
0x512: {  	v50 =	vld [tilespmem:s8+$0x890]  }
0x513: {  	v51 =	vld [tilespmem:s8+$0x8890]  }
0x514: {  	v52 =	vld [tilespmem:s8+$0x8A0]  }
0x515: {  	v53 =	vld [tilespmem:s8+$0x88A0]  }
0x516: {  	v54 =	vld [tilespmem:s8+$0x8B0]  }
0x517: {  	v55 =	vld [tilespmem:s8+$0x88B0]  }
0x518: {  	v56 =	vld [tilespmem:s8+$0x8C0]  }
0x519: {  	v57 =	vld [tilespmem:s8+$0x88C0]  }
0x51a: {  	v58 =	vld [tilespmem:s8+$0x8D0]  }
0x51b: {  	v59 =	vld [tilespmem:s8+$0x88D0]  }
0x51c: {  	v60 =	vld [tilespmem:s8+$0x8E0]  }
0x51d: {  	v61 =	vld [tilespmem:s8+$0x88E0]  }
0x51e: {  	v62 =	vld [tilespmem:s8+$0x8F0]  }
0x51f: {  	v63 =	vld [tilespmem:s8+$0x88F0];
	_ =	sdelay $0x1  }
0x520: {  	v16 =	vmul.f32 v17, v16;
	v17 =	vmul.f32 v51, v50  }
0x521: {  	v33 =	vmul.f32 v53, v52;
	v34 =	vmul.f32 v55, v54  }
0x522: {  	v35 =	vmul.f32 v57, v56;
	v36 =	vmul.f32 v59, v58  }
0x523: {  	v37 =	vmul.f32 v61, v60;
	v38 =	vmul.f32 v63, v62  }
0x524: {  	v16 =	vadd.f32 v17, v16;
	v17 =	vadd.f32 v34, v33  }
0x525: {  	v39 =	vadd.f32 v36, v35;
	v40 =	vadd.f32 v38, v37;
	_ =	sdelay $0x1  }
0x526: {  	v16 =	vadd.f32 v17, v16;
	v17 =	vadd.f32 v40, v39;
	_ =	sdelay $0x1  }
0x527: {  	v16 =	vadd.f32 v17, v16;
	_ =	sdelay $0x1  }
0x528: {  	[tilespmem:$0x103D0] =	vst v16  }
0x529: {  	v16 =	vld [tilespmem:s8+$0x900]  }
0x52a: {  	v17 =	vld [tilespmem:s8+$0x8900]  }
0x52b: {  	v41 =	vld [tilespmem:s8+$0x910]  }
0x52c: {  	v42 =	vld [tilespmem:s8+$0x8910]  }
0x52d: {  	v43 =	vld [tilespmem:s8+$0x920]  }
0x52e: {  	v44 =	vld [tilespmem:s8+$0x8920]  }
0x52f: {  	v45 =	vld [tilespmem:s8+$0x930]  }
0x530: {  	v46 =	vld [tilespmem:s8+$0x8930]  }
0x531: {  	v47 =	vld [tilespmem:s8+$0x940]  }
0x532: {  	v48 =	vld [tilespmem:s8+$0x8940]  }
0x533: {  	v49 =	vld [tilespmem:s8+$0x950]  }
0x534: {  	v50 =	vld [tilespmem:s8+$0x8950]  }
0x535: {  	v51 =	vld [tilespmem:s8+$0x960]  }
0x536: {  	v52 =	vld [tilespmem:s8+$0x8960]  }
0x537: {  	v53 =	vld [tilespmem:s8+$0x970]  }
0x538: {  	v54 =	vld [tilespmem:s8+$0x8970];
	_ =	sdelay $0x1  }
0x539: {  	v16 =	vmul.f32 v17, v16;
	v17 =	vmul.f32 v42, v41  }
0x53a: {  	v55 =	vmul.f32 v44, v43;
	v56 =	vmul.f32 v46, v45  }
0x53b: {  	v57 =	vmul.f32 v48, v47;
	v58 =	vmul.f32 v50, v49  }
0x53c: {  	v59 =	vmul.f32 v52, v51;
	v60 =	vmul.f32 v54, v53  }
0x53d: {  	v16 =	vadd.f32 v17, v16;
	v17 =	vadd.f32 v56, v55  }
0x53e: {  	v61 =	vadd.f32 v58, v57;
	v62 =	vadd.f32 v60, v59;
	_ =	sdelay $0x1  }
0x53f: {  	v16 =	vadd.f32 v17, v16;
	v17 =	vadd.f32 v62, v61;
	_ =	sdelay $0x1  }
0x540: {  	v16 =	vadd.f32 v17, v16;
	_ =	sdelay $0x1  }
0x541: {  	[tilespmem:$0x103E0] =	vst v16  }
0x542: {  	v16 =	vld [tilespmem:s8+$0x980]  }
0x543: {  	v17 =	vld [tilespmem:s8+$0x8980]  }
0x544: {  	v63 =	vld [tilespmem:s8+$0x990]  }
0x545: {  	v33 =	vld [tilespmem:s8+$0x8990]  }
0x546: {  	v34 =	vld [tilespmem:s8+$0x9A0]  }
0x547: {  	v35 =	vld [tilespmem:s8+$0x89A0]  }
0x548: {  	v36 =	vld [tilespmem:s8+$0x9B0]  }
0x549: {  	v37 =	vld [tilespmem:s8+$0x89B0]  }
0x54a: {  	v38 =	vld [tilespmem:s8+$0x9C0]  }
0x54b: {  	v39 =	vld [tilespmem:s8+$0x89C0]  }
0x54c: {  	v40 =	vld [tilespmem:s8+$0x9D0]  }
0x54d: {  	v41 =	vld [tilespmem:s8+$0x89D0]  }
0x54e: {  	v42 =	vld [tilespmem:s8+$0x9E0]  }
0x54f: {  	v43 =	vld [tilespmem:s8+$0x89E0]  }
0x550: {  	v44 =	vld [tilespmem:s8+$0x9F0]  }
0x551: {  	v45 =	vld [tilespmem:s8+$0x89F0];
	_ =	sdelay $0x1  }
0x552: {  	v16 =	vmul.f32 v17, v16;
	v17 =	vmul.f32 v33, v63  }
0x553: {  	v46 =	vmul.f32 v35, v34;
	v47 =	vmul.f32 v37, v36  }
0x554: {  	v48 =	vmul.f32 v39, v38;
	v49 =	vmul.f32 v41, v40  }
0x555: {  	v50 =	vmul.f32 v43, v42;
	v51 =	vmul.f32 v45, v44  }
0x556: {  	v16 =	vadd.f32 v17, v16;
	v17 =	vadd.f32 v47, v46  }
0x557: {  	v52 =	vadd.f32 v49, v48;
	v53 =	vadd.f32 v51, v50;
	_ =	sdelay $0x1  }
0x558: {  	v16 =	vadd.f32 v17, v16;
	v17 =	vadd.f32 v53, v52;
	_ =	sdelay $0x1  }
0x559: {  	v16 =	vadd.f32 v17, v16;
	_ =	sdelay $0x1  }
0x55a: {  	[tilespmem:$0x103F0] =	vst v16  }
0x55b: {  	v16 =	vld.idx.msk [tilespmem:v0+s25+$0x0], $0xffff;
	_ =	sdelay $0x1  }
0x55c: {  	v17 =	vld.idx.msk [tilespmem:v1+s25+$0x0], $0xffff;
	_ =	sdelay $0x1  }
0x55d: {  	v54 =	vld.idx.msk [tilespmem:v2+s25+$0x0], $0xffff  }
0x55e: {  	v16 =	vadd.f32 $0.0e+00, v16  }
0x55f: {  	v55 =	vld.idx.msk [tilespmem:v3+s25+$0x0], $0xffff  }
0x560: {  	v16 =	vadd.f32 v17, v16  }
0x561: {  	v17 =	vld.idx.msk [tilespmem:v4+s25+$0x0], $0xffff  }
0x562: {  	v16 =	vadd.f32 v54, v16  }
0x563: {  	v56 =	vld.idx.msk [tilespmem:v5+s25+$0x0], $0xffff  }
0x564: {  	v16 =	vadd.f32 v55, v16  }
0x565: {  	v57 =	vld.idx.msk [tilespmem:v6+s25+$0x0], $0xffff  }
0x566: {  	v16 =	vadd.f32 v17, v16  }
0x567: {  	v17 =	vld.idx.msk [tilespmem:v7+s25+$0x0], $0xffff  }
0x568: {  	v16 =	vadd.f32 v56, v16  }
0x569: {  	v58 =	vld.idx.msk [tilespmem:v8+s25+$0x0], $0xffff  }
0x56a: {  	v16 =	vadd.f32 v57, v16  }
0x56b: {  	v59 =	vld.idx.msk [tilespmem:v9+s25+$0x0], $0xffff  }
0x56c: {  	v16 =	vadd.f32 v17, v16  }
0x56d: {  	v17 =	vld.idx.msk [tilespmem:v10+s25+$0x0], $0xffff  }
0x56e: {  	v16 =	vadd.f32 v58, v16  }
0x56f: {  	v60 =	vld.idx.msk [tilespmem:v11+s25+$0x0], $0xffff  }
0x570: {  	v16 =	vadd.f32 v59, v16  }
0x571: {  	v61 =	vld.idx.msk [tilespmem:v12+s25+$0x0], $0xffff  }
0x572: {  	v16 =	vadd.f32 v17, v16  }
0x573: {  	v17 =	vld.idx.msk [tilespmem:v13+s25+$0x0], $0xffff  }
0x574: {  	v16 =	vadd.f32 v60, v16  }
0x575: {  	v62 =	vld.idx.msk [tilespmem:v14+s25+$0x0], $0xffff  }
0x576: {  	v16 =	vadd.f32 v61, v16  }
0x577: {  	v63 =	vld.idx.msk [tilespmem:v15+s25+$0x0], $0xffff  }
0x578: {  	v16 =	vadd.f32 v17, v16;
	_ =	sdelay $0x1  }
0x579: {  	v16 =	vadd.f32 v62, v16;
	_ =	sdelay $0x1  }
0x57a: {  	v16 =	vadd.f32 v63, v16;
	_ =	sdelay $0x1  }
0x57b: {  	v16 =	vsub.f32 $0.0e+00, v16;
	_ =	sdelay $0x1  }
0x57c: {  	v16 =	vmul.f32 $1.442695020e+00, v16;
	_ =	sdelay $0x1  }
0x57d: {  	(erf) = vpow2.f32 v16;
	_ =	sdelay $0x8  }
0x57e: {  	v16 =	vpop (erf)  }
0x57f: {  	v16 =	vadd.f32 $1.000000000e+00, v16;
	_ =	sdelay $0x1  }
0x580: {  	(erf) = vrcp.f32 v16;
	_ =	sdelay $0x4  }
0x581: {  	p0 =	sne.s32 s2, $0x7  }
.Ltmp3:
0x582: {  	_ = 	snop;
	(pc) =	sbr.rel @p0 .LBB2_8-.Ltmp3, $4  }
0x583: {  	_ = 	snop  }
0x584: {  	s31 =	sshll.u32 s2, $0x4  }
0x585: {  	s8 =	sand.u32 $0x3FFFFFF0, s31;
	v16 =	vpop (erf)  }
0x586: {  	s2 =	sadd.s32 $0x1, s2;
	[tilespmem:s8+$0x10200] =	vst v16  }
0x587: {  	s2 =	rddreg [dreg:$0x6]  }
0x588: {  	[hbm4b:s2+s4] =	stream.linear.scatter [tilespmem:s26], [sflag:$0x5], $0x80, $0x38;
	[tilespmem:$0x10400] =	vst v63  }
0x589: {  	_ =	swait.ge [sflag:s30], $0x80  }
0x58a: {  	[sflag:s30] =	ssyncset.done $0x0  }
0x58b: {  	s8 =	simm.s32 $0x6;
	[sflag:s30] =	ssyncadd.s32 $0xFFFFFF80  }
0x58c: {  	_ =	swait.ge [sflag:s8], $0x80  }
0x58d: {  	s1 =	sadd.s32 $0x1, s1;
	s31 =	rddreg [dreg:$0x7]  }
0x58e: {  	p0 =	sne.s32 s1, s31  }
.Ltmp4:
0x58f: {  	_ = 	snop;
	(pc) =	sbr.rel @p0 .LBB2_1-.Ltmp4, $3  }
0x590: {  	_ =	sdelay $0x1  }
0x591: {  	[sflag:s8] =	ssyncset.done $0x0  }
0x592: {  	[sflag:s8] =	ssyncadd.s32 $0xFFFFFF80  }
0x593: {  	_ =	sfence.sel $0x180000  }
0x594: {  	[bflag:$0x0] =	sbarrier.arrive $0xFFFF  }
0x595: {  	_ =	strace $0x90000047  }
0x596: {  	s0 =	stileid.u32;
	[bflag:$0x2] =	sbarrier.arrive $0xFFFF  }
0x597: {  	p0 =	sne.s32 s0, $0x0;
	s0 =	rddreg [dreg:$0x3]  }
0x598: {  	s0 =	sadd.s32 @!p0 $0x100000, s0  }
0x599: {  	[sflag:s0] =	ssyncadd.tile.s32 @!p0 $0x1;
	_ =	shalt  }
.Lfunc_end2:
_tile_overlayer_lowered:
.L_overlay_start_2:
0x59a: {  	(tag) =	ssettag $0x2  }
0x59b: {  	s0 =	rddreg [dreg:$0x0];
	s2 =	stileid.u32  }
0x59c: {  	s1 =	rddreg [dreg:$0x1];
	p0 =	sne.s32 s2, $0x0  }
0x59d: {  	s3 =	rddreg [dreg:$0x2];
	[bflag:$0x3] =	sbarrier.arrive $0xFFFF;
	s2 =	simm.s32 @!p0 $0x1C07  }
0x59e: {  	[timem:s3], [sflag:s2] =	dma.local @!p0 [hbm:s0], s1  }
0x59f: {  	s0 =	simm.s32 @!p0 $0x7  }
0x5a0: {  	_ =	swait.ge @!p0 [sflag:s0], s1  }
0x5a1: {  	s1 =	ssub.s32 @!p0 $0x0, s1;
	[sflag:s0] =	ssyncset.done @!p0 $0x0  }
0x5a2: {  	[sflag:s0] =	ssyncadd.s32 @!p0 s1  }
0x5a3: {  	[bflag:$0x3] =	sbarrier.arrive $0xFFFF  }
0x5a4: {  	_ =	shalt  }

</sc_bundles>
